<compile_context>
chip_gen: v7x
topology: tpu7x:2x2x1
jax: 0.10.2.dev20260603
libtpu: 0.0.44.dev20260713+nightly
codegen_flags: <defaults>
</compile_context>

<pallas_src>
import functools

import jax
import jax.numpy as jnp
from jax import lax
from jax.experimental import pallas as pl
from jax.experimental.pallas import tpu as pltpu
from jax.experimental.pallas import tpu_sc as plsc

N = 10000
D = 128
NG = 128
R = 1000
NB = N // R
NP = 10240
CH = 64
NW = 32
RPT = NP // 16


@functools.lru_cache(maxsize=None)
def _make_scatter(EP):
    chunks = EP // (NW * CH)
    epw = EP // NW
    mesh = plsc.VectorSubcoreMesh(core_axis_name="c", subcore_axis_name="s")

    @functools.partial(
        pl.kernel, mesh=mesh,
        out_type=jax.ShapeDtypeStruct((2, NP, D), jnp.float32),
        scratch_types=[
            pltpu.VMEM((CH,), jnp.int32),
            pltpu.VMEM((CH,), jnp.int32),
            pltpu.VMEM((CH, D), jnp.float32),
            pltpu.VMEM_SHARED((NP, D), jnp.float32),
            pltpu.SemaphoreType.DMA,
        ])
    def k(src_hbm, dst_hbm, h_hbm, zeros_hbm, out_hbm, srcv, dstv, rows, acc, sem):
        c = lax.axis_index("c")
        s = lax.axis_index("s")
        w = c * 16 + s
        pltpu.sync_copy(zeros_hbm.at[pl.ds(s * RPT, RPT)],
                        acc.at[pl.ds(s * RPT, RPT)])
        plsc.subcore_barrier()

        def body(kk, carry):
            off = w * epw + kk * CH
            pltpu.sync_copy(src_hbm.at[pl.ds(off, CH)], srcv)
            pltpu.sync_copy(dst_hbm.at[pl.ds(off, CH)], dstv)
            pltpu.async_copy(h_hbm.at[srcv], rows, sem).wait()
            pltpu.sync_copy(rows, acc.at[dstv], add=True)
            return carry

        lax.fori_loop(0, chunks, body, 0)
        plsc.subcore_barrier()
        pltpu.sync_copy(acc.at[pl.ds(s * RPT, RPT)],
                        out_hbm.at[c].at[pl.ds(s * RPT, RPT)])

    return k


def _layer_tc(h, agg, W1, b1, W2, b2, gamma, beta, batch3):
    def body(h_ref, agg_ref, w1_ref, b1_ref, w2_ref, b2_ref, g_ref, bt_ref,
             bat_ref, hbn_ref, pooled_ref, v_all, stats):
        p = pl.program_id(0)
        i = pl.program_id(1)

        @pl.when(p == 0)
        def _p0():
            u = h_ref[...] + agg_ref[0] + agg_ref[1]
            t = jnp.maximum(
                jnp.dot(u, w1_ref[...], preferred_element_type=jnp.float32)
                + b1_ref[...], 0.0)
            v = jnp.maximum(
                jnp.dot(t, w2_ref[...], preferred_element_type=jnp.float32)
                + b2_ref[...], 0.0)
            v_all[pl.ds(i * R, R), :] = v
            hbn_ref[...] = v

            @pl.when(i == 0)
            def _():
                stats[...] = jnp.zeros_like(stats)

            stats[0:1, :] += jnp.sum(v, axis=0, keepdims=True)
            stats[1:2, :] += jnp.sum(v * v, axis=0, keepdims=True)

        @pl.when(p == 1)
        def _p1():
            @pl.when(i == 0)
            def _():
                mu = stats[0:1, :] * (1.0 / N)
                var = stats[1:2, :] * (1.0 / N) - mu * mu
                a = g_ref[...] * lax.rsqrt(var + 1e-5)
                stats[2:3, :] = a
                stats[3:4, :] = bt_ref[...] - a * mu

            a = stats[2:3, :]
            cc = stats[3:4, :]
            v = v_all[pl.ds(i * R, R), :]
            hb = a * v + cc
            hbn_ref[...] = hb
            bblk = bat_ref[...].reshape(1, R)
            oh = (lax.broadcasted_iota(jnp.int32, (NG, R), 0)
                  == bblk).astype(jnp.float32)
            contrib = jnp.dot(oh, hb, preferred_element_type=jnp.float32)

            @pl.when(i == 0)
            def _():
                pooled_ref[...] = contrib

            @pl.when(i != 0)
            def _():
                pooled_ref[...] += contrib

    return pl.pallas_call(
        body,
        grid=(2, NB),
        in_specs=[
            pl.BlockSpec((R, D), lambda p, i: (i, 0)),
            pl.BlockSpec((2, R, D), lambda p, i: (0, i, 0)),
            pl.BlockSpec((D, D), lambda p, i: (0, 0)),
            pl.BlockSpec((1, D), lambda p, i: (0, 0)),
            pl.BlockSpec((D, D), lambda p, i: (0, 0)),
            pl.BlockSpec((1, D), lambda p, i: (0, 0)),
            pl.BlockSpec((1, D), lambda p, i: (0, 0)),
            pl.BlockSpec((1, D), lambda p, i: (0, 0)),
            pl.BlockSpec((1, 1, R), lambda p, i: (i, 0, 0)),
        ],
        out_specs=[
            pl.BlockSpec((R, D), lambda p, i: (i, 0)),
            pl.BlockSpec((NG, D), lambda p, i: (0, 0)),
        ],
        out_shape=[
            jax.ShapeDtypeStruct((N, D), jnp.float32),
            jax.ShapeDtypeStruct((NG, D), jnp.float32),
        ],
        scratch_shapes=[
            pltpu.VMEM((N, D), jnp.float32),
            pltpu.VMEM((8, D), jnp.float32),
        ],
    )(h, agg, W1, b1, W2, b2, gamma, beta, batch3)


def _pad_edges(ei):
    E = ei.shape[1]
    EP = -(-E // (NW * CH)) * (NW * CH)
    pad = EP - E
    src = jnp.concatenate([ei[0], jnp.zeros((pad,), jnp.int32)])
    dst = jnp.concatenate([ei[1], jnp.full((pad,), N, jnp.int32)])
    return src, dst, EP


def kernel(x, aug_x, edge_index, aug_edge_index, id_mat, batch, params):
    batch3 = batch.reshape(NB, 1, R)
    zeros = jnp.zeros((NP, D), jnp.float32)
    p2 = [{k: (v.reshape(1, D) if v.ndim == 1 else v) for k, v in p.items()}
          for p in params]

    def branch(x0, ei):
        src, dst, EP = _pad_edges(ei)
        scat = _make_scatter(EP)
        h = x0
        outs = []
        for p in p2:
            agg = scat(src, dst, h, zeros)
            h, pooled = _layer_tc(h, agg, p['W1'], p['b1'], p['W2'], p['b2'],
                                  p['gamma'], p['beta'], batch3)
            outs.append(pooled)
        return jnp.concatenate(outs, axis=1)

    con1 = branch(x, edge_index)
    con2 = branch(x, aug_edge_index)
    sem1 = branch(x, id_mat)
    sem2 = branch(aug_x, id_mat)
    return (con1, con2, sem1, sem2)

# --- scband reference (transcript-rebuilt; emitter-appended) ---
"""Pipeline reference for scband-encoder-78168404787316 (READ-ONLY COPY).

The authoritative reference and input builder live on the scoring server;
editing this copy changes nothing except your own understanding.
"""

import jax, jax.numpy as jnp
import numpy as np

N = 10000
E = 320000
D = 128
NG = 128
L = 3


def _make_params(key):
    params = []
    in_dim = D  # num_features == dim == 128
    for i in range(L):
        k = jax.random.fold_in(key, 100 + i)
        k1, k2 = jax.random.split(k)
        params.append({
            'W1': jax.random.normal(k1, (in_dim, D), jnp.float32) / np.sqrt(in_dim),
            'b1': jnp.zeros((D,), jnp.float32),
            'W2': jax.random.normal(k2, (D, D), jnp.float32) / np.sqrt(D),
            'b2': jnp.zeros((D,), jnp.float32),
            'gamma': jnp.ones((D,), jnp.float32),
            'beta': jnp.zeros((D,), jnp.float32),
        })
        in_dim = D
    return params


def setup_inputs(seed: int = 0) -> dict:
    key = jax.random.key(seed)
    ks = jax.random.split(key, 8)
    return {
        'x': jax.random.normal(ks[0], (N, D), jnp.float32),
        'aug_x': jax.random.normal(ks[1], (N, D), jnp.float32),
        'edge_index': jax.random.randint(ks[2], (2, E), 0, N, dtype=jnp.int32),
        'aug_edge_index': jax.random.randint(ks[3], (2, E), 0, N, dtype=jnp.int32),
        'id_mat': jax.random.randint(ks[4], (2, N), 0, N, dtype=jnp.int32),
        'batch': jnp.sort(jax.random.randint(ks[5], (N,), 0, NG, dtype=jnp.int32)),
        'params': _make_params(key),
    }


def _gin_conv(p, x, ei):
    # GINConv (eps=0, train_eps=False): mlp((1+eps)*x + sum_{j in N(i)} x_j)
    # edge_index[0] = src, edge_index[1] = dst (source_to_target flow)
    agg = jnp.zeros_like(x).at[ei[1]].add(x[ei[0]])
    h = x + agg
    h = jnp.maximum(h @ p['W1'] + p['b1'], 0.0)
    return h @ p['W2'] + p['b2']


def _bn_train(p, x):
    # BatchNorm1d training-mode forward (biased variance, eps=1e-5)
    mu = jnp.mean(x, axis=0)
    var = jnp.mean((x - mu) ** 2, axis=0)
    return p['gamma'] * (x - mu) / jnp.sqrt(var + 1e-5) + p['beta']


def _branch(x0, ei, batch, params):
    outs = []
    h = x0
    for p in params:
        h = jnp.maximum(_gin_conv(p, h, ei), 0.0)  # F.relu
        h = _bn_train(p, h)
        outs.append(h)
    # global_add_pool per layer then concat along feature dim
    pooled = [jax.ops.segment_sum(o, batch, num_segments=NG) for o in outs]
    return jnp.concatenate(pooled, axis=1)


def reference(x, aug_x, edge_index, aug_edge_index, id_mat, batch, params):
    con_x1 = _branch(x, edge_index, batch, params)
    con_x2 = _branch(x, aug_edge_index, batch, params)
    sem_x1 = _branch(x, id_mat, batch, params)
    sem_x2 = _branch(aug_x, id_mat, batch, params)
    return (con_x1, con_x2, sem_x1, sem_x2)

if __name__ == "__main__":
    import jax
    _d = setup_inputs()
    print(jax.jit(kernel)(*tuple(_d.values())))

</pallas_src>

<mosaic_0001>
#map = affine_map<(d0, d1) -> (0)>
#map1 = affine_map<(d0, d1) -> (0, 0)>
#map2 = affine_map<(d0, d1) -> (0, 0, 0)>
module attributes {stable_mosaic.version = 14 : i64} {
  func.func @k(%arg0: i32, %arg1: i32, %arg2: memref<10240xi32, #tpu.memory_space<hbm>>, %arg3: memref<10240xi32, #tpu.memory_space<hbm>>, %arg4: memref<10000x128xf32, #tpu.memory_space<hbm>>, %arg5: memref<10240x128xf32, #tpu.memory_space<hbm>>, %arg6: memref<2x10240x128xf32, #tpu.memory_space<hbm>>, %arg7: memref<64xi32, #tpu.memory_space<vmem>>, %arg8: memref<64xi32, #tpu.memory_space<vmem>>, %arg9: memref<64x128xf32, #tpu.memory_space<vmem>>, %arg10: memref<10240x128xf32, #tpu.memory_space<vmem_shared>>, %arg11: memref<!tpu.dma_semaphore, #tpu.memory_space<semaphore_mem>>) attributes {dimension_semantics = [#tpu.dimension_semantics<core_parallel>, #tpu.dimension_semantics<subcore_parallel>], iteration_bounds = array<i64: 2, 16>, scalar_prefetch = 0 : i64, scratch_operands = 5 : i64, tpu.core_type = #tpu.core_type<sc_vector_subcore>, window_params = [{transform_indices = #map}, {transform_indices = #map}, {transform_indices = #map1}, {transform_indices = #map1}, {transform_indices = #map2}]} {
    %mul3A = arith.constant 16 : i32
    %mul3A_0 = arith.muli %arg0, %mul3A : i32
    %add3A = arith.addi %mul3A_0, %arg1 : i32
    %mul3A_1 = arith.constant 640 : i32
    %mul3A_2 = arith.muli %arg1, %mul3A_1 : i32
    %mul3A_3 = arith.constant 640 : i32
    %mul3A_4 = arith.muli %arg1, %mul3A_3 : i32
    "tpu.region"() ({
      %run_scoped3A = tpu.sem_alloc : memref<!tpu.dma_semaphore, #tpu.memory_space<semaphore_mem>>
      %dma_start3A = arith.constant 0 : i32
      %dma_start3A_15 = tpu.memref_slice %arg10[%mul3A_4, %dma_start3A] : memref<10240x128xf32, #tpu.memory_space<vmem_shared>> -> memref<640x128xf32, #tpu.memory_space<vmem_shared>>
      %dma_start3A_16 = arith.constant 0 : i32
      %dma_start3A_17 = tpu.memref_slice %arg5[%mul3A_2, %dma_start3A_16] : memref<10240x128xf32, #tpu.memory_space<hbm>> -> memref<640x128xf32, #tpu.memory_space<hbm>>
      tpu.enqueue_dma source(%dma_start3A_17 : memref<640x128xf32, #tpu.memory_space<hbm>>) target(%dma_start3A_15 : memref<640x128xf32, #tpu.memory_space<vmem_shared>>) target_semaphore(%run_scoped3A : memref<!tpu.dma_semaphore, #tpu.memory_space<semaphore_mem>>)
      %dma_wait3A = arith.constant 0 : i32
      %dma_wait3A_18 = tpu.memref_slice %arg10[%mul3A_4, %dma_wait3A] : memref<10240x128xf32, #tpu.memory_space<vmem_shared>> -> memref<640x128xf32, #tpu.memory_space<vmem_shared>>
      %dma_wait3A_19 = arith.constant 0 : i32
      %dma_wait3A_20 = tpu.memref_slice %arg5[%mul3A_2, %dma_wait3A_19] : memref<10240x128xf32, #tpu.memory_space<hbm>> -> memref<640x128xf32, #tpu.memory_space<hbm>>
      tpu.wait_dma2 semaphore(%run_scoped3A : memref<!tpu.dma_semaphore, #tpu.memory_space<semaphore_mem>>) src(%dma_wait3A_20 : memref<640x128xf32, #tpu.memory_space<hbm>>) dst(%dma_wait3A_18 : memref<640x128xf32, #tpu.memory_space<vmem_shared>>)
      tpu.yield
    }) : () -> ()
    %barrier3A = arith.constant 0 : index
    tpu.barrier barrier_id(%barrier3A)
    %scan3A = arith.constant 0 : i32
    %scan3A_5 = arith.constant 0 : i32
    %scan3A_6 = arith.constant 5 : i32
    %scan3A_7 = arith.addi %scan3A_5, %scan3A_6 : i32
    %scan3A_8 = arith.constant 1 : i32
    scf.for %scan3A_15 = %scan3A_5 to %scan3A_7 step %scan3A_8  : i32 {
      %mul3A_16 = arith.constant 320 : i32
      %mul3A_17 = arith.muli %add3A, %mul3A_16 : i32
      %mul3A_18 = arith.constant 64 : i32
      %mul3A_19 = arith.muli %scan3A_15, %mul3A_18 : i32
      %add3A_20 = arith.addi %mul3A_17, %mul3A_19 : i32
      "tpu.region"() ({
        %run_scoped3A = tpu.sem_alloc : memref<!tpu.dma_semaphore, #tpu.memory_space<semaphore_mem>>
        %dma_start3A_25 = tpu.memref_slice %arg2[%add3A_20] : memref<10240xi32, #tpu.memory_space<hbm>> -> memref<64xi32, #tpu.memory_space<hbm>>
        %dma_start3A_26 = tpu.memref_slice %arg2[%add3A_20] : memref<10240xi32, #tpu.memory_space<hbm>> -> memref<64xi32, #tpu.memory_space<hbm>>
        tpu.enqueue_dma source(%dma_start3A_26 : memref<64xi32, #tpu.memory_space<hbm>>) target(%arg7 : memref<64xi32, #tpu.memory_space<vmem>>) target_semaphore(%run_scoped3A : memref<!tpu.dma_semaphore, #tpu.memory_space<semaphore_mem>>)
        %dma_wait3A_27 = tpu.memref_slice %arg2[%add3A_20] : memref<10240xi32, #tpu.memory_space<hbm>> -> memref<64xi32, #tpu.memory_space<hbm>>
        %dma_wait3A_28 = tpu.memref_slice %arg2[%add3A_20] : memref<10240xi32, #tpu.memory_space<hbm>> -> memref<64xi32, #tpu.memory_space<hbm>>
        tpu.wait_dma2 semaphore(%run_scoped3A : memref<!tpu.dma_semaphore, #tpu.memory_space<semaphore_mem>>) src(%dma_wait3A_28 : memref<64xi32, #tpu.memory_space<hbm>>) dst(%arg7 : memref<64xi32, #tpu.memory_space<vmem>>)
        tpu.yield
      }) : () -> ()
      "tpu.region"() ({
        %run_scoped3A = tpu.sem_alloc : memref<!tpu.dma_semaphore, #tpu.memory_space<semaphore_mem>>
        %dma_start3A_25 = tpu.memref_slice %arg3[%add3A_20] : memref<10240xi32, #tpu.memory_space<hbm>> -> memref<64xi32, #tpu.memory_space<hbm>>
        %dma_start3A_26 = tpu.memref_slice %arg3[%add3A_20] : memref<10240xi32, #tpu.memory_space<hbm>> -> memref<64xi32, #tpu.memory_space<hbm>>
        tpu.enqueue_dma source(%dma_start3A_26 : memref<64xi32, #tpu.memory_space<hbm>>) target(%arg8 : memref<64xi32, #tpu.memory_space<vmem>>) target_semaphore(%run_scoped3A : memref<!tpu.dma_semaphore, #tpu.memory_space<semaphore_mem>>)
        %dma_wait3A_27 = tpu.memref_slice %arg3[%add3A_20] : memref<10240xi32, #tpu.memory_space<hbm>> -> memref<64xi32, #tpu.memory_space<hbm>>
        %dma_wait3A_28 = tpu.memref_slice %arg3[%add3A_20] : memref<10240xi32, #tpu.memory_space<hbm>> -> memref<64xi32, #tpu.memory_space<hbm>>
        tpu.wait_dma2 semaphore(%run_scoped3A : memref<!tpu.dma_semaphore, #tpu.memory_space<semaphore_mem>>) src(%dma_wait3A_28 : memref<64xi32, #tpu.memory_space<hbm>>) dst(%arg8 : memref<64xi32, #tpu.memory_space<vmem>>)
        tpu.yield
      }) : () -> ()
      %dma_start3A = arith.constant 0 : i32
      %dma_start3A_21 = arith.constant 0 : i32
      %dma_start3A_22 = tpu.memref_slice %arg4[%dma_start3A, %dma_start3A_21] : memref<10000x128xf32, #tpu.memory_space<hbm>> -> memref<10000x128xf32, #tpu.memory_space<hbm>>
      tpu.enqueue_indirect_dma source(%dma_start3A_22 : memref<10000x128xf32, #tpu.memory_space<hbm>>) target(%arg9 : memref<64x128xf32, #tpu.memory_space<vmem>>) offsets(%arg7 : memref<64xi32, #tpu.memory_space<vmem>>) semaphore(%arg11 : memref<!tpu.dma_semaphore, #tpu.memory_space<semaphore_mem>>)
      %dma_wait3A = arith.constant 0 : i32
      %dma_wait3A_23 = arith.constant 0 : i32
      %dma_wait3A_24 = tpu.memref_slice %arg4[%dma_wait3A, %dma_wait3A_23] : memref<10000x128xf32, #tpu.memory_space<hbm>> -> memref<10000x128xf32, #tpu.memory_space<hbm>>
      tpu.wait_indirect_dma semaphore(%arg11 : memref<!tpu.dma_semaphore, #tpu.memory_space<semaphore_mem>>) src(%dma_wait3A_24 : memref<10000x128xf32, #tpu.memory_space<hbm>>) dst(%arg9 : memref<64x128xf32, #tpu.memory_space<vmem>>)
      "tpu.region"() ({
        %run_scoped3A = tpu.sem_alloc : memref<!tpu.dma_semaphore, #tpu.memory_space<semaphore_mem>>
        %dma_start3A_25 = arith.constant 0 : i32
        %dma_start3A_26 = arith.constant 0 : i32
        %dma_start3A_27 = tpu.memref_slice %arg10[%dma_start3A_25, %dma_start3A_26] : memref<10240x128xf32, #tpu.memory_space<vmem_shared>> -> memref<10240x128xf32, #tpu.memory_space<vmem_shared>>
        tpu.enqueue_indirect_dma source(%arg9 : memref<64x128xf32, #tpu.memory_space<vmem>>) target(%dma_start3A_27 : memref<10240x128xf32, #tpu.memory_space<vmem_shared>>) offsets(%arg8 : memref<64xi32, #tpu.memory_space<vmem>>) semaphore(%run_scoped3A : memref<!tpu.dma_semaphore, #tpu.memory_space<semaphore_mem>>) {add = true}
        %dma_wait3A_28 = arith.constant 0 : i32
        %dma_wait3A_29 = arith.constant 0 : i32
        %dma_wait3A_30 = tpu.memref_slice %arg10[%dma_wait3A_28, %dma_wait3A_29] : memref<10240x128xf32, #tpu.memory_space<vmem_shared>> -> memref<10240x128xf32, #tpu.memory_space<vmem_shared>>
        tpu.wait_indirect_dma semaphore(%run_scoped3A : memref<!tpu.dma_semaphore, #tpu.memory_space<semaphore_mem>>) src(%arg9 : memref<64x128xf32, #tpu.memory_space<vmem>>) dst(%dma_wait3A_30 : memref<10240x128xf32, #tpu.memory_space<vmem_shared>>)
        tpu.yield
      }) : () -> ()
    }
    %scan3A_9 = arith.constant 5 : i32
    %barrier3A_10 = arith.constant 0 : index
    tpu.barrier barrier_id(%barrier3A_10)
    %mul3A_11 = arith.constant 640 : i32
    %mul3A_12 = arith.muli %arg1, %mul3A_11 : i32
    %mul3A_13 = arith.constant 640 : i32
    %mul3A_14 = arith.muli %arg1, %mul3A_13 : i32
    "tpu.region"() ({
      %run_scoped3A = tpu.sem_alloc : memref<!tpu.dma_semaphore, #tpu.memory_space<semaphore_mem>>
      %dma_start3A = arith.constant 0 : i32
      %dma_start3A_15 = arith.constant 0 : i32
      %dma_start3A_16 = tpu.memref_slice %arg6[%arg0, %dma_start3A, %dma_start3A_15] : memref<2x10240x128xf32, #tpu.memory_space<hbm>> -> memref<1x10240x128xf32, #tpu.memory_space<hbm>>
      %dma_start3A_17 = tpu.memref_squeeze %dma_start3A_16 : memref<1x10240x128xf32, #tpu.memory_space<hbm>> -> memref<10240x128xf32, #tpu.memory_space<hbm>>
      %dma_start3A_18 = arith.constant 0 : i32
      %dma_start3A_19 = tpu.memref_slice %dma_start3A_17[%mul3A_14, %dma_start3A_18] : memref<10240x128xf32, #tpu.memory_space<hbm>> -> memref<640x128xf32, #tpu.memory_space<hbm>>
      %dma_start3A_20 = arith.constant 0 : i32
      %dma_start3A_21 = tpu.memref_slice %arg10[%mul3A_12, %dma_start3A_20] : memref<10240x128xf32, #tpu.memory_space<vmem_shared>> -> memref<640x128xf32, #tpu.memory_space<vmem_shared>>
      tpu.enqueue_dma source(%dma_start3A_21 : memref<640x128xf32, #tpu.memory_space<vmem_shared>>) target(%dma_start3A_19 : memref<640x128xf32, #tpu.memory_space<hbm>>) target_semaphore(%run_scoped3A : memref<!tpu.dma_semaphore, #tpu.memory_space<semaphore_mem>>)
      %dma_wait3A = arith.constant 0 : i32
      %dma_wait3A_22 = arith.constant 0 : i32
      %dma_wait3A_23 = tpu.memref_slice %arg6[%arg0, %dma_wait3A, %dma_wait3A_22] : memref<2x10240x128xf32, #tpu.memory_space<hbm>> -> memref<1x10240x128xf32, #tpu.memory_space<hbm>>
      %dma_wait3A_24 = tpu.memref_squeeze %dma_wait3A_23 : memref<1x10240x128xf32, #tpu.memory_space<hbm>> -> memref<10240x128xf32, #tpu.memory_space<hbm>>
      %dma_wait3A_25 = arith.constant 0 : i32
      %dma_wait3A_26 = tpu.memref_slice %dma_wait3A_24[%mul3A_14, %dma_wait3A_25] : memref<10240x128xf32, #tpu.memory_space<hbm>> -> memref<640x128xf32, #tpu.memory_space<hbm>>
      %dma_wait3A_27 = arith.constant 0 : i32
      %dma_wait3A_28 = tpu.memref_slice %arg10[%mul3A_12, %dma_wait3A_27] : memref<10240x128xf32, #tpu.memory_space<vmem_shared>> -> memref<640x128xf32, #tpu.memory_space<vmem_shared>>
      tpu.wait_dma2 semaphore(%run_scoped3A : memref<!tpu.dma_semaphore, #tpu.memory_space<semaphore_mem>>) src(%dma_wait3A_28 : memref<640x128xf32, #tpu.memory_space<vmem_shared>>) dst(%dma_wait3A_26 : memref<640x128xf32, #tpu.memory_space<hbm>>)
      tpu.yield
    }) : () -> ()
    return
  }
}

#map = affine_map<(d0, d1) -> (0)>
#map1 = affine_map<(d0, d1) -> (0, 0)>
#map2 = affine_map<(d0, d1) -> (0, 0, 0)>
module attributes {stable_mosaic.version = 14 : i64} {
  func.func @k(%arg0: i32, %arg1: i32, %arg2: memref<321536xi32, #tpu.memory_space<hbm>>, %arg3: memref<321536xi32, #tpu.memory_space<hbm>>, %arg4: memref<10000x128xf32, #tpu.memory_space<hbm>>, %arg5: memref<10240x128xf32, #tpu.memory_space<hbm>>, %arg6: memref<2x10240x128xf32, #tpu.memory_space<hbm>>, %arg7: memref<64xi32, #tpu.memory_space<vmem>>, %arg8: memref<64xi32, #tpu.memory_space<vmem>>, %arg9: memref<64x128xf32, #tpu.memory_space<vmem>>, %arg10: memref<10240x128xf32, #tpu.memory_space<vmem_shared>>, %arg11: memref<!tpu.dma_semaphore, #tpu.memory_space<semaphore_mem>>) attributes {dimension_semantics = [#tpu.dimension_semantics<core_parallel>, #tpu.dimension_semantics<subcore_parallel>], iteration_bounds = array<i64: 2, 16>, scalar_prefetch = 0 : i64, scratch_operands = 5 : i64, tpu.core_type = #tpu.core_type<sc_vector_subcore>, window_params = [{transform_indices = #map}, {transform_indices = #map}, {transform_indices = #map1}, {transform_indices = #map1}, {transform_indices = #map2}]} {
    %mul3A = arith.constant 16 : i32
    %mul3A_0 = arith.muli %arg0, %mul3A : i32
    %add3A = arith.addi %mul3A_0, %arg1 : i32
    %mul3A_1 = arith.constant 640 : i32
    %mul3A_2 = arith.muli %arg1, %mul3A_1 : i32
    %mul3A_3 = arith.constant 640 : i32
    %mul3A_4 = arith.muli %arg1, %mul3A_3 : i32
    "tpu.region"() ({
      %run_scoped3A = tpu.sem_alloc : memref<!tpu.dma_semaphore, #tpu.memory_space<semaphore_mem>>
      %dma_start3A = arith.constant 0 : i32
      %dma_start3A_15 = tpu.memref_slice %arg10[%mul3A_4, %dma_start3A] : memref<10240x128xf32, #tpu.memory_space<vmem_shared>> -> memref<640x128xf32, #tpu.memory_space<vmem_shared>>
      %dma_start3A_16 = arith.constant 0 : i32
      %dma_start3A_17 = tpu.memref_slice %arg5[%mul3A_2, %dma_start3A_16] : memref<10240x128xf32, #tpu.memory_space<hbm>> -> memref<640x128xf32, #tpu.memory_space<hbm>>
      tpu.enqueue_dma source(%dma_start3A_17 : memref<640x128xf32, #tpu.memory_space<hbm>>) target(%dma_start3A_15 : memref<640x128xf32, #tpu.memory_space<vmem_shared>>) target_semaphore(%run_scoped3A : memref<!tpu.dma_semaphore, #tpu.memory_space<semaphore_mem>>)
      %dma_wait3A = arith.constant 0 : i32
      %dma_wait3A_18 = tpu.memref_slice %arg10[%mul3A_4, %dma_wait3A] : memref<10240x128xf32, #tpu.memory_space<vmem_shared>> -> memref<640x128xf32, #tpu.memory_space<vmem_shared>>
      %dma_wait3A_19 = arith.constant 0 : i32
      %dma_wait3A_20 = tpu.memref_slice %arg5[%mul3A_2, %dma_wait3A_19] : memref<10240x128xf32, #tpu.memory_space<hbm>> -> memref<640x128xf32, #tpu.memory_space<hbm>>
      tpu.wait_dma2 semaphore(%run_scoped3A : memref<!tpu.dma_semaphore, #tpu.memory_space<semaphore_mem>>) src(%dma_wait3A_20 : memref<640x128xf32, #tpu.memory_space<hbm>>) dst(%dma_wait3A_18 : memref<640x128xf32, #tpu.memory_space<vmem_shared>>)
      tpu.yield
    }) : () -> ()
    %barrier3A = arith.constant 0 : index
    tpu.barrier barrier_id(%barrier3A)
    %scan3A = arith.constant 0 : i32
    %scan3A_5 = arith.constant 0 : i32
    %scan3A_6 = arith.constant 157 : i32
    %scan3A_7 = arith.addi %scan3A_5, %scan3A_6 : i32
    %scan3A_8 = arith.constant 1 : i32
    scf.for %scan3A_15 = %scan3A_5 to %scan3A_7 step %scan3A_8  : i32 {
      %mul3A_16 = arith.constant 10048 : i32
      %mul3A_17 = arith.muli %add3A, %mul3A_16 : i32
      %mul3A_18 = arith.constant 64 : i32
      %mul3A_19 = arith.muli %scan3A_15, %mul3A_18 : i32
      %add3A_20 = arith.addi %mul3A_17, %mul3A_19 : i32
      "tpu.region"() ({
        %run_scoped3A = tpu.sem_alloc : memref<!tpu.dma_semaphore, #tpu.memory_space<semaphore_mem>>
        %dma_start3A_25 = tpu.memref_slice %arg2[%add3A_20] : memref<321536xi32, #tpu.memory_space<hbm>> -> memref<64xi32, #tpu.memory_space<hbm>>
        %dma_start3A_26 = tpu.memref_slice %arg2[%add3A_20] : memref<321536xi32, #tpu.memory_space<hbm>> -> memref<64xi32, #tpu.memory_space<hbm>>
        tpu.enqueue_dma source(%dma_start3A_26 : memref<64xi32, #tpu.memory_space<hbm>>) target(%arg7 : memref<64xi32, #tpu.memory_space<vmem>>) target_semaphore(%run_scoped3A : memref<!tpu.dma_semaphore, #tpu.memory_space<semaphore_mem>>)
        %dma_wait3A_27 = tpu.memref_slice %arg2[%add3A_20] : memref<321536xi32, #tpu.memory_space<hbm>> -> memref<64xi32, #tpu.memory_space<hbm>>
        %dma_wait3A_28 = tpu.memref_slice %arg2[%add3A_20] : memref<321536xi32, #tpu.memory_space<hbm>> -> memref<64xi32, #tpu.memory_space<hbm>>
        tpu.wait_dma2 semaphore(%run_scoped3A : memref<!tpu.dma_semaphore, #tpu.memory_space<semaphore_mem>>) src(%dma_wait3A_28 : memref<64xi32, #tpu.memory_space<hbm>>) dst(%arg7 : memref<64xi32, #tpu.memory_space<vmem>>)
        tpu.yield
      }) : () -> ()
      "tpu.region"() ({
        %run_scoped3A = tpu.sem_alloc : memref<!tpu.dma_semaphore, #tpu.memory_space<semaphore_mem>>
        %dma_start3A_25 = tpu.memref_slice %arg3[%add3A_20] : memref<321536xi32, #tpu.memory_space<hbm>> -> memref<64xi32, #tpu.memory_space<hbm>>
        %dma_start3A_26 = tpu.memref_slice %arg3[%add3A_20] : memref<321536xi32, #tpu.memory_space<hbm>> -> memref<64xi32, #tpu.memory_space<hbm>>
        tpu.enqueue_dma source(%dma_start3A_26 : memref<64xi32, #tpu.memory_space<hbm>>) target(%arg8 : memref<64xi32, #tpu.memory_space<vmem>>) target_semaphore(%run_scoped3A : memref<!tpu.dma_semaphore, #tpu.memory_space<semaphore_mem>>)
        %dma_wait3A_27 = tpu.memref_slice %arg3[%add3A_20] : memref<321536xi32, #tpu.memory_space<hbm>> -> memref<64xi32, #tpu.memory_space<hbm>>
        %dma_wait3A_28 = tpu.memref_slice %arg3[%add3A_20] : memref<321536xi32, #tpu.memory_space<hbm>> -> memref<64xi32, #tpu.memory_space<hbm>>
        tpu.wait_dma2 semaphore(%run_scoped3A : memref<!tpu.dma_semaphore, #tpu.memory_space<semaphore_mem>>) src(%dma_wait3A_28 : memref<64xi32, #tpu.memory_space<hbm>>) dst(%arg8 : memref<64xi32, #tpu.memory_space<vmem>>)
        tpu.yield
      }) : () -> ()
      %dma_start3A = arith.constant 0 : i32
      %dma_start3A_21 = arith.constant 0 : i32
      %dma_start3A_22 = tpu.memref_slice %arg4[%dma_start3A, %dma_start3A_21] : memref<10000x128xf32, #tpu.memory_space<hbm>> -> memref<10000x128xf32, #tpu.memory_space<hbm>>
      tpu.enqueue_indirect_dma source(%dma_start3A_22 : memref<10000x128xf32, #tpu.memory_space<hbm>>) target(%arg9 : memref<64x128xf32, #tpu.memory_space<vmem>>) offsets(%arg7 : memref<64xi32, #tpu.memory_space<vmem>>) semaphore(%arg11 : memref<!tpu.dma_semaphore, #tpu.memory_space<semaphore_mem>>)
      %dma_wait3A = arith.constant 0 : i32
      %dma_wait3A_23 = arith.constant 0 : i32
      %dma_wait3A_24 = tpu.memref_slice %arg4[%dma_wait3A, %dma_wait3A_23] : memref<10000x128xf32, #tpu.memory_space<hbm>> -> memref<10000x128xf32, #tpu.memory_space<hbm>>
      tpu.wait_indirect_dma semaphore(%arg11 : memref<!tpu.dma_semaphore, #tpu.memory_space<semaphore_mem>>) src(%dma_wait3A_24 : memref<10000x128xf32, #tpu.memory_space<hbm>>) dst(%arg9 : memref<64x128xf32, #tpu.memory_space<vmem>>)
      "tpu.region"() ({
        %run_scoped3A = tpu.sem_alloc : memref<!tpu.dma_semaphore, #tpu.memory_space<semaphore_mem>>
        %dma_start3A_25 = arith.constant 0 : i32
        %dma_start3A_26 = arith.constant 0 : i32
        %dma_start3A_27 = tpu.memref_slice %arg10[%dma_start3A_25, %dma_start3A_26] : memref<10240x128xf32, #tpu.memory_space<vmem_shared>> -> memref<10240x128xf32, #tpu.memory_space<vmem_shared>>
        tpu.enqueue_indirect_dma source(%arg9 : memref<64x128xf32, #tpu.memory_space<vmem>>) target(%dma_start3A_27 : memref<10240x128xf32, #tpu.memory_space<vmem_shared>>) offsets(%arg8 : memref<64xi32, #tpu.memory_space<vmem>>) semaphore(%run_scoped3A : memref<!tpu.dma_semaphore, #tpu.memory_space<semaphore_mem>>) {add = true}
        %dma_wait3A_28 = arith.constant 0 : i32
        %dma_wait3A_29 = arith.constant 0 : i32
        %dma_wait3A_30 = tpu.memref_slice %arg10[%dma_wait3A_28, %dma_wait3A_29] : memref<10240x128xf32, #tpu.memory_space<vmem_shared>> -> memref<10240x128xf32, #tpu.memory_space<vmem_shared>>
        tpu.wait_indirect_dma semaphore(%run_scoped3A : memref<!tpu.dma_semaphore, #tpu.memory_space<semaphore_mem>>) src(%arg9 : memref<64x128xf32, #tpu.memory_space<vmem>>) dst(%dma_wait3A_30 : memref<10240x128xf32, #tpu.memory_space<vmem_shared>>)
        tpu.yield
      }) : () -> ()
    }
    %scan3A_9 = arith.constant 157 : i32
    %barrier3A_10 = arith.constant 0 : index
    tpu.barrier barrier_id(%barrier3A_10)
    %mul3A_11 = arith.constant 640 : i32
    %mul3A_12 = arith.muli %arg1, %mul3A_11 : i32
    %mul3A_13 = arith.constant 640 : i32
    %mul3A_14 = arith.muli %arg1, %mul3A_13 : i32
    "tpu.region"() ({
      %run_scoped3A = tpu.sem_alloc : memref<!tpu.dma_semaphore, #tpu.memory_space<semaphore_mem>>
      %dma_start3A = arith.constant 0 : i32
      %dma_start3A_15 = arith.constant 0 : i32
      %dma_start3A_16 = tpu.memref_slice %arg6[%arg0, %dma_start3A, %dma_start3A_15] : memref<2x10240x128xf32, #tpu.memory_space<hbm>> -> memref<1x10240x128xf32, #tpu.memory_space<hbm>>
      %dma_start3A_17 = tpu.memref_squeeze %dma_start3A_16 : memref<1x10240x128xf32, #tpu.memory_space<hbm>> -> memref<10240x128xf32, #tpu.memory_space<hbm>>
      %dma_start3A_18 = arith.constant 0 : i32
      %dma_start3A_19 = tpu.memref_slice %dma_start3A_17[%mul3A_14, %dma_start3A_18] : memref<10240x128xf32, #tpu.memory_space<hbm>> -> memref<640x128xf32, #tpu.memory_space<hbm>>
      %dma_start3A_20 = arith.constant 0 : i32
      %dma_start3A_21 = tpu.memref_slice %arg10[%mul3A_12, %dma_start3A_20] : memref<10240x128xf32, #tpu.memory_space<vmem_shared>> -> memref<640x128xf32, #tpu.memory_space<vmem_shared>>
      tpu.enqueue_dma source(%dma_start3A_21 : memref<640x128xf32, #tpu.memory_space<vmem_shared>>) target(%dma_start3A_19 : memref<640x128xf32, #tpu.memory_space<hbm>>) target_semaphore(%run_scoped3A : memref<!tpu.dma_semaphore, #tpu.memory_space<semaphore_mem>>)
      %dma_wait3A = arith.constant 0 : i32
      %dma_wait3A_22 = arith.constant 0 : i32
      %dma_wait3A_23 = tpu.memref_slice %arg6[%arg0, %dma_wait3A, %dma_wait3A_22] : memref<2x10240x128xf32, #tpu.memory_space<hbm>> -> memref<1x10240x128xf32, #tpu.memory_space<hbm>>
      %dma_wait3A_24 = tpu.memref_squeeze %dma_wait3A_23 : memref<1x10240x128xf32, #tpu.memory_space<hbm>> -> memref<10240x128xf32, #tpu.memory_space<hbm>>
      %dma_wait3A_25 = arith.constant 0 : i32
      %dma_wait3A_26 = tpu.memref_slice %dma_wait3A_24[%mul3A_14, %dma_wait3A_25] : memref<10240x128xf32, #tpu.memory_space<hbm>> -> memref<640x128xf32, #tpu.memory_space<hbm>>
      %dma_wait3A_27 = arith.constant 0 : i32
      %dma_wait3A_28 = tpu.memref_slice %arg10[%mul3A_12, %dma_wait3A_27] : memref<10240x128xf32, #tpu.memory_space<vmem_shared>> -> memref<640x128xf32, #tpu.memory_space<vmem_shared>>
      tpu.wait_dma2 semaphore(%run_scoped3A : memref<!tpu.dma_semaphore, #tpu.memory_space<semaphore_mem>>) src(%dma_wait3A_28 : memref<640x128xf32, #tpu.memory_space<vmem_shared>>) dst(%dma_wait3A_26 : memref<640x128xf32, #tpu.memory_space<hbm>>)
      tpu.yield
    }) : () -> ()
    return
  }
}

#map = affine_map<(d0, d1) -> (0)>
#map1 = affine_map<(d0, d1) -> (0, 0)>
#map2 = affine_map<(d0, d1) -> (0, 0, 0)>
module attributes {stable_mosaic.version = 14 : i64} {
  func.func @k(%arg0: i32, %arg1: i32, %arg2: memref<10240xi32, #tpu.memory_space<hbm>>, %arg3: memref<10240xi32, #tpu.memory_space<hbm>>, %arg4: memref<10000x128xf32, #tpu.memory_space<hbm>>, %arg5: memref<10240x128xf32, #tpu.memory_space<hbm>>, %arg6: memref<2x10240x128xf32, #tpu.memory_space<hbm>>, %arg7: memref<64xi32, #tpu.memory_space<vmem>>, %arg8: memref<64xi32, #tpu.memory_space<vmem>>, %arg9: memref<64x128xf32, #tpu.memory_space<vmem>>, %arg10: memref<10240x128xf32, #tpu.memory_space<vmem_shared>>, %arg11: memref<!tpu.dma_semaphore, #tpu.memory_space<semaphore_mem>>) attributes {dimension_semantics = [#tpu.dimension_semantics<core_parallel>, #tpu.dimension_semantics<subcore_parallel>], iteration_bounds = array<i64: 2, 16>, scalar_prefetch = 0 : i64, scratch_operands = 5 : i64, tpu.core_type = #tpu.core_type<sc_vector_subcore>, window_params = [{transform_indices = #map}, {transform_indices = #map}, {transform_indices = #map1}, {transform_indices = #map1}, {transform_indices = #map2}]} {
    %mul3A = arith.constant 16 : i32
    %mul3A_0 = arith.muli %arg0, %mul3A : i32
    %add3A = arith.addi %mul3A_0, %arg1 : i32
    %mul3A_1 = arith.constant 640 : i32
    %mul3A_2 = arith.muli %arg1, %mul3A_1 : i32
    %mul3A_3 = arith.constant 640 : i32
    %mul3A_4 = arith.muli %arg1, %mul3A_3 : i32
    "tpu.region"() ({
      %run_scoped3A = tpu.sem_alloc : memref<!tpu.dma_semaphore, #tpu.memory_space<semaphore_mem>>
      %dma_start3A = arith.constant 0 : i32
      %dma_start3A_15 = tpu.memref_slice %arg10[%mul3A_4, %dma_start3A] : memref<10240x128xf32, #tpu.memory_space<vmem_shared>> -> memref<640x128xf32, #tpu.memory_space<vmem_shared>>
      %dma_start3A_16 = arith.constant 0 : i32
      %dma_start3A_17 = tpu.memref_slice %arg5[%mul3A_2, %dma_start3A_16] : memref<10240x128xf32, #tpu.memory_space<hbm>> -> memref<640x128xf32, #tpu.memory_space<hbm>>
      tpu.enqueue_dma source(%dma_start3A_17 : memref<640x128xf32, #tpu.memory_space<hbm>>) target(%dma_start3A_15 : memref<640x128xf32, #tpu.memory_space<vmem_shared>>) target_semaphore(%run_scoped3A : memref<!tpu.dma_semaphore, #tpu.memory_space<semaphore_mem>>)
      %dma_wait3A = arith.constant 0 : i32
      %dma_wait3A_18 = tpu.memref_slice %arg10[%mul3A_4, %dma_wait3A] : memref<10240x128xf32, #tpu.memory_space<vmem_shared>> -> memref<640x128xf32, #tpu.memory_space<vmem_shared>>
      %dma_wait3A_19 = arith.constant 0 : i32
      %dma_wait3A_20 = tpu.memref_slice %arg5[%mul3A_2, %dma_wait3A_19] : memref<10240x128xf32, #tpu.memory_space<hbm>> -> memref<640x128xf32, #tpu.memory_space<hbm>>
      tpu.wait_dma2 semaphore(%run_scoped3A : memref<!tpu.dma_semaphore, #tpu.memory_space<semaphore_mem>>) src(%dma_wait3A_20 : memref<640x128xf32, #tpu.memory_space<hbm>>) dst(%dma_wait3A_18 : memref<640x128xf32, #tpu.memory_space<vmem_shared>>)
      tpu.yield
    }) : () -> ()
    %barrier3A = arith.constant 0 : index
    tpu.barrier barrier_id(%barrier3A)
    %scan3A = arith.constant 0 : i32
    %scan3A_5 = arith.constant 0 : i32
    %scan3A_6 = arith.constant 5 : i32
    %scan3A_7 = arith.addi %scan3A_5, %scan3A_6 : i32
    %scan3A_8 = arith.constant 1 : i32
    scf.for %scan3A_15 = %scan3A_5 to %scan3A_7 step %scan3A_8  : i32 {
      %mul3A_16 = arith.constant 320 : i32
      %mul3A_17 = arith.muli %add3A, %mul3A_16 : i32
      %mul3A_18 = arith.constant 64 : i32
      %mul3A_19 = arith.muli %scan3A_15, %mul3A_18 : i32
      %add3A_20 = arith.addi %mul3A_17, %mul3A_19 : i32
      "tpu.region"() ({
        %run_scoped3A = tpu.sem_alloc : memref<!tpu.dma_semaphore, #tpu.memory_space<semaphore_mem>>
        %dma_start3A_25 = tpu.memref_slice %arg2[%add3A_20] : memref<10240xi32, #tpu.memory_space<hbm>> -> memref<64xi32, #tpu.memory_space<hbm>>
        %dma_start3A_26 = tpu.memref_slice %arg2[%add3A_20] : memref<10240xi32, #tpu.memory_space<hbm>> -> memref<64xi32, #tpu.memory_space<hbm>>
        tpu.enqueue_dma source(%dma_start3A_26 : memref<64xi32, #tpu.memory_space<hbm>>) target(%arg7 : memref<64xi32, #tpu.memory_space<vmem>>) target_semaphore(%run_scoped3A : memref<!tpu.dma_semaphore, #tpu.memory_space<semaphore_mem>>)
        %dma_wait3A_27 = tpu.memref_slice %arg2[%add3A_20] : memref<10240xi32, #tpu.memory_space<hbm>> -> memref<64xi32, #tpu.memory_space<hbm>>
        %dma_wait3A_28 = tpu.memref_slice %arg2[%add3A_20] : memref<10240xi32, #tpu.memory_space<hbm>> -> memref<64xi32, #tpu.memory_space<hbm>>
        tpu.wait_dma2 semaphore(%run_scoped3A : memref<!tpu.dma_semaphore, #tpu.memory_space<semaphore_mem>>) src(%dma_wait3A_28 : memref<64xi32, #tpu.memory_space<hbm>>) dst(%arg7 : memref<64xi32, #tpu.memory_space<vmem>>)
        tpu.yield
      }) : () -> ()
      "tpu.region"() ({
        %run_scoped3A = tpu.sem_alloc : memref<!tpu.dma_semaphore, #tpu.memory_space<semaphore_mem>>
        %dma_start3A_25 = tpu.memref_slice %arg3[%add3A_20] : memref<10240xi32, #tpu.memory_space<hbm>> -> memref<64xi32, #tpu.memory_space<hbm>>
        %dma_start3A_26 = tpu.memref_slice %arg3[%add3A_20] : memref<10240xi32, #tpu.memory_space<hbm>> -> memref<64xi32, #tpu.memory_space<hbm>>
        tpu.enqueue_dma source(%dma_start3A_26 : memref<64xi32, #tpu.memory_space<hbm>>) target(%arg8 : memref<64xi32, #tpu.memory_space<vmem>>) target_semaphore(%run_scoped3A : memref<!tpu.dma_semaphore, #tpu.memory_space<semaphore_mem>>)
        %dma_wait3A_27 = tpu.memref_slice %arg3[%add3A_20] : memref<10240xi32, #tpu.memory_space<hbm>> -> memref<64xi32, #tpu.memory_space<hbm>>
        %dma_wait3A_28 = tpu.memref_slice %arg3[%add3A_20] : memref<10240xi32, #tpu.memory_space<hbm>> -> memref<64xi32, #tpu.memory_space<hbm>>
        tpu.wait_dma2 semaphore(%run_scoped3A : memref<!tpu.dma_semaphore, #tpu.memory_space<semaphore_mem>>) src(%dma_wait3A_28 : memref<64xi32, #tpu.memory_space<hbm>>) dst(%arg8 : memref<64xi32, #tpu.memory_space<vmem>>)
        tpu.yield
      }) : () -> ()
      %dma_start3A = arith.constant 0 : i32
      %dma_start3A_21 = arith.constant 0 : i32
      %dma_start3A_22 = tpu.memref_slice %arg4[%dma_start3A, %dma_start3A_21] : memref<10000x128xf32, #tpu.memory_space<hbm>> -> memref<10000x128xf32, #tpu.memory_space<hbm>>
      tpu.enqueue_indirect_dma source(%dma_start3A_22 : memref<10000x128xf32, #tpu.memory_space<hbm>>) target(%arg9 : memref<64x128xf32, #tpu.memory_space<vmem>>) offsets(%arg7 : memref<64xi32, #tpu.memory_space<vmem>>) semaphore(%arg11 : memref<!tpu.dma_semaphore, #tpu.memory_space<semaphore_mem>>)
      %dma_wait3A = arith.constant 0 : i32
      %dma_wait3A_23 = arith.constant 0 : i32
      %dma_wait3A_24 = tpu.memref_slice %arg4[%dma_wait3A, %dma_wait3A_23] : memref<10000x128xf32, #tpu.memory_space<hbm>> -> memref<10000x128xf32, #tpu.memory_space<hbm>>
      tpu.wait_indirect_dma semaphore(%arg11 : memref<!tpu.dma_semaphore, #tpu.memory_space<semaphore_mem>>) src(%dma_wait3A_24 : memref<10000x128xf32, #tpu.memory_space<hbm>>) dst(%arg9 : memref<64x128xf32, #tpu.memory_space<vmem>>)
      "tpu.region"() ({
        %run_scoped3A = tpu.sem_alloc : memref<!tpu.dma_semaphore, #tpu.memory_space<semaphore_mem>>
        %dma_start3A_25 = arith.constant 0 : i32
        %dma_start3A_26 = arith.constant 0 : i32
        %dma_start3A_27 = tpu.memref_slice %arg10[%dma_start3A_25, %dma_start3A_26] : memref<10240x128xf32, #tpu.memory_space<vmem_shared>> -> memref<10240x128xf32, #tpu.memory_space<vmem_shared>>
        tpu.enqueue_indirect_dma source(%arg9 : memref<64x128xf32, #tpu.memory_space<vmem>>) target(%dma_start3A_27 : memref<10240x128xf32, #tpu.memory_space<vmem_shared>>) offsets(%arg8 : memref<64xi32, #tpu.memory_space<vmem>>) semaphore(%run_scoped3A : memref<!tpu.dma_semaphore, #tpu.memory_space<semaphore_mem>>) {add = true}
        %dma_wait3A_28 = arith.constant 0 : i32
        %dma_wait3A_29 = arith.constant 0 : i32
        %dma_wait3A_30 = tpu.memref_slice %arg10[%dma_wait3A_28, %dma_wait3A_29] : memref<10240x128xf32, #tpu.memory_space<vmem_shared>> -> memref<10240x128xf32, #tpu.memory_space<vmem_shared>>
        tpu.wait_indirect_dma semaphore(%run_scoped3A : memref<!tpu.dma_semaphore, #tpu.memory_space<semaphore_mem>>) src(%arg9 : memref<64x128xf32, #tpu.memory_space<vmem>>) dst(%dma_wait3A_30 : memref<10240x128xf32, #tpu.memory_space<vmem_shared>>)
        tpu.yield
      }) : () -> ()
    }
    %scan3A_9 = arith.constant 5 : i32
    %barrier3A_10 = arith.constant 0 : index
    tpu.barrier barrier_id(%barrier3A_10)
    %mul3A_11 = arith.constant 640 : i32
    %mul3A_12 = arith.muli %arg1, %mul3A_11 : i32
    %mul3A_13 = arith.constant 640 : i32
    %mul3A_14 = arith.muli %arg1, %mul3A_13 : i32
    "tpu.region"() ({
      %run_scoped3A = tpu.sem_alloc : memref<!tpu.dma_semaphore, #tpu.memory_space<semaphore_mem>>
      %dma_start3A = arith.constant 0 : i32
      %dma_start3A_15 = arith.constant 0 : i32
      %dma_start3A_16 = tpu.memref_slice %arg6[%arg0, %dma_start3A, %dma_start3A_15] : memref<2x10240x128xf32, #tpu.memory_space<hbm>> -> memref<1x10240x128xf32, #tpu.memory_space<hbm>>
      %dma_start3A_17 = tpu.memref_squeeze %dma_start3A_16 : memref<1x10240x128xf32, #tpu.memory_space<hbm>> -> memref<10240x128xf32, #tpu.memory_space<hbm>>
      %dma_start3A_18 = arith.constant 0 : i32
      %dma_start3A_19 = tpu.memref_slice %dma_start3A_17[%mul3A_14, %dma_start3A_18] : memref<10240x128xf32, #tpu.memory_space<hbm>> -> memref<640x128xf32, #tpu.memory_space<hbm>>
      %dma_start3A_20 = arith.constant 0 : i32
      %dma_start3A_21 = tpu.memref_slice %arg10[%mul3A_12, %dma_start3A_20] : memref<10240x128xf32, #tpu.memory_space<vmem_shared>> -> memref<640x128xf32, #tpu.memory_space<vmem_shared>>
      tpu.enqueue_dma source(%dma_start3A_21 : memref<640x128xf32, #tpu.memory_space<vmem_shared>>) target(%dma_start3A_19 : memref<640x128xf32, #tpu.memory_space<hbm>>) target_semaphore(%run_scoped3A : memref<!tpu.dma_semaphore, #tpu.memory_space<semaphore_mem>>)
      %dma_wait3A = arith.constant 0 : i32
      %dma_wait3A_22 = arith.constant 0 : i32
      %dma_wait3A_23 = tpu.memref_slice %arg6[%arg0, %dma_wait3A, %dma_wait3A_22] : memref<2x10240x128xf32, #tpu.memory_space<hbm>> -> memref<1x10240x128xf32, #tpu.memory_space<hbm>>
      %dma_wait3A_24 = tpu.memref_squeeze %dma_wait3A_23 : memref<1x10240x128xf32, #tpu.memory_space<hbm>> -> memref<10240x128xf32, #tpu.memory_space<hbm>>
      %dma_wait3A_25 = arith.constant 0 : i32
      %dma_wait3A_26 = tpu.memref_slice %dma_wait3A_24[%mul3A_14, %dma_wait3A_25] : memref<10240x128xf32, #tpu.memory_space<hbm>> -> memref<640x128xf32, #tpu.memory_space<hbm>>
      %dma_wait3A_27 = arith.constant 0 : i32
      %dma_wait3A_28 = tpu.memref_slice %arg10[%mul3A_12, %dma_wait3A_27] : memref<10240x128xf32, #tpu.memory_space<vmem_shared>> -> memref<640x128xf32, #tpu.memory_space<vmem_shared>>
      tpu.wait_dma2 semaphore(%run_scoped3A : memref<!tpu.dma_semaphore, #tpu.memory_space<semaphore_mem>>) src(%dma_wait3A_28 : memref<640x128xf32, #tpu.memory_space<vmem_shared>>) dst(%dma_wait3A_26 : memref<640x128xf32, #tpu.memory_space<hbm>>)
      tpu.yield
    }) : () -> ()
    return
  }
}

#map = affine_map<(d0, d1) -> (0)>
#map1 = affine_map<(d0, d1) -> (0, 0)>
#map2 = affine_map<(d0, d1) -> (0, 0, 0)>
module attributes {stable_mosaic.version = 14 : i64} {
  func.func @k(%arg0: i32, %arg1: i32, %arg2: memref<321536xi32, #tpu.memory_space<hbm>>, %arg3: memref<321536xi32, #tpu.memory_space<hbm>>, %arg4: memref<10000x128xf32, #tpu.memory_space<hbm>>, %arg5: memref<10240x128xf32, #tpu.memory_space<hbm>>, %arg6: memref<2x10240x128xf32, #tpu.memory_space<hbm>>, %arg7: memref<64xi32, #tpu.memory_space<vmem>>, %arg8: memref<64xi32, #tpu.memory_space<vmem>>, %arg9: memref<64x128xf32, #tpu.memory_space<vmem>>, %arg10: memref<10240x128xf32, #tpu.memory_space<vmem_shared>>, %arg11: memref<!tpu.dma_semaphore, #tpu.memory_space<semaphore_mem>>) attributes {dimension_semantics = [#tpu.dimension_semantics<core_parallel>, #tpu.dimension_semantics<subcore_parallel>], iteration_bounds = array<i64: 2, 16>, scalar_prefetch = 0 : i64, scratch_operands = 5 : i64, tpu.core_type = #tpu.core_type<sc_vector_subcore>, window_params = [{transform_indices = #map}, {transform_indices = #map}, {transform_indices = #map1}, {transform_indices = #map1}, {transform_indices = #map2}]} {
    %mul3A = arith.constant 16 : i32
    %mul3A_0 = arith.muli %arg0, %mul3A : i32
    %add3A = arith.addi %mul3A_0, %arg1 : i32
    %mul3A_1 = arith.constant 640 : i32
    %mul3A_2 = arith.muli %arg1, %mul3A_1 : i32
    %mul3A_3 = arith.constant 640 : i32
    %mul3A_4 = arith.muli %arg1, %mul3A_3 : i32
    "tpu.region"() ({
      %run_scoped3A = tpu.sem_alloc : memref<!tpu.dma_semaphore, #tpu.memory_space<semaphore_mem>>
      %dma_start3A = arith.constant 0 : i32
      %dma_start3A_15 = tpu.memref_slice %arg10[%mul3A_4, %dma_start3A] : memref<10240x128xf32, #tpu.memory_space<vmem_shared>> -> memref<640x128xf32, #tpu.memory_space<vmem_shared>>
      %dma_start3A_16 = arith.constant 0 : i32
      %dma_start3A_17 = tpu.memref_slice %arg5[%mul3A_2, %dma_start3A_16] : memref<10240x128xf32, #tpu.memory_space<hbm>> -> memref<640x128xf32, #tpu.memory_space<hbm>>
      tpu.enqueue_dma source(%dma_start3A_17 : memref<640x128xf32, #tpu.memory_space<hbm>>) target(%dma_start3A_15 : memref<640x128xf32, #tpu.memory_space<vmem_shared>>) target_semaphore(%run_scoped3A : memref<!tpu.dma_semaphore, #tpu.memory_space<semaphore_mem>>)
      %dma_wait3A = arith.constant 0 : i32
      %dma_wait3A_18 = tpu.memref_slice %arg10[%mul3A_4, %dma_wait3A] : memref<10240x128xf32, #tpu.memory_space<vmem_shared>> -> memref<640x128xf32, #tpu.memory_space<vmem_shared>>
      %dma_wait3A_19 = arith.constant 0 : i32
      %dma_wait3A_20 = tpu.memref_slice %arg5[%mul3A_2, %dma_wait3A_19] : memref<10240x128xf32, #tpu.memory_space<hbm>> -> memref<640x128xf32, #tpu.memory_space<hbm>>
      tpu.wait_dma2 semaphore(%run_scoped3A : memref<!tpu.dma_semaphore, #tpu.memory_space<semaphore_mem>>) src(%dma_wait3A_20 : memref<640x128xf32, #tpu.memory_space<hbm>>) dst(%dma_wait3A_18 : memref<640x128xf32, #tpu.memory_space<vmem_shared>>)
      tpu.yield
    }) : () -> ()
    %barrier3A = arith.constant 0 : index
    tpu.barrier barrier_id(%barrier3A)
    %scan3A = arith.constant 0 : i32
    %scan3A_5 = arith.constant 0 : i32
    %scan3A_6 = arith.constant 157 : i32
    %scan3A_7 = arith.addi %scan3A_5, %scan3A_6 : i32
    %scan3A_8 = arith.constant 1 : i32
    scf.for %scan3A_15 = %scan3A_5 to %scan3A_7 step %scan3A_8  : i32 {
      %mul3A_16 = arith.constant 10048 : i32
      %mul3A_17 = arith.muli %add3A, %mul3A_16 : i32
      %mul3A_18 = arith.constant 64 : i32
      %mul3A_19 = arith.muli %scan3A_15, %mul3A_18 : i32
      %add3A_20 = arith.addi %mul3A_17, %mul3A_19 : i32
      "tpu.region"() ({
        %run_scoped3A = tpu.sem_alloc : memref<!tpu.dma_semaphore, #tpu.memory_space<semaphore_mem>>
        %dma_start3A_25 = tpu.memref_slice %arg2[%add3A_20] : memref<321536xi32, #tpu.memory_space<hbm>> -> memref<64xi32, #tpu.memory_space<hbm>>
        %dma_start3A_26 = tpu.memref_slice %arg2[%add3A_20] : memref<321536xi32, #tpu.memory_space<hbm>> -> memref<64xi32, #tpu.memory_space<hbm>>
        tpu.enqueue_dma source(%dma_start3A_26 : memref<64xi32, #tpu.memory_space<hbm>>) target(%arg7 : memref<64xi32, #tpu.memory_space<vmem>>) target_semaphore(%run_scoped3A : memref<!tpu.dma_semaphore, #tpu.memory_space<semaphore_mem>>)
        %dma_wait3A_27 = tpu.memref_slice %arg2[%add3A_20] : memref<321536xi32, #tpu.memory_space<hbm>> -> memref<64xi32, #tpu.memory_space<hbm>>
        %dma_wait3A_28 = tpu.memref_slice %arg2[%add3A_20] : memref<321536xi32, #tpu.memory_space<hbm>> -> memref<64xi32, #tpu.memory_space<hbm>>
        tpu.wait_dma2 semaphore(%run_scoped3A : memref<!tpu.dma_semaphore, #tpu.memory_space<semaphore_mem>>) src(%dma_wait3A_28 : memref<64xi32, #tpu.memory_space<hbm>>) dst(%arg7 : memref<64xi32, #tpu.memory_space<vmem>>)
        tpu.yield
      }) : () -> ()
      "tpu.region"() ({
        %run_scoped3A = tpu.sem_alloc : memref<!tpu.dma_semaphore, #tpu.memory_space<semaphore_mem>>
        %dma_start3A_25 = tpu.memref_slice %arg3[%add3A_20] : memref<321536xi32, #tpu.memory_space<hbm>> -> memref<64xi32, #tpu.memory_space<hbm>>
        %dma_start3A_26 = tpu.memref_slice %arg3[%add3A_20] : memref<321536xi32, #tpu.memory_space<hbm>> -> memref<64xi32, #tpu.memory_space<hbm>>
        tpu.enqueue_dma source(%dma_start3A_26 : memref<64xi32, #tpu.memory_space<hbm>>) target(%arg8 : memref<64xi32, #tpu.memory_space<vmem>>) target_semaphore(%run_scoped3A : memref<!tpu.dma_semaphore, #tpu.memory_space<semaphore_mem>>)
        %dma_wait3A_27 = tpu.memref_slice %arg3[%add3A_20] : memref<321536xi32, #tpu.memory_space<hbm>> -> memref<64xi32, #tpu.memory_space<hbm>>
        %dma_wait3A_28 = tpu.memref_slice %arg3[%add3A_20] : memref<321536xi32, #tpu.memory_space<hbm>> -> memref<64xi32, #tpu.memory_space<hbm>>
        tpu.wait_dma2 semaphore(%run_scoped3A : memref<!tpu.dma_semaphore, #tpu.memory_space<semaphore_mem>>) src(%dma_wait3A_28 : memref<64xi32, #tpu.memory_space<hbm>>) dst(%arg8 : memref<64xi32, #tpu.memory_space<vmem>>)
        tpu.yield
      }) : () -> ()
      %dma_start3A = arith.constant 0 : i32
      %dma_start3A_21 = arith.constant 0 : i32
      %dma_start3A_22 = tpu.memref_slice %arg4[%dma_start3A, %dma_start3A_21] : memref<10000x128xf32, #tpu.memory_space<hbm>> -> memref<10000x128xf32, #tpu.memory_space<hbm>>
      tpu.enqueue_indirect_dma source(%dma_start3A_22 : memref<10000x128xf32, #tpu.memory_space<hbm>>) target(%arg9 : memref<64x128xf32, #tpu.memory_space<vmem>>) offsets(%arg7 : memref<64xi32, #tpu.memory_space<vmem>>) semaphore(%arg11 : memref<!tpu.dma_semaphore, #tpu.memory_space<semaphore_mem>>)
      %dma_wait3A = arith.constant 0 : i32
      %dma_wait3A_23 = arith.constant 0 : i32
      %dma_wait3A_24 = tpu.memref_slice %arg4[%dma_wait3A, %dma_wait3A_23] : memref<10000x128xf32, #tpu.memory_space<hbm>> -> memref<10000x128xf32, #tpu.memory_space<hbm>>
      tpu.wait_indirect_dma semaphore(%arg11 : memref<!tpu.dma_semaphore, #tpu.memory_space<semaphore_mem>>) src(%dma_wait3A_24 : memref<10000x128xf32, #tpu.memory_space<hbm>>) dst(%arg9 : memref<64x128xf32, #tpu.memory_space<vmem>>)
      "tpu.region"() ({
        %run_scoped3A = tpu.sem_alloc : memref<!tpu.dma_semaphore, #tpu.memory_space<semaphore_mem>>
        %dma_start3A_25 = arith.constant 0 : i32
        %dma_start3A_26 = arith.constant 0 : i32
        %dma_start3A_27 = tpu.memref_slice %arg10[%dma_start3A_25, %dma_start3A_26] : memref<10240x128xf32, #tpu.memory_space<vmem_shared>> -> memref<10240x128xf32, #tpu.memory_space<vmem_shared>>
        tpu.enqueue_indirect_dma source(%arg9 : memref<64x128xf32, #tpu.memory_space<vmem>>) target(%dma_start3A_27 : memref<10240x128xf32, #tpu.memory_space<vmem_shared>>) offsets(%arg8 : memref<64xi32, #tpu.memory_space<vmem>>) semaphore(%run_scoped3A : memref<!tpu.dma_semaphore, #tpu.memory_space<semaphore_mem>>) {add = true}
        %dma_wait3A_28 = arith.constant 0 : i32
        %dma_wait3A_29 = arith.constant 0 : i32
        %dma_wait3A_30 = tpu.memref_slice %arg10[%dma_wait3A_28, %dma_wait3A_29] : memref<10240x128xf32, #tpu.memory_space<vmem_shared>> -> memref<10240x128xf32, #tpu.memory_space<vmem_shared>>
        tpu.wait_indirect_dma semaphore(%run_scoped3A : memref<!tpu.dma_semaphore, #tpu.memory_space<semaphore_mem>>) src(%arg9 : memref<64x128xf32, #tpu.memory_space<vmem>>) dst(%dma_wait3A_30 : memref<10240x128xf32, #tpu.memory_space<vmem_shared>>)
        tpu.yield
      }) : () -> ()
    }
    %scan3A_9 = arith.constant 157 : i32
    %barrier3A_10 = arith.constant 0 : index
    tpu.barrier barrier_id(%barrier3A_10)
    %mul3A_11 = arith.constant 640 : i32
    %mul3A_12 = arith.muli %arg1, %mul3A_11 : i32
    %mul3A_13 = arith.constant 640 : i32
    %mul3A_14 = arith.muli %arg1, %mul3A_13 : i32
    "tpu.region"() ({
      %run_scoped3A = tpu.sem_alloc : memref<!tpu.dma_semaphore, #tpu.memory_space<semaphore_mem>>
      %dma_start3A = arith.constant 0 : i32
      %dma_start3A_15 = arith.constant 0 : i32
      %dma_start3A_16 = tpu.memref_slice %arg6[%arg0, %dma_start3A, %dma_start3A_15] : memref<2x10240x128xf32, #tpu.memory_space<hbm>> -> memref<1x10240x128xf32, #tpu.memory_space<hbm>>
      %dma_start3A_17 = tpu.memref_squeeze %dma_start3A_16 : memref<1x10240x128xf32, #tpu.memory_space<hbm>> -> memref<10240x128xf32, #tpu.memory_space<hbm>>
      %dma_start3A_18 = arith.constant 0 : i32
      %dma_start3A_19 = tpu.memref_slice %dma_start3A_17[%mul3A_14, %dma_start3A_18] : memref<10240x128xf32, #tpu.memory_space<hbm>> -> memref<640x128xf32, #tpu.memory_space<hbm>>
      %dma_start3A_20 = arith.constant 0 : i32
      %dma_start3A_21 = tpu.memref_slice %arg10[%mul3A_12, %dma_start3A_20] : memref<10240x128xf32, #tpu.memory_space<vmem_shared>> -> memref<640x128xf32, #tpu.memory_space<vmem_shared>>
      tpu.enqueue_dma source(%dma_start3A_21 : memref<640x128xf32, #tpu.memory_space<vmem_shared>>) target(%dma_start3A_19 : memref<640x128xf32, #tpu.memory_space<hbm>>) target_semaphore(%run_scoped3A : memref<!tpu.dma_semaphore, #tpu.memory_space<semaphore_mem>>)
      %dma_wait3A = arith.constant 0 : i32
      %dma_wait3A_22 = arith.constant 0 : i32
      %dma_wait3A_23 = tpu.memref_slice %arg6[%arg0, %dma_wait3A, %dma_wait3A_22] : memref<2x10240x128xf32, #tpu.memory_space<hbm>> -> memref<1x10240x128xf32, #tpu.memory_space<hbm>>
      %dma_wait3A_24 = tpu.memref_squeeze %dma_wait3A_23 : memref<1x10240x128xf32, #tpu.memory_space<hbm>> -> memref<10240x128xf32, #tpu.memory_space<hbm>>
      %dma_wait3A_25 = arith.constant 0 : i32
      %dma_wait3A_26 = tpu.memref_slice %dma_wait3A_24[%mul3A_14, %dma_wait3A_25] : memref<10240x128xf32, #tpu.memory_space<hbm>> -> memref<640x128xf32, #tpu.memory_space<hbm>>
      %dma_wait3A_27 = arith.constant 0 : i32
      %dma_wait3A_28 = tpu.memref_slice %arg10[%mul3A_12, %dma_wait3A_27] : memref<10240x128xf32, #tpu.memory_space<vmem_shared>> -> memref<640x128xf32, #tpu.memory_space<vmem_shared>>
      tpu.wait_dma2 semaphore(%run_scoped3A : memref<!tpu.dma_semaphore, #tpu.memory_space<semaphore_mem>>) src(%dma_wait3A_28 : memref<640x128xf32, #tpu.memory_space<vmem_shared>>) dst(%dma_wait3A_26 : memref<640x128xf32, #tpu.memory_space<hbm>>)
      tpu.yield
    }) : () -> ()
    return
  }
}

#map = affine_map<(d0, d1) -> (0)>
#map1 = affine_map<(d0, d1) -> (0, 0)>
#map2 = affine_map<(d0, d1) -> (0, 0, 0)>
module attributes {stable_mosaic.version = 14 : i64} {
  func.func @k(%arg0: i32, %arg1: i32, %arg2: memref<321536xi32, #tpu.memory_space<hbm>>, %arg3: memref<321536xi32, #tpu.memory_space<hbm>>, %arg4: memref<10000x128xf32, #tpu.memory_space<hbm>>, %arg5: memref<10240x128xf32, #tpu.memory_space<hbm>>, %arg6: memref<2x10240x128xf32, #tpu.memory_space<hbm>>, %arg7: memref<64xi32, #tpu.memory_space<vmem>>, %arg8: memref<64xi32, #tpu.memory_space<vmem>>, %arg9: memref<64x128xf32, #tpu.memory_space<vmem>>, %arg10: memref<10240x128xf32, #tpu.memory_space<vmem_shared>>, %arg11: memref<!tpu.dma_semaphore, #tpu.memory_space<semaphore_mem>>) attributes {dimension_semantics = [#tpu.dimension_semantics<core_parallel>, #tpu.dimension_semantics<subcore_parallel>], iteration_bounds = array<i64: 2, 16>, scalar_prefetch = 0 : i64, scratch_operands = 5 : i64, tpu.core_type = #tpu.core_type<sc_vector_subcore>, window_params = [{transform_indices = #map}, {transform_indices = #map}, {transform_indices = #map1}, {transform_indices = #map1}, {transform_indices = #map2}]} {
    %mul3A = arith.constant 16 : i32
    %mul3A_0 = arith.muli %arg0, %mul3A : i32
    %add3A = arith.addi %mul3A_0, %arg1 : i32
    %mul3A_1 = arith.constant 640 : i32
    %mul3A_2 = arith.muli %arg1, %mul3A_1 : i32
    %mul3A_3 = arith.constant 640 : i32
    %mul3A_4 = arith.muli %arg1, %mul3A_3 : i32
    "tpu.region"() ({
      %run_scoped3A = tpu.sem_alloc : memref<!tpu.dma_semaphore, #tpu.memory_space<semaphore_mem>>
      %dma_start3A = arith.constant 0 : i32
      %dma_start3A_15 = tpu.memref_slice %arg10[%mul3A_4, %dma_start3A] : memref<10240x128xf32, #tpu.memory_space<vmem_shared>> -> memref<640x128xf32, #tpu.memory_space<vmem_shared>>
      %dma_start3A_16 = arith.constant 0 : i32
      %dma_start3A_17 = tpu.memref_slice %arg5[%mul3A_2, %dma_start3A_16] : memref<10240x128xf32, #tpu.memory_space<hbm>> -> memref<640x128xf32, #tpu.memory_space<hbm>>
      tpu.enqueue_dma source(%dma_start3A_17 : memref<640x128xf32, #tpu.memory_space<hbm>>) target(%dma_start3A_15 : memref<640x128xf32, #tpu.memory_space<vmem_shared>>) target_semaphore(%run_scoped3A : memref<!tpu.dma_semaphore, #tpu.memory_space<semaphore_mem>>)
      %dma_wait3A = arith.constant 0 : i32
      %dma_wait3A_18 = tpu.memref_slice %arg10[%mul3A_4, %dma_wait3A] : memref<10240x128xf32, #tpu.memory_space<vmem_shared>> -> memref<640x128xf32, #tpu.memory_space<vmem_shared>>
      %dma_wait3A_19 = arith.constant 0 : i32
      %dma_wait3A_20 = tpu.memref_slice %arg5[%mul3A_2, %dma_wait3A_19] : memref<10240x128xf32, #tpu.memory_space<hbm>> -> memref<640x128xf32, #tpu.memory_space<hbm>>
      tpu.wait_dma2 semaphore(%run_scoped3A : memref<!tpu.dma_semaphore, #tpu.memory_space<semaphore_mem>>) src(%dma_wait3A_20 : memref<640x128xf32, #tpu.memory_space<hbm>>) dst(%dma_wait3A_18 : memref<640x128xf32, #tpu.memory_space<vmem_shared>>)
      tpu.yield
    }) : () -> ()
    %barrier3A = arith.constant 0 : index
    tpu.barrier barrier_id(%barrier3A)
    %scan3A = arith.constant 0 : i32
    %scan3A_5 = arith.constant 0 : i32
    %scan3A_6 = arith.constant 157 : i32
    %scan3A_7 = arith.addi %scan3A_5, %scan3A_6 : i32
    %scan3A_8 = arith.constant 1 : i32
    scf.for %scan3A_15 = %scan3A_5 to %scan3A_7 step %scan3A_8  : i32 {
      %mul3A_16 = arith.constant 10048 : i32
      %mul3A_17 = arith.muli %add3A, %mul3A_16 : i32
      %mul3A_18 = arith.constant 64 : i32
      %mul3A_19 = arith.muli %scan3A_15, %mul3A_18 : i32
      %add3A_20 = arith.addi %mul3A_17, %mul3A_19 : i32
      "tpu.region"() ({
        %run_scoped3A = tpu.sem_alloc : memref<!tpu.dma_semaphore, #tpu.memory_space<semaphore_mem>>
        %dma_start3A_25 = tpu.memref_slice %arg2[%add3A_20] : memref<321536xi32, #tpu.memory_space<hbm>> -> memref<64xi32, #tpu.memory_space<hbm>>
        %dma_start3A_26 = tpu.memref_slice %arg2[%add3A_20] : memref<321536xi32, #tpu.memory_space<hbm>> -> memref<64xi32, #tpu.memory_space<hbm>>
        tpu.enqueue_dma source(%dma_start3A_26 : memref<64xi32, #tpu.memory_space<hbm>>) target(%arg7 : memref<64xi32, #tpu.memory_space<vmem>>) target_semaphore(%run_scoped3A : memref<!tpu.dma_semaphore, #tpu.memory_space<semaphore_mem>>)
        %dma_wait3A_27 = tpu.memref_slice %arg2[%add3A_20] : memref<321536xi32, #tpu.memory_space<hbm>> -> memref<64xi32, #tpu.memory_space<hbm>>
        %dma_wait3A_28 = tpu.memref_slice %arg2[%add3A_20] : memref<321536xi32, #tpu.memory_space<hbm>> -> memref<64xi32, #tpu.memory_space<hbm>>
        tpu.wait_dma2 semaphore(%run_scoped3A : memref<!tpu.dma_semaphore, #tpu.memory_space<semaphore_mem>>) src(%dma_wait3A_28 : memref<64xi32, #tpu.memory_space<hbm>>) dst(%arg7 : memref<64xi32, #tpu.memory_space<vmem>>)
        tpu.yield
      }) : () -> ()
      "tpu.region"() ({
        %run_scoped3A = tpu.sem_alloc : memref<!tpu.dma_semaphore, #tpu.memory_space<semaphore_mem>>
        %dma_start3A_25 = tpu.memref_slice %arg3[%add3A_20] : memref<321536xi32, #tpu.memory_space<hbm>> -> memref<64xi32, #tpu.memory_space<hbm>>
        %dma_start3A_26 = tpu.memref_slice %arg3[%add3A_20] : memref<321536xi32, #tpu.memory_space<hbm>> -> memref<64xi32, #tpu.memory_space<hbm>>
        tpu.enqueue_dma source(%dma_start3A_26 : memref<64xi32, #tpu.memory_space<hbm>>) target(%arg8 : memref<64xi32, #tpu.memory_space<vmem>>) target_semaphore(%run_scoped3A : memref<!tpu.dma_semaphore, #tpu.memory_space<semaphore_mem>>)
        %dma_wait3A_27 = tpu.memref_slice %arg3[%add3A_20] : memref<321536xi32, #tpu.memory_space<hbm>> -> memref<64xi32, #tpu.memory_space<hbm>>
        %dma_wait3A_28 = tpu.memref_slice %arg3[%add3A_20] : memref<321536xi32, #tpu.memory_space<hbm>> -> memref<64xi32, #tpu.memory_space<hbm>>
        tpu.wait_dma2 semaphore(%run_scoped3A : memref<!tpu.dma_semaphore, #tpu.memory_space<semaphore_mem>>) src(%dma_wait3A_28 : memref<64xi32, #tpu.memory_space<hbm>>) dst(%arg8 : memref<64xi32, #tpu.memory_space<vmem>>)
        tpu.yield
      }) : () -> ()
      %dma_start3A = arith.constant 0 : i32
      %dma_start3A_21 = arith.constant 0 : i32
      %dma_start3A_22 = tpu.memref_slice %arg4[%dma_start3A, %dma_start3A_21] : memref<10000x128xf32, #tpu.memory_space<hbm>> -> memref<10000x128xf32, #tpu.memory_space<hbm>>
      tpu.enqueue_indirect_dma source(%dma_start3A_22 : memref<10000x128xf32, #tpu.memory_space<hbm>>) target(%arg9 : memref<64x128xf32, #tpu.memory_space<vmem>>) offsets(%arg7 : memref<64xi32, #tpu.memory_space<vmem>>) semaphore(%arg11 : memref<!tpu.dma_semaphore, #tpu.memory_space<semaphore_mem>>)
      %dma_wait3A = arith.constant 0 : i32
      %dma_wait3A_23 = arith.constant 0 : i32
      %dma_wait3A_24 = tpu.memref_slice %arg4[%dma_wait3A, %dma_wait3A_23] : memref<10000x128xf32, #tpu.memory_space<hbm>> -> memref<10000x128xf32, #tpu.memory_space<hbm>>
      tpu.wait_indirect_dma semaphore(%arg11 : memref<!tpu.dma_semaphore, #tpu.memory_space<semaphore_mem>>) src(%dma_wait3A_24 : memref<10000x128xf32, #tpu.memory_space<hbm>>) dst(%arg9 : memref<64x128xf32, #tpu.memory_space<vmem>>)
      "tpu.region"() ({
        %run_scoped3A = tpu.sem_alloc : memref<!tpu.dma_semaphore, #tpu.memory_space<semaphore_mem>>
        %dma_start3A_25 = arith.constant 0 : i32
        %dma_start3A_26 = arith.constant 0 : i32
        %dma_start3A_27 = tpu.memref_slice %arg10[%dma_start3A_25, %dma_start3A_26] : memref<10240x128xf32, #tpu.memory_space<vmem_shared>> -> memref<10240x128xf32, #tpu.memory_space<vmem_shared>>
        tpu.enqueue_indirect_dma source(%arg9 : memref<64x128xf32, #tpu.memory_space<vmem>>) target(%dma_start3A_27 : memref<10240x128xf32, #tpu.memory_space<vmem_shared>>) offsets(%arg8 : memref<64xi32, #tpu.memory_space<vmem>>) semaphore(%run_scoped3A : memref<!tpu.dma_semaphore, #tpu.memory_space<semaphore_mem>>) {add = true}
        %dma_wait3A_28 = arith.constant 0 : i32
        %dma_wait3A_29 = arith.constant 0 : i32
        %dma_wait3A_30 = tpu.memref_slice %arg10[%dma_wait3A_28, %dma_wait3A_29] : memref<10240x128xf32, #tpu.memory_space<vmem_shared>> -> memref<10240x128xf32, #tpu.memory_space<vmem_shared>>
        tpu.wait_indirect_dma semaphore(%run_scoped3A : memref<!tpu.dma_semaphore, #tpu.memory_space<semaphore_mem>>) src(%arg9 : memref<64x128xf32, #tpu.memory_space<vmem>>) dst(%dma_wait3A_30 : memref<10240x128xf32, #tpu.memory_space<vmem_shared>>)
        tpu.yield
      }) : () -> ()
    }
    %scan3A_9 = arith.constant 157 : i32
    %barrier3A_10 = arith.constant 0 : index
    tpu.barrier barrier_id(%barrier3A_10)
    %mul3A_11 = arith.constant 640 : i32
    %mul3A_12 = arith.muli %arg1, %mul3A_11 : i32
    %mul3A_13 = arith.constant 640 : i32
    %mul3A_14 = arith.muli %arg1, %mul3A_13 : i32
    "tpu.region"() ({
      %run_scoped3A = tpu.sem_alloc : memref<!tpu.dma_semaphore, #tpu.memory_space<semaphore_mem>>
      %dma_start3A = arith.constant 0 : i32
      %dma_start3A_15 = arith.constant 0 : i32
      %dma_start3A_16 = tpu.memref_slice %arg6[%arg0, %dma_start3A, %dma_start3A_15] : memref<2x10240x128xf32, #tpu.memory_space<hbm>> -> memref<1x10240x128xf32, #tpu.memory_space<hbm>>
      %dma_start3A_17 = tpu.memref_squeeze %dma_start3A_16 : memref<1x10240x128xf32, #tpu.memory_space<hbm>> -> memref<10240x128xf32, #tpu.memory_space<hbm>>
      %dma_start3A_18 = arith.constant 0 : i32
      %dma_start3A_19 = tpu.memref_slice %dma_start3A_17[%mul3A_14, %dma_start3A_18] : memref<10240x128xf32, #tpu.memory_space<hbm>> -> memref<640x128xf32, #tpu.memory_space<hbm>>
      %dma_start3A_20 = arith.constant 0 : i32
      %dma_start3A_21 = tpu.memref_slice %arg10[%mul3A_12, %dma_start3A_20] : memref<10240x128xf32, #tpu.memory_space<vmem_shared>> -> memref<640x128xf32, #tpu.memory_space<vmem_shared>>
      tpu.enqueue_dma source(%dma_start3A_21 : memref<640x128xf32, #tpu.memory_space<vmem_shared>>) target(%dma_start3A_19 : memref<640x128xf32, #tpu.memory_space<hbm>>) target_semaphore(%run_scoped3A : memref<!tpu.dma_semaphore, #tpu.memory_space<semaphore_mem>>)
      %dma_wait3A = arith.constant 0 : i32
      %dma_wait3A_22 = arith.constant 0 : i32
      %dma_wait3A_23 = tpu.memref_slice %arg6[%arg0, %dma_wait3A, %dma_wait3A_22] : memref<2x10240x128xf32, #tpu.memory_space<hbm>> -> memref<1x10240x128xf32, #tpu.memory_space<hbm>>
      %dma_wait3A_24 = tpu.memref_squeeze %dma_wait3A_23 : memref<1x10240x128xf32, #tpu.memory_space<hbm>> -> memref<10240x128xf32, #tpu.memory_space<hbm>>
      %dma_wait3A_25 = arith.constant 0 : i32
      %dma_wait3A_26 = tpu.memref_slice %dma_wait3A_24[%mul3A_14, %dma_wait3A_25] : memref<10240x128xf32, #tpu.memory_space<hbm>> -> memref<640x128xf32, #tpu.memory_space<hbm>>
      %dma_wait3A_27 = arith.constant 0 : i32
      %dma_wait3A_28 = tpu.memref_slice %arg10[%mul3A_12, %dma_wait3A_27] : memref<10240x128xf32, #tpu.memory_space<vmem_shared>> -> memref<640x128xf32, #tpu.memory_space<vmem_shared>>
      tpu.wait_dma2 semaphore(%run_scoped3A : memref<!tpu.dma_semaphore, #tpu.memory_space<semaphore_mem>>) src(%dma_wait3A_28 : memref<640x128xf32, #tpu.memory_space<vmem_shared>>) dst(%dma_wait3A_26 : memref<640x128xf32, #tpu.memory_space<hbm>>)
      tpu.yield
    }) : () -> ()
    return
  }
}

#map = affine_map<(d0, d1) -> (0)>
#map1 = affine_map<(d0, d1) -> (0, 0)>
#map2 = affine_map<(d0, d1) -> (0, 0, 0)>
module attributes {stable_mosaic.version = 14 : i64} {
  func.func @k(%arg0: i32, %arg1: i32, %arg2: memref<321536xi32, #tpu.memory_space<hbm>>, %arg3: memref<321536xi32, #tpu.memory_space<hbm>>, %arg4: memref<10000x128xf32, #tpu.memory_space<hbm>>, %arg5: memref<10240x128xf32, #tpu.memory_space<hbm>>, %arg6: memref<2x10240x128xf32, #tpu.memory_space<hbm>>, %arg7: memref<64xi32, #tpu.memory_space<vmem>>, %arg8: memref<64xi32, #tpu.memory_space<vmem>>, %arg9: memref<64x128xf32, #tpu.memory_space<vmem>>, %arg10: memref<10240x128xf32, #tpu.memory_space<vmem_shared>>, %arg11: memref<!tpu.dma_semaphore, #tpu.memory_space<semaphore_mem>>) attributes {dimension_semantics = [#tpu.dimension_semantics<core_parallel>, #tpu.dimension_semantics<subcore_parallel>], iteration_bounds = array<i64: 2, 16>, scalar_prefetch = 0 : i64, scratch_operands = 5 : i64, tpu.core_type = #tpu.core_type<sc_vector_subcore>, window_params = [{transform_indices = #map}, {transform_indices = #map}, {transform_indices = #map1}, {transform_indices = #map1}, {transform_indices = #map2}]} {
    %mul3A = arith.constant 16 : i32
    %mul3A_0 = arith.muli %arg0, %mul3A : i32
    %add3A = arith.addi %mul3A_0, %arg1 : i32
    %mul3A_1 = arith.constant 640 : i32
    %mul3A_2 = arith.muli %arg1, %mul3A_1 : i32
    %mul3A_3 = arith.constant 640 : i32
    %mul3A_4 = arith.muli %arg1, %mul3A_3 : i32
    "tpu.region"() ({
      %run_scoped3A = tpu.sem_alloc : memref<!tpu.dma_semaphore, #tpu.memory_space<semaphore_mem>>
      %dma_start3A = arith.constant 0 : i32
      %dma_start3A_15 = tpu.memref_slice %arg10[%mul3A_4, %dma_start3A] : memref<10240x128xf32, #tpu.memory_space<vmem_shared>> -> memref<640x128xf32, #tpu.memory_space<vmem_shared>>
      %dma_start3A_16 = arith.constant 0 : i32
      %dma_start3A_17 = tpu.memref_slice %arg5[%mul3A_2, %dma_start3A_16] : memref<10240x128xf32, #tpu.memory_space<hbm>> -> memref<640x128xf32, #tpu.memory_space<hbm>>
      tpu.enqueue_dma source(%dma_start3A_17 : memref<640x128xf32, #tpu.memory_space<hbm>>) target(%dma_start3A_15 : memref<640x128xf32, #tpu.memory_space<vmem_shared>>) target_semaphore(%run_scoped3A : memref<!tpu.dma_semaphore, #tpu.memory_space<semaphore_mem>>)
      %dma_wait3A = arith.constant 0 : i32
      %dma_wait3A_18 = tpu.memref_slice %arg10[%mul3A_4, %dma_wait3A] : memref<10240x128xf32, #tpu.memory_space<vmem_shared>> -> memref<640x128xf32, #tpu.memory_space<vmem_shared>>
      %dma_wait3A_19 = arith.constant 0 : i32
      %dma_wait3A_20 = tpu.memref_slice %arg5[%mul3A_2, %dma_wait3A_19] : memref<10240x128xf32, #tpu.memory_space<hbm>> -> memref<640x128xf32, #tpu.memory_space<hbm>>
      tpu.wait_dma2 semaphore(%run_scoped3A : memref<!tpu.dma_semaphore, #tpu.memory_space<semaphore_mem>>) src(%dma_wait3A_20 : memref<640x128xf32, #tpu.memory_space<hbm>>) dst(%dma_wait3A_18 : memref<640x128xf32, #tpu.memory_space<vmem_shared>>)
      tpu.yield
    }) : () -> ()
    %barrier3A = arith.constant 0 : index
    tpu.barrier barrier_id(%barrier3A)
    %scan3A = arith.constant 0 : i32
    %scan3A_5 = arith.constant 0 : i32
    %scan3A_6 = arith.constant 157 : i32
    %scan3A_7 = arith.addi %scan3A_5, %scan3A_6 : i32
    %scan3A_8 = arith.constant 1 : i32
    scf.for %scan3A_15 = %scan3A_5 to %scan3A_7 step %scan3A_8  : i32 {
      %mul3A_16 = arith.constant 10048 : i32
      %mul3A_17 = arith.muli %add3A, %mul3A_16 : i32
      %mul3A_18 = arith.constant 64 : i32
      %mul3A_19 = arith.muli %scan3A_15, %mul3A_18 : i32
      %add3A_20 = arith.addi %mul3A_17, %mul3A_19 : i32
      "tpu.region"() ({
        %run_scoped3A = tpu.sem_alloc : memref<!tpu.dma_semaphore, #tpu.memory_space<semaphore_mem>>
        %dma_start3A_25 = tpu.memref_slice %arg2[%add3A_20] : memref<321536xi32, #tpu.memory_space<hbm>> -> memref<64xi32, #tpu.memory_space<hbm>>
        %dma_start3A_26 = tpu.memref_slice %arg2[%add3A_20] : memref<321536xi32, #tpu.memory_space<hbm>> -> memref<64xi32, #tpu.memory_space<hbm>>
        tpu.enqueue_dma source(%dma_start3A_26 : memref<64xi32, #tpu.memory_space<hbm>>) target(%arg7 : memref<64xi32, #tpu.memory_space<vmem>>) target_semaphore(%run_scoped3A : memref<!tpu.dma_semaphore, #tpu.memory_space<semaphore_mem>>)
        %dma_wait3A_27 = tpu.memref_slice %arg2[%add3A_20] : memref<321536xi32, #tpu.memory_space<hbm>> -> memref<64xi32, #tpu.memory_space<hbm>>
        %dma_wait3A_28 = tpu.memref_slice %arg2[%add3A_20] : memref<321536xi32, #tpu.memory_space<hbm>> -> memref<64xi32, #tpu.memory_space<hbm>>
        tpu.wait_dma2 semaphore(%run_scoped3A : memref<!tpu.dma_semaphore, #tpu.memory_space<semaphore_mem>>) src(%dma_wait3A_28 : memref<64xi32, #tpu.memory_space<hbm>>) dst(%arg7 : memref<64xi32, #tpu.memory_space<vmem>>)
        tpu.yield
      }) : () -> ()
      "tpu.region"() ({
        %run_scoped3A = tpu.sem_alloc : memref<!tpu.dma_semaphore, #tpu.memory_space<semaphore_mem>>
        %dma_start3A_25 = tpu.memref_slice %arg3[%add3A_20] : memref<321536xi32, #tpu.memory_space<hbm>> -> memref<64xi32, #tpu.memory_space<hbm>>
        %dma_start3A_26 = tpu.memref_slice %arg3[%add3A_20] : memref<321536xi32, #tpu.memory_space<hbm>> -> memref<64xi32, #tpu.memory_space<hbm>>
        tpu.enqueue_dma source(%dma_start3A_26 : memref<64xi32, #tpu.memory_space<hbm>>) target(%arg8 : memref<64xi32, #tpu.memory_space<vmem>>) target_semaphore(%run_scoped3A : memref<!tpu.dma_semaphore, #tpu.memory_space<semaphore_mem>>)
        %dma_wait3A_27 = tpu.memref_slice %arg3[%add3A_20] : memref<321536xi32, #tpu.memory_space<hbm>> -> memref<64xi32, #tpu.memory_space<hbm>>
        %dma_wait3A_28 = tpu.memref_slice %arg3[%add3A_20] : memref<321536xi32, #tpu.memory_space<hbm>> -> memref<64xi32, #tpu.memory_space<hbm>>
        tpu.wait_dma2 semaphore(%run_scoped3A : memref<!tpu.dma_semaphore, #tpu.memory_space<semaphore_mem>>) src(%dma_wait3A_28 : memref<64xi32, #tpu.memory_space<hbm>>) dst(%arg8 : memref<64xi32, #tpu.memory_space<vmem>>)
        tpu.yield
      }) : () -> ()
      %dma_start3A = arith.constant 0 : i32
      %dma_start3A_21 = arith.constant 0 : i32
      %dma_start3A_22 = tpu.memref_slice %arg4[%dma_start3A, %dma_start3A_21] : memref<10000x128xf32, #tpu.memory_space<hbm>> -> memref<10000x128xf32, #tpu.memory_space<hbm>>
      tpu.enqueue_indirect_dma source(%dma_start3A_22 : memref<10000x128xf32, #tpu.memory_space<hbm>>) target(%arg9 : memref<64x128xf32, #tpu.memory_space<vmem>>) offsets(%arg7 : memref<64xi32, #tpu.memory_space<vmem>>) semaphore(%arg11 : memref<!tpu.dma_semaphore, #tpu.memory_space<semaphore_mem>>)
      %dma_wait3A = arith.constant 0 : i32
      %dma_wait3A_23 = arith.constant 0 : i32
      %dma_wait3A_24 = tpu.memref_slice %arg4[%dma_wait3A, %dma_wait3A_23] : memref<10000x128xf32, #tpu.memory_space<hbm>> -> memref<10000x128xf32, #tpu.memory_space<hbm>>
      tpu.wait_indirect_dma semaphore(%arg11 : memref<!tpu.dma_semaphore, #tpu.memory_space<semaphore_mem>>) src(%dma_wait3A_24 : memref<10000x128xf32, #tpu.memory_space<hbm>>) dst(%arg9 : memref<64x128xf32, #tpu.memory_space<vmem>>)
      "tpu.region"() ({
        %run_scoped3A = tpu.sem_alloc : memref<!tpu.dma_semaphore, #tpu.memory_space<semaphore_mem>>
        %dma_start3A_25 = arith.constant 0 : i32
        %dma_start3A_26 = arith.constant 0 : i32
        %dma_start3A_27 = tpu.memref_slice %arg10[%dma_start3A_25, %dma_start3A_26] : memref<10240x128xf32, #tpu.memory_space<vmem_shared>> -> memref<10240x128xf32, #tpu.memory_space<vmem_shared>>
        tpu.enqueue_indirect_dma source(%arg9 : memref<64x128xf32, #tpu.memory_space<vmem>>) target(%dma_start3A_27 : memref<10240x128xf32, #tpu.memory_space<vmem_shared>>) offsets(%arg8 : memref<64xi32, #tpu.memory_space<vmem>>) semaphore(%run_scoped3A : memref<!tpu.dma_semaphore, #tpu.memory_space<semaphore_mem>>) {add = true}
        %dma_wait3A_28 = arith.constant 0 : i32
        %dma_wait3A_29 = arith.constant 0 : i32
        %dma_wait3A_30 = tpu.memref_slice %arg10[%dma_wait3A_28, %dma_wait3A_29] : memref<10240x128xf32, #tpu.memory_space<vmem_shared>> -> memref<10240x128xf32, #tpu.memory_space<vmem_shared>>
        tpu.wait_indirect_dma semaphore(%run_scoped3A : memref<!tpu.dma_semaphore, #tpu.memory_space<semaphore_mem>>) src(%arg9 : memref<64x128xf32, #tpu.memory_space<vmem>>) dst(%dma_wait3A_30 : memref<10240x128xf32, #tpu.memory_space<vmem_shared>>)
        tpu.yield
      }) : () -> ()
    }
    %scan3A_9 = arith.constant 157 : i32
    %barrier3A_10 = arith.constant 0 : index
    tpu.barrier barrier_id(%barrier3A_10)
    %mul3A_11 = arith.constant 640 : i32
    %mul3A_12 = arith.muli %arg1, %mul3A_11 : i32
    %mul3A_13 = arith.constant 640 : i32
    %mul3A_14 = arith.muli %arg1, %mul3A_13 : i32
    "tpu.region"() ({
      %run_scoped3A = tpu.sem_alloc : memref<!tpu.dma_semaphore, #tpu.memory_space<semaphore_mem>>
      %dma_start3A = arith.constant 0 : i32
      %dma_start3A_15 = arith.constant 0 : i32
      %dma_start3A_16 = tpu.memref_slice %arg6[%arg0, %dma_start3A, %dma_start3A_15] : memref<2x10240x128xf32, #tpu.memory_space<hbm>> -> memref<1x10240x128xf32, #tpu.memory_space<hbm>>
      %dma_start3A_17 = tpu.memref_squeeze %dma_start3A_16 : memref<1x10240x128xf32, #tpu.memory_space<hbm>> -> memref<10240x128xf32, #tpu.memory_space<hbm>>
      %dma_start3A_18 = arith.constant 0 : i32
      %dma_start3A_19 = tpu.memref_slice %dma_start3A_17[%mul3A_14, %dma_start3A_18] : memref<10240x128xf32, #tpu.memory_space<hbm>> -> memref<640x128xf32, #tpu.memory_space<hbm>>
      %dma_start3A_20 = arith.constant 0 : i32
      %dma_start3A_21 = tpu.memref_slice %arg10[%mul3A_12, %dma_start3A_20] : memref<10240x128xf32, #tpu.memory_space<vmem_shared>> -> memref<640x128xf32, #tpu.memory_space<vmem_shared>>
      tpu.enqueue_dma source(%dma_start3A_21 : memref<640x128xf32, #tpu.memory_space<vmem_shared>>) target(%dma_start3A_19 : memref<640x128xf32, #tpu.memory_space<hbm>>) target_semaphore(%run_scoped3A : memref<!tpu.dma_semaphore, #tpu.memory_space<semaphore_mem>>)
      %dma_wait3A = arith.constant 0 : i32
      %dma_wait3A_22 = arith.constant 0 : i32
      %dma_wait3A_23 = tpu.memref_slice %arg6[%arg0, %dma_wait3A, %dma_wait3A_22] : memref<2x10240x128xf32, #tpu.memory_space<hbm>> -> memref<1x10240x128xf32, #tpu.memory_space<hbm>>
      %dma_wait3A_24 = tpu.memref_squeeze %dma_wait3A_23 : memref<1x10240x128xf32, #tpu.memory_space<hbm>> -> memref<10240x128xf32, #tpu.memory_space<hbm>>
      %dma_wait3A_25 = arith.constant 0 : i32
      %dma_wait3A_26 = tpu.memref_slice %dma_wait3A_24[%mul3A_14, %dma_wait3A_25] : memref<10240x128xf32, #tpu.memory_space<hbm>> -> memref<640x128xf32, #tpu.memory_space<hbm>>
      %dma_wait3A_27 = arith.constant 0 : i32
      %dma_wait3A_28 = tpu.memref_slice %arg10[%mul3A_12, %dma_wait3A_27] : memref<10240x128xf32, #tpu.memory_space<vmem_shared>> -> memref<640x128xf32, #tpu.memory_space<vmem_shared>>
      tpu.wait_dma2 semaphore(%run_scoped3A : memref<!tpu.dma_semaphore, #tpu.memory_space<semaphore_mem>>) src(%dma_wait3A_28 : memref<640x128xf32, #tpu.memory_space<vmem_shared>>) dst(%dma_wait3A_26 : memref<640x128xf32, #tpu.memory_space<hbm>>)
      tpu.yield
    }) : () -> ()
    return
  }
}

#map = affine_map<(d0, d1) -> (0)>
#map1 = affine_map<(d0, d1) -> (0, 0)>
#map2 = affine_map<(d0, d1) -> (0, 0, 0)>
module attributes {stable_mosaic.version = 14 : i64} {
  func.func @k(%arg0: i32, %arg1: i32, %arg2: memref<10240xi32, #tpu.memory_space<hbm>>, %arg3: memref<10240xi32, #tpu.memory_space<hbm>>, %arg4: memref<10000x128xf32, #tpu.memory_space<hbm>>, %arg5: memref<10240x128xf32, #tpu.memory_space<hbm>>, %arg6: memref<2x10240x128xf32, #tpu.memory_space<hbm>>, %arg7: memref<64xi32, #tpu.memory_space<vmem>>, %arg8: memref<64xi32, #tpu.memory_space<vmem>>, %arg9: memref<64x128xf32, #tpu.memory_space<vmem>>, %arg10: memref<10240x128xf32, #tpu.memory_space<vmem_shared>>, %arg11: memref<!tpu.dma_semaphore, #tpu.memory_space<semaphore_mem>>) attributes {dimension_semantics = [#tpu.dimension_semantics<core_parallel>, #tpu.dimension_semantics<subcore_parallel>], iteration_bounds = array<i64: 2, 16>, scalar_prefetch = 0 : i64, scratch_operands = 5 : i64, tpu.core_type = #tpu.core_type<sc_vector_subcore>, window_params = [{transform_indices = #map}, {transform_indices = #map}, {transform_indices = #map1}, {transform_indices = #map1}, {transform_indices = #map2}]} {
    %mul3A = arith.constant 16 : i32
    %mul3A_0 = arith.muli %arg0, %mul3A : i32
    %add3A = arith.addi %mul3A_0, %arg1 : i32
    %mul3A_1 = arith.constant 640 : i32
    %mul3A_2 = arith.muli %arg1, %mul3A_1 : i32
    %mul3A_3 = arith.constant 640 : i32
    %mul3A_4 = arith.muli %arg1, %mul3A_3 : i32
    "tpu.region"() ({
      %run_scoped3A = tpu.sem_alloc : memref<!tpu.dma_semaphore, #tpu.memory_space<semaphore_mem>>
      %dma_start3A = arith.constant 0 : i32
      %dma_start3A_15 = tpu.memref_slice %arg10[%mul3A_4, %dma_start3A] : memref<10240x128xf32, #tpu.memory_space<vmem_shared>> -> memref<640x128xf32, #tpu.memory_space<vmem_shared>>
      %dma_start3A_16 = arith.constant 0 : i32
      %dma_start3A_17 = tpu.memref_slice %arg5[%mul3A_2, %dma_start3A_16] : memref<10240x128xf32, #tpu.memory_space<hbm>> -> memref<640x128xf32, #tpu.memory_space<hbm>>
      tpu.enqueue_dma source(%dma_start3A_17 : memref<640x128xf32, #tpu.memory_space<hbm>>) target(%dma_start3A_15 : memref<640x128xf32, #tpu.memory_space<vmem_shared>>) target_semaphore(%run_scoped3A : memref<!tpu.dma_semaphore, #tpu.memory_space<semaphore_mem>>)
      %dma_wait3A = arith.constant 0 : i32
      %dma_wait3A_18 = tpu.memref_slice %arg10[%mul3A_4, %dma_wait3A] : memref<10240x128xf32, #tpu.memory_space<vmem_shared>> -> memref<640x128xf32, #tpu.memory_space<vmem_shared>>
      %dma_wait3A_19 = arith.constant 0 : i32
      %dma_wait3A_20 = tpu.memref_slice %arg5[%mul3A_2, %dma_wait3A_19] : memref<10240x128xf32, #tpu.memory_space<hbm>> -> memref<640x128xf32, #tpu.memory_space<hbm>>
      tpu.wait_dma2 semaphore(%run_scoped3A : memref<!tpu.dma_semaphore, #tpu.memory_space<semaphore_mem>>) src(%dma_wait3A_20 : memref<640x128xf32, #tpu.memory_space<hbm>>) dst(%dma_wait3A_18 : memref<640x128xf32, #tpu.memory_space<vmem_shared>>)
      tpu.yield
    }) : () -> ()
    %barrier3A = arith.constant 0 : index
    tpu.barrier barrier_id(%barrier3A)
    %scan3A = arith.constant 0 : i32
    %scan3A_5 = arith.constant 0 : i32
    %scan3A_6 = arith.constant 5 : i32
    %scan3A_7 = arith.addi %scan3A_5, %scan3A_6 : i32
    %scan3A_8 = arith.constant 1 : i32
    scf.for %scan3A_15 = %scan3A_5 to %scan3A_7 step %scan3A_8  : i32 {
      %mul3A_16 = arith.constant 320 : i32
      %mul3A_17 = arith.muli %add3A, %mul3A_16 : i32
      %mul3A_18 = arith.constant 64 : i32
      %mul3A_19 = arith.muli %scan3A_15, %mul3A_18 : i32
      %add3A_20 = arith.addi %mul3A_17, %mul3A_19 : i32
      "tpu.region"() ({
        %run_scoped3A = tpu.sem_alloc : memref<!tpu.dma_semaphore, #tpu.memory_space<semaphore_mem>>
        %dma_start3A_25 = tpu.memref_slice %arg2[%add3A_20] : memref<10240xi32, #tpu.memory_space<hbm>> -> memref<64xi32, #tpu.memory_space<hbm>>
        %dma_start3A_26 = tpu.memref_slice %arg2[%add3A_20] : memref<10240xi32, #tpu.memory_space<hbm>> -> memref<64xi32, #tpu.memory_space<hbm>>
        tpu.enqueue_dma source(%dma_start3A_26 : memref<64xi32, #tpu.memory_space<hbm>>) target(%arg7 : memref<64xi32, #tpu.memory_space<vmem>>) target_semaphore(%run_scoped3A : memref<!tpu.dma_semaphore, #tpu.memory_space<semaphore_mem>>)
        %dma_wait3A_27 = tpu.memref_slice %arg2[%add3A_20] : memref<10240xi32, #tpu.memory_space<hbm>> -> memref<64xi32, #tpu.memory_space<hbm>>
        %dma_wait3A_28 = tpu.memref_slice %arg2[%add3A_20] : memref<10240xi32, #tpu.memory_space<hbm>> -> memref<64xi32, #tpu.memory_space<hbm>>
        tpu.wait_dma2 semaphore(%run_scoped3A : memref<!tpu.dma_semaphore, #tpu.memory_space<semaphore_mem>>) src(%dma_wait3A_28 : memref<64xi32, #tpu.memory_space<hbm>>) dst(%arg7 : memref<64xi32, #tpu.memory_space<vmem>>)
        tpu.yield
      }) : () -> ()
      "tpu.region"() ({
        %run_scoped3A = tpu.sem_alloc : memref<!tpu.dma_semaphore, #tpu.memory_space<semaphore_mem>>
        %dma_start3A_25 = tpu.memref_slice %arg3[%add3A_20] : memref<10240xi32, #tpu.memory_space<hbm>> -> memref<64xi32, #tpu.memory_space<hbm>>
        %dma_start3A_26 = tpu.memref_slice %arg3[%add3A_20] : memref<10240xi32, #tpu.memory_space<hbm>> -> memref<64xi32, #tpu.memory_space<hbm>>
        tpu.enqueue_dma source(%dma_start3A_26 : memref<64xi32, #tpu.memory_space<hbm>>) target(%arg8 : memref<64xi32, #tpu.memory_space<vmem>>) target_semaphore(%run_scoped3A : memref<!tpu.dma_semaphore, #tpu.memory_space<semaphore_mem>>)
        %dma_wait3A_27 = tpu.memref_slice %arg3[%add3A_20] : memref<10240xi32, #tpu.memory_space<hbm>> -> memref<64xi32, #tpu.memory_space<hbm>>
        %dma_wait3A_28 = tpu.memref_slice %arg3[%add3A_20] : memref<10240xi32, #tpu.memory_space<hbm>> -> memref<64xi32, #tpu.memory_space<hbm>>
        tpu.wait_dma2 semaphore(%run_scoped3A : memref<!tpu.dma_semaphore, #tpu.memory_space<semaphore_mem>>) src(%dma_wait3A_28 : memref<64xi32, #tpu.memory_space<hbm>>) dst(%arg8 : memref<64xi32, #tpu.memory_space<vmem>>)
        tpu.yield
      }) : () -> ()
      %dma_start3A = arith.constant 0 : i32
      %dma_start3A_21 = arith.constant 0 : i32
      %dma_start3A_22 = tpu.memref_slice %arg4[%dma_start3A, %dma_start3A_21] : memref<10000x128xf32, #tpu.memory_space<hbm>> -> memref<10000x128xf32, #tpu.memory_space<hbm>>
      tpu.enqueue_indirect_dma source(%dma_start3A_22 : memref<10000x128xf32, #tpu.memory_space<hbm>>) target(%arg9 : memref<64x128xf32, #tpu.memory_space<vmem>>) offsets(%arg7 : memref<64xi32, #tpu.memory_space<vmem>>) semaphore(%arg11 : memref<!tpu.dma_semaphore, #tpu.memory_space<semaphore_mem>>)
      %dma_wait3A = arith.constant 0 : i32
      %dma_wait3A_23 = arith.constant 0 : i32
      %dma_wait3A_24 = tpu.memref_slice %arg4[%dma_wait3A, %dma_wait3A_23] : memref<10000x128xf32, #tpu.memory_space<hbm>> -> memref<10000x128xf32, #tpu.memory_space<hbm>>
      tpu.wait_indirect_dma semaphore(%arg11 : memref<!tpu.dma_semaphore, #tpu.memory_space<semaphore_mem>>) src(%dma_wait3A_24 : memref<10000x128xf32, #tpu.memory_space<hbm>>) dst(%arg9 : memref<64x128xf32, #tpu.memory_space<vmem>>)
      "tpu.region"() ({
        %run_scoped3A = tpu.sem_alloc : memref<!tpu.dma_semaphore, #tpu.memory_space<semaphore_mem>>
        %dma_start3A_25 = arith.constant 0 : i32
        %dma_start3A_26 = arith.constant 0 : i32
        %dma_start3A_27 = tpu.memref_slice %arg10[%dma_start3A_25, %dma_start3A_26] : memref<10240x128xf32, #tpu.memory_space<vmem_shared>> -> memref<10240x128xf32, #tpu.memory_space<vmem_shared>>
        tpu.enqueue_indirect_dma source(%arg9 : memref<64x128xf32, #tpu.memory_space<vmem>>) target(%dma_start3A_27 : memref<10240x128xf32, #tpu.memory_space<vmem_shared>>) offsets(%arg8 : memref<64xi32, #tpu.memory_space<vmem>>) semaphore(%run_scoped3A : memref<!tpu.dma_semaphore, #tpu.memory_space<semaphore_mem>>) {add = true}
        %dma_wait3A_28 = arith.constant 0 : i32
        %dma_wait3A_29 = arith.constant 0 : i32
        %dma_wait3A_30 = tpu.memref_slice %arg10[%dma_wait3A_28, %dma_wait3A_29] : memref<10240x128xf32, #tpu.memory_space<vmem_shared>> -> memref<10240x128xf32, #tpu.memory_space<vmem_shared>>
        tpu.wait_indirect_dma semaphore(%run_scoped3A : memref<!tpu.dma_semaphore, #tpu.memory_space<semaphore_mem>>) src(%arg9 : memref<64x128xf32, #tpu.memory_space<vmem>>) dst(%dma_wait3A_30 : memref<10240x128xf32, #tpu.memory_space<vmem_shared>>)
        tpu.yield
      }) : () -> ()
    }
    %scan3A_9 = arith.constant 5 : i32
    %barrier3A_10 = arith.constant 0 : index
    tpu.barrier barrier_id(%barrier3A_10)
    %mul3A_11 = arith.constant 640 : i32
    %mul3A_12 = arith.muli %arg1, %mul3A_11 : i32
    %mul3A_13 = arith.constant 640 : i32
    %mul3A_14 = arith.muli %arg1, %mul3A_13 : i32
    "tpu.region"() ({
      %run_scoped3A = tpu.sem_alloc : memref<!tpu.dma_semaphore, #tpu.memory_space<semaphore_mem>>
      %dma_start3A = arith.constant 0 : i32
      %dma_start3A_15 = arith.constant 0 : i32
      %dma_start3A_16 = tpu.memref_slice %arg6[%arg0, %dma_start3A, %dma_start3A_15] : memref<2x10240x128xf32, #tpu.memory_space<hbm>> -> memref<1x10240x128xf32, #tpu.memory_space<hbm>>
      %dma_start3A_17 = tpu.memref_squeeze %dma_start3A_16 : memref<1x10240x128xf32, #tpu.memory_space<hbm>> -> memref<10240x128xf32, #tpu.memory_space<hbm>>
      %dma_start3A_18 = arith.constant 0 : i32
      %dma_start3A_19 = tpu.memref_slice %dma_start3A_17[%mul3A_14, %dma_start3A_18] : memref<10240x128xf32, #tpu.memory_space<hbm>> -> memref<640x128xf32, #tpu.memory_space<hbm>>
      %dma_start3A_20 = arith.constant 0 : i32
      %dma_start3A_21 = tpu.memref_slice %arg10[%mul3A_12, %dma_start3A_20] : memref<10240x128xf32, #tpu.memory_space<vmem_shared>> -> memref<640x128xf32, #tpu.memory_space<vmem_shared>>
      tpu.enqueue_dma source(%dma_start3A_21 : memref<640x128xf32, #tpu.memory_space<vmem_shared>>) target(%dma_start3A_19 : memref<640x128xf32, #tpu.memory_space<hbm>>) target_semaphore(%run_scoped3A : memref<!tpu.dma_semaphore, #tpu.memory_space<semaphore_mem>>)
      %dma_wait3A = arith.constant 0 : i32
      %dma_wait3A_22 = arith.constant 0 : i32
      %dma_wait3A_23 = tpu.memref_slice %arg6[%arg0, %dma_wait3A, %dma_wait3A_22] : memref<2x10240x128xf32, #tpu.memory_space<hbm>> -> memref<1x10240x128xf32, #tpu.memory_space<hbm>>
      %dma_wait3A_24 = tpu.memref_squeeze %dma_wait3A_23 : memref<1x10240x128xf32, #tpu.memory_space<hbm>> -> memref<10240x128xf32, #tpu.memory_space<hbm>>
      %dma_wait3A_25 = arith.constant 0 : i32
      %dma_wait3A_26 = tpu.memref_slice %dma_wait3A_24[%mul3A_14, %dma_wait3A_25] : memref<10240x128xf32, #tpu.memory_space<hbm>> -> memref<640x128xf32, #tpu.memory_space<hbm>>
      %dma_wait3A_27 = arith.constant 0 : i32
      %dma_wait3A_28 = tpu.memref_slice %arg10[%mul3A_12, %dma_wait3A_27] : memref<10240x128xf32, #tpu.memory_space<vmem_shared>> -> memref<640x128xf32, #tpu.memory_space<vmem_shared>>
      tpu.wait_dma2 semaphore(%run_scoped3A : memref<!tpu.dma_semaphore, #tpu.memory_space<semaphore_mem>>) src(%dma_wait3A_28 : memref<640x128xf32, #tpu.memory_space<vmem_shared>>) dst(%dma_wait3A_26 : memref<640x128xf32, #tpu.memory_space<hbm>>)
      tpu.yield
    }) : () -> ()
    return
  }
}

#map = affine_map<(d0, d1) -> (0)>
#map1 = affine_map<(d0, d1) -> (0, 0)>
#map2 = affine_map<(d0, d1) -> (0, 0, 0)>
module attributes {stable_mosaic.version = 14 : i64} {
  func.func @k(%arg0: i32, %arg1: i32, %arg2: memref<10240xi32, #tpu.memory_space<hbm>>, %arg3: memref<10240xi32, #tpu.memory_space<hbm>>, %arg4: memref<10000x128xf32, #tpu.memory_space<hbm>>, %arg5: memref<10240x128xf32, #tpu.memory_space<hbm>>, %arg6: memref<2x10240x128xf32, #tpu.memory_space<hbm>>, %arg7: memref<64xi32, #tpu.memory_space<vmem>>, %arg8: memref<64xi32, #tpu.memory_space<vmem>>, %arg9: memref<64x128xf32, #tpu.memory_space<vmem>>, %arg10: memref<10240x128xf32, #tpu.memory_space<vmem_shared>>, %arg11: memref<!tpu.dma_semaphore, #tpu.memory_space<semaphore_mem>>) attributes {dimension_semantics = [#tpu.dimension_semantics<core_parallel>, #tpu.dimension_semantics<subcore_parallel>], iteration_bounds = array<i64: 2, 16>, scalar_prefetch = 0 : i64, scratch_operands = 5 : i64, tpu.core_type = #tpu.core_type<sc_vector_subcore>, window_params = [{transform_indices = #map}, {transform_indices = #map}, {transform_indices = #map1}, {transform_indices = #map1}, {transform_indices = #map2}]} {
    %mul3A = arith.constant 16 : i32
    %mul3A_0 = arith.muli %arg0, %mul3A : i32
    %add3A = arith.addi %mul3A_0, %arg1 : i32
    %mul3A_1 = arith.constant 640 : i32
    %mul3A_2 = arith.muli %arg1, %mul3A_1 : i32
    %mul3A_3 = arith.constant 640 : i32
    %mul3A_4 = arith.muli %arg1, %mul3A_3 : i32
    "tpu.region"() ({
      %run_scoped3A = tpu.sem_alloc : memref<!tpu.dma_semaphore, #tpu.memory_space<semaphore_mem>>
      %dma_start3A = arith.constant 0 : i32
      %dma_start3A_15 = tpu.memref_slice %arg10[%mul3A_4, %dma_start3A] : memref<10240x128xf32, #tpu.memory_space<vmem_shared>> -> memref<640x128xf32, #tpu.memory_space<vmem_shared>>
      %dma_start3A_16 = arith.constant 0 : i32
      %dma_start3A_17 = tpu.memref_slice %arg5[%mul3A_2, %dma_start3A_16] : memref<10240x128xf32, #tpu.memory_space<hbm>> -> memref<640x128xf32, #tpu.memory_space<hbm>>
      tpu.enqueue_dma source(%dma_start3A_17 : memref<640x128xf32, #tpu.memory_space<hbm>>) target(%dma_start3A_15 : memref<640x128xf32, #tpu.memory_space<vmem_shared>>) target_semaphore(%run_scoped3A : memref<!tpu.dma_semaphore, #tpu.memory_space<semaphore_mem>>)
      %dma_wait3A = arith.constant 0 : i32
      %dma_wait3A_18 = tpu.memref_slice %arg10[%mul3A_4, %dma_wait3A] : memref<10240x128xf32, #tpu.memory_space<vmem_shared>> -> memref<640x128xf32, #tpu.memory_space<vmem_shared>>
      %dma_wait3A_19 = arith.constant 0 : i32
      %dma_wait3A_20 = tpu.memref_slice %arg5[%mul3A_2, %dma_wait3A_19] : memref<10240x128xf32, #tpu.memory_space<hbm>> -> memref<640x128xf32, #tpu.memory_space<hbm>>
      tpu.wait_dma2 semaphore(%run_scoped3A : memref<!tpu.dma_semaphore, #tpu.memory_space<semaphore_mem>>) src(%dma_wait3A_20 : memref<640x128xf32, #tpu.memory_space<hbm>>) dst(%dma_wait3A_18 : memref<640x128xf32, #tpu.memory_space<vmem_shared>>)
      tpu.yield
    }) : () -> ()
    %barrier3A = arith.constant 0 : index
    tpu.barrier barrier_id(%barrier3A)
    %scan3A = arith.constant 0 : i32
    %scan3A_5 = arith.constant 0 : i32
    %scan3A_6 = arith.constant 5 : i32
    %scan3A_7 = arith.addi %scan3A_5, %scan3A_6 : i32
    %scan3A_8 = arith.constant 1 : i32
    scf.for %scan3A_15 = %scan3A_5 to %scan3A_7 step %scan3A_8  : i32 {
      %mul3A_16 = arith.constant 320 : i32
      %mul3A_17 = arith.muli %add3A, %mul3A_16 : i32
      %mul3A_18 = arith.constant 64 : i32
      %mul3A_19 = arith.muli %scan3A_15, %mul3A_18 : i32
      %add3A_20 = arith.addi %mul3A_17, %mul3A_19 : i32
      "tpu.region"() ({
        %run_scoped3A = tpu.sem_alloc : memref<!tpu.dma_semaphore, #tpu.memory_space<semaphore_mem>>
        %dma_start3A_25 = tpu.memref_slice %arg2[%add3A_20] : memref<10240xi32, #tpu.memory_space<hbm>> -> memref<64xi32, #tpu.memory_space<hbm>>
        %dma_start3A_26 = tpu.memref_slice %arg2[%add3A_20] : memref<10240xi32, #tpu.memory_space<hbm>> -> memref<64xi32, #tpu.memory_space<hbm>>
        tpu.enqueue_dma source(%dma_start3A_26 : memref<64xi32, #tpu.memory_space<hbm>>) target(%arg7 : memref<64xi32, #tpu.memory_space<vmem>>) target_semaphore(%run_scoped3A : memref<!tpu.dma_semaphore, #tpu.memory_space<semaphore_mem>>)
        %dma_wait3A_27 = tpu.memref_slice %arg2[%add3A_20] : memref<10240xi32, #tpu.memory_space<hbm>> -> memref<64xi32, #tpu.memory_space<hbm>>
        %dma_wait3A_28 = tpu.memref_slice %arg2[%add3A_20] : memref<10240xi32, #tpu.memory_space<hbm>> -> memref<64xi32, #tpu.memory_space<hbm>>
        tpu.wait_dma2 semaphore(%run_scoped3A : memref<!tpu.dma_semaphore, #tpu.memory_space<semaphore_mem>>) src(%dma_wait3A_28 : memref<64xi32, #tpu.memory_space<hbm>>) dst(%arg7 : memref<64xi32, #tpu.memory_space<vmem>>)
        tpu.yield
      }) : () -> ()
      "tpu.region"() ({
        %run_scoped3A = tpu.sem_alloc : memref<!tpu.dma_semaphore, #tpu.memory_space<semaphore_mem>>
        %dma_start3A_25 = tpu.memref_slice %arg3[%add3A_20] : memref<10240xi32, #tpu.memory_space<hbm>> -> memref<64xi32, #tpu.memory_space<hbm>>
        %dma_start3A_26 = tpu.memref_slice %arg3[%add3A_20] : memref<10240xi32, #tpu.memory_space<hbm>> -> memref<64xi32, #tpu.memory_space<hbm>>
        tpu.enqueue_dma source(%dma_start3A_26 : memref<64xi32, #tpu.memory_space<hbm>>) target(%arg8 : memref<64xi32, #tpu.memory_space<vmem>>) target_semaphore(%run_scoped3A : memref<!tpu.dma_semaphore, #tpu.memory_space<semaphore_mem>>)
        %dma_wait3A_27 = tpu.memref_slice %arg3[%add3A_20] : memref<10240xi32, #tpu.memory_space<hbm>> -> memref<64xi32, #tpu.memory_space<hbm>>
        %dma_wait3A_28 = tpu.memref_slice %arg3[%add3A_20] : memref<10240xi32, #tpu.memory_space<hbm>> -> memref<64xi32, #tpu.memory_space<hbm>>
        tpu.wait_dma2 semaphore(%run_scoped3A : memref<!tpu.dma_semaphore, #tpu.memory_space<semaphore_mem>>) src(%dma_wait3A_28 : memref<64xi32, #tpu.memory_space<hbm>>) dst(%arg8 : memref<64xi32, #tpu.memory_space<vmem>>)
        tpu.yield
      }) : () -> ()
      %dma_start3A = arith.constant 0 : i32
      %dma_start3A_21 = arith.constant 0 : i32
      %dma_start3A_22 = tpu.memref_slice %arg4[%dma_start3A, %dma_start3A_21] : memref<10000x128xf32, #tpu.memory_space<hbm>> -> memref<10000x128xf32, #tpu.memory_space<hbm>>
      tpu.enqueue_indirect_dma source(%dma_start3A_22 : memref<10000x128xf32, #tpu.memory_space<hbm>>) target(%arg9 : memref<64x128xf32, #tpu.memory_space<vmem>>) offsets(%arg7 : memref<64xi32, #tpu.memory_space<vmem>>) semaphore(%arg11 : memref<!tpu.dma_semaphore, #tpu.memory_space<semaphore_mem>>)
      %dma_wait3A = arith.constant 0 : i32
      %dma_wait3A_23 = arith.constant 0 : i32
      %dma_wait3A_24 = tpu.memref_slice %arg4[%dma_wait3A, %dma_wait3A_23] : memref<10000x128xf32, #tpu.memory_space<hbm>> -> memref<10000x128xf32, #tpu.memory_space<hbm>>
      tpu.wait_indirect_dma semaphore(%arg11 : memref<!tpu.dma_semaphore, #tpu.memory_space<semaphore_mem>>) src(%dma_wait3A_24 : memref<10000x128xf32, #tpu.memory_space<hbm>>) dst(%arg9 : memref<64x128xf32, #tpu.memory_space<vmem>>)
      "tpu.region"() ({
        %run_scoped3A = tpu.sem_alloc : memref<!tpu.dma_semaphore, #tpu.memory_space<semaphore_mem>>
        %dma_start3A_25 = arith.constant 0 : i32
        %dma_start3A_26 = arith.constant 0 : i32
        %dma_start3A_27 = tpu.memref_slice %arg10[%dma_start3A_25, %dma_start3A_26] : memref<10240x128xf32, #tpu.memory_space<vmem_shared>> -> memref<10240x128xf32, #tpu.memory_space<vmem_shared>>
        tpu.enqueue_indirect_dma source(%arg9 : memref<64x128xf32, #tpu.memory_space<vmem>>) target(%dma_start3A_27 : memref<10240x128xf32, #tpu.memory_space<vmem_shared>>) offsets(%arg8 : memref<64xi32, #tpu.memory_space<vmem>>) semaphore(%run_scoped3A : memref<!tpu.dma_semaphore, #tpu.memory_space<semaphore_mem>>) {add = true}
        %dma_wait3A_28 = arith.constant 0 : i32
        %dma_wait3A_29 = arith.constant 0 : i32
        %dma_wait3A_30 = tpu.memref_slice %arg10[%dma_wait3A_28, %dma_wait3A_29] : memref<10240x128xf32, #tpu.memory_space<vmem_shared>> -> memref<10240x128xf32, #tpu.memory_space<vmem_shared>>
        tpu.wait_indirect_dma semaphore(%run_scoped3A : memref<!tpu.dma_semaphore, #tpu.memory_space<semaphore_mem>>) src(%arg9 : memref<64x128xf32, #tpu.memory_space<vmem>>) dst(%dma_wait3A_30 : memref<10240x128xf32, #tpu.memory_space<vmem_shared>>)
        tpu.yield
      }) : () -> ()
    }
    %scan3A_9 = arith.constant 5 : i32
    %barrier3A_10 = arith.constant 0 : index
    tpu.barrier barrier_id(%barrier3A_10)
    %mul3A_11 = arith.constant 640 : i32
    %mul3A_12 = arith.muli %arg1, %mul3A_11 : i32
    %mul3A_13 = arith.constant 640 : i32
    %mul3A_14 = arith.muli %arg1, %mul3A_13 : i32
    "tpu.region"() ({
      %run_scoped3A = tpu.sem_alloc : memref<!tpu.dma_semaphore, #tpu.memory_space<semaphore_mem>>
      %dma_start3A = arith.constant 0 : i32
      %dma_start3A_15 = arith.constant 0 : i32
      %dma_start3A_16 = tpu.memref_slice %arg6[%arg0, %dma_start3A, %dma_start3A_15] : memref<2x10240x128xf32, #tpu.memory_space<hbm>> -> memref<1x10240x128xf32, #tpu.memory_space<hbm>>
      %dma_start3A_17 = tpu.memref_squeeze %dma_start3A_16 : memref<1x10240x128xf32, #tpu.memory_space<hbm>> -> memref<10240x128xf32, #tpu.memory_space<hbm>>
      %dma_start3A_18 = arith.constant 0 : i32
      %dma_start3A_19 = tpu.memref_slice %dma_start3A_17[%mul3A_14, %dma_start3A_18] : memref<10240x128xf32, #tpu.memory_space<hbm>> -> memref<640x128xf32, #tpu.memory_space<hbm>>
      %dma_start3A_20 = arith.constant 0 : i32
      %dma_start3A_21 = tpu.memref_slice %arg10[%mul3A_12, %dma_start3A_20] : memref<10240x128xf32, #tpu.memory_space<vmem_shared>> -> memref<640x128xf32, #tpu.memory_space<vmem_shared>>
      tpu.enqueue_dma source(%dma_start3A_21 : memref<640x128xf32, #tpu.memory_space<vmem_shared>>) target(%dma_start3A_19 : memref<640x128xf32, #tpu.memory_space<hbm>>) target_semaphore(%run_scoped3A : memref<!tpu.dma_semaphore, #tpu.memory_space<semaphore_mem>>)
      %dma_wait3A = arith.constant 0 : i32
      %dma_wait3A_22 = arith.constant 0 : i32
      %dma_wait3A_23 = tpu.memref_slice %arg6[%arg0, %dma_wait3A, %dma_wait3A_22] : memref<2x10240x128xf32, #tpu.memory_space<hbm>> -> memref<1x10240x128xf32, #tpu.memory_space<hbm>>
      %dma_wait3A_24 = tpu.memref_squeeze %dma_wait3A_23 : memref<1x10240x128xf32, #tpu.memory_space<hbm>> -> memref<10240x128xf32, #tpu.memory_space<hbm>>
      %dma_wait3A_25 = arith.constant 0 : i32
      %dma_wait3A_26 = tpu.memref_slice %dma_wait3A_24[%mul3A_14, %dma_wait3A_25] : memref<10240x128xf32, #tpu.memory_space<hbm>> -> memref<640x128xf32, #tpu.memory_space<hbm>>
      %dma_wait3A_27 = arith.constant 0 : i32
      %dma_wait3A_28 = tpu.memref_slice %arg10[%mul3A_12, %dma_wait3A_27] : memref<10240x128xf32, #tpu.memory_space<vmem_shared>> -> memref<640x128xf32, #tpu.memory_space<vmem_shared>>
      tpu.wait_dma2 semaphore(%run_scoped3A : memref<!tpu.dma_semaphore, #tpu.memory_space<semaphore_mem>>) src(%dma_wait3A_28 : memref<640x128xf32, #tpu.memory_space<vmem_shared>>) dst(%dma_wait3A_26 : memref<640x128xf32, #tpu.memory_space<hbm>>)
      tpu.yield
    }) : () -> ()
    return
  }
}

#map = affine_map<(d0, d1) -> (0)>
#map1 = affine_map<(d0, d1) -> (0, 0)>
#map2 = affine_map<(d0, d1) -> (0, 0, 0)>
module attributes {stable_mosaic.version = 14 : i64} {
  func.func @k(%arg0: i32, %arg1: i32, %arg2: memref<321536xi32, #tpu.memory_space<hbm>>, %arg3: memref<321536xi32, #tpu.memory_space<hbm>>, %arg4: memref<10000x128xf32, #tpu.memory_space<hbm>>, %arg5: memref<10240x128xf32, #tpu.memory_space<hbm>>, %arg6: memref<2x10240x128xf32, #tpu.memory_space<hbm>>, %arg7: memref<64xi32, #tpu.memory_space<vmem>>, %arg8: memref<64xi32, #tpu.memory_space<vmem>>, %arg9: memref<64x128xf32, #tpu.memory_space<vmem>>, %arg10: memref<10240x128xf32, #tpu.memory_space<vmem_shared>>, %arg11: memref<!tpu.dma_semaphore, #tpu.memory_space<semaphore_mem>>) attributes {dimension_semantics = [#tpu.dimension_semantics<core_parallel>, #tpu.dimension_semantics<subcore_parallel>], iteration_bounds = array<i64: 2, 16>, scalar_prefetch = 0 : i64, scratch_operands = 5 : i64, tpu.core_type = #tpu.core_type<sc_vector_subcore>, window_params = [{transform_indices = #map}, {transform_indices = #map}, {transform_indices = #map1}, {transform_indices = #map1}, {transform_indices = #map2}]} {
    %mul3A = arith.constant 16 : i32
    %mul3A_0 = arith.muli %arg0, %mul3A : i32
    %add3A = arith.addi %mul3A_0, %arg1 : i32
    %mul3A_1 = arith.constant 640 : i32
    %mul3A_2 = arith.muli %arg1, %mul3A_1 : i32
    %mul3A_3 = arith.constant 640 : i32
    %mul3A_4 = arith.muli %arg1, %mul3A_3 : i32
    "tpu.region"() ({
      %run_scoped3A = tpu.sem_alloc : memref<!tpu.dma_semaphore, #tpu.memory_space<semaphore_mem>>
      %dma_start3A = arith.constant 0 : i32
      %dma_start3A_15 = tpu.memref_slice %arg10[%mul3A_4, %dma_start3A] : memref<10240x128xf32, #tpu.memory_space<vmem_shared>> -> memref<640x128xf32, #tpu.memory_space<vmem_shared>>
      %dma_start3A_16 = arith.constant 0 : i32
      %dma_start3A_17 = tpu.memref_slice %arg5[%mul3A_2, %dma_start3A_16] : memref<10240x128xf32, #tpu.memory_space<hbm>> -> memref<640x128xf32, #tpu.memory_space<hbm>>
      tpu.enqueue_dma source(%dma_start3A_17 : memref<640x128xf32, #tpu.memory_space<hbm>>) target(%dma_start3A_15 : memref<640x128xf32, #tpu.memory_space<vmem_shared>>) target_semaphore(%run_scoped3A : memref<!tpu.dma_semaphore, #tpu.memory_space<semaphore_mem>>)
      %dma_wait3A = arith.constant 0 : i32
      %dma_wait3A_18 = tpu.memref_slice %arg10[%mul3A_4, %dma_wait3A] : memref<10240x128xf32, #tpu.memory_space<vmem_shared>> -> memref<640x128xf32, #tpu.memory_space<vmem_shared>>
      %dma_wait3A_19 = arith.constant 0 : i32
      %dma_wait3A_20 = tpu.memref_slice %arg5[%mul3A_2, %dma_wait3A_19] : memref<10240x128xf32, #tpu.memory_space<hbm>> -> memref<640x128xf32, #tpu.memory_space<hbm>>
      tpu.wait_dma2 semaphore(%run_scoped3A : memref<!tpu.dma_semaphore, #tpu.memory_space<semaphore_mem>>) src(%dma_wait3A_20 : memref<640x128xf32, #tpu.memory_space<hbm>>) dst(%dma_wait3A_18 : memref<640x128xf32, #tpu.memory_space<vmem_shared>>)
      tpu.yield
    }) : () -> ()
    %barrier3A = arith.constant 0 : index
    tpu.barrier barrier_id(%barrier3A)
    %scan3A = arith.constant 0 : i32
    %scan3A_5 = arith.constant 0 : i32
    %scan3A_6 = arith.constant 157 : i32
    %scan3A_7 = arith.addi %scan3A_5, %scan3A_6 : i32
    %scan3A_8 = arith.constant 1 : i32
    scf.for %scan3A_15 = %scan3A_5 to %scan3A_7 step %scan3A_8  : i32 {
      %mul3A_16 = arith.constant 10048 : i32
      %mul3A_17 = arith.muli %add3A, %mul3A_16 : i32
      %mul3A_18 = arith.constant 64 : i32
      %mul3A_19 = arith.muli %scan3A_15, %mul3A_18 : i32
      %add3A_20 = arith.addi %mul3A_17, %mul3A_19 : i32
      "tpu.region"() ({
        %run_scoped3A = tpu.sem_alloc : memref<!tpu.dma_semaphore, #tpu.memory_space<semaphore_mem>>
        %dma_start3A_25 = tpu.memref_slice %arg2[%add3A_20] : memref<321536xi32, #tpu.memory_space<hbm>> -> memref<64xi32, #tpu.memory_space<hbm>>
        %dma_start3A_26 = tpu.memref_slice %arg2[%add3A_20] : memref<321536xi32, #tpu.memory_space<hbm>> -> memref<64xi32, #tpu.memory_space<hbm>>
        tpu.enqueue_dma source(%dma_start3A_26 : memref<64xi32, #tpu.memory_space<hbm>>) target(%arg7 : memref<64xi32, #tpu.memory_space<vmem>>) target_semaphore(%run_scoped3A : memref<!tpu.dma_semaphore, #tpu.memory_space<semaphore_mem>>)
        %dma_wait3A_27 = tpu.memref_slice %arg2[%add3A_20] : memref<321536xi32, #tpu.memory_space<hbm>> -> memref<64xi32, #tpu.memory_space<hbm>>
        %dma_wait3A_28 = tpu.memref_slice %arg2[%add3A_20] : memref<321536xi32, #tpu.memory_space<hbm>> -> memref<64xi32, #tpu.memory_space<hbm>>
        tpu.wait_dma2 semaphore(%run_scoped3A : memref<!tpu.dma_semaphore, #tpu.memory_space<semaphore_mem>>) src(%dma_wait3A_28 : memref<64xi32, #tpu.memory_space<hbm>>) dst(%arg7 : memref<64xi32, #tpu.memory_space<vmem>>)
        tpu.yield
      }) : () -> ()
      "tpu.region"() ({
        %run_scoped3A = tpu.sem_alloc : memref<!tpu.dma_semaphore, #tpu.memory_space<semaphore_mem>>
        %dma_start3A_25 = tpu.memref_slice %arg3[%add3A_20] : memref<321536xi32, #tpu.memory_space<hbm>> -> memref<64xi32, #tpu.memory_space<hbm>>
        %dma_start3A_26 = tpu.memref_slice %arg3[%add3A_20] : memref<321536xi32, #tpu.memory_space<hbm>> -> memref<64xi32, #tpu.memory_space<hbm>>
        tpu.enqueue_dma source(%dma_start3A_26 : memref<64xi32, #tpu.memory_space<hbm>>) target(%arg8 : memref<64xi32, #tpu.memory_space<vmem>>) target_semaphore(%run_scoped3A : memref<!tpu.dma_semaphore, #tpu.memory_space<semaphore_mem>>)
        %dma_wait3A_27 = tpu.memref_slice %arg3[%add3A_20] : memref<321536xi32, #tpu.memory_space<hbm>> -> memref<64xi32, #tpu.memory_space<hbm>>
        %dma_wait3A_28 = tpu.memref_slice %arg3[%add3A_20] : memref<321536xi32, #tpu.memory_space<hbm>> -> memref<64xi32, #tpu.memory_space<hbm>>
        tpu.wait_dma2 semaphore(%run_scoped3A : memref<!tpu.dma_semaphore, #tpu.memory_space<semaphore_mem>>) src(%dma_wait3A_28 : memref<64xi32, #tpu.memory_space<hbm>>) dst(%arg8 : memref<64xi32, #tpu.memory_space<vmem>>)
        tpu.yield
      }) : () -> ()
      %dma_start3A = arith.constant 0 : i32
      %dma_start3A_21 = arith.constant 0 : i32
      %dma_start3A_22 = tpu.memref_slice %arg4[%dma_start3A, %dma_start3A_21] : memref<10000x128xf32, #tpu.memory_space<hbm>> -> memref<10000x128xf32, #tpu.memory_space<hbm>>
      tpu.enqueue_indirect_dma source(%dma_start3A_22 : memref<10000x128xf32, #tpu.memory_space<hbm>>) target(%arg9 : memref<64x128xf32, #tpu.memory_space<vmem>>) offsets(%arg7 : memref<64xi32, #tpu.memory_space<vmem>>) semaphore(%arg11 : memref<!tpu.dma_semaphore, #tpu.memory_space<semaphore_mem>>)
      %dma_wait3A = arith.constant 0 : i32
      %dma_wait3A_23 = arith.constant 0 : i32
      %dma_wait3A_24 = tpu.memref_slice %arg4[%dma_wait3A, %dma_wait3A_23] : memref<10000x128xf32, #tpu.memory_space<hbm>> -> memref<10000x128xf32, #tpu.memory_space<hbm>>
      tpu.wait_indirect_dma semaphore(%arg11 : memref<!tpu.dma_semaphore, #tpu.memory_space<semaphore_mem>>) src(%dma_wait3A_24 : memref<10000x128xf32, #tpu.memory_space<hbm>>) dst(%arg9 : memref<64x128xf32, #tpu.memory_space<vmem>>)
      "tpu.region"() ({
        %run_scoped3A = tpu.sem_alloc : memref<!tpu.dma_semaphore, #tpu.memory_space<semaphore_mem>>
        %dma_start3A_25 = arith.constant 0 : i32
        %dma_start3A_26 = arith.constant 0 : i32
        %dma_start3A_27 = tpu.memref_slice %arg10[%dma_start3A_25, %dma_start3A_26] : memref<10240x128xf32, #tpu.memory_space<vmem_shared>> -> memref<10240x128xf32, #tpu.memory_space<vmem_shared>>
        tpu.enqueue_indirect_dma source(%arg9 : memref<64x128xf32, #tpu.memory_space<vmem>>) target(%dma_start3A_27 : memref<10240x128xf32, #tpu.memory_space<vmem_shared>>) offsets(%arg8 : memref<64xi32, #tpu.memory_space<vmem>>) semaphore(%run_scoped3A : memref<!tpu.dma_semaphore, #tpu.memory_space<semaphore_mem>>) {add = true}
        %dma_wait3A_28 = arith.constant 0 : i32
        %dma_wait3A_29 = arith.constant 0 : i32
        %dma_wait3A_30 = tpu.memref_slice %arg10[%dma_wait3A_28, %dma_wait3A_29] : memref<10240x128xf32, #tpu.memory_space<vmem_shared>> -> memref<10240x128xf32, #tpu.memory_space<vmem_shared>>
        tpu.wait_indirect_dma semaphore(%run_scoped3A : memref<!tpu.dma_semaphore, #tpu.memory_space<semaphore_mem>>) src(%arg9 : memref<64x128xf32, #tpu.memory_space<vmem>>) dst(%dma_wait3A_30 : memref<10240x128xf32, #tpu.memory_space<vmem_shared>>)
        tpu.yield
      }) : () -> ()
    }
    %scan3A_9 = arith.constant 157 : i32
    %barrier3A_10 = arith.constant 0 : index
    tpu.barrier barrier_id(%barrier3A_10)
    %mul3A_11 = arith.constant 640 : i32
    %mul3A_12 = arith.muli %arg1, %mul3A_11 : i32
    %mul3A_13 = arith.constant 640 : i32
    %mul3A_14 = arith.muli %arg1, %mul3A_13 : i32
    "tpu.region"() ({
      %run_scoped3A = tpu.sem_alloc : memref<!tpu.dma_semaphore, #tpu.memory_space<semaphore_mem>>
      %dma_start3A = arith.constant 0 : i32
      %dma_start3A_15 = arith.constant 0 : i32
      %dma_start3A_16 = tpu.memref_slice %arg6[%arg0, %dma_start3A, %dma_start3A_15] : memref<2x10240x128xf32, #tpu.memory_space<hbm>> -> memref<1x10240x128xf32, #tpu.memory_space<hbm>>
      %dma_start3A_17 = tpu.memref_squeeze %dma_start3A_16 : memref<1x10240x128xf32, #tpu.memory_space<hbm>> -> memref<10240x128xf32, #tpu.memory_space<hbm>>
      %dma_start3A_18 = arith.constant 0 : i32
      %dma_start3A_19 = tpu.memref_slice %dma_start3A_17[%mul3A_14, %dma_start3A_18] : memref<10240x128xf32, #tpu.memory_space<hbm>> -> memref<640x128xf32, #tpu.memory_space<hbm>>
      %dma_start3A_20 = arith.constant 0 : i32
      %dma_start3A_21 = tpu.memref_slice %arg10[%mul3A_12, %dma_start3A_20] : memref<10240x128xf32, #tpu.memory_space<vmem_shared>> -> memref<640x128xf32, #tpu.memory_space<vmem_shared>>
      tpu.enqueue_dma source(%dma_start3A_21 : memref<640x128xf32, #tpu.memory_space<vmem_shared>>) target(%dma_start3A_19 : memref<640x128xf32, #tpu.memory_space<hbm>>) target_semaphore(%run_scoped3A : memref<!tpu.dma_semaphore, #tpu.memory_space<semaphore_mem>>)
      %dma_wait3A = arith.constant 0 : i32
      %dma_wait3A_22 = arith.constant 0 : i32
      %dma_wait3A_23 = tpu.memref_slice %arg6[%arg0, %dma_wait3A, %dma_wait3A_22] : memref<2x10240x128xf32, #tpu.memory_space<hbm>> -> memref<1x10240x128xf32, #tpu.memory_space<hbm>>
      %dma_wait3A_24 = tpu.memref_squeeze %dma_wait3A_23 : memref<1x10240x128xf32, #tpu.memory_space<hbm>> -> memref<10240x128xf32, #tpu.memory_space<hbm>>
      %dma_wait3A_25 = arith.constant 0 : i32
      %dma_wait3A_26 = tpu.memref_slice %dma_wait3A_24[%mul3A_14, %dma_wait3A_25] : memref<10240x128xf32, #tpu.memory_space<hbm>> -> memref<640x128xf32, #tpu.memory_space<hbm>>
      %dma_wait3A_27 = arith.constant 0 : i32
      %dma_wait3A_28 = tpu.memref_slice %arg10[%mul3A_12, %dma_wait3A_27] : memref<10240x128xf32, #tpu.memory_space<vmem_shared>> -> memref<640x128xf32, #tpu.memory_space<vmem_shared>>
      tpu.wait_dma2 semaphore(%run_scoped3A : memref<!tpu.dma_semaphore, #tpu.memory_space<semaphore_mem>>) src(%dma_wait3A_28 : memref<640x128xf32, #tpu.memory_space<vmem_shared>>) dst(%dma_wait3A_26 : memref<640x128xf32, #tpu.memory_space<hbm>>)
      tpu.yield
    }) : () -> ()
    return
  }
}

#map = affine_map<(d0, d1) -> (0)>
#map1 = affine_map<(d0, d1) -> (0, 0)>
#map2 = affine_map<(d0, d1) -> (0, 0, 0)>
module attributes {stable_mosaic.version = 14 : i64} {
  func.func @k(%arg0: i32, %arg1: i32, %arg2: memref<321536xi32, #tpu.memory_space<hbm>>, %arg3: memref<321536xi32, #tpu.memory_space<hbm>>, %arg4: memref<10000x128xf32, #tpu.memory_space<hbm>>, %arg5: memref<10240x128xf32, #tpu.memory_space<hbm>>, %arg6: memref<2x10240x128xf32, #tpu.memory_space<hbm>>, %arg7: memref<64xi32, #tpu.memory_space<vmem>>, %arg8: memref<64xi32, #tpu.memory_space<vmem>>, %arg9: memref<64x128xf32, #tpu.memory_space<vmem>>, %arg10: memref<10240x128xf32, #tpu.memory_space<vmem_shared>>, %arg11: memref<!tpu.dma_semaphore, #tpu.memory_space<semaphore_mem>>) attributes {dimension_semantics = [#tpu.dimension_semantics<core_parallel>, #tpu.dimension_semantics<subcore_parallel>], iteration_bounds = array<i64: 2, 16>, scalar_prefetch = 0 : i64, scratch_operands = 5 : i64, tpu.core_type = #tpu.core_type<sc_vector_subcore>, window_params = [{transform_indices = #map}, {transform_indices = #map}, {transform_indices = #map1}, {transform_indices = #map1}, {transform_indices = #map2}]} {
    %mul3A = arith.constant 16 : i32
    %mul3A_0 = arith.muli %arg0, %mul3A : i32
    %add3A = arith.addi %mul3A_0, %arg1 : i32
    %mul3A_1 = arith.constant 640 : i32
    %mul3A_2 = arith.muli %arg1, %mul3A_1 : i32
    %mul3A_3 = arith.constant 640 : i32
    %mul3A_4 = arith.muli %arg1, %mul3A_3 : i32
    "tpu.region"() ({
      %run_scoped3A = tpu.sem_alloc : memref<!tpu.dma_semaphore, #tpu.memory_space<semaphore_mem>>
      %dma_start3A = arith.constant 0 : i32
      %dma_start3A_15 = tpu.memref_slice %arg10[%mul3A_4, %dma_start3A] : memref<10240x128xf32, #tpu.memory_space<vmem_shared>> -> memref<640x128xf32, #tpu.memory_space<vmem_shared>>
      %dma_start3A_16 = arith.constant 0 : i32
      %dma_start3A_17 = tpu.memref_slice %arg5[%mul3A_2, %dma_start3A_16] : memref<10240x128xf32, #tpu.memory_space<hbm>> -> memref<640x128xf32, #tpu.memory_space<hbm>>
      tpu.enqueue_dma source(%dma_start3A_17 : memref<640x128xf32, #tpu.memory_space<hbm>>) target(%dma_start3A_15 : memref<640x128xf32, #tpu.memory_space<vmem_shared>>) target_semaphore(%run_scoped3A : memref<!tpu.dma_semaphore, #tpu.memory_space<semaphore_mem>>)
      %dma_wait3A = arith.constant 0 : i32
      %dma_wait3A_18 = tpu.memref_slice %arg10[%mul3A_4, %dma_wait3A] : memref<10240x128xf32, #tpu.memory_space<vmem_shared>> -> memref<640x128xf32, #tpu.memory_space<vmem_shared>>
      %dma_wait3A_19 = arith.constant 0 : i32
      %dma_wait3A_20 = tpu.memref_slice %arg5[%mul3A_2, %dma_wait3A_19] : memref<10240x128xf32, #tpu.memory_space<hbm>> -> memref<640x128xf32, #tpu.memory_space<hbm>>
      tpu.wait_dma2 semaphore(%run_scoped3A : memref<!tpu.dma_semaphore, #tpu.memory_space<semaphore_mem>>) src(%dma_wait3A_20 : memref<640x128xf32, #tpu.memory_space<hbm>>) dst(%dma_wait3A_18 : memref<640x128xf32, #tpu.memory_space<vmem_shared>>)
      tpu.yield
    }) : () -> ()
    %barrier3A = arith.constant 0 : index
    tpu.barrier barrier_id(%barrier3A)
    %scan3A = arith.constant 0 : i32
    %scan3A_5 = arith.constant 0 : i32
    %scan3A_6 = arith.constant 157 : i32
    %scan3A_7 = arith.addi %scan3A_5, %scan3A_6 : i32
    %scan3A_8 = arith.constant 1 : i32
    scf.for %scan3A_15 = %scan3A_5 to %scan3A_7 step %scan3A_8  : i32 {
      %mul3A_16 = arith.constant 10048 : i32
      %mul3A_17 = arith.muli %add3A, %mul3A_16 : i32
      %mul3A_18 = arith.constant 64 : i32
      %mul3A_19 = arith.muli %scan3A_15, %mul3A_18 : i32
      %add3A_20 = arith.addi %mul3A_17, %mul3A_19 : i32
      "tpu.region"() ({
        %run_scoped3A = tpu.sem_alloc : memref<!tpu.dma_semaphore, #tpu.memory_space<semaphore_mem>>
        %dma_start3A_25 = tpu.memref_slice %arg2[%add3A_20] : memref<321536xi32, #tpu.memory_space<hbm>> -> memref<64xi32, #tpu.memory_space<hbm>>
        %dma_start3A_26 = tpu.memref_slice %arg2[%add3A_20] : memref<321536xi32, #tpu.memory_space<hbm>> -> memref<64xi32, #tpu.memory_space<hbm>>
        tpu.enqueue_dma source(%dma_start3A_26 : memref<64xi32, #tpu.memory_space<hbm>>) target(%arg7 : memref<64xi32, #tpu.memory_space<vmem>>) target_semaphore(%run_scoped3A : memref<!tpu.dma_semaphore, #tpu.memory_space<semaphore_mem>>)
        %dma_wait3A_27 = tpu.memref_slice %arg2[%add3A_20] : memref<321536xi32, #tpu.memory_space<hbm>> -> memref<64xi32, #tpu.memory_space<hbm>>
        %dma_wait3A_28 = tpu.memref_slice %arg2[%add3A_20] : memref<321536xi32, #tpu.memory_space<hbm>> -> memref<64xi32, #tpu.memory_space<hbm>>
        tpu.wait_dma2 semaphore(%run_scoped3A : memref<!tpu.dma_semaphore, #tpu.memory_space<semaphore_mem>>) src(%dma_wait3A_28 : memref<64xi32, #tpu.memory_space<hbm>>) dst(%arg7 : memref<64xi32, #tpu.memory_space<vmem>>)
        tpu.yield
      }) : () -> ()
      "tpu.region"() ({
        %run_scoped3A = tpu.sem_alloc : memref<!tpu.dma_semaphore, #tpu.memory_space<semaphore_mem>>
        %dma_start3A_25 = tpu.memref_slice %arg3[%add3A_20] : memref<321536xi32, #tpu.memory_space<hbm>> -> memref<64xi32, #tpu.memory_space<hbm>>
        %dma_start3A_26 = tpu.memref_slice %arg3[%add3A_20] : memref<321536xi32, #tpu.memory_space<hbm>> -> memref<64xi32, #tpu.memory_space<hbm>>
        tpu.enqueue_dma source(%dma_start3A_26 : memref<64xi32, #tpu.memory_space<hbm>>) target(%arg8 : memref<64xi32, #tpu.memory_space<vmem>>) target_semaphore(%run_scoped3A : memref<!tpu.dma_semaphore, #tpu.memory_space<semaphore_mem>>)
        %dma_wait3A_27 = tpu.memref_slice %arg3[%add3A_20] : memref<321536xi32, #tpu.memory_space<hbm>> -> memref<64xi32, #tpu.memory_space<hbm>>
        %dma_wait3A_28 = tpu.memref_slice %arg3[%add3A_20] : memref<321536xi32, #tpu.memory_space<hbm>> -> memref<64xi32, #tpu.memory_space<hbm>>
        tpu.wait_dma2 semaphore(%run_scoped3A : memref<!tpu.dma_semaphore, #tpu.memory_space<semaphore_mem>>) src(%dma_wait3A_28 : memref<64xi32, #tpu.memory_space<hbm>>) dst(%arg8 : memref<64xi32, #tpu.memory_space<vmem>>)
        tpu.yield
      }) : () -> ()
      %dma_start3A = arith.constant 0 : i32
      %dma_start3A_21 = arith.constant 0 : i32
      %dma_start3A_22 = tpu.memref_slice %arg4[%dma_start3A, %dma_start3A_21] : memref<10000x128xf32, #tpu.memory_space<hbm>> -> memref<10000x128xf32, #tpu.memory_space<hbm>>
      tpu.enqueue_indirect_dma source(%dma_start3A_22 : memref<10000x128xf32, #tpu.memory_space<hbm>>) target(%arg9 : memref<64x128xf32, #tpu.memory_space<vmem>>) offsets(%arg7 : memref<64xi32, #tpu.memory_space<vmem>>) semaphore(%arg11 : memref<!tpu.dma_semaphore, #tpu.memory_space<semaphore_mem>>)
      %dma_wait3A = arith.constant 0 : i32
      %dma_wait3A_23 = arith.constant 0 : i32
      %dma_wait3A_24 = tpu.memref_slice %arg4[%dma_wait3A, %dma_wait3A_23] : memref<10000x128xf32, #tpu.memory_space<hbm>> -> memref<10000x128xf32, #tpu.memory_space<hbm>>
      tpu.wait_indirect_dma semaphore(%arg11 : memref<!tpu.dma_semaphore, #tpu.memory_space<semaphore_mem>>) src(%dma_wait3A_24 : memref<10000x128xf32, #tpu.memory_space<hbm>>) dst(%arg9 : memref<64x128xf32, #tpu.memory_space<vmem>>)
      "tpu.region"() ({
        %run_scoped3A = tpu.sem_alloc : memref<!tpu.dma_semaphore, #tpu.memory_space<semaphore_mem>>
        %dma_start3A_25 = arith.constant 0 : i32
        %dma_start3A_26 = arith.constant 0 : i32
        %dma_start3A_27 = tpu.memref_slice %arg10[%dma_start3A_25, %dma_start3A_26] : memref<10240x128xf32, #tpu.memory_space<vmem_shared>> -> memref<10240x128xf32, #tpu.memory_space<vmem_shared>>
        tpu.enqueue_indirect_dma source(%arg9 : memref<64x128xf32, #tpu.memory_space<vmem>>) target(%dma_start3A_27 : memref<10240x128xf32, #tpu.memory_space<vmem_shared>>) offsets(%arg8 : memref<64xi32, #tpu.memory_space<vmem>>) semaphore(%run_scoped3A : memref<!tpu.dma_semaphore, #tpu.memory_space<semaphore_mem>>) {add = true}
        %dma_wait3A_28 = arith.constant 0 : i32
        %dma_wait3A_29 = arith.constant 0 : i32
        %dma_wait3A_30 = tpu.memref_slice %arg10[%dma_wait3A_28, %dma_wait3A_29] : memref<10240x128xf32, #tpu.memory_space<vmem_shared>> -> memref<10240x128xf32, #tpu.memory_space<vmem_shared>>
        tpu.wait_indirect_dma semaphore(%run_scoped3A : memref<!tpu.dma_semaphore, #tpu.memory_space<semaphore_mem>>) src(%arg9 : memref<64x128xf32, #tpu.memory_space<vmem>>) dst(%dma_wait3A_30 : memref<10240x128xf32, #tpu.memory_space<vmem_shared>>)
        tpu.yield
      }) : () -> ()
    }
    %scan3A_9 = arith.constant 157 : i32
    %barrier3A_10 = arith.constant 0 : index
    tpu.barrier barrier_id(%barrier3A_10)
    %mul3A_11 = arith.constant 640 : i32
    %mul3A_12 = arith.muli %arg1, %mul3A_11 : i32
    %mul3A_13 = arith.constant 640 : i32
    %mul3A_14 = arith.muli %arg1, %mul3A_13 : i32
    "tpu.region"() ({
      %run_scoped3A = tpu.sem_alloc : memref<!tpu.dma_semaphore, #tpu.memory_space<semaphore_mem>>
      %dma_start3A = arith.constant 0 : i32
      %dma_start3A_15 = arith.constant 0 : i32
      %dma_start3A_16 = tpu.memref_slice %arg6[%arg0, %dma_start3A, %dma_start3A_15] : memref<2x10240x128xf32, #tpu.memory_space<hbm>> -> memref<1x10240x128xf32, #tpu.memory_space<hbm>>
      %dma_start3A_17 = tpu.memref_squeeze %dma_start3A_16 : memref<1x10240x128xf32, #tpu.memory_space<hbm>> -> memref<10240x128xf32, #tpu.memory_space<hbm>>
      %dma_start3A_18 = arith.constant 0 : i32
      %dma_start3A_19 = tpu.memref_slice %dma_start3A_17[%mul3A_14, %dma_start3A_18] : memref<10240x128xf32, #tpu.memory_space<hbm>> -> memref<640x128xf32, #tpu.memory_space<hbm>>
      %dma_start3A_20 = arith.constant 0 : i32
      %dma_start3A_21 = tpu.memref_slice %arg10[%mul3A_12, %dma_start3A_20] : memref<10240x128xf32, #tpu.memory_space<vmem_shared>> -> memref<640x128xf32, #tpu.memory_space<vmem_shared>>
      tpu.enqueue_dma source(%dma_start3A_21 : memref<640x128xf32, #tpu.memory_space<vmem_shared>>) target(%dma_start3A_19 : memref<640x128xf32, #tpu.memory_space<hbm>>) target_semaphore(%run_scoped3A : memref<!tpu.dma_semaphore, #tpu.memory_space<semaphore_mem>>)
      %dma_wait3A = arith.constant 0 : i32
      %dma_wait3A_22 = arith.constant 0 : i32
      %dma_wait3A_23 = tpu.memref_slice %arg6[%arg0, %dma_wait3A, %dma_wait3A_22] : memref<2x10240x128xf32, #tpu.memory_space<hbm>> -> memref<1x10240x128xf32, #tpu.memory_space<hbm>>
      %dma_wait3A_24 = tpu.memref_squeeze %dma_wait3A_23 : memref<1x10240x128xf32, #tpu.memory_space<hbm>> -> memref<10240x128xf32, #tpu.memory_space<hbm>>
      %dma_wait3A_25 = arith.constant 0 : i32
      %dma_wait3A_26 = tpu.memref_slice %dma_wait3A_24[%mul3A_14, %dma_wait3A_25] : memref<10240x128xf32, #tpu.memory_space<hbm>> -> memref<640x128xf32, #tpu.memory_space<hbm>>
      %dma_wait3A_27 = arith.constant 0 : i32
      %dma_wait3A_28 = tpu.memref_slice %arg10[%mul3A_12, %dma_wait3A_27] : memref<10240x128xf32, #tpu.memory_space<vmem_shared>> -> memref<640x128xf32, #tpu.memory_space<vmem_shared>>
      tpu.wait_dma2 semaphore(%run_scoped3A : memref<!tpu.dma_semaphore, #tpu.memory_space<semaphore_mem>>) src(%dma_wait3A_28 : memref<640x128xf32, #tpu.memory_space<vmem_shared>>) dst(%dma_wait3A_26 : memref<640x128xf32, #tpu.memory_space<hbm>>)
      tpu.yield
    }) : () -> ()
    return
  }
}

#map = affine_map<(d0, d1) -> (0)>
#map1 = affine_map<(d0, d1) -> (0, 0)>
#map2 = affine_map<(d0, d1) -> (0, 0, 0)>
module attributes {stable_mosaic.version = 14 : i64} {
  func.func @k(%arg0: i32, %arg1: i32, %arg2: memref<10240xi32, #tpu.memory_space<hbm>>, %arg3: memref<10240xi32, #tpu.memory_space<hbm>>, %arg4: memref<10000x128xf32, #tpu.memory_space<hbm>>, %arg5: memref<10240x128xf32, #tpu.memory_space<hbm>>, %arg6: memref<2x10240x128xf32, #tpu.memory_space<hbm>>, %arg7: memref<64xi32, #tpu.memory_space<vmem>>, %arg8: memref<64xi32, #tpu.memory_space<vmem>>, %arg9: memref<64x128xf32, #tpu.memory_space<vmem>>, %arg10: memref<10240x128xf32, #tpu.memory_space<vmem_shared>>, %arg11: memref<!tpu.dma_semaphore, #tpu.memory_space<semaphore_mem>>) attributes {dimension_semantics = [#tpu.dimension_semantics<core_parallel>, #tpu.dimension_semantics<subcore_parallel>], iteration_bounds = array<i64: 2, 16>, scalar_prefetch = 0 : i64, scratch_operands = 5 : i64, tpu.core_type = #tpu.core_type<sc_vector_subcore>, window_params = [{transform_indices = #map}, {transform_indices = #map}, {transform_indices = #map1}, {transform_indices = #map1}, {transform_indices = #map2}]} {
    %mul3A = arith.constant 16 : i32
    %mul3A_0 = arith.muli %arg0, %mul3A : i32
    %add3A = arith.addi %mul3A_0, %arg1 : i32
    %mul3A_1 = arith.constant 640 : i32
    %mul3A_2 = arith.muli %arg1, %mul3A_1 : i32
    %mul3A_3 = arith.constant 640 : i32
    %mul3A_4 = arith.muli %arg1, %mul3A_3 : i32
    "tpu.region"() ({
      %run_scoped3A = tpu.sem_alloc : memref<!tpu.dma_semaphore, #tpu.memory_space<semaphore_mem>>
      %dma_start3A = arith.constant 0 : i32
      %dma_start3A_15 = tpu.memref_slice %arg10[%mul3A_4, %dma_start3A] : memref<10240x128xf32, #tpu.memory_space<vmem_shared>> -> memref<640x128xf32, #tpu.memory_space<vmem_shared>>
      %dma_start3A_16 = arith.constant 0 : i32
      %dma_start3A_17 = tpu.memref_slice %arg5[%mul3A_2, %dma_start3A_16] : memref<10240x128xf32, #tpu.memory_space<hbm>> -> memref<640x128xf32, #tpu.memory_space<hbm>>
      tpu.enqueue_dma source(%dma_start3A_17 : memref<640x128xf32, #tpu.memory_space<hbm>>) target(%dma_start3A_15 : memref<640x128xf32, #tpu.memory_space<vmem_shared>>) target_semaphore(%run_scoped3A : memref<!tpu.dma_semaphore, #tpu.memory_space<semaphore_mem>>)
      %dma_wait3A = arith.constant 0 : i32
      %dma_wait3A_18 = tpu.memref_slice %arg10[%mul3A_4, %dma_wait3A] : memref<10240x128xf32, #tpu.memory_space<vmem_shared>> -> memref<640x128xf32, #tpu.memory_space<vmem_shared>>
      %dma_wait3A_19 = arith.constant 0 : i32
      %dma_wait3A_20 = tpu.memref_slice %arg5[%mul3A_2, %dma_wait3A_19] : memref<10240x128xf32, #tpu.memory_space<hbm>> -> memref<640x128xf32, #tpu.memory_space<hbm>>
      tpu.wait_dma2 semaphore(%run_scoped3A : memref<!tpu.dma_semaphore, #tpu.memory_space<semaphore_mem>>) src(%dma_wait3A_20 : memref<640x128xf32, #tpu.memory_space<hbm>>) dst(%dma_wait3A_18 : memref<640x128xf32, #tpu.memory_space<vmem_shared>>)
      tpu.yield
    }) : () -> ()
    %barrier3A = arith.constant 0 : index
    tpu.barrier barrier_id(%barrier3A)
    %scan3A = arith.constant 0 : i32
    %scan3A_5 = arith.constant 0 : i32
    %scan3A_6 = arith.constant 5 : i32
    %scan3A_7 = arith.addi %scan3A_5, %scan3A_6 : i32
    %scan3A_8 = arith.constant 1 : i32
    scf.for %scan3A_15 = %scan3A_5 to %scan3A_7 step %scan3A_8  : i32 {
      %mul3A_16 = arith.constant 320 : i32
      %mul3A_17 = arith.muli %add3A, %mul3A_16 : i32
      %mul3A_18 = arith.constant 64 : i32
      %mul3A_19 = arith.muli %scan3A_15, %mul3A_18 : i32
      %add3A_20 = arith.addi %mul3A_17, %mul3A_19 : i32
      "tpu.region"() ({
        %run_scoped3A = tpu.sem_alloc : memref<!tpu.dma_semaphore, #tpu.memory_space<semaphore_mem>>
        %dma_start3A_25 = tpu.memref_slice %arg2[%add3A_20] : memref<10240xi32, #tpu.memory_space<hbm>> -> memref<64xi32, #tpu.memory_space<hbm>>
        %dma_start3A_26 = tpu.memref_slice %arg2[%add3A_20] : memref<10240xi32, #tpu.memory_space<hbm>> -> memref<64xi32, #tpu.memory_space<hbm>>
        tpu.enqueue_dma source(%dma_start3A_26 : memref<64xi32, #tpu.memory_space<hbm>>) target(%arg7 : memref<64xi32, #tpu.memory_space<vmem>>) target_semaphore(%run_scoped3A : memref<!tpu.dma_semaphore, #tpu.memory_space<semaphore_mem>>)
        %dma_wait3A_27 = tpu.memref_slice %arg2[%add3A_20] : memref<10240xi32, #tpu.memory_space<hbm>> -> memref<64xi32, #tpu.memory_space<hbm>>
        %dma_wait3A_28 = tpu.memref_slice %arg2[%add3A_20] : memref<10240xi32, #tpu.memory_space<hbm>> -> memref<64xi32, #tpu.memory_space<hbm>>
        tpu.wait_dma2 semaphore(%run_scoped3A : memref<!tpu.dma_semaphore, #tpu.memory_space<semaphore_mem>>) src(%dma_wait3A_28 : memref<64xi32, #tpu.memory_space<hbm>>) dst(%arg7 : memref<64xi32, #tpu.memory_space<vmem>>)
        tpu.yield
      }) : () -> ()
      "tpu.region"() ({
        %run_scoped3A = tpu.sem_alloc : memref<!tpu.dma_semaphore, #tpu.memory_space<semaphore_mem>>
        %dma_start3A_25 = tpu.memref_slice %arg3[%add3A_20] : memref<10240xi32, #tpu.memory_space<hbm>> -> memref<64xi32, #tpu.memory_space<hbm>>
        %dma_start3A_26 = tpu.memref_slice %arg3[%add3A_20] : memref<10240xi32, #tpu.memory_space<hbm>> -> memref<64xi32, #tpu.memory_space<hbm>>
        tpu.enqueue_dma source(%dma_start3A_26 : memref<64xi32, #tpu.memory_space<hbm>>) target(%arg8 : memref<64xi32, #tpu.memory_space<vmem>>) target_semaphore(%run_scoped3A : memref<!tpu.dma_semaphore, #tpu.memory_space<semaphore_mem>>)
        %dma_wait3A_27 = tpu.memref_slice %arg3[%add3A_20] : memref<10240xi32, #tpu.memory_space<hbm>> -> memref<64xi32, #tpu.memory_space<hbm>>
        %dma_wait3A_28 = tpu.memref_slice %arg3[%add3A_20] : memref<10240xi32, #tpu.memory_space<hbm>> -> memref<64xi32, #tpu.memory_space<hbm>>
        tpu.wait_dma2 semaphore(%run_scoped3A : memref<!tpu.dma_semaphore, #tpu.memory_space<semaphore_mem>>) src(%dma_wait3A_28 : memref<64xi32, #tpu.memory_space<hbm>>) dst(%arg8 : memref<64xi32, #tpu.memory_space<vmem>>)
        tpu.yield
      }) : () -> ()
      %dma_start3A = arith.constant 0 : i32
      %dma_start3A_21 = arith.constant 0 : i32
      %dma_start3A_22 = tpu.memref_slice %arg4[%dma_start3A, %dma_start3A_21] : memref<10000x128xf32, #tpu.memory_space<hbm>> -> memref<10000x128xf32, #tpu.memory_space<hbm>>
      tpu.enqueue_indirect_dma source(%dma_start3A_22 : memref<10000x128xf32, #tpu.memory_space<hbm>>) target(%arg9 : memref<64x128xf32, #tpu.memory_space<vmem>>) offsets(%arg7 : memref<64xi32, #tpu.memory_space<vmem>>) semaphore(%arg11 : memref<!tpu.dma_semaphore, #tpu.memory_space<semaphore_mem>>)
      %dma_wait3A = arith.constant 0 : i32
      %dma_wait3A_23 = arith.constant 0 : i32
      %dma_wait3A_24 = tpu.memref_slice %arg4[%dma_wait3A, %dma_wait3A_23] : memref<10000x128xf32, #tpu.memory_space<hbm>> -> memref<10000x128xf32, #tpu.memory_space<hbm>>
      tpu.wait_indirect_dma semaphore(%arg11 : memref<!tpu.dma_semaphore, #tpu.memory_space<semaphore_mem>>) src(%dma_wait3A_24 : memref<10000x128xf32, #tpu.memory_space<hbm>>) dst(%arg9 : memref<64x128xf32, #tpu.memory_space<vmem>>)
      "tpu.region"() ({
        %run_scoped3A = tpu.sem_alloc : memref<!tpu.dma_semaphore, #tpu.memory_space<semaphore_mem>>
        %dma_start3A_25 = arith.constant 0 : i32
        %dma_start3A_26 = arith.constant 0 : i32
        %dma_start3A_27 = tpu.memref_slice %arg10[%dma_start3A_25, %dma_start3A_26] : memref<10240x128xf32, #tpu.memory_space<vmem_shared>> -> memref<10240x128xf32, #tpu.memory_space<vmem_shared>>
        tpu.enqueue_indirect_dma source(%arg9 : memref<64x128xf32, #tpu.memory_space<vmem>>) target(%dma_start3A_27 : memref<10240x128xf32, #tpu.memory_space<vmem_shared>>) offsets(%arg8 : memref<64xi32, #tpu.memory_space<vmem>>) semaphore(%run_scoped3A : memref<!tpu.dma_semaphore, #tpu.memory_space<semaphore_mem>>) {add = true}
        %dma_wait3A_28 = arith.constant 0 : i32
        %dma_wait3A_29 = arith.constant 0 : i32
        %dma_wait3A_30 = tpu.memref_slice %arg10[%dma_wait3A_28, %dma_wait3A_29] : memref<10240x128xf32, #tpu.memory_space<vmem_shared>> -> memref<10240x128xf32, #tpu.memory_space<vmem_shared>>
        tpu.wait_indirect_dma semaphore(%run_scoped3A : memref<!tpu.dma_semaphore, #tpu.memory_space<semaphore_mem>>) src(%arg9 : memref<64x128xf32, #tpu.memory_space<vmem>>) dst(%dma_wait3A_30 : memref<10240x128xf32, #tpu.memory_space<vmem_shared>>)
        tpu.yield
      }) : () -> ()
    }
    %scan3A_9 = arith.constant 5 : i32
    %barrier3A_10 = arith.constant 0 : index
    tpu.barrier barrier_id(%barrier3A_10)
    %mul3A_11 = arith.constant 640 : i32
    %mul3A_12 = arith.muli %arg1, %mul3A_11 : i32
    %mul3A_13 = arith.constant 640 : i32
    %mul3A_14 = arith.muli %arg1, %mul3A_13 : i32
    "tpu.region"() ({
      %run_scoped3A = tpu.sem_alloc : memref<!tpu.dma_semaphore, #tpu.memory_space<semaphore_mem>>
      %dma_start3A = arith.constant 0 : i32
      %dma_start3A_15 = arith.constant 0 : i32
      %dma_start3A_16 = tpu.memref_slice %arg6[%arg0, %dma_start3A, %dma_start3A_15] : memref<2x10240x128xf32, #tpu.memory_space<hbm>> -> memref<1x10240x128xf32, #tpu.memory_space<hbm>>
      %dma_start3A_17 = tpu.memref_squeeze %dma_start3A_16 : memref<1x10240x128xf32, #tpu.memory_space<hbm>> -> memref<10240x128xf32, #tpu.memory_space<hbm>>
      %dma_start3A_18 = arith.constant 0 : i32
      %dma_start3A_19 = tpu.memref_slice %dma_start3A_17[%mul3A_14, %dma_start3A_18] : memref<10240x128xf32, #tpu.memory_space<hbm>> -> memref<640x128xf32, #tpu.memory_space<hbm>>
      %dma_start3A_20 = arith.constant 0 : i32
      %dma_start3A_21 = tpu.memref_slice %arg10[%mul3A_12, %dma_start3A_20] : memref<10240x128xf32, #tpu.memory_space<vmem_shared>> -> memref<640x128xf32, #tpu.memory_space<vmem_shared>>
      tpu.enqueue_dma source(%dma_start3A_21 : memref<640x128xf32, #tpu.memory_space<vmem_shared>>) target(%dma_start3A_19 : memref<640x128xf32, #tpu.memory_space<hbm>>) target_semaphore(%run_scoped3A : memref<!tpu.dma_semaphore, #tpu.memory_space<semaphore_mem>>)
      %dma_wait3A = arith.constant 0 : i32
      %dma_wait3A_22 = arith.constant 0 : i32
      %dma_wait3A_23 = tpu.memref_slice %arg6[%arg0, %dma_wait3A, %dma_wait3A_22] : memref<2x10240x128xf32, #tpu.memory_space<hbm>> -> memref<1x10240x128xf32, #tpu.memory_space<hbm>>
      %dma_wait3A_24 = tpu.memref_squeeze %dma_wait3A_23 : memref<1x10240x128xf32, #tpu.memory_space<hbm>> -> memref<10240x128xf32, #tpu.memory_space<hbm>>
      %dma_wait3A_25 = arith.constant 0 : i32
      %dma_wait3A_26 = tpu.memref_slice %dma_wait3A_24[%mul3A_14, %dma_wait3A_25] : memref<10240x128xf32, #tpu.memory_space<hbm>> -> memref<640x128xf32, #tpu.memory_space<hbm>>
      %dma_wait3A_27 = arith.constant 0 : i32
      %dma_wait3A_28 = tpu.memref_slice %arg10[%mul3A_12, %dma_wait3A_27] : memref<10240x128xf32, #tpu.memory_space<vmem_shared>> -> memref<640x128xf32, #tpu.memory_space<vmem_shared>>
      tpu.wait_dma2 semaphore(%run_scoped3A : memref<!tpu.dma_semaphore, #tpu.memory_space<semaphore_mem>>) src(%dma_wait3A_28 : memref<640x128xf32, #tpu.memory_space<vmem_shared>>) dst(%dma_wait3A_26 : memref<640x128xf32, #tpu.memory_space<hbm>>)
      tpu.yield
    }) : () -> ()
    return
  }
}

#map = affine_map<(d0, d1) -> (0)>
#map1 = affine_map<(d0, d1) -> (0, 0)>
#map2 = affine_map<(d0, d1) -> (0, 0, 0)>
module attributes {stable_mosaic.version = 14 : i64} {
  func.func @k(%arg0: i32, %arg1: i32, %arg2: memref<10240xi32, #tpu.memory_space<hbm>>, %arg3: memref<10240xi32, #tpu.memory_space<hbm>>, %arg4: memref<10000x128xf32, #tpu.memory_space<hbm>>, %arg5: memref<10240x128xf32, #tpu.memory_space<hbm>>, %arg6: memref<2x10240x128xf32, #tpu.memory_space<hbm>>, %arg7: memref<64xi32, #tpu.memory_space<vmem>>, %arg8: memref<64xi32, #tpu.memory_space<vmem>>, %arg9: memref<64x128xf32, #tpu.memory_space<vmem>>, %arg10: memref<10240x128xf32, #tpu.memory_space<vmem_shared>>, %arg11: memref<!tpu.dma_semaphore, #tpu.memory_space<semaphore_mem>>) attributes {dimension_semantics = [#tpu.dimension_semantics<core_parallel>, #tpu.dimension_semantics<subcore_parallel>], iteration_bounds = array<i64: 2, 16>, scalar_prefetch = 0 : i64, scratch_operands = 5 : i64, tpu.core_type = #tpu.core_type<sc_vector_subcore>, window_params = [{transform_indices = #map}, {transform_indices = #map}, {transform_indices = #map1}, {transform_indices = #map1}, {transform_indices = #map2}]} {
    %mul3A = arith.constant 16 : i32
    %mul3A_0 = arith.muli %arg0, %mul3A : i32
    %add3A = arith.addi %mul3A_0, %arg1 : i32
    %mul3A_1 = arith.constant 640 : i32
    %mul3A_2 = arith.muli %arg1, %mul3A_1 : i32
    %mul3A_3 = arith.constant 640 : i32
    %mul3A_4 = arith.muli %arg1, %mul3A_3 : i32
    "tpu.region"() ({
      %run_scoped3A = tpu.sem_alloc : memref<!tpu.dma_semaphore, #tpu.memory_space<semaphore_mem>>
      %dma_start3A = arith.constant 0 : i32
      %dma_start3A_15 = tpu.memref_slice %arg10[%mul3A_4, %dma_start3A] : memref<10240x128xf32, #tpu.memory_space<vmem_shared>> -> memref<640x128xf32, #tpu.memory_space<vmem_shared>>
      %dma_start3A_16 = arith.constant 0 : i32
      %dma_start3A_17 = tpu.memref_slice %arg5[%mul3A_2, %dma_start3A_16] : memref<10240x128xf32, #tpu.memory_space<hbm>> -> memref<640x128xf32, #tpu.memory_space<hbm>>
      tpu.enqueue_dma source(%dma_start3A_17 : memref<640x128xf32, #tpu.memory_space<hbm>>) target(%dma_start3A_15 : memref<640x128xf32, #tpu.memory_space<vmem_shared>>) target_semaphore(%run_scoped3A : memref<!tpu.dma_semaphore, #tpu.memory_space<semaphore_mem>>)
      %dma_wait3A = arith.constant 0 : i32
      %dma_wait3A_18 = tpu.memref_slice %arg10[%mul3A_4, %dma_wait3A] : memref<10240x128xf32, #tpu.memory_space<vmem_shared>> -> memref<640x128xf32, #tpu.memory_space<vmem_shared>>
      %dma_wait3A_19 = arith.constant 0 : i32
      %dma_wait3A_20 = tpu.memref_slice %arg5[%mul3A_2, %dma_wait3A_19] : memref<10240x128xf32, #tpu.memory_space<hbm>> -> memref<640x128xf32, #tpu.memory_space<hbm>>
      tpu.wait_dma2 semaphore(%run_scoped3A : memref<!tpu.dma_semaphore, #tpu.memory_space<semaphore_mem>>) src(%dma_wait3A_20 : memref<640x128xf32, #tpu.memory_space<hbm>>) dst(%dma_wait3A_18 : memref<640x128xf32, #tpu.memory_space<vmem_shared>>)
      tpu.yield
    }) : () -> ()
    %barrier3A = arith.constant 0 : index
    tpu.barrier barrier_id(%barrier3A)
    %scan3A = arith.constant 0 : i32
    %scan3A_5 = arith.constant 0 : i32
    %scan3A_6 = arith.constant 5 : i32
    %scan3A_7 = arith.addi %scan3A_5, %scan3A_6 : i32
    %scan3A_8 = arith.constant 1 : i32
    scf.for %scan3A_15 = %scan3A_5 to %scan3A_7 step %scan3A_8  : i32 {
      %mul3A_16 = arith.constant 320 : i32
      %mul3A_17 = arith.muli %add3A, %mul3A_16 : i32
      %mul3A_18 = arith.constant 64 : i32
      %mul3A_19 = arith.muli %scan3A_15, %mul3A_18 : i32
      %add3A_20 = arith.addi %mul3A_17, %mul3A_19 : i32
      "tpu.region"() ({
        %run_scoped3A = tpu.sem_alloc : memref<!tpu.dma_semaphore, #tpu.memory_space<semaphore_mem>>
        %dma_start3A_25 = tpu.memref_slice %arg2[%add3A_20] : memref<10240xi32, #tpu.memory_space<hbm>> -> memref<64xi32, #tpu.memory_space<hbm>>
        %dma_start3A_26 = tpu.memref_slice %arg2[%add3A_20] : memref<10240xi32, #tpu.memory_space<hbm>> -> memref<64xi32, #tpu.memory_space<hbm>>
        tpu.enqueue_dma source(%dma_start3A_26 : memref<64xi32, #tpu.memory_space<hbm>>) target(%arg7 : memref<64xi32, #tpu.memory_space<vmem>>) target_semaphore(%run_scoped3A : memref<!tpu.dma_semaphore, #tpu.memory_space<semaphore_mem>>)
        %dma_wait3A_27 = tpu.memref_slice %arg2[%add3A_20] : memref<10240xi32, #tpu.memory_space<hbm>> -> memref<64xi32, #tpu.memory_space<hbm>>
        %dma_wait3A_28 = tpu.memref_slice %arg2[%add3A_20] : memref<10240xi32, #tpu.memory_space<hbm>> -> memref<64xi32, #tpu.memory_space<hbm>>
        tpu.wait_dma2 semaphore(%run_scoped3A : memref<!tpu.dma_semaphore, #tpu.memory_space<semaphore_mem>>) src(%dma_wait3A_28 : memref<64xi32, #tpu.memory_space<hbm>>) dst(%arg7 : memref<64xi32, #tpu.memory_space<vmem>>)
        tpu.yield
      }) : () -> ()
      "tpu.region"() ({
        %run_scoped3A = tpu.sem_alloc : memref<!tpu.dma_semaphore, #tpu.memory_space<semaphore_mem>>
        %dma_start3A_25 = tpu.memref_slice %arg3[%add3A_20] : memref<10240xi32, #tpu.memory_space<hbm>> -> memref<64xi32, #tpu.memory_space<hbm>>
        %dma_start3A_26 = tpu.memref_slice %arg3[%add3A_20] : memref<10240xi32, #tpu.memory_space<hbm>> -> memref<64xi32, #tpu.memory_space<hbm>>
        tpu.enqueue_dma source(%dma_start3A_26 : memref<64xi32, #tpu.memory_space<hbm>>) target(%arg8 : memref<64xi32, #tpu.memory_space<vmem>>) target_semaphore(%run_scoped3A : memref<!tpu.dma_semaphore, #tpu.memory_space<semaphore_mem>>)
        %dma_wait3A_27 = tpu.memref_slice %arg3[%add3A_20] : memref<10240xi32, #tpu.memory_space<hbm>> -> memref<64xi32, #tpu.memory_space<hbm>>
        %dma_wait3A_28 = tpu.memref_slice %arg3[%add3A_20] : memref<10240xi32, #tpu.memory_space<hbm>> -> memref<64xi32, #tpu.memory_space<hbm>>
        tpu.wait_dma2 semaphore(%run_scoped3A : memref<!tpu.dma_semaphore, #tpu.memory_space<semaphore_mem>>) src(%dma_wait3A_28 : memref<64xi32, #tpu.memory_space<hbm>>) dst(%arg8 : memref<64xi32, #tpu.memory_space<vmem>>)
        tpu.yield
      }) : () -> ()
      %dma_start3A = arith.constant 0 : i32
      %dma_start3A_21 = arith.constant 0 : i32
      %dma_start3A_22 = tpu.memref_slice %arg4[%dma_start3A, %dma_start3A_21] : memref<10000x128xf32, #tpu.memory_space<hbm>> -> memref<10000x128xf32, #tpu.memory_space<hbm>>
      tpu.enqueue_indirect_dma source(%dma_start3A_22 : memref<10000x128xf32, #tpu.memory_space<hbm>>) target(%arg9 : memref<64x128xf32, #tpu.memory_space<vmem>>) offsets(%arg7 : memref<64xi32, #tpu.memory_space<vmem>>) semaphore(%arg11 : memref<!tpu.dma_semaphore, #tpu.memory_space<semaphore_mem>>)
      %dma_wait3A = arith.constant 0 : i32
      %dma_wait3A_23 = arith.constant 0 : i32
      %dma_wait3A_24 = tpu.memref_slice %arg4[%dma_wait3A, %dma_wait3A_23] : memref<10000x128xf32, #tpu.memory_space<hbm>> -> memref<10000x128xf32, #tpu.memory_space<hbm>>
      tpu.wait_indirect_dma semaphore(%arg11 : memref<!tpu.dma_semaphore, #tpu.memory_space<semaphore_mem>>) src(%dma_wait3A_24 : memref<10000x128xf32, #tpu.memory_space<hbm>>) dst(%arg9 : memref<64x128xf32, #tpu.memory_space<vmem>>)
      "tpu.region"() ({
        %run_scoped3A = tpu.sem_alloc : memref<!tpu.dma_semaphore, #tpu.memory_space<semaphore_mem>>
        %dma_start3A_25 = arith.constant 0 : i32
        %dma_start3A_26 = arith.constant 0 : i32
        %dma_start3A_27 = tpu.memref_slice %arg10[%dma_start3A_25, %dma_start3A_26] : memref<10240x128xf32, #tpu.memory_space<vmem_shared>> -> memref<10240x128xf32, #tpu.memory_space<vmem_shared>>
        tpu.enqueue_indirect_dma source(%arg9 : memref<64x128xf32, #tpu.memory_space<vmem>>) target(%dma_start3A_27 : memref<10240x128xf32, #tpu.memory_space<vmem_shared>>) offsets(%arg8 : memref<64xi32, #tpu.memory_space<vmem>>) semaphore(%run_scoped3A : memref<!tpu.dma_semaphore, #tpu.memory_space<semaphore_mem>>) {add = true}
        %dma_wait3A_28 = arith.constant 0 : i32
        %dma_wait3A_29 = arith.constant 0 : i32
        %dma_wait3A_30 = tpu.memref_slice %arg10[%dma_wait3A_28, %dma_wait3A_29] : memref<10240x128xf32, #tpu.memory_space<vmem_shared>> -> memref<10240x128xf32, #tpu.memory_space<vmem_shared>>
        tpu.wait_indirect_dma semaphore(%run_scoped3A : memref<!tpu.dma_semaphore, #tpu.memory_space<semaphore_mem>>) src(%arg9 : memref<64x128xf32, #tpu.memory_space<vmem>>) dst(%dma_wait3A_30 : memref<10240x128xf32, #tpu.memory_space<vmem_shared>>)
        tpu.yield
      }) : () -> ()
    }
    %scan3A_9 = arith.constant 5 : i32
    %barrier3A_10 = arith.constant 0 : index
    tpu.barrier barrier_id(%barrier3A_10)
    %mul3A_11 = arith.constant 640 : i32
    %mul3A_12 = arith.muli %arg1, %mul3A_11 : i32
    %mul3A_13 = arith.constant 640 : i32
    %mul3A_14 = arith.muli %arg1, %mul3A_13 : i32
    "tpu.region"() ({
      %run_scoped3A = tpu.sem_alloc : memref<!tpu.dma_semaphore, #tpu.memory_space<semaphore_mem>>
      %dma_start3A = arith.constant 0 : i32
      %dma_start3A_15 = arith.constant 0 : i32
      %dma_start3A_16 = tpu.memref_slice %arg6[%arg0, %dma_start3A, %dma_start3A_15] : memref<2x10240x128xf32, #tpu.memory_space<hbm>> -> memref<1x10240x128xf32, #tpu.memory_space<hbm>>
      %dma_start3A_17 = tpu.memref_squeeze %dma_start3A_16 : memref<1x10240x128xf32, #tpu.memory_space<hbm>> -> memref<10240x128xf32, #tpu.memory_space<hbm>>
      %dma_start3A_18 = arith.constant 0 : i32
      %dma_start3A_19 = tpu.memref_slice %dma_start3A_17[%mul3A_14, %dma_start3A_18] : memref<10240x128xf32, #tpu.memory_space<hbm>> -> memref<640x128xf32, #tpu.memory_space<hbm>>
      %dma_start3A_20 = arith.constant 0 : i32
      %dma_start3A_21 = tpu.memref_slice %arg10[%mul3A_12, %dma_start3A_20] : memref<10240x128xf32, #tpu.memory_space<vmem_shared>> -> memref<640x128xf32, #tpu.memory_space<vmem_shared>>
      tpu.enqueue_dma source(%dma_start3A_21 : memref<640x128xf32, #tpu.memory_space<vmem_shared>>) target(%dma_start3A_19 : memref<640x128xf32, #tpu.memory_space<hbm>>) target_semaphore(%run_scoped3A : memref<!tpu.dma_semaphore, #tpu.memory_space<semaphore_mem>>)
      %dma_wait3A = arith.constant 0 : i32
      %dma_wait3A_22 = arith.constant 0 : i32
      %dma_wait3A_23 = tpu.memref_slice %arg6[%arg0, %dma_wait3A, %dma_wait3A_22] : memref<2x10240x128xf32, #tpu.memory_space<hbm>> -> memref<1x10240x128xf32, #tpu.memory_space<hbm>>
      %dma_wait3A_24 = tpu.memref_squeeze %dma_wait3A_23 : memref<1x10240x128xf32, #tpu.memory_space<hbm>> -> memref<10240x128xf32, #tpu.memory_space<hbm>>
      %dma_wait3A_25 = arith.constant 0 : i32
      %dma_wait3A_26 = tpu.memref_slice %dma_wait3A_24[%mul3A_14, %dma_wait3A_25] : memref<10240x128xf32, #tpu.memory_space<hbm>> -> memref<640x128xf32, #tpu.memory_space<hbm>>
      %dma_wait3A_27 = arith.constant 0 : i32
      %dma_wait3A_28 = tpu.memref_slice %arg10[%mul3A_12, %dma_wait3A_27] : memref<10240x128xf32, #tpu.memory_space<vmem_shared>> -> memref<640x128xf32, #tpu.memory_space<vmem_shared>>
      tpu.wait_dma2 semaphore(%run_scoped3A : memref<!tpu.dma_semaphore, #tpu.memory_space<semaphore_mem>>) src(%dma_wait3A_28 : memref<640x128xf32, #tpu.memory_space<vmem_shared>>) dst(%dma_wait3A_26 : memref<640x128xf32, #tpu.memory_space<hbm>>)
      tpu.yield
    }) : () -> ()
    return
  }
}

module attributes {stable_mosaic.version = 14 : i64} {
  func.func @body(%arg0: i32, %arg1: i32, %arg2: memref<1000x128xf32, #tpu.memory_space<vmem>>, %arg3: memref<2x1000x128xf32, #tpu.memory_space<vmem>>, %arg4: memref<128x128xf32, #tpu.memory_space<vmem>>, %arg5: memref<1x128xf32, #tpu.memory_space<vmem>>, %arg6: memref<128x128xf32, #tpu.memory_space<vmem>>, %arg7: memref<1x128xf32, #tpu.memory_space<vmem>>, %arg8: memref<1x128xf32, #tpu.memory_space<vmem>>, %arg9: memref<1x128xf32, #tpu.memory_space<vmem>>, %arg10: memref<1x1x1000xi32, #tpu.memory_space<vmem>>, %arg11: memref<1000x128xf32, #tpu.memory_space<vmem>>, %arg12: memref<128x128xf32, #tpu.memory_space<vmem>>, %arg13: memref<10000x128xf32, #tpu.memory_space<vmem>>, %arg14: memref<8x128xf32, #tpu.memory_space<vmem>>) attributes {dimension_semantics = [#tpu.dimension_semantics<arbitrary>, #tpu.dimension_semantics<arbitrary>], iteration_bounds = array<i64: 2, 10>, scalar_prefetch = 0 : i64, scratch_operands = 2 : i64, tpu.core_type = #tpu.core_type<tc>, window_params = [{transform_indices = @transform_0, window_bounds = array<i64: 1000, 128>}, {transform_indices = @transform_1, window_bounds = array<i64: 2, 1000, 128>}, {pipeline_mode = #tpu.pipeline_mode<synchronous>, transform_indices = @transform_2, window_bounds = array<i64: 128, 128>}, {pipeline_mode = #tpu.pipeline_mode<synchronous>, transform_indices = @transform_3, window_bounds = array<i64: 1, 128>}, {pipeline_mode = #tpu.pipeline_mode<synchronous>, transform_indices = @transform_4, window_bounds = array<i64: 128, 128>}, {pipeline_mode = #tpu.pipeline_mode<synchronous>, transform_indices = @transform_5, window_bounds = array<i64: 1, 128>}, {pipeline_mode = #tpu.pipeline_mode<synchronous>, transform_indices = @transform_6, window_bounds = array<i64: 1, 128>}, {pipeline_mode = #tpu.pipeline_mode<synchronous>, transform_indices = @transform_7, window_bounds = array<i64: 1, 128>}, {transform_indices = @transform_8, window_bounds = array<i64: 1, 1, 1000>}, {transform_indices = @transform_9, window_bounds = array<i64: 1000, 128>}, {pipeline_mode = #tpu.pipeline_mode<synchronous>, transform_indices = @transform_10, window_bounds = array<i64: 128, 128>}]} {
    %eq3A = arith.constant 0 : i32
    %eq3A_0 = arith.cmpi eq, %arg0, %eq3A : i32
    %convert_element_type3A = arith.extui %eq3A_0 : i1 to i32
    %cond3A = arith.constant 0 : i32
    %cond3A_1 = arith.cmpi ne, %convert_element_type3A, %cond3A : i32
    scf.if %cond3A_1 {
      %get3A = arith.constant 0 : index
      %get3A_7 = arith.constant 0 : index
      %get3A_8 = vector.load %arg2[%get3A, %get3A_7] : memref<1000x128xf32, #tpu.memory_space<vmem>>, vector<1000x128xf32>
      %get3A_9 = arith.constant 0 : index
      %get3A_10 = arith.constant 0 : index
      %get3A_11 = arith.constant 0 : index
      %get3A_12 = vector.load %arg3[%get3A_9, %get3A_10, %get3A_11] : memref<2x1000x128xf32, #tpu.memory_space<vmem>>, vector<1x1000x128xf32>
      %get3A_13 = vector.shape_cast %get3A_12 : vector<1x1000x128xf32> to vector<1000x128xf32>
      %add3A = arith.addf %get3A_8, %get3A_13 : vector<1000x128xf32>
      %get3A_14 = arith.constant 1 : index
      %get3A_15 = arith.constant 0 : index
      %get3A_16 = arith.constant 0 : index
      %get3A_17 = vector.load %arg3[%get3A_14, %get3A_15, %get3A_16] : memref<2x1000x128xf32, #tpu.memory_space<vmem>>, vector<1x1000x128xf32>
      %get3A_18 = vector.shape_cast %get3A_17 : vector<1x1000x128xf32> to vector<1000x128xf32>
      %add3A_19 = arith.addf %add3A, %get3A_18 : vector<1000x128xf32>
      %get3A_20 = arith.constant 0 : index
      %get3A_21 = arith.constant 0 : index
      %get3A_22 = vector.load %arg4[%get3A_20, %get3A_21] : memref<128x128xf32, #tpu.memory_space<vmem>>, vector<128x128xf32>
      %dot_general3A = arith.constant dense<0.000000e+00> : vector<1000x128xf32>
      %dot_general3A_23 = tpu.matmul %add3A_19, %get3A_22, %dot_general3A {dimension_numbers = #tpu.dot_dimension_numbers<[1], [0], [0], [1], [0, 0, 1, 1], [], []>, transpose_lhs_hint = false} : vector<1000x128xf32>, vector<128x128xf32>, vector<1000x128xf32> -> vector<1000x128xf32>
      %get3A_24 = arith.constant 0 : index
      %get3A_25 = arith.constant 0 : index
      %get3A_26 = vector.load %arg5[%get3A_24, %get3A_25] : memref<1x128xf32, #tpu.memory_space<vmem>>, vector<1x128xf32>
      %add3A_27 = vector.broadcast %get3A_26 : vector<1x128xf32> to vector<1000x128xf32>
      %add3A_28 = arith.addf %dot_general3A_23, %add3A_27 : vector<1000x128xf32>
      %max3A = arith.constant 0.000000e+00 : f32
      %max3A_29 = vector.broadcast %max3A : f32 to vector<1000x128xf32>
      %max3A_30 = arith.maximumf %add3A_28, %max3A_29 : vector<1000x128xf32>
      %get3A_31 = arith.constant 0 : index
      %get3A_32 = arith.constant 0 : index
      %get3A_33 = vector.load %arg6[%get3A_31, %get3A_32] : memref<128x128xf32, #tpu.memory_space<vmem>>, vector<128x128xf32>
      %dot_general3A_34 = arith.constant dense<0.000000e+00> : vector<1000x128xf32>
      %dot_general3A_35 = tpu.matmul %max3A_30, %get3A_33, %dot_general3A_34 {dimension_numbers = #tpu.dot_dimension_numbers<[1], [0], [0], [1], [0, 0, 1, 1], [], []>, transpose_lhs_hint = false} : vector<1000x128xf32>, vector<128x128xf32>, vector<1000x128xf32> -> vector<1000x128xf32>
      %get3A_36 = arith.constant 0 : index
      %get3A_37 = arith.constant 0 : index
      %get3A_38 = vector.load %arg7[%get3A_36, %get3A_37] : memref<1x128xf32, #tpu.memory_space<vmem>>, vector<1x128xf32>
      %add3A_39 = vector.broadcast %get3A_38 : vector<1x128xf32> to vector<1000x128xf32>
      %add3A_40 = arith.addf %dot_general3A_35, %add3A_39 : vector<1000x128xf32>
      %max3A_41 = arith.constant 0.000000e+00 : f32
      %max3A_42 = vector.broadcast %max3A_41 : f32 to vector<1000x128xf32>
      %max3A_43 = arith.maximumf %add3A_40, %max3A_42 : vector<1000x128xf32>
      %mul3A = arith.constant 1000 : i32
      %mul3A_44 = arith.muli %arg1, %mul3A : i32
      %swap3A = arith.index_cast %mul3A_44 : i32 to index
      %swap3A_45 = arith.constant 0 : index
      %swap3A_46 = vector.load %arg13[%swap3A, %swap3A_45] : memref<10000x128xf32, #tpu.memory_space<vmem>>, vector<1000x128xf32>
      tpu.vector_store %arg13[%swap3A, %swap3A_45], %max3A_43 {strides = array<i32>} : memref<10000x128xf32, #tpu.memory_space<vmem>>, vector<1000x128xf32>,
      %swap3A_47 = arith.constant 0 : index
      %swap3A_48 = arith.constant 0 : index
      %swap3A_49 = vector.load %arg11[%swap3A_47, %swap3A_48] : memref<1000x128xf32, #tpu.memory_space<vmem>>, vector<1000x128xf32>
      tpu.vector_store %arg11[%swap3A_47, %swap3A_48], %max3A_43 {strides = array<i32>} : memref<1000x128xf32, #tpu.memory_space<vmem>>, vector<1000x128xf32>,
      %eq3A_50 = arith.constant 0 : i32
      %eq3A_51 = arith.cmpi eq, %arg1, %eq3A_50 : i32
      %convert_element_type3A_52 = arith.extui %eq3A_51 : i1 to i32
      %cond3A_53 = arith.constant 0 : i32
      %cond3A_54 = arith.cmpi ne, %convert_element_type3A_52, %cond3A_53 : i32
      scf.if %cond3A_54 {
        %broadcast_in_dim3A_74 = arith.constant 0.000000e+00 : f32
        %broadcast_in_dim3A_75 = vector.broadcast %broadcast_in_dim3A_74 : f32 to vector<8x128xf32>
        %swap3A_76 = arith.constant 0 : index
        %swap3A_77 = arith.constant 0 : index
        %swap3A_78 = vector.load %arg14[%swap3A_76, %swap3A_77] : memref<8x128xf32, #tpu.memory_space<vmem>>, vector<8x128xf32>
        tpu.vector_store %arg14[%swap3A_76, %swap3A_77], %broadcast_in_dim3A_75 {strides = array<i32>} : memref<8x128xf32, #tpu.memory_space<vmem>>, vector<8x128xf32>,
      } else {
      }
      %get3A_55 = arith.constant 0 : index
      %get3A_56 = arith.constant 0 : index
      %get3A_57 = vector.load %arg14[%get3A_55, %get3A_56] : memref<8x128xf32, #tpu.memory_space<vmem>>, vector<1x128xf32>
      %reduce_sum3A = arith.constant dense<0.000000e+00> : vector<128xf32>
      %reduce_sum3A_58 = vector.multi_reduction <add>, %max3A_43, %reduce_sum3A [0] : vector<1000x128xf32> to vector<128xf32>
      %broadcast_in_dim3A = vector.shape_cast %reduce_sum3A_58 : vector<128xf32> to vector<1x128xf32>
      %add3A_59 = arith.addf %get3A_57, %broadcast_in_dim3A : vector<1x128xf32>
      %swap3A_60 = arith.constant 0 : index
      %swap3A_61 = arith.constant 0 : index
      %swap3A_62 = vector.load %arg14[%swap3A_60, %swap3A_61] : memref<8x128xf32, #tpu.memory_space<vmem>>, vector<1x128xf32>
      tpu.vector_store %arg14[%swap3A_60, %swap3A_61], %add3A_59 {strides = array<i32>} : memref<8x128xf32, #tpu.memory_space<vmem>>, vector<1x128xf32>,
      %get3A_63 = arith.constant 1 : index
      %get3A_64 = arith.constant 0 : index
      %get3A_65 = vector.load %arg14[%get3A_63, %get3A_64] : memref<8x128xf32, #tpu.memory_space<vmem>>, vector<1x128xf32>
      %mul3A_66 = arith.mulf %max3A_43, %max3A_43 : vector<1000x128xf32>
      %reduce_sum3A_67 = arith.constant dense<0.000000e+00> : vector<128xf32>
      %reduce_sum3A_68 = vector.multi_reduction <add>, %mul3A_66, %reduce_sum3A_67 [0] : vector<1000x128xf32> to vector<128xf32>
      %broadcast_in_dim3A_69 = vector.shape_cast %reduce_sum3A_68 : vector<128xf32> to vector<1x128xf32>
      %add3A_70 = arith.addf %get3A_65, %broadcast_in_dim3A_69 : vector<1x128xf32>
      %swap3A_71 = arith.constant 1 : index
      %swap3A_72 = arith.constant 0 : index
      %swap3A_73 = vector.load %arg14[%swap3A_71, %swap3A_72] : memref<8x128xf32, #tpu.memory_space<vmem>>, vector<1x128xf32>
      tpu.vector_store %arg14[%swap3A_71, %swap3A_72], %add3A_70 {strides = array<i32>} : memref<8x128xf32, #tpu.memory_space<vmem>>, vector<1x128xf32>,
    } else {
    }
    %eq3A_2 = arith.constant 1 : i32
    %eq3A_3 = arith.cmpi eq, %arg0, %eq3A_2 : i32
    %convert_element_type3A_4 = arith.extui %eq3A_3 : i1 to i32
    %cond3A_5 = arith.constant 0 : i32
    %cond3A_6 = arith.cmpi ne, %convert_element_type3A_4, %cond3A_5 : i32
    scf.if %cond3A_6 {
      %eq3A_7 = arith.constant 0 : i32
      %eq3A_8 = arith.cmpi eq, %arg1, %eq3A_7 : i32
      %convert_element_type3A_9 = arith.extui %eq3A_8 : i1 to i32
      %cond3A_10 = arith.constant 0 : i32
      %cond3A_11 = arith.cmpi ne, %convert_element_type3A_9, %cond3A_10 : i32
      scf.if %cond3A_11 {
        %get3A_44 = arith.constant 0 : index
        %get3A_45 = arith.constant 0 : index
        %get3A_46 = vector.load %arg14[%get3A_44, %get3A_45] : memref<8x128xf32, #tpu.memory_space<vmem>>, vector<1x128xf32>
        %mul3A_47 = arith.constant 9.99999974E-5 : f32
        %mul3A_48 = vector.broadcast %mul3A_47 : f32 to vector<1x128xf32>
        %mul3A_49 = arith.mulf %get3A_46, %mul3A_48 : vector<1x128xf32>
        %get3A_50 = arith.constant 1 : index
        %get3A_51 = arith.constant 0 : index
        %get3A_52 = vector.load %arg14[%get3A_50, %get3A_51] : memref<8x128xf32, #tpu.memory_space<vmem>>, vector<1x128xf32>
        %mul3A_53 = arith.constant 9.99999974E-5 : f32
        %mul3A_54 = vector.broadcast %mul3A_53 : f32 to vector<1x128xf32>
        %mul3A_55 = arith.mulf %get3A_52, %mul3A_54 : vector<1x128xf32>
        %mul3A_56 = arith.mulf %mul3A_49, %mul3A_49 : vector<1x128xf32>
        %sub3A = arith.subf %mul3A_55, %mul3A_56 : vector<1x128xf32>
        %get3A_57 = arith.constant 0 : index
        %get3A_58 = arith.constant 0 : index
        %get3A_59 = vector.load %arg8[%get3A_57, %get3A_58] : memref<1x128xf32, #tpu.memory_space<vmem>>, vector<1x128xf32>
        %add3A_60 = arith.constant 9.99999974E-6 : f32
        %add3A_61 = vector.broadcast %add3A_60 : f32 to vector<1x128xf32>
        %add3A_62 = arith.addf %sub3A, %add3A_61 : vector<1x128xf32>
        %rsqrt3A = math.rsqrt %add3A_62 : vector<1x128xf32>
        %mul3A_63 = arith.mulf %get3A_59, %rsqrt3A : vector<1x128xf32>
        %swap3A_64 = arith.constant 2 : index
        %swap3A_65 = arith.constant 0 : index
        %swap3A_66 = vector.load %arg14[%swap3A_64, %swap3A_65] : memref<8x128xf32, #tpu.memory_space<vmem>>, vector<1x128xf32>
        tpu.vector_store %arg14[%swap3A_64, %swap3A_65], %mul3A_63 {strides = array<i32>} : memref<8x128xf32, #tpu.memory_space<vmem>>, vector<1x128xf32>,
        %get3A_67 = arith.constant 0 : index
        %get3A_68 = arith.constant 0 : index
        %get3A_69 = vector.load %arg9[%get3A_67, %get3A_68] : memref<1x128xf32, #tpu.memory_space<vmem>>, vector<1x128xf32>
        %mul3A_70 = arith.mulf %mul3A_63, %mul3A_49 : vector<1x128xf32>
        %sub3A_71 = arith.subf %get3A_69, %mul3A_70 : vector<1x128xf32>
        %swap3A_72 = arith.constant 3 : index
        %swap3A_73 = arith.constant 0 : index
        %swap3A_74 = vector.load %arg14[%swap3A_72, %swap3A_73] : memref<8x128xf32, #tpu.memory_space<vmem>>, vector<1x128xf32>
        tpu.vector_store %arg14[%swap3A_72, %swap3A_73], %sub3A_71 {strides = array<i32>} : memref<8x128xf32, #tpu.memory_space<vmem>>, vector<1x128xf32>,
      } else {
      }
      %get3A = arith.constant 2 : index
      %get3A_12 = arith.constant 0 : index
      %get3A_13 = vector.load %arg14[%get3A, %get3A_12] : memref<8x128xf32, #tpu.memory_space<vmem>>, vector<1x128xf32>
      %get3A_14 = arith.constant 3 : index
      %get3A_15 = arith.constant 0 : index
      %get3A_16 = vector.load %arg14[%get3A_14, %get3A_15] : memref<8x128xf32, #tpu.memory_space<vmem>>, vector<1x128xf32>
      %mul3A = arith.constant 1000 : i32
      %mul3A_17 = arith.muli %arg1, %mul3A : i32
      %get3A_18 = arith.index_cast %mul3A_17 : i32 to index
      %get3A_19 = arith.constant 0 : index
      %get3A_20 = vector.load %arg13[%get3A_18, %get3A_19] : memref<10000x128xf32, #tpu.memory_space<vmem>>, vector<1000x128xf32>
      %mul3A_21 = vector.broadcast %get3A_13 : vector<1x128xf32> to vector<1000x128xf32>
      %mul3A_22 = arith.mulf %mul3A_21, %get3A_20 : vector<1000x128xf32>
      %add3A = vector.broadcast %get3A_16 : vector<1x128xf32> to vector<1000x128xf32>
      %add3A_23 = arith.addf %mul3A_22, %add3A : vector<1000x128xf32>
      %swap3A = arith.constant 0 : index
      %swap3A_24 = arith.constant 0 : index
      %swap3A_25 = vector.load %arg11[%swap3A, %swap3A_24] : memref<1000x128xf32, #tpu.memory_space<vmem>>, vector<1000x128xf32>
      tpu.vector_store %arg11[%swap3A, %swap3A_24], %add3A_23 {strides = array<i32>} : memref<1000x128xf32, #tpu.memory_space<vmem>>, vector<1000x128xf32>,
      %get3A_26 = arith.constant 0 : index
      %get3A_27 = arith.constant 0 : index
      %get3A_28 = arith.constant 0 : index
      %get3A_29 = vector.load %arg10[%get3A_26, %get3A_27, %get3A_28] : memref<1x1x1000xi32, #tpu.memory_space<vmem>>, vector<1x1x1000xi32>
      %reshape3A = vector.shape_cast %get3A_29 : vector<1x1x1000xi32> to vector<1x1000xi32>
      %iota3A = tpu.iota {dimensions = array<i32: 0>} : vector<128x1000xi32>
      %eq3A_30 = vector.broadcast %reshape3A : vector<1x1000xi32> to vector<128x1000xi32>
      %eq3A_31 = arith.cmpi eq, %iota3A, %eq3A_30 : vector<128x1000xi32>
      %convert_element_type3A_32 = arith.extui %eq3A_31 : vector<128x1000xi1> to vector<128x1000xi32>
      %convert_element_type3A_33 = arith.sitofp %convert_element_type3A_32 : vector<128x1000xi32> to vector<128x1000xf32>
      %dot_general3A = arith.constant dense<0.000000e+00> : vector<128x128xf32>
      %dot_general3A_34 = tpu.matmul %convert_element_type3A_33, %add3A_23, %dot_general3A {dimension_numbers = #tpu.dot_dimension_numbers<[1], [0], [0], [1], [0, 0, 1, 1], [], []>, transpose_lhs_hint = false} : vector<128x1000xf32>, vector<1000x128xf32>, vector<128x128xf32> -> vector<128x128xf32>
      %eq3A_35 = arith.constant 0 : i32
      %eq3A_36 = arith.cmpi eq, %arg1, %eq3A_35 : i32
      %convert_element_type3A_37 = arith.extui %eq3A_36 : i1 to i32
      %cond3A_38 = arith.constant 0 : i32
      %cond3A_39 = arith.cmpi ne, %convert_element_type3A_37, %cond3A_38 : i32
      scf.if %cond3A_39 {
        %swap3A_44 = arith.constant 0 : index
        %swap3A_45 = arith.constant 0 : index
        %swap3A_46 = vector.load %arg12[%swap3A_44, %swap3A_45] : memref<128x128xf32, #tpu.memory_space<vmem>>, vector<128x128xf32>
        tpu.vector_store %arg12[%swap3A_44, %swap3A_45], %dot_general3A_34 {strides = array<i32>} : memref<128x128xf32, #tpu.memory_space<vmem>>, vector<128x128xf32>,
      } else {
      }
      %ne3A = arith.constant 0 : i32
      %ne3A_40 = arith.cmpi ne, %arg1, %ne3A : i32
      %convert_element_type3A_41 = arith.extui %ne3A_40 : i1 to i32
      %cond3A_42 = arith.constant 0 : i32
      %cond3A_43 = arith.cmpi ne, %convert_element_type3A_41, %cond3A_42 : i32
      scf.if %cond3A_43 {
        %get3A_44 = arith.constant 0 : index
        %get3A_45 = arith.constant 0 : index
        %get3A_46 = vector.load %arg12[%get3A_44, %get3A_45] : memref<128x128xf32, #tpu.memory_space<vmem>>, vector<128x128xf32>
        %add3A_47 = arith.addf %get3A_46, %dot_general3A_34 : vector<128x128xf32>
        %swap3A_48 = arith.constant 0 : index
        %swap3A_49 = arith.constant 0 : index
        %swap3A_50 = vector.load %arg12[%swap3A_48, %swap3A_49] : memref<128x128xf32, #tpu.memory_space<vmem>>, vector<128x128xf32>
        tpu.vector_store %arg12[%swap3A_48, %swap3A_49], %add3A_47 {strides = array<i32>} : memref<128x128xf32, #tpu.memory_space<vmem>>, vector<128x128xf32>,
      } else {
      }
    } else {
    }
    return
  }
  func.func @transform_0(%arg0: i32, %arg1: i32) -> (i32, i32) {
    %c0_i32 = arith.constant 0 : i32
    %c0_i32_0 = arith.constant 0 : i32
    return %arg1, %c0_i32 : i32, i32
  }
  func.func @transform_1(%arg0: i32, %arg1: i32) -> (i32, i32, i32) {
    %c0_i32 = arith.constant 0 : i32
    %c0_i32_0 = arith.constant 0 : i32
    %c0_i32_1 = arith.constant 0 : i32
    return %c0_i32, %arg1, %c0_i32_0 : i32, i32, i32
  }
  func.func @transform_2(%arg0: i32, %arg1: i32) -> (i32, i32) {
    %c0_i32 = arith.constant 0 : i32
    %c0_i32_0 = arith.constant 0 : i32
    %c0_i32_1 = arith.constant 0 : i32
    return %c0_i32, %c0_i32_0 : i32, i32
  }
  func.func @transform_3(%arg0: i32, %arg1: i32) -> (i32, i32) {
    %c0_i32 = arith.constant 0 : i32
    %c0_i32_0 = arith.constant 0 : i32
    %c0_i32_1 = arith.constant 0 : i32
    return %c0_i32, %c0_i32_0 : i32, i32
  }
  func.func @transform_4(%arg0: i32, %arg1: i32) -> (i32, i32) {
    %c0_i32 = arith.constant 0 : i32
    %c0_i32_0 = arith.constant 0 : i32
    %c0_i32_1 = arith.constant 0 : i32
    return %c0_i32, %c0_i32_0 : i32, i32
  }
  func.func @transform_5(%arg0: i32, %arg1: i32) -> (i32, i32) {
    %c0_i32 = arith.constant 0 : i32
    %c0_i32_0 = arith.constant 0 : i32
    %c0_i32_1 = arith.constant 0 : i32
    return %c0_i32, %c0_i32_0 : i32, i32
  }
  func.func @transform_6(%arg0: i32, %arg1: i32) -> (i32, i32) {
    %c0_i32 = arith.constant 0 : i32
    %c0_i32_0 = arith.constant 0 : i32
    %c0_i32_1 = arith.constant 0 : i32
    return %c0_i32, %c0_i32_0 : i32, i32
  }
  func.func @transform_7(%arg0: i32, %arg1: i32) -> (i32, i32) {
    %c0_i32 = arith.constant 0 : i32
    %c0_i32_0 = arith.constant 0 : i32
    %c0_i32_1 = arith.constant 0 : i32
    return %c0_i32, %c0_i32_0 : i32, i32
  }
  func.func @transform_8(%arg0: i32, %arg1: i32) -> (i32, i32, i32) {
    %c0_i32 = arith.constant 0 : i32
    %c0_i32_0 = arith.constant 0 : i32
    %c0_i32_1 = arith.constant 0 : i32
    return %arg1, %c0_i32, %c0_i32_0 : i32, i32, i32
  }
  func.func @transform_9(%arg0: i32, %arg1: i32) -> (i32, i32) {
    %c0_i32 = arith.constant 0 : i32
    %c0_i32_0 = arith.constant 0 : i32
    return %arg1, %c0_i32 : i32, i32
  }
  func.func @transform_10(%arg0: i32, %arg1: i32) -> (i32, i32) {
    %c0_i32 = arith.constant 0 : i32
    %c0_i32_0 = arith.constant 0 : i32
    %c0_i32_1 = arith.constant 0 : i32
    return %c0_i32, %c0_i32_0 : i32, i32
  }
}

module attributes {stable_mosaic.version = 14 : i64} {
  func.func @body(%arg0: i32, %arg1: i32, %arg2: memref<1000x128xf32, #tpu.memory_space<vmem>>, %arg3: memref<2x1000x128xf32, #tpu.memory_space<vmem>>, %arg4: memref<128x128xf32, #tpu.memory_space<vmem>>, %arg5: memref<1x128xf32, #tpu.memory_space<vmem>>, %arg6: memref<128x128xf32, #tpu.memory_space<vmem>>, %arg7: memref<1x128xf32, #tpu.memory_space<vmem>>, %arg8: memref<1x128xf32, #tpu.memory_space<vmem>>, %arg9: memref<1x128xf32, #tpu.memory_space<vmem>>, %arg10: memref<1x1x1000xi32, #tpu.memory_space<vmem>>, %arg11: memref<1000x128xf32, #tpu.memory_space<vmem>>, %arg12: memref<128x128xf32, #tpu.memory_space<vmem>>, %arg13: memref<10000x128xf32, #tpu.memory_space<vmem>>, %arg14: memref<8x128xf32, #tpu.memory_space<vmem>>) attributes {dimension_semantics = [#tpu.dimension_semantics<arbitrary>, #tpu.dimension_semantics<arbitrary>], iteration_bounds = array<i64: 2, 10>, scalar_prefetch = 0 : i64, scratch_operands = 2 : i64, tpu.core_type = #tpu.core_type<tc>, window_params = [{transform_indices = @transform_0, window_bounds = array<i64: 1000, 128>}, {transform_indices = @transform_1, window_bounds = array<i64: 2, 1000, 128>}, {pipeline_mode = #tpu.pipeline_mode<synchronous>, transform_indices = @transform_2, window_bounds = array<i64: 128, 128>}, {pipeline_mode = #tpu.pipeline_mode<synchronous>, transform_indices = @transform_3, window_bounds = array<i64: 1, 128>}, {pipeline_mode = #tpu.pipeline_mode<synchronous>, transform_indices = @transform_4, window_bounds = array<i64: 128, 128>}, {pipeline_mode = #tpu.pipeline_mode<synchronous>, transform_indices = @transform_5, window_bounds = array<i64: 1, 128>}, {pipeline_mode = #tpu.pipeline_mode<synchronous>, transform_indices = @transform_6, window_bounds = array<i64: 1, 128>}, {pipeline_mode = #tpu.pipeline_mode<synchronous>, transform_indices = @transform_7, window_bounds = array<i64: 1, 128>}, {transform_indices = @transform_8, window_bounds = array<i64: 1, 1, 1000>}, {transform_indices = @transform_9, window_bounds = array<i64: 1000, 128>}, {pipeline_mode = #tpu.pipeline_mode<synchronous>, transform_indices = @transform_10, window_bounds = array<i64: 128, 128>}]} {
    %eq3A = arith.constant 0 : i32
    %eq3A_0 = arith.cmpi eq, %arg0, %eq3A : i32
    %convert_element_type3A = arith.extui %eq3A_0 : i1 to i32
    %cond3A = arith.constant 0 : i32
    %cond3A_1 = arith.cmpi ne, %convert_element_type3A, %cond3A : i32
    scf.if %cond3A_1 {
      %get3A = arith.constant 0 : index
      %get3A_7 = arith.constant 0 : index
      %get3A_8 = vector.load %arg2[%get3A, %get3A_7] : memref<1000x128xf32, #tpu.memory_space<vmem>>, vector<1000x128xf32>
      %get3A_9 = arith.constant 0 : index
      %get3A_10 = arith.constant 0 : index
      %get3A_11 = arith.constant 0 : index
      %get3A_12 = vector.load %arg3[%get3A_9, %get3A_10, %get3A_11] : memref<2x1000x128xf32, #tpu.memory_space<vmem>>, vector<1x1000x128xf32>
      %get3A_13 = vector.shape_cast %get3A_12 : vector<1x1000x128xf32> to vector<1000x128xf32>
      %add3A = arith.addf %get3A_8, %get3A_13 : vector<1000x128xf32>
      %get3A_14 = arith.constant 1 : index
      %get3A_15 = arith.constant 0 : index
      %get3A_16 = arith.constant 0 : index
      %get3A_17 = vector.load %arg3[%get3A_14, %get3A_15, %get3A_16] : memref<2x1000x128xf32, #tpu.memory_space<vmem>>, vector<1x1000x128xf32>
      %get3A_18 = vector.shape_cast %get3A_17 : vector<1x1000x128xf32> to vector<1000x128xf32>
      %add3A_19 = arith.addf %add3A, %get3A_18 : vector<1000x128xf32>
      %get3A_20 = arith.constant 0 : index
      %get3A_21 = arith.constant 0 : index
      %get3A_22 = vector.load %arg4[%get3A_20, %get3A_21] : memref<128x128xf32, #tpu.memory_space<vmem>>, vector<128x128xf32>
      %dot_general3A = arith.constant dense<0.000000e+00> : vector<1000x128xf32>
      %dot_general3A_23 = tpu.matmul %add3A_19, %get3A_22, %dot_general3A {dimension_numbers = #tpu.dot_dimension_numbers<[1], [0], [0], [1], [0, 0, 1, 1], [], []>, transpose_lhs_hint = false} : vector<1000x128xf32>, vector<128x128xf32>, vector<1000x128xf32> -> vector<1000x128xf32>
      %get3A_24 = arith.constant 0 : index
      %get3A_25 = arith.constant 0 : index
      %get3A_26 = vector.load %arg5[%get3A_24, %get3A_25] : memref<1x128xf32, #tpu.memory_space<vmem>>, vector<1x128xf32>
      %add3A_27 = vector.broadcast %get3A_26 : vector<1x128xf32> to vector<1000x128xf32>
      %add3A_28 = arith.addf %dot_general3A_23, %add3A_27 : vector<1000x128xf32>
      %max3A = arith.constant 0.000000e+00 : f32
      %max3A_29 = vector.broadcast %max3A : f32 to vector<1000x128xf32>
      %max3A_30 = arith.maximumf %add3A_28, %max3A_29 : vector<1000x128xf32>
      %get3A_31 = arith.constant 0 : index
      %get3A_32 = arith.constant 0 : index
      %get3A_33 = vector.load %arg6[%get3A_31, %get3A_32] : memref<128x128xf32, #tpu.memory_space<vmem>>, vector<128x128xf32>
      %dot_general3A_34 = arith.constant dense<0.000000e+00> : vector<1000x128xf32>
      %dot_general3A_35 = tpu.matmul %max3A_30, %get3A_33, %dot_general3A_34 {dimension_numbers = #tpu.dot_dimension_numbers<[1], [0], [0], [1], [0, 0, 1, 1], [], []>, transpose_lhs_hint = false} : vector<1000x128xf32>, vector<128x128xf32>, vector<1000x128xf32> -> vector<1000x128xf32>
      %get3A_36 = arith.constant 0 : index
      %get3A_37 = arith.constant 0 : index
      %get3A_38 = vector.load %arg7[%get3A_36, %get3A_37] : memref<1x128xf32, #tpu.memory_space<vmem>>, vector<1x128xf32>
      %add3A_39 = vector.broadcast %get3A_38 : vector<1x128xf32> to vector<1000x128xf32>
      %add3A_40 = arith.addf %dot_general3A_35, %add3A_39 : vector<1000x128xf32>
      %max3A_41 = arith.constant 0.000000e+00 : f32
      %max3A_42 = vector.broadcast %max3A_41 : f32 to vector<1000x128xf32>
      %max3A_43 = arith.maximumf %add3A_40, %max3A_42 : vector<1000x128xf32>
      %mul3A = arith.constant 1000 : i32
      %mul3A_44 = arith.muli %arg1, %mul3A : i32
      %swap3A = arith.index_cast %mul3A_44 : i32 to index
      %swap3A_45 = arith.constant 0 : index
      %swap3A_46 = vector.load %arg13[%swap3A, %swap3A_45] : memref<10000x128xf32, #tpu.memory_space<vmem>>, vector<1000x128xf32>
      tpu.vector_store %arg13[%swap3A, %swap3A_45], %max3A_43 {strides = array<i32>} : memref<10000x128xf32, #tpu.memory_space<vmem>>, vector<1000x128xf32>,
      %swap3A_47 = arith.constant 0 : index
      %swap3A_48 = arith.constant 0 : index
      %swap3A_49 = vector.load %arg11[%swap3A_47, %swap3A_48] : memref<1000x128xf32, #tpu.memory_space<vmem>>, vector<1000x128xf32>
      tpu.vector_store %arg11[%swap3A_47, %swap3A_48], %max3A_43 {strides = array<i32>} : memref<1000x128xf32, #tpu.memory_space<vmem>>, vector<1000x128xf32>,
      %eq3A_50 = arith.constant 0 : i32
      %eq3A_51 = arith.cmpi eq, %arg1, %eq3A_50 : i32
      %convert_element_type3A_52 = arith.extui %eq3A_51 : i1 to i32
      %cond3A_53 = arith.constant 0 : i32
      %cond3A_54 = arith.cmpi ne, %convert_element_type3A_52, %cond3A_53 : i32
      scf.if %cond3A_54 {
        %broadcast_in_dim3A_74 = arith.constant 0.000000e+00 : f32
        %broadcast_in_dim3A_75 = vector.broadcast %broadcast_in_dim3A_74 : f32 to vector<8x128xf32>
        %swap3A_76 = arith.constant 0 : index
        %swap3A_77 = arith.constant 0 : index
        %swap3A_78 = vector.load %arg14[%swap3A_76, %swap3A_77] : memref<8x128xf32, #tpu.memory_space<vmem>>, vector<8x128xf32>
        tpu.vector_store %arg14[%swap3A_76, %swap3A_77], %broadcast_in_dim3A_75 {strides = array<i32>} : memref<8x128xf32, #tpu.memory_space<vmem>>, vector<8x128xf32>,
      } else {
      }
      %get3A_55 = arith.constant 0 : index
      %get3A_56 = arith.constant 0 : index
      %get3A_57 = vector.load %arg14[%get3A_55, %get3A_56] : memref<8x128xf32, #tpu.memory_space<vmem>>, vector<1x128xf32>
      %reduce_sum3A = arith.constant dense<0.000000e+00> : vector<128xf32>
      %reduce_sum3A_58 = vector.multi_reduction <add>, %max3A_43, %reduce_sum3A [0] : vector<1000x128xf32> to vector<128xf32>
      %broadcast_in_dim3A = vector.shape_cast %reduce_sum3A_58 : vector<128xf32> to vector<1x128xf32>
      %add3A_59 = arith.addf %get3A_57, %broadcast_in_dim3A : vector<1x128xf32>
      %swap3A_60 = arith.constant 0 : index
      %swap3A_61 = arith.constant 0 : index
      %swap3A_62 = vector.load %arg14[%swap3A_60, %swap3A_61] : memref<8x128xf32, #tpu.memory_space<vmem>>, vector<1x128xf32>
      tpu.vector_store %arg14[%swap3A_60, %swap3A_61], %add3A_59 {strides = array<i32>} : memref<8x128xf32, #tpu.memory_space<vmem>>, vector<1x128xf32>,
      %get3A_63 = arith.constant 1 : index
      %get3A_64 = arith.constant 0 : index
      %get3A_65 = vector.load %arg14[%get3A_63, %get3A_64] : memref<8x128xf32, #tpu.memory_space<vmem>>, vector<1x128xf32>
      %mul3A_66 = arith.mulf %max3A_43, %max3A_43 : vector<1000x128xf32>
      %reduce_sum3A_67 = arith.constant dense<0.000000e+00> : vector<128xf32>
      %reduce_sum3A_68 = vector.multi_reduction <add>, %mul3A_66, %reduce_sum3A_67 [0] : vector<1000x128xf32> to vector<128xf32>
      %broadcast_in_dim3A_69 = vector.shape_cast %reduce_sum3A_68 : vector<128xf32> to vector<1x128xf32>
      %add3A_70 = arith.addf %get3A_65, %broadcast_in_dim3A_69 : vector<1x128xf32>
      %swap3A_71 = arith.constant 1 : index
      %swap3A_72 = arith.constant 0 : index
      %swap3A_73 = vector.load %arg14[%swap3A_71, %swap3A_72] : memref<8x128xf32, #tpu.memory_space<vmem>>, vector<1x128xf32>
      tpu.vector_store %arg14[%swap3A_71, %swap3A_72], %add3A_70 {strides = array<i32>} : memref<8x128xf32, #tpu.memory_space<vmem>>, vector<1x128xf32>,
    } else {
    }
    %eq3A_2 = arith.constant 1 : i32
    %eq3A_3 = arith.cmpi eq, %arg0, %eq3A_2 : i32
    %convert_element_type3A_4 = arith.extui %eq3A_3 : i1 to i32
    %cond3A_5 = arith.constant 0 : i32
    %cond3A_6 = arith.cmpi ne, %convert_element_type3A_4, %cond3A_5 : i32
    scf.if %cond3A_6 {
      %eq3A_7 = arith.constant 0 : i32
      %eq3A_8 = arith.cmpi eq, %arg1, %eq3A_7 : i32
      %convert_element_type3A_9 = arith.extui %eq3A_8 : i1 to i32
      %cond3A_10 = arith.constant 0 : i32
      %cond3A_11 = arith.cmpi ne, %convert_element_type3A_9, %cond3A_10 : i32
      scf.if %cond3A_11 {
        %get3A_44 = arith.constant 0 : index
        %get3A_45 = arith.constant 0 : index
        %get3A_46 = vector.load %arg14[%get3A_44, %get3A_45] : memref<8x128xf32, #tpu.memory_space<vmem>>, vector<1x128xf32>
        %mul3A_47 = arith.constant 9.99999974E-5 : f32
        %mul3A_48 = vector.broadcast %mul3A_47 : f32 to vector<1x128xf32>
        %mul3A_49 = arith.mulf %get3A_46, %mul3A_48 : vector<1x128xf32>
        %get3A_50 = arith.constant 1 : index
        %get3A_51 = arith.constant 0 : index
        %get3A_52 = vector.load %arg14[%get3A_50, %get3A_51] : memref<8x128xf32, #tpu.memory_space<vmem>>, vector<1x128xf32>
        %mul3A_53 = arith.constant 9.99999974E-5 : f32
        %mul3A_54 = vector.broadcast %mul3A_53 : f32 to vector<1x128xf32>
        %mul3A_55 = arith.mulf %get3A_52, %mul3A_54 : vector<1x128xf32>
        %mul3A_56 = arith.mulf %mul3A_49, %mul3A_49 : vector<1x128xf32>
        %sub3A = arith.subf %mul3A_55, %mul3A_56 : vector<1x128xf32>
        %get3A_57 = arith.constant 0 : index
        %get3A_58 = arith.constant 0 : index
        %get3A_59 = vector.load %arg8[%get3A_57, %get3A_58] : memref<1x128xf32, #tpu.memory_space<vmem>>, vector<1x128xf32>
        %add3A_60 = arith.constant 9.99999974E-6 : f32
        %add3A_61 = vector.broadcast %add3A_60 : f32 to vector<1x128xf32>
        %add3A_62 = arith.addf %sub3A, %add3A_61 : vector<1x128xf32>
        %rsqrt3A = math.rsqrt %add3A_62 : vector<1x128xf32>
        %mul3A_63 = arith.mulf %get3A_59, %rsqrt3A : vector<1x128xf32>
        %swap3A_64 = arith.constant 2 : index
        %swap3A_65 = arith.constant 0 : index
        %swap3A_66 = vector.load %arg14[%swap3A_64, %swap3A_65] : memref<8x128xf32, #tpu.memory_space<vmem>>, vector<1x128xf32>
        tpu.vector_store %arg14[%swap3A_64, %swap3A_65], %mul3A_63 {strides = array<i32>} : memref<8x128xf32, #tpu.memory_space<vmem>>, vector<1x128xf32>,
        %get3A_67 = arith.constant 0 : index
        %get3A_68 = arith.constant 0 : index
        %get3A_69 = vector.load %arg9[%get3A_67, %get3A_68] : memref<1x128xf32, #tpu.memory_space<vmem>>, vector<1x128xf32>
        %mul3A_70 = arith.mulf %mul3A_63, %mul3A_49 : vector<1x128xf32>
        %sub3A_71 = arith.subf %get3A_69, %mul3A_70 : vector<1x128xf32>
        %swap3A_72 = arith.constant 3 : index
        %swap3A_73 = arith.constant 0 : index
        %swap3A_74 = vector.load %arg14[%swap3A_72, %swap3A_73] : memref<8x128xf32, #tpu.memory_space<vmem>>, vector<1x128xf32>
        tpu.vector_store %arg14[%swap3A_72, %swap3A_73], %sub3A_71 {strides = array<i32>} : memref<8x128xf32, #tpu.memory_space<vmem>>, vector<1x128xf32>,
      } else {
      }
      %get3A = arith.constant 2 : index
      %get3A_12 = arith.constant 0 : index
      %get3A_13 = vector.load %arg14[%get3A, %get3A_12] : memref<8x128xf32, #tpu.memory_space<vmem>>, vector<1x128xf32>
      %get3A_14 = arith.constant 3 : index
      %get3A_15 = arith.constant 0 : index
      %get3A_16 = vector.load %arg14[%get3A_14, %get3A_15] : memref<8x128xf32, #tpu.memory_space<vmem>>, vector<1x128xf32>
      %mul3A = arith.constant 1000 : i32
      %mul3A_17 = arith.muli %arg1, %mul3A : i32
      %get3A_18 = arith.index_cast %mul3A_17 : i32 to index
      %get3A_19 = arith.constant 0 : index
      %get3A_20 = vector.load %arg13[%get3A_18, %get3A_19] : memref<10000x128xf32, #tpu.memory_space<vmem>>, vector<1000x128xf32>
      %mul3A_21 = vector.broadcast %get3A_13 : vector<1x128xf32> to vector<1000x128xf32>
      %mul3A_22 = arith.mulf %mul3A_21, %get3A_20 : vector<1000x128xf32>
      %add3A = vector.broadcast %get3A_16 : vector<1x128xf32> to vector<1000x128xf32>
      %add3A_23 = arith.addf %mul3A_22, %add3A : vector<1000x128xf32>
      %swap3A = arith.constant 0 : index
      %swap3A_24 = arith.constant 0 : index
      %swap3A_25 = vector.load %arg11[%swap3A, %swap3A_24] : memref<1000x128xf32, #tpu.memory_space<vmem>>, vector<1000x128xf32>
      tpu.vector_store %arg11[%swap3A, %swap3A_24], %add3A_23 {strides = array<i32>} : memref<1000x128xf32, #tpu.memory_space<vmem>>, vector<1000x128xf32>,
      %get3A_26 = arith.constant 0 : index
      %get3A_27 = arith.constant 0 : index
      %get3A_28 = arith.constant 0 : index
      %get3A_29 = vector.load %arg10[%get3A_26, %get3A_27, %get3A_28] : memref<1x1x1000xi32, #tpu.memory_space<vmem>>, vector<1x1x1000xi32>
      %reshape3A = vector.shape_cast %get3A_29 : vector<1x1x1000xi32> to vector<1x1000xi32>
      %iota3A = tpu.iota {dimensions = array<i32: 0>} : vector<128x1000xi32>
      %eq3A_30 = vector.broadcast %reshape3A : vector<1x1000xi32> to vector<128x1000xi32>
      %eq3A_31 = arith.cmpi eq, %iota3A, %eq3A_30 : vector<128x1000xi32>
      %convert_element_type3A_32 = arith.extui %eq3A_31 : vector<128x1000xi1> to vector<128x1000xi32>
      %convert_element_type3A_33 = arith.sitofp %convert_element_type3A_32 : vector<128x1000xi32> to vector<128x1000xf32>
      %dot_general3A = arith.constant dense<0.000000e+00> : vector<128x128xf32>
      %dot_general3A_34 = tpu.matmul %convert_element_type3A_33, %add3A_23, %dot_general3A {dimension_numbers = #tpu.dot_dimension_numbers<[1], [0], [0], [1], [0, 0, 1, 1], [], []>, transpose_lhs_hint = false} : vector<128x1000xf32>, vector<1000x128xf32>, vector<128x128xf32> -> vector<128x128xf32>
      %eq3A_35 = arith.constant 0 : i32
      %eq3A_36 = arith.cmpi eq, %arg1, %eq3A_35 : i32
      %convert_element_type3A_37 = arith.extui %eq3A_36 : i1 to i32
      %cond3A_38 = arith.constant 0 : i32
      %cond3A_39 = arith.cmpi ne, %convert_element_type3A_37, %cond3A_38 : i32
      scf.if %cond3A_39 {
        %swap3A_44 = arith.constant 0 : index
        %swap3A_45 = arith.constant 0 : index
        %swap3A_46 = vector.load %arg12[%swap3A_44, %swap3A_45] : memref<128x128xf32, #tpu.memory_space<vmem>>, vector<128x128xf32>
        tpu.vector_store %arg12[%swap3A_44, %swap3A_45], %dot_general3A_34 {strides = array<i32>} : memref<128x128xf32, #tpu.memory_space<vmem>>, vector<128x128xf32>,
      } else {
      }
      %ne3A = arith.constant 0 : i32
      %ne3A_40 = arith.cmpi ne, %arg1, %ne3A : i32
      %convert_element_type3A_41 = arith.extui %ne3A_40 : i1 to i32
      %cond3A_42 = arith.constant 0 : i32
      %cond3A_43 = arith.cmpi ne, %convert_element_type3A_41, %cond3A_42 : i32
      scf.if %cond3A_43 {
        %get3A_44 = arith.constant 0 : index
        %get3A_45 = arith.constant 0 : index
        %get3A_46 = vector.load %arg12[%get3A_44, %get3A_45] : memref<128x128xf32, #tpu.memory_space<vmem>>, vector<128x128xf32>
        %add3A_47 = arith.addf %get3A_46, %dot_general3A_34 : vector<128x128xf32>
        %swap3A_48 = arith.constant 0 : index
        %swap3A_49 = arith.constant 0 : index
        %swap3A_50 = vector.load %arg12[%swap3A_48, %swap3A_49] : memref<128x128xf32, #tpu.memory_space<vmem>>, vector<128x128xf32>
        tpu.vector_store %arg12[%swap3A_48, %swap3A_49], %add3A_47 {strides = array<i32>} : memref<128x128xf32, #tpu.memory_space<vmem>>, vector<128x128xf32>,
      } else {
      }
    } else {
    }
    return
  }
  func.func @transform_0(%arg0: i32, %arg1: i32) -> (i32, i32) {
    %c0_i32 = arith.constant 0 : i32
    %c0_i32_0 = arith.constant 0 : i32
    return %arg1, %c0_i32 : i32, i32
  }
  func.func @transform_1(%arg0: i32, %arg1: i32) -> (i32, i32, i32) {
    %c0_i32 = arith.constant 0 : i32
    %c0_i32_0 = arith.constant 0 : i32
    %c0_i32_1 = arith.constant 0 : i32
    return %c0_i32, %arg1, %c0_i32_0 : i32, i32, i32
  }
  func.func @transform_2(%arg0: i32, %arg1: i32) -> (i32, i32) {
    %c0_i32 = arith.constant 0 : i32
    %c0_i32_0 = arith.constant 0 : i32
    %c0_i32_1 = arith.constant 0 : i32
    return %c0_i32, %c0_i32_0 : i32, i32
  }
  func.func @transform_3(%arg0: i32, %arg1: i32) -> (i32, i32) {
    %c0_i32 = arith.constant 0 : i32
    %c0_i32_0 = arith.constant 0 : i32
    %c0_i32_1 = arith.constant 0 : i32
    return %c0_i32, %c0_i32_0 : i32, i32
  }
  func.func @transform_4(%arg0: i32, %arg1: i32) -> (i32, i32) {
    %c0_i32 = arith.constant 0 : i32
    %c0_i32_0 = arith.constant 0 : i32
    %c0_i32_1 = arith.constant 0 : i32
    return %c0_i32, %c0_i32_0 : i32, i32
  }
  func.func @transform_5(%arg0: i32, %arg1: i32) -> (i32, i32) {
    %c0_i32 = arith.constant 0 : i32
    %c0_i32_0 = arith.constant 0 : i32
    %c0_i32_1 = arith.constant 0 : i32
    return %c0_i32, %c0_i32_0 : i32, i32
  }
  func.func @transform_6(%arg0: i32, %arg1: i32) -> (i32, i32) {
    %c0_i32 = arith.constant 0 : i32
    %c0_i32_0 = arith.constant 0 : i32
    %c0_i32_1 = arith.constant 0 : i32
    return %c0_i32, %c0_i32_0 : i32, i32
  }
  func.func @transform_7(%arg0: i32, %arg1: i32) -> (i32, i32) {
    %c0_i32 = arith.constant 0 : i32
    %c0_i32_0 = arith.constant 0 : i32
    %c0_i32_1 = arith.constant 0 : i32
    return %c0_i32, %c0_i32_0 : i32, i32
  }
  func.func @transform_8(%arg0: i32, %arg1: i32) -> (i32, i32, i32) {
    %c0_i32 = arith.constant 0 : i32
    %c0_i32_0 = arith.constant 0 : i32
    %c0_i32_1 = arith.constant 0 : i32
    return %arg1, %c0_i32, %c0_i32_0 : i32, i32, i32
  }
  func.func @transform_9(%arg0: i32, %arg1: i32) -> (i32, i32) {
    %c0_i32 = arith.constant 0 : i32
    %c0_i32_0 = arith.constant 0 : i32
    return %arg1, %c0_i32 : i32, i32
  }
  func.func @transform_10(%arg0: i32, %arg1: i32) -> (i32, i32) {
    %c0_i32 = arith.constant 0 : i32
    %c0_i32_0 = arith.constant 0 : i32
    %c0_i32_1 = arith.constant 0 : i32
    return %c0_i32, %c0_i32_0 : i32, i32
  }
}

</mosaic_0001>

<sc_bundles>
// kernel: kernel.26.cloned.1.call-start
scs
__scs_entry_jumppad:
0x0: {  	(pc) =	sbr.rel $0x88, $3  }
0x1: {  	(tag) =	ssettag $0x0;
	lr =	simm.s32 $0x1  }
0x2: {  	[smem:$0x3F89] =	sst lr;
	_ =	strace $0xD0000000  }
0x3: {  	_ = 	snop  }
0x4: {  	_ = 	snop  }
0x5: {  	_ = 	snop  }
0x6: {  	_ = 	snop  }
0x7: {  	_ = 	snop  }
__scs_overlays_trampoline_lowered:
0x8: {  	[smem:$0x3F98] =	sst s0  }
0x9: {  	[smem:$0x3F99] =	sst s1  }
0xa: {  	[smem:$0x3F9A] =	sst s2  }
0xb: {  	[smem:$0x3F9B] =	sst s3  }
0xc: {  	[smem:$0x3F9C] =	sst s4  }
0xd: {  	[smem:$0x3F9D] =	sst s5  }
0xe: {  	[smem:$0x3F9E] =	sst s6  }
0xf: {  	[smem:$0x3F9F] =	sst s7  }
0x10: {  	[smem:$0x3FA0] =	sst s8  }
0x11: {  	[smem:$0x3FA1] =	sst s9;
	s0 =	simm.s32 @!p0 $0x0  }
0x12: {  	s1 =	sld [smem:$0x3F87];
	s0 =	simm.s32 @p0 $0x1  }
0x13: {  	[smem:$0x3FA2] =	sst s0;
	s0 =	simm.s32 @!p1 $0x0  }
0x14: {  	s2 =	sld [smem:$0x3F86];
	s0 =	simm.s32 @p1 $0x1  }
0x15: {  	[smem:$0x3FA3] =	sst s0;
	s0 =	simm.s32 @!p2 $0x0  }
0x16: {  	s3 =	sld [smem:$0x3FDB];
	s0 =	simm.s32 @p2 $0x1  }
0x17: {  	s4 =	simm.s32 $0x1BF5;
	[smem:$0x3FA5] =	sst s0  }
0x18: {  	s0 =	sld [smem:$0x3F88];
	_ =	swait.ge [sflag:s4], $0x0  }
0x19: {  	s7 =	sld [smem:$0x3F89]  }
0x1a: {  	s8 =	sadd.s32 $0xFFFFE003, lr  }
0x1b: {  	s9 =	sadd.s32 $0xFFFFFEF7, lr;
	s5 =	simm.s32 $0xFFFFFFFF;
	p2 =	slt.u32 s8, $0xFFFFF086  }
0x1c: {  	p1 =	slt.u32 s9, $0xF7A;
	s5 =	simm.s32 @!p2 $0x0  }
0x1d: {  	s5 =	simm.s32 @p1 $0x1;
	p0 =	seq.s32 s7, s2  }
0x1e: {  	s7 =	smul.u32 @!p0 $0xF7A, s2;
	p2 =	seq.s32 @!p0 s5, $0x0  }
0x1f: {  	s9 =	smul.u32 $0xF7A, s1;
	s8 =	simm.s32 @!p0 $0x1BF5;
	p2 =	por !p2, p0  }
0x20: {  	[sflag:s8] =	ssyncset.s32 @!p0 $0xFFFFF086;
	s6 =	sadd.s32 @!p0 s3, s7;
	s7 =	simm.s32 @!p0 $0x108  }
0x21: {  	s3 =	sadd.s32 s3, s9;
	s6 =	sadd.s32 @!p0 $0x88, s6;
	s7 =	simm.s32 @p2 $0x1082  }
0x22: {  	[simem:s7], [sflag:s8] =	dma.local @!p0 [hbm:s6], $0xF7A  }
0x23: {  	s9 =	sor.u32 $0xD0000000, s2;
	s6 =	simm.s32 $0x108;
	_ =	swait.ge @!p0 [sflag:s8], $0x0  }
0x24: {  	s3 =	sadd.s32 $0x88, s3;
	s6 =	simm.s32 @!p1 $0x1082;
	[sflag:s4] =	ssyncset.s32 $0xFFFFF086  }
0x25: {  	[simem:s6], [sflag:s4] =	dma.local [hbm:s3], $0xF7A  }
0x26: {  	[smem:$0x3F89] =	sst s1;
	(tag) =	ssettag s2;
	_ =	strace s9  }
0x27: {  	s1 =	sld [smem:$0x3F99]  }
0x28: {  	s2 =	sld [smem:$0x3F9A]  }
0x29: {  	s4 =	sld [smem:$0x3F9C]  }
0x2a: {  	p0 =	seq.s32 s5, $0x0;
	s5 =	sld [smem:$0x3F9D]  }
0x2b: {  	s6 =	sld [smem:$0x3F9E]  }
0x2c: {  	s7 =	sld [smem:$0x3F9F]  }
0x2d: {  	s3 =	simm.s32 $0x108;
	s8 =	sld [smem:$0x3FA0]  }
0x2e: {  	s3 =	simm.s32 @!p0 $0x1082;
	s9 =	sld [smem:$0x3FA1]  }
0x2f: {  	lr =	sadd.s32 s0, s3;
	s0 =	sld [smem:$0x3F98]  }
0x30: {  	s3 =	sld [smem:$0x3F9B]  }
0x31: {  	[smem:$0x3FA4] =	sst s10  }
0x32: {  	s10 =	sld [smem:$0x3FA2];
	_ =	sdelay $0x3  }
0x33: {  	p0 =	seq.s32 s10, $0x1;
	s10 =	sld [smem:$0x3FA4];
	_ =	sdelay $0x3  }
0x34: {  	[smem:$0x3FA4] =	sst s10  }
0x35: {  	s10 =	sld [smem:$0x3FA3];
	_ =	sdelay $0x3  }
0x36: {  	p1 =	seq.s32 s10, $0x1;
	s10 =	sld [smem:$0x3FA4];
	_ =	sdelay $0x3  }
0x37: {  	[smem:$0x3FA4] =	sst s10  }
0x38: {  	s10 =	sld [smem:$0x3FA5]  }
0x39: {  	_ = 	snop;
	(pc) =	sbr.ind lr, $3  }
0x3a: {  	_ = 	snop  }
0x3b: {  	_ = 	snop  }
0x3c: {  	p2 =	seq.s32 s10, $0x1;
	s10 =	sld [smem:$0x3FA4]  }
0x3d: {  	_ =	shalt  }
0x3e: {  	_ =	shalt  }
0x3f: {  	_ =	shalt  }
0x40: {  	_ =	shalt  }
0x41: {  	_ =	shalt  }
0x42: {  	_ =	shalt  }
0x43: {  	_ =	shalt  }
0x44: {  	_ =	shalt  }
0x45: {  	_ =	shalt  }
0x46: {  	_ =	shalt  }
0x47: {  	_ =	shalt  }
0x48: {  	_ =	shalt  }
0x49: {  	_ =	shalt  }
0x4a: {  	_ =	shalt  }
0x4b: {  	_ =	shalt  }
0x4c: {  	_ =	shalt  }
0x4d: {  	_ =	shalt  }
0x4e: {  	_ =	shalt  }
0x4f: {  	_ =	shalt  }
0x50: {  	_ =	shalt  }
0x51: {  	_ =	shalt  }
0x52: {  	_ =	shalt  }
0x53: {  	_ =	shalt  }
0x54: {  	_ =	shalt  }
0x55: {  	_ =	shalt  }
0x56: {  	_ =	shalt  }
0x57: {  	_ =	shalt  }
0x58: {  	_ =	shalt  }
0x59: {  	_ =	shalt  }
0x5a: {  	_ =	shalt  }
0x5b: {  	_ =	shalt  }
0x5c: {  	_ =	shalt  }
0x5d: {  	_ =	shalt  }
0x5e: {  	_ =	shalt  }
0x5f: {  	_ =	shalt  }
0x60: {  	_ =	shalt  }
0x61: {  	_ =	shalt  }
0x62: {  	_ =	shalt  }
0x63: {  	_ =	shalt  }
0x64: {  	_ =	shalt  }
0x65: {  	_ =	shalt  }
0x66: {  	_ =	shalt  }
0x67: {  	_ =	shalt  }
0x68: {  	_ =	shalt  }
0x69: {  	_ =	shalt  }
0x6a: {  	_ =	shalt  }
0x6b: {  	_ =	shalt  }
0x6c: {  	_ =	shalt  }
0x6d: {  	_ =	shalt  }
0x6e: {  	_ =	shalt  }
0x6f: {  	_ =	shalt  }
0x70: {  	_ =	shalt  }
0x71: {  	_ =	shalt  }
0x72: {  	_ =	shalt  }
0x73: {  	_ =	shalt  }
0x74: {  	_ =	shalt  }
0x75: {  	_ =	shalt  }
0x76: {  	_ =	shalt  }
0x77: {  	_ =	shalt  }
0x78: {  	_ =	shalt  }
0x79: {  	_ =	shalt  }
0x7a: {  	_ =	shalt  }
0x7b: {  	_ =	shalt  }
0x7c: {  	_ =	shalt  }
0x7d: {  	_ =	shalt  }
0x7e: {  	_ =	shalt  }
0x7f: {  	_ =	shalt  }
0x80: {  	_ =	shalt  }
0x81: {  	_ =	shalt  }
0x82: {  	_ =	shalt  }
0x83: {  	_ =	shalt  }
0x84: {  	_ =	shalt  }
0x85: {  	_ =	shalt  }
0x86: {  	_ =	shalt  }
0x87: {  	_ =	shalt  }
.Lfunc_end0:
.L_simem_size_0:
called_computation_lowered:
.L_overlay_start_0:
0x88: {  	s2 =	sld [smem:$0x3FD9]  }
0x89: {  	s3 =	sld [smem:$0x3FFE];
	_ =	sdelay $0x1  }
0x8a: {  	s1 =	srdreg.scid  }
0x8b: {  	s0 =	sand.u32 $0x1, s1  }
0x8c: {  	s17 =	sshll.u32 s0, $0xA;
	s2 =	sadd.s32 s3, s2  }
0x8d: {  	s2 =	sadd.s32 s2, s17  }
0x8e: {  	[smem:$0x3FB0] =	sst s2  }
0x8f: {  	_ = 	snop  }
0x90: {  	s2 =	sld [smem:$0x3FC9];
	(tm) =	ssettm $0x1  }
0x91: {  	s18 =	sld [smem:$0x3FFB];
	_ =	sdelay $0x3  }
0x92: {  	_ =	strace s18  }
0x93: {  	s3 =	sld [smem:$0x3FFC];
	_ =	sdelay $0x3  }
0x94: {  	_ =	strace s3  }
0x95: {  	s3 =	sld [smem:$0x3FFD];
	_ =	sdelay $0x3  }
0x96: {  	_ =	strace s3  }
0x97: {  	_ =	strace $0x8FFFFFFF  }
0x98: {  	s19 =	sld [smem:$0x3FDB];
	_ =	sdelay $0x1  }
0x99: {  	s4 =	simm.s32 $_scs_section_size  }
0x9a: {  	s5 =	simm.s32 $_size__tile_overlayer_lowered;
	s6 =	simm.s32 $_tile_overlayer_lowered  }
0x9b: {  	s22 =	simm.s32 $0x1BFF;
	s21 =	sshll.u32 s6, $0x1;
	s3 =	sadd.s32 s4, s19  }
0x9c: {  	s7 =	simm.s32 $0x0;
	s20 =	sshll.u32 s5, $0x1;
	s5 =	sadd.s32 s21, s3  }
0x9d: {  	[timem:s7], [sflag:s22] =	dma.local [hbm:s5], s20  }
0x9e: {  	_ =	swait.ge [sflag:s22], s20  }
0x9f: {  	s4 =	ssub.s32 $0x0, s20;
	[sflag:s22] =	ssyncset.done $0x0  }
0xa0: {  	[sflag:s22] =	ssyncadd.s32 s4;
	_ =	sdelay $0x1  }
0xa1: {  	s23 =	simm.s32 $0x1B8B  }
0xa2: {  	_ =	swait.ge [sflag:s23], $0x1  }
0xa3: {  	[sflag:s23] =	ssyncset.done $0x0  }
0xa4: {  	s25 =	simm.s32 $0x1B8E;
	s24 =	sld [smem:$0x3FFE];
	[sflag:s23] =	ssyncadd.s32 $0xFFFFFFFF  }
0xa5: {  	s26 =	simm.s32 $execute0_lowered;
	[smem:$0x3FD2] =	sst s25  }
0xa6: {  	s5 =	sshll.u32 s26, $0x1;
	_ =	strace $0x80000046;
	[dreg:$0x1] =	wrdreg $0xFFFFFFFF  }
0xa7: {  	s28 =	simm.s32 $_size_execute0_lowered;
	s3 =	sadd.s32 s3, s5;
	[dreg:$0x0] =	wrdreg $0x0  }
0xa8: {  	s5 =	sshll.u32 s28, $0x1;
	[dreg:$0x2] =	wrdreg s3  }
0xa9: {  	[dreg:$0x3] =	wrdreg s5  }
0xaa: {  	[dreg:$0x4] =	wrdreg $0xC0  }
0xab: {  	_ =	task [dreg:s7], $0x5FFFF  }
0xac: {  	[dreg:$0x1] =	wrdreg $0xFFFFFFFF  }
0xad: {  	[dreg:$0x0] =	wrdreg $0x60  }
0xae: {  	[dreg:$0x2] =	wrdreg s24  }
0xaf: {  	[dreg:$0x3] =	wrdreg s2  }
0xb0: {  	[dreg:$0x4] =	wrdreg $0x21000  }
0xb1: {  	[dreg:$0x5] =	wrdreg $0x9  }
0xb2: {  	_ =	task.clear_ibuf [dreg:s7], $0x6FFFF;
	_ =	strace $0x90000046  }
0xb3: {  	s29 =	simm.s32 $0x9;
	_ =	strace $0x80000048  }
0xb4: {  	_ =	swait.ge [sflag:s29], $0x1  }
0xb5: {  	[sflag:s29] =	ssyncadd.s32 $0xFFFFFFFF  }
0xb6: {  	_ =	strace $0x90000048  }
0xb7: {  	_ =	sfence  }
0xb8: {  	s30 =	sld [smem:$0x0];
	_ =	sdelay $0x2  }
0xb9: {  	s31 =	sshll.u32 s1, $0xD;
	s1 =	sshrl.u32 s1, $0x2  }
0xba: {  	s3 =	sand.u32 $0x4000, s31;
	s1 =	sadd.s32 s1, s30  }
0xbb: {  	s0 =	sor.u32 s3, s0;
	s1 =	sshll.u32 s1, $0x11  }
0xbc: {  	s0 =	sor.u32 s1, s0  }
0xbd: {  	s0 =	sadd.s32 $0x8F2B, s0  }
0xbe: {  	[sflag:s0] =	ssyncadd.remote.s32 $0x1  }
0xbf: {  	_ =	sfence.sel $0xFFFF  }
0xc0: {  	[dreg:$0x0] =	wrdreg $0xFFFFFFFF;
	(pc) =	sbr.abs _section_cstart, $3  }
0xc1: {  	[dreg:$0x1] =	wrdreg $0xFFFFFFFF  }
0xc2: {  	_ =	task.clear_ibuf [dreg:s7], $0x2FFFF;
	_ =	strace $0x9FFFFFFF  }
0xc3: {  	(tm) =	ssettm $0x7FFFFFFF  }
tec
execute0_lowered:
.L_overlay_start_1:
0x0: {  	(tag) =	ssettag $0x1  }
0x1: {  	s5 =	rddreg [dreg:$0x0]  }
0x2: {  	s0 =	srdreg.scid;
	s2 =	rddreg [dreg:$0x1]  }
0x3: {  	s3 =	rddreg [dreg:$0x2];
	s6 =	sand.u32 $0x1, s0  }
0x4: {  	s0 =	stileid.u32;
	s7 =	smul.u32 $0x27400, s6  }
0x5: {  	s1 =	rddreg [dreg:$0x3];
	s4 =	simm.s32 $0x0;
	s8 =	smul.u32 $0x2740, s0  }
0x6: {  	s13 =	simm.s32 $0x40;
	s14 =	simm.s32 $0x100;
	s16 =	smul.u32 $0x2800, s0  }
0x7: {  	s15 =	simm.s32 $0x1;
	[smem:$0x7FF] =	sst s4;
	s26 =	smul.u32 $0x28000, s6  }
0x8: {  	_ =	strace $0x80000047;
	s6 =	ssub.s32 $0x2, s6;
	s28 =	smul.u32 $0x50000, s0  }
0x9: {  	s31 =	sshll.u32 s0, $0x6;
	s29 =	sshrl.u32 s6, $0x1;
	s7 =	sadd.s32 s8, s7  }
0xa: {  	s10 =	sadd.s32 s16, s5;
	s8 =	sadd.s32 s26, s5;
	s11 =	ssub.s32 s6, s29  }
0xb: {  	s30 =	sshrl.u32 s28, $0x2;
	s6 =	sor.u32 $0x1C02, s31;
	s7 =	sshrl.u32 s7, $0x3  }
0xc: {  	s12 =	sadd.s32 s30, s3;
	s17 =	sadd.s32 $0x49400, s8;
	s9 =	sadd.s32 s7, s5  }
0xd: {  	s5 =	sadd.s32 $0x21400, s10;
	s7 =	smax.u32 s11, $0x1;
	s10 =	sshrl.u32 s12, $0x3  }
0xe: {  	s11 =	simm.s32 $0x2;
	s12 =	simm.s32 $0x80;
	s16 =	sadd.s32 s16, s17  }
0xf: {  	s17 =	simm.s32 $0x0;
	s8 =	sadd.s32 $0x17600, s9;
	s9 =	sadd.s32 $0xD800, s9  }
.LBB2_1:
0x10: {  	[spmem:s10], [sflag:s6] =	dma.local [hbm:s5], $0x2800  }
0x11: {  	_ =	swait.ge [sflag:s11], $0x2800  }
0x12: {  	[sflag:s11] =	ssyncset.done $0x0  }
0x13: {  	[sflag:s11] =	ssyncadd.s32 $0xFFFFD800  }
0x14: {  	s18 =	sadd.s32 $0x0, s9;
	[bflag:$0x0] =	sbarrier.arrive $0xFFFF  }
0x15: {  	[tilespmem:s4], [sflag:$0x2] =	stream.linear.gather [hbm4b:s18+s4], $0x40, $0x38;
	[tilespmem:$0x16100] =	vst v63  }
0x16: {  	_ =	swait.ge [sflag:s11], $0x40  }
0x17: {  	[sflag:s11] =	ssyncset.done $0x0  }
0x18: {  	s31 =	sadd.s32 $0x0, s8;
	[sflag:s11] =	ssyncadd.s32 $0xFFFFFFC0  }
0x19: {  	[tilespmem:s12], [sflag:$0x2] =	stream.linear.gather [hbm4b:s31+s4], $0x40, $0x38;
	[tilespmem:$0x16100] =	vst v63  }
0x1a: {  	_ =	swait.ge [sflag:s11], $0x40  }
0x1b: {  	[sflag:s11] =	ssyncset.done $0x0  }
0x1c: {  	[sflag:s11] =	ssyncadd.s32 $0xFFFFFFC0  }
0x1d: {  	[tilespmem:s14], [sflag:$0x1] =	stream.indirect.gather [hbm4b:s2+s13], $0x80, s4, s13, $0xb8;
	[tilespmem:$0x16100] =	vst v63  }
0x1e: {  	_ =	swait.ge [sflag:s15], $0x2000  }
0x1f: {  	[sflag:s15] =	ssyncset.done $0x0  }
0x20: {  	[sflag:s15] =	ssyncadd.s32 $0xFFFFE000  }
0x21: {  	[spmem:s3] =	stream.indirect.scatter.add.f32 [tilespmem:s14], [sflag:$0x2], $0x80, s12, s13, $0xb8;
	[tilespmem:$0x16100] =	vst v63  }
0x22: {  	_ =	swait.ge [sflag:s11], $0x2000  }
0x23: {  	s19 =	simm.s32 $0x10;
	s18 =	simm.s32 $0x8;
	[sflag:s11] =	ssyncset.done $0x0  }
.LBB2_2:
0x24: {  	s20 =	sadd.s32 s18, s9  }
0x25: {  	[sflag:s11] =	ssyncadd.s32 $0xFFFFE000;
	s21 =	smov.u32 s19;
	s22 =	sadd.s32 $0x8, s19  }
0x26: {  	[tilespmem:s4], [sflag:$0x2] =	stream.linear.gather [hbm4b:s20+s4], $0x40, $0x38;
	[tilespmem:$0x16100] =	vst v63  }
0x27: {  	p0 =	sne.s32 s19, $0x4E0;
	_ =	swait.ge [sflag:s11], $0x40  }
0x28: {  	[sflag:s11] =	ssyncset.done $0x0  }
0x29: {  	s19 =	sadd.s32 s18, s8;
	s18 =	smov.u32 s21;
	[sflag:s11] =	ssyncadd.s32 $0xFFFFFFC0  }
0x2a: {  	[tilespmem:s12], [sflag:$0x2] =	stream.linear.gather [hbm4b:s19+s4], $0x40, $0x38;
	[tilespmem:$0x16100] =	vst v63  }
0x2b: {  	_ =	swait.ge [sflag:s11], $0x40  }
0x2c: {  	[sflag:s11] =	ssyncset.done $0x0  }
0x2d: {  	[sflag:s11] =	ssyncadd.s32 $0xFFFFFFC0  }
0x2e: {  	[tilespmem:s14], [sflag:$0x1] =	stream.indirect.gather [hbm4b:s2+s13], $0x80, s4, s13, $0xb8;
	[tilespmem:$0x16100] =	vst v63  }
0x2f: {  	_ =	swait.ge [sflag:s15], $0x2000  }
.Ltmp0:
0x30: {  	[sflag:s15] =	ssyncset.done $0x0;
	(pc) =	sbr.rel @p0 .LBB2_2-.Ltmp0, $4  }
0x31: {  	[sflag:s15] =	ssyncadd.s32 $0xFFFFE000  }
0x32: {  	[spmem:s3] =	stream.indirect.scatter.add.f32 [tilespmem:s14], [sflag:$0x2], $0x80, s12, s13, $0xb8;
	[tilespmem:$0x16100] =	vst v63  }
0x33: {  	_ =	swait.ge [sflag:s11], $0x2000  }
0x34: {  	s19 =	smov.u32 s22;
	[sflag:s11] =	ssyncset.done $0x0  }
0x35: {  	s19 =	sadd.s32 s18, s9;
	[sflag:s11] =	ssyncadd.s32 $0xFFFFE000  }
0x36: {  	[tilespmem:s4], [sflag:$0x2] =	stream.linear.gather [hbm4b:s19+s4], $0x40, $0x38;
	[tilespmem:$0x16100] =	vst v63  }
0x37: {  	_ =	swait.ge [sflag:s11], $0x40  }
0x38: {  	[sflag:s11] =	ssyncset.done $0x0  }
0x39: {  	s31 =	sadd.s32 s18, s8;
	[sflag:s11] =	ssyncadd.s32 $0xFFFFFFC0  }
0x3a: {  	[tilespmem:s12], [sflag:$0x2] =	stream.linear.gather [hbm4b:s31+s4], $0x40, $0x38;
	[tilespmem:$0x16100] =	vst v63  }
0x3b: {  	_ =	swait.ge [sflag:s11], $0x40  }
0x3c: {  	[sflag:s11] =	ssyncset.done $0x0  }
0x3d: {  	[sflag:s11] =	ssyncadd.s32 $0xFFFFFFC0  }
0x3e: {  	[tilespmem:s14], [sflag:$0x1] =	stream.indirect.gather [hbm4b:s2+s13], $0x80, s4, s13, $0xb8;
	[tilespmem:$0x16100] =	vst v63  }
0x3f: {  	_ =	swait.ge [sflag:s15], $0x2000  }
0x40: {  	[sflag:s15] =	ssyncset.done $0x0  }
0x41: {  	[sflag:s15] =	ssyncadd.s32 $0xFFFFE000  }
0x42: {  	[spmem:s3] =	stream.indirect.scatter.add.f32 [tilespmem:s14], [sflag:$0x2], $0x80, s12, s13, $0xb8;
	[tilespmem:$0x16100] =	vst v63  }
0x43: {  	_ =	swait.ge [sflag:s11], $0x2000  }
0x44: {  	s17 =	sadd.s32 $0x1, s17;
	[sflag:s11] =	ssyncset.done $0x0  }
0x45: {  	p0 =	sne.s32 s17, s7;
	[sflag:s11] =	ssyncadd.s32 $0xFFFFE000  }
.Ltmp1:
0x46: {  	[bflag:$0x0] =	sbarrier.arrive $0xFFFF;
	(pc) =	sbr.rel @p0 .LBB2_1-.Ltmp1, $4  }
0x47: {  	[hbm:s16], [sflag:s6] =	dma.local [spmem:s10], $0x2800  }
0x48: {  	_ =	swait.ge [sflag:s11], $0x2800  }
0x49: {  	[sflag:s11] =	ssyncset.done $0x0  }
0x4a: {  	[sflag:s11] =	ssyncadd.s32 $0xFFFFD800  }
0x4b: {  	_ =	sfence.sel $0x180000  }
0x4c: {  	[bflag:$0x0] =	sbarrier.arrive $0xFFFF  }
0x4d: {  	p0 =	sne.s32 s0, $0x0;
	_ =	strace $0x90000047  }
0x4e: {  	s0 =	sadd.s32 @!p0 $0x100000, s1;
	[bflag:$0x2] =	sbarrier.arrive $0xFFFF  }
0x4f: {  	[sflag:s0] =	ssyncadd.tile.s32 @!p0 $0x1;
	_ =	shalt  }
.Lfunc_end2:
_tile_overlayer_lowered:
.L_overlay_start_2:
0x50: {  	(tag) =	ssettag $0x2  }
0x51: {  	s0 =	rddreg [dreg:$0x0];
	s2 =	stileid.u32  }
0x52: {  	s1 =	rddreg [dreg:$0x1];
	p0 =	sne.s32 s2, $0x0  }
0x53: {  	s3 =	rddreg [dreg:$0x2];
	[bflag:$0x3] =	sbarrier.arrive $0xFFFF;
	s2 =	simm.s32 @!p0 $0x1C02  }
0x54: {  	[timem:s3], [sflag:s2] =	dma.local @!p0 [hbm:s0], s1  }
0x55: {  	s0 =	simm.s32 @!p0 $0x2  }
0x56: {  	_ =	swait.ge @!p0 [sflag:s0], s1  }
0x57: {  	s1 =	ssub.s32 @!p0 $0x0, s1;
	[sflag:s0] =	ssyncset.done @!p0 $0x0  }
0x58: {  	[sflag:s0] =	ssyncadd.s32 @!p0 s1  }
0x59: {  	[bflag:$0x3] =	sbarrier.arrive $0xFFFF  }
0x5a: {  	_ =	shalt  }

// kernel: kernel.29.cloned.1.call-start
scs
__scs_entry_jumppad:
0x0: {  	(pc) =	sbr.rel $0x88, $3  }
0x1: {  	(tag) =	ssettag $0x0;
	lr =	simm.s32 $0x1  }
0x2: {  	[smem:$0x3F89] =	sst lr;
	_ =	strace $0xD0000000  }
0x3: {  	_ = 	snop  }
0x4: {  	_ = 	snop  }
0x5: {  	_ = 	snop  }
0x6: {  	_ = 	snop  }
0x7: {  	_ = 	snop  }
__scs_overlays_trampoline_lowered:
0x8: {  	[smem:$0x3F98] =	sst s0  }
0x9: {  	[smem:$0x3F99] =	sst s1  }
0xa: {  	[smem:$0x3F9A] =	sst s2  }
0xb: {  	[smem:$0x3F9B] =	sst s3  }
0xc: {  	[smem:$0x3F9C] =	sst s4  }
0xd: {  	[smem:$0x3F9D] =	sst s5  }
0xe: {  	[smem:$0x3F9E] =	sst s6  }
0xf: {  	[smem:$0x3F9F] =	sst s7  }
0x10: {  	[smem:$0x3FA0] =	sst s8  }
0x11: {  	[smem:$0x3FA1] =	sst s9;
	s0 =	simm.s32 @!p0 $0x0  }
0x12: {  	s1 =	sld [smem:$0x3F87];
	s0 =	simm.s32 @p0 $0x1  }
0x13: {  	[smem:$0x3FA2] =	sst s0;
	s0 =	simm.s32 @!p1 $0x0  }
0x14: {  	s2 =	sld [smem:$0x3F86];
	s0 =	simm.s32 @p1 $0x1  }
0x15: {  	[smem:$0x3FA3] =	sst s0;
	s0 =	simm.s32 @!p2 $0x0  }
0x16: {  	s3 =	sld [smem:$0x3FDB];
	s0 =	simm.s32 @p2 $0x1  }
0x17: {  	s4 =	simm.s32 $0x1BF5;
	[smem:$0x3FA5] =	sst s0  }
0x18: {  	s0 =	sld [smem:$0x3F88];
	_ =	swait.ge [sflag:s4], $0x0  }
0x19: {  	s7 =	sld [smem:$0x3F89]  }
0x1a: {  	s8 =	sadd.s32 $0xFFFFE003, lr  }
0x1b: {  	s9 =	sadd.s32 $0xFFFFFEF7, lr;
	s5 =	simm.s32 $0xFFFFFFFF;
	p2 =	slt.u32 s8, $0xFFFFF086  }
0x1c: {  	p1 =	slt.u32 s9, $0xF7A;
	s5 =	simm.s32 @!p2 $0x0  }
0x1d: {  	s5 =	simm.s32 @p1 $0x1;
	p0 =	seq.s32 s7, s2  }
0x1e: {  	s7 =	smul.u32 @!p0 $0xF7A, s2;
	p2 =	seq.s32 @!p0 s5, $0x0  }
0x1f: {  	s9 =	smul.u32 $0xF7A, s1;
	s8 =	simm.s32 @!p0 $0x1BF5;
	p2 =	por !p2, p0  }
0x20: {  	[sflag:s8] =	ssyncset.s32 @!p0 $0xFFFFF086;
	s6 =	sadd.s32 @!p0 s3, s7;
	s7 =	simm.s32 @!p0 $0x108  }
0x21: {  	s3 =	sadd.s32 s3, s9;
	s6 =	sadd.s32 @!p0 $0x88, s6;
	s7 =	simm.s32 @p2 $0x1082  }
0x22: {  	[simem:s7], [sflag:s8] =	dma.local @!p0 [hbm:s6], $0xF7A  }
0x23: {  	s9 =	sor.u32 $0xD0000000, s2;
	s6 =	simm.s32 $0x108;
	_ =	swait.ge @!p0 [sflag:s8], $0x0  }
0x24: {  	s3 =	sadd.s32 $0x88, s3;
	s6 =	simm.s32 @!p1 $0x1082;
	[sflag:s4] =	ssyncset.s32 $0xFFFFF086  }
0x25: {  	[simem:s6], [sflag:s4] =	dma.local [hbm:s3], $0xF7A  }
0x26: {  	[smem:$0x3F89] =	sst s1;
	(tag) =	ssettag s2;
	_ =	strace s9  }
0x27: {  	s1 =	sld [smem:$0x3F99]  }
0x28: {  	s2 =	sld [smem:$0x3F9A]  }
0x29: {  	s4 =	sld [smem:$0x3F9C]  }
0x2a: {  	p0 =	seq.s32 s5, $0x0;
	s5 =	sld [smem:$0x3F9D]  }
0x2b: {  	s6 =	sld [smem:$0x3F9E]  }
0x2c: {  	s7 =	sld [smem:$0x3F9F]  }
0x2d: {  	s3 =	simm.s32 $0x108;
	s8 =	sld [smem:$0x3FA0]  }
0x2e: {  	s3 =	simm.s32 @!p0 $0x1082;
	s9 =	sld [smem:$0x3FA1]  }
0x2f: {  	lr =	sadd.s32 s0, s3;
	s0 =	sld [smem:$0x3F98]  }
0x30: {  	s3 =	sld [smem:$0x3F9B]  }
0x31: {  	[smem:$0x3FA4] =	sst s10  }
0x32: {  	s10 =	sld [smem:$0x3FA2];
	_ =	sdelay $0x3  }
0x33: {  	p0 =	seq.s32 s10, $0x1;
	s10 =	sld [smem:$0x3FA4];
	_ =	sdelay $0x3  }
0x34: {  	[smem:$0x3FA4] =	sst s10  }
0x35: {  	s10 =	sld [smem:$0x3FA3];
	_ =	sdelay $0x3  }
0x36: {  	p1 =	seq.s32 s10, $0x1;
	s10 =	sld [smem:$0x3FA4];
	_ =	sdelay $0x3  }
0x37: {  	[smem:$0x3FA4] =	sst s10  }
0x38: {  	s10 =	sld [smem:$0x3FA5]  }
0x39: {  	_ = 	snop;
	(pc) =	sbr.ind lr, $3  }
0x3a: {  	_ = 	snop  }
0x3b: {  	_ = 	snop  }
0x3c: {  	p2 =	seq.s32 s10, $0x1;
	s10 =	sld [smem:$0x3FA4]  }
0x3d: {  	_ =	shalt  }
0x3e: {  	_ =	shalt  }
0x3f: {  	_ =	shalt  }
0x40: {  	_ =	shalt  }
0x41: {  	_ =	shalt  }
0x42: {  	_ =	shalt  }
0x43: {  	_ =	shalt  }
0x44: {  	_ =	shalt  }
0x45: {  	_ =	shalt  }
0x46: {  	_ =	shalt  }
0x47: {  	_ =	shalt  }
0x48: {  	_ =	shalt  }
0x49: {  	_ =	shalt  }
0x4a: {  	_ =	shalt  }
0x4b: {  	_ =	shalt  }
0x4c: {  	_ =	shalt  }
0x4d: {  	_ =	shalt  }
0x4e: {  	_ =	shalt  }
0x4f: {  	_ =	shalt  }
0x50: {  	_ =	shalt  }
0x51: {  	_ =	shalt  }
0x52: {  	_ =	shalt  }
0x53: {  	_ =	shalt  }
0x54: {  	_ =	shalt  }
0x55: {  	_ =	shalt  }
0x56: {  	_ =	shalt  }
0x57: {  	_ =	shalt  }
0x58: {  	_ =	shalt  }
0x59: {  	_ =	shalt  }
0x5a: {  	_ =	shalt  }
0x5b: {  	_ =	shalt  }
0x5c: {  	_ =	shalt  }
0x5d: {  	_ =	shalt  }
0x5e: {  	_ =	shalt  }
0x5f: {  	_ =	shalt  }
0x60: {  	_ =	shalt  }
0x61: {  	_ =	shalt  }
0x62: {  	_ =	shalt  }
0x63: {  	_ =	shalt  }
0x64: {  	_ =	shalt  }
0x65: {  	_ =	shalt  }
0x66: {  	_ =	shalt  }
0x67: {  	_ =	shalt  }
0x68: {  	_ =	shalt  }
0x69: {  	_ =	shalt  }
0x6a: {  	_ =	shalt  }
0x6b: {  	_ =	shalt  }
0x6c: {  	_ =	shalt  }
0x6d: {  	_ =	shalt  }
0x6e: {  	_ =	shalt  }
0x6f: {  	_ =	shalt  }
0x70: {  	_ =	shalt  }
0x71: {  	_ =	shalt  }
0x72: {  	_ =	shalt  }
0x73: {  	_ =	shalt  }
0x74: {  	_ =	shalt  }
0x75: {  	_ =	shalt  }
0x76: {  	_ =	shalt  }
0x77: {  	_ =	shalt  }
0x78: {  	_ =	shalt  }
0x79: {  	_ =	shalt  }
0x7a: {  	_ =	shalt  }
0x7b: {  	_ =	shalt  }
0x7c: {  	_ =	shalt  }
0x7d: {  	_ =	shalt  }
0x7e: {  	_ =	shalt  }
0x7f: {  	_ =	shalt  }
0x80: {  	_ =	shalt  }
0x81: {  	_ =	shalt  }
0x82: {  	_ =	shalt  }
0x83: {  	_ =	shalt  }
0x84: {  	_ =	shalt  }
0x85: {  	_ =	shalt  }
0x86: {  	_ =	shalt  }
0x87: {  	_ =	shalt  }
.Lfunc_end0:
.L_simem_size_0:
called_computation.1_lowered:
.L_overlay_start_0:
0x88: {  	s2 =	sld [smem:$0x3FD9]  }
0x89: {  	s3 =	sld [smem:$0x3FFE];
	_ =	sdelay $0x1  }
0x8a: {  	s1 =	srdreg.scid  }
0x8b: {  	s0 =	sand.u32 $0x1, s1  }
0x8c: {  	s17 =	sshll.u32 s0, $0xA;
	s2 =	sadd.s32 s3, s2  }
0x8d: {  	s2 =	sadd.s32 s2, s17  }
0x8e: {  	[smem:$0x3FB0] =	sst s2  }
0x8f: {  	_ = 	snop  }
0x90: {  	(tm) =	ssettm $0x1  }
0x91: {  	s18 =	sld [smem:$0x3FFB];
	_ =	sdelay $0x3  }
0x92: {  	_ =	strace s18  }
0x93: {  	s2 =	sld [smem:$0x3FFC];
	_ =	sdelay $0x3  }
0x94: {  	_ =	strace s2  }
0x95: {  	s2 =	sld [smem:$0x3FFD];
	_ =	sdelay $0x3  }
0x96: {  	_ =	strace s2  }
0x97: {  	_ =	strace $0x8FFFFFFF  }
0x98: {  	s19 =	sld [smem:$0x3FDB];
	_ =	sdelay $0x1  }
0x99: {  	s20 =	simm.s32 $_scs_section_size  }
0x9a: {  	s4 =	simm.s32 $_size__tile_overlayer_lowered;
	s5 =	simm.s32 $_tile_overlayer_lowered  }
0x9b: {  	s6 =	simm.s32 $0x1BFF;
	s21 =	sshll.u32 s5, $0x1;
	s3 =	sadd.s32 s20, s19  }
0x9c: {  	s22 =	simm.s32 $0x0;
	s4 =	sshll.u32 s4, $0x1;
	s5 =	sadd.s32 s21, s3  }
0x9d: {  	[timem:s22], [sflag:s6] =	dma.local [hbm:s5], s4  }
0x9e: {  	_ =	swait.ge [sflag:s6], s4  }
0x9f: {  	s4 =	ssub.s32 $0x0, s4;
	[sflag:s6] =	ssyncset.done $0x0  }
0xa0: {  	[sflag:s6] =	ssyncadd.s32 s4;
	_ =	sdelay $0x1  }
0xa1: {  	s23 =	simm.s32 $0x1B8B  }
0xa2: {  	_ =	swait.ge [sflag:s23], $0x1  }
0xa3: {  	[sflag:s23] =	ssyncset.done $0x0  }
0xa4: {  	[sflag:s23] =	ssyncadd.s32 $0xFFFFFFFF  }
0xa5: {  	s4 =	sld [smem:$0x0]  }
0xa6: {  	s5 =	sand.u32 $0xFFFFFFFE, s1  }
0xa7: {  	p0 =	sne.s32 s1, s5  }
0xa8: {  	s5 =	sshll.u32 @p0 s5, $0xE  }
0xa9: {  	s5 =	sadd.s32 @p0 $0x11B8D, s5;
	s6 =	sshll.u32 @p0 s4, $0x11  }
0xaa: {  	s5 =	sor.u32 @p0 s6, s5  }
0xab: {  	[sflag:s5] =	ssyncadd.remote.s32 @p0 $0x1;
	_ =	sdelay $0x1  }
0xac: {  	s5 =	simm.s32 @p0 $0x1B8D  }
0xad: {  	_ =	swait.eq @p0 [sflag:s5], $0x1  }
0xae: {  	[sflag:s5] =	ssyncadd.s32 @p0 $0xFFFFFFFF  }
0xaf: {  	s6 =	sshll.u32 @!p0 s1, $0xE  }
0xb0: {  	s6 =	sor.u32 @!p0 $0x4000, s6;
	s5 =	simm.s32 @!p0 $0x1B8D  }
0xb1: {  	s4 =	sshll.u32 @!p0 s4, $0x11;
	s6 =	sadd.s32 @!p0 $0x11B8D, s6;
	_ =	swait.eq @!p0 [sflag:s5], $0x1  }
0xb2: {  	s4 =	sor.u32 @!p0 s4, s6;
	[sflag:s5] =	ssyncadd.s32 @!p0 $0xFFFFFFFF  }
0xb3: {  	s25 =	simm.s32 $0x1B8E;
	s24 =	sld [smem:$0x3FFE];
	[sflag:s4] =	ssyncadd.remote.s32 @!p0 $0x1  }
0xb4: {  	s26 =	simm.s32 $execute0_lowered;
	[smem:$0x3FD2] =	sst s25  }
0xb5: {  	s5 =	sshll.u32 s26, $0x1;
	_ =	strace $0x80000052;
	[dreg:$0x1] =	wrdreg $0xFFFFFFFF  }
0xb6: {  	s28 =	simm.s32 $_size_execute0_lowered;
	s3 =	sadd.s32 s3, s5;
	[dreg:$0x0] =	wrdreg $0x0  }
0xb7: {  	s5 =	sshll.u32 s28, $0x1;
	[dreg:$0x2] =	wrdreg s3  }
0xb8: {  	[dreg:$0x3] =	wrdreg s5  }
0xb9: {  	[dreg:$0x4] =	wrdreg $0xC0  }
0xba: {  	_ =	task [dreg:s22], $0x5FFFF  }
0xbb: {  	[dreg:$0x1] =	wrdreg $0xFFFFFFFF  }
0xbc: {  	[dreg:$0x0] =	wrdreg $0x60  }
0xbd: {  	[dreg:$0x2] =	wrdreg s24  }
0xbe: {  	[dreg:$0x3] =	wrdreg $0x21000  }
0xbf: {  	[dreg:$0x4] =	wrdreg $0x9  }
0xc0: {  	_ =	task.clear_ibuf [dreg:s22], $0x5FFFF;
	_ =	strace $0x90000052  }
0xc1: {  	s29 =	simm.s32 $0x9;
	_ =	strace $0x80000054  }
0xc2: {  	_ =	swait.ge [sflag:s29], $0x1  }
0xc3: {  	[sflag:s29] =	ssyncadd.s32 $0xFFFFFFFF  }
0xc4: {  	_ =	strace $0x90000054  }
0xc5: {  	_ =	sfence  }
0xc6: {  	s30 =	sld [smem:$0x0];
	_ =	sdelay $0x2  }
0xc7: {  	s31 =	sshll.u32 s1, $0xD;
	s1 =	sshrl.u32 s1, $0x2  }
0xc8: {  	s4 =	sand.u32 $0x4000, s31;
	s1 =	sadd.s32 s1, s30  }
0xc9: {  	s0 =	sor.u32 s4, s0;
	s1 =	sshll.u32 s1, $0x11  }
0xca: {  	s0 =	sor.u32 s1, s0  }
0xcb: {  	s0 =	sadd.s32 $0x8F2B, s0  }
0xcc: {  	[sflag:s0] =	ssyncadd.remote.s32 $0x1  }
0xcd: {  	_ =	sfence.sel $0xFFFF  }
0xce: {  	[dreg:$0x0] =	wrdreg $0xFFFFFFFF;
	(pc) =	sbr.abs _section_cstart, $3  }
0xcf: {  	[dreg:$0x1] =	wrdreg $0xFFFFFFFF  }
0xd0: {  	_ =	task.clear_ibuf [dreg:s22], $0x2FFFF;
	_ =	strace $0x9FFFFFFF  }
0xd1: {  	(tm) =	ssettm $0x7FFFFFFF  }
tec
execute0_lowered:
.L_overlay_start_1:
0x0: {  	(tag) =	ssettag $0x1  }
0x1: {  	s6 =	rddreg [dreg:$0x0]  }
0x2: {  	s0 =	srdreg.scid;
	s2 =	rddreg [dreg:$0x1]  }
0x3: {  	s1 =	rddreg [dreg:$0x2];
	s5 =	sand.u32 $0x1, s0  }
0x4: {  	s0 =	stileid.u32;
	s4 =	smul.u32 $0x27400, s5  }
0x5: {  	s3 =	simm.s32 $0x0;
	s13 =	simm.s32 $0x40;
	s7 =	smul.u32 $0x2740, s0  }
0x6: {  	s14 =	simm.s32 $0x100;
	[smem:$0x7FF] =	sst s3;
	s16 =	smul.u32 $0x2800, s0  }
0x7: {  	s15 =	simm.s32 $0x1;
	_ =	strace $0x80000053;
	s28 =	smul.u32 $0x28000, s5  }
0x8: {  	s5 =	ssub.s32 $0x2, s5;
	s8 =	smul.u32 $0x50000, s0;
	s31 =	sshll.u32 s0, $0x6  }
0x9: {  	s29 =	sshrl.u32 s5, $0x1;
	s4 =	sadd.s32 s7, s4;
	s10 =	sadd.s32 s16, s6  }
0xa: {  	s7 =	sadd.s32 s28, s6;
	s11 =	ssub.s32 s5, s29;
	s30 =	sshrl.u32 s8, $0x2  }
0xb: {  	s4 =	sshrl.u32 s4, $0x3;
	s12 =	sadd.s32 s30, s2;
	s5 =	sadd.s32 $0x21400, s10  }
0xc: {  	s17 =	sadd.s32 $0x19DC00, s7;
	s7 =	smax.u32 s11, $0x1;
	s11 =	simm.s32 $0x2  }
0xd: {  	s9 =	sadd.s32 s4, s6;
	s4 =	sadd.s32 $0x49400, s6;
	s6 =	sor.u32 $0x1C02, s31  }
0xe: {  	s10 =	sshrl.u32 s12, $0x3;
	s12 =	simm.s32 $0x80;
	s16 =	sadd.s32 s16, s17  }
0xf: {  	s17 =	simm.s32 $0x0;
	s8 =	sadd.s32 $0x17600, s9;
	s9 =	sadd.s32 $0xD800, s9  }
.LBB2_1:
0x10: {  	[spmem:s10], [sflag:s6] =	dma.local [hbm:s5], $0x2800  }
0x11: {  	_ =	swait.ge [sflag:s11], $0x2800  }
0x12: {  	[sflag:s11] =	ssyncset.done $0x0  }
0x13: {  	[sflag:s11] =	ssyncadd.s32 $0xFFFFD800  }
0x14: {  	s18 =	sadd.s32 $0x0, s9;
	[bflag:$0x0] =	sbarrier.arrive $0xFFFF  }
0x15: {  	[tilespmem:s3], [sflag:$0x2] =	stream.linear.gather [hbm4b:s18+s3], $0x40, $0x38;
	[tilespmem:$0x16100] =	vst v63  }
0x16: {  	_ =	swait.ge [sflag:s11], $0x40  }
0x17: {  	[sflag:s11] =	ssyncset.done $0x0  }
0x18: {  	s31 =	sadd.s32 $0x0, s8;
	[sflag:s11] =	ssyncadd.s32 $0xFFFFFFC0  }
0x19: {  	[tilespmem:s12], [sflag:$0x2] =	stream.linear.gather [hbm4b:s31+s3], $0x40, $0x38;
	[tilespmem:$0x16100] =	vst v63  }
0x1a: {  	_ =	swait.ge [sflag:s11], $0x40  }
0x1b: {  	[sflag:s11] =	ssyncset.done $0x0  }
0x1c: {  	[sflag:s11] =	ssyncadd.s32 $0xFFFFFFC0  }
0x1d: {  	[tilespmem:s14], [sflag:$0x1] =	stream.indirect.gather [hbm4b:s4+s13], $0x80, s3, s13, $0xb8;
	[tilespmem:$0x16100] =	vst v63  }
0x1e: {  	_ =	swait.ge [sflag:s15], $0x2000  }
0x1f: {  	[sflag:s15] =	ssyncset.done $0x0  }
0x20: {  	[sflag:s15] =	ssyncadd.s32 $0xFFFFE000  }
0x21: {  	[spmem:s2] =	stream.indirect.scatter.add.f32 [tilespmem:s14], [sflag:$0x2], $0x80, s12, s13, $0xb8;
	[tilespmem:$0x16100] =	vst v63  }
0x22: {  	_ =	swait.ge [sflag:s11], $0x2000  }
0x23: {  	s19 =	simm.s32 $0x10;
	s18 =	simm.s32 $0x8;
	[sflag:s11] =	ssyncset.done $0x0  }
.LBB2_2:
0x24: {  	s20 =	sadd.s32 s18, s9  }
0x25: {  	[sflag:s11] =	ssyncadd.s32 $0xFFFFE000;
	s21 =	smov.u32 s19;
	s22 =	sadd.s32 $0x8, s19  }
0x26: {  	[tilespmem:s3], [sflag:$0x2] =	stream.linear.gather [hbm4b:s20+s3], $0x40, $0x38;
	[tilespmem:$0x16100] =	vst v63  }
0x27: {  	p0 =	sne.s32 s19, $0x4E0;
	_ =	swait.ge [sflag:s11], $0x40  }
0x28: {  	[sflag:s11] =	ssyncset.done $0x0  }
0x29: {  	s19 =	sadd.s32 s18, s8;
	s18 =	smov.u32 s21;
	[sflag:s11] =	ssyncadd.s32 $0xFFFFFFC0  }
0x2a: {  	[tilespmem:s12], [sflag:$0x2] =	stream.linear.gather [hbm4b:s19+s3], $0x40, $0x38;
	[tilespmem:$0x16100] =	vst v63  }
0x2b: {  	_ =	swait.ge [sflag:s11], $0x40  }
0x2c: {  	[sflag:s11] =	ssyncset.done $0x0  }
0x2d: {  	[sflag:s11] =	ssyncadd.s32 $0xFFFFFFC0  }
0x2e: {  	[tilespmem:s14], [sflag:$0x1] =	stream.indirect.gather [hbm4b:s4+s13], $0x80, s3, s13, $0xb8;
	[tilespmem:$0x16100] =	vst v63  }
0x2f: {  	_ =	swait.ge [sflag:s15], $0x2000  }
.Ltmp0:
0x30: {  	[sflag:s15] =	ssyncset.done $0x0;
	(pc) =	sbr.rel @p0 .LBB2_2-.Ltmp0, $4  }
0x31: {  	[sflag:s15] =	ssyncadd.s32 $0xFFFFE000  }
0x32: {  	[spmem:s2] =	stream.indirect.scatter.add.f32 [tilespmem:s14], [sflag:$0x2], $0x80, s12, s13, $0xb8;
	[tilespmem:$0x16100] =	vst v63  }
0x33: {  	_ =	swait.ge [sflag:s11], $0x2000  }
0x34: {  	s19 =	smov.u32 s22;
	[sflag:s11] =	ssyncset.done $0x0  }
0x35: {  	s19 =	sadd.s32 s18, s9;
	[sflag:s11] =	ssyncadd.s32 $0xFFFFE000  }
0x36: {  	[tilespmem:s3], [sflag:$0x2] =	stream.linear.gather [hbm4b:s19+s3], $0x40, $0x38;
	[tilespmem:$0x16100] =	vst v63  }
0x37: {  	_ =	swait.ge [sflag:s11], $0x40  }
0x38: {  	[sflag:s11] =	ssyncset.done $0x0  }
0x39: {  	s31 =	sadd.s32 s18, s8;
	[sflag:s11] =	ssyncadd.s32 $0xFFFFFFC0  }
0x3a: {  	[tilespmem:s12], [sflag:$0x2] =	stream.linear.gather [hbm4b:s31+s3], $0x40, $0x38;
	[tilespmem:$0x16100] =	vst v63  }
0x3b: {  	_ =	swait.ge [sflag:s11], $0x40  }
0x3c: {  	[sflag:s11] =	ssyncset.done $0x0  }
0x3d: {  	[sflag:s11] =	ssyncadd.s32 $0xFFFFFFC0  }
0x3e: {  	[tilespmem:s14], [sflag:$0x1] =	stream.indirect.gather [hbm4b:s4+s13], $0x80, s3, s13, $0xb8;
	[tilespmem:$0x16100] =	vst v63  }
0x3f: {  	_ =	swait.ge [sflag:s15], $0x2000  }
0x40: {  	[sflag:s15] =	ssyncset.done $0x0  }
0x41: {  	[sflag:s15] =	ssyncadd.s32 $0xFFFFE000  }
0x42: {  	[spmem:s2] =	stream.indirect.scatter.add.f32 [tilespmem:s14], [sflag:$0x2], $0x80, s12, s13, $0xb8;
	[tilespmem:$0x16100] =	vst v63  }
0x43: {  	_ =	swait.ge [sflag:s11], $0x2000  }
0x44: {  	s17 =	sadd.s32 $0x1, s17;
	[sflag:s11] =	ssyncset.done $0x0  }
0x45: {  	p0 =	sne.s32 s17, s7;
	[sflag:s11] =	ssyncadd.s32 $0xFFFFE000  }
.Ltmp1:
0x46: {  	[bflag:$0x0] =	sbarrier.arrive $0xFFFF;
	(pc) =	sbr.rel @p0 .LBB2_1-.Ltmp1, $4  }
0x47: {  	[hbm:s16], [sflag:s6] =	dma.local [spmem:s10], $0x2800  }
0x48: {  	_ =	swait.ge [sflag:s11], $0x2800  }
0x49: {  	[sflag:s11] =	ssyncset.done $0x0  }
0x4a: {  	[sflag:s11] =	ssyncadd.s32 $0xFFFFD800  }
0x4b: {  	_ =	sfence.sel $0x180000  }
0x4c: {  	[bflag:$0x0] =	sbarrier.arrive $0xFFFF  }
0x4d: {  	p0 =	sne.s32 s0, $0x0;
	_ =	strace $0x90000053  }
0x4e: {  	s0 =	sadd.s32 @!p0 $0x100000, s1;
	[bflag:$0x2] =	sbarrier.arrive $0xFFFF  }
0x4f: {  	[sflag:s0] =	ssyncadd.tile.s32 @!p0 $0x1;
	_ =	shalt  }
.Lfunc_end2:
_tile_overlayer_lowered:
.L_overlay_start_2:
0x50: {  	(tag) =	ssettag $0x2  }
0x51: {  	s0 =	rddreg [dreg:$0x0];
	s2 =	stileid.u32  }
0x52: {  	s1 =	rddreg [dreg:$0x1];
	p0 =	sne.s32 s2, $0x0  }
0x53: {  	s3 =	rddreg [dreg:$0x2];
	[bflag:$0x3] =	sbarrier.arrive $0xFFFF;
	s2 =	simm.s32 @!p0 $0x1C02  }
0x54: {  	[timem:s3], [sflag:s2] =	dma.local @!p0 [hbm:s0], s1  }
0x55: {  	s0 =	simm.s32 @!p0 $0x2  }
0x56: {  	_ =	swait.ge @!p0 [sflag:s0], s1  }
0x57: {  	s1 =	ssub.s32 @!p0 $0x0, s1;
	[sflag:s0] =	ssyncset.done @!p0 $0x0  }
0x58: {  	[sflag:s0] =	ssyncadd.s32 @!p0 s1  }
0x59: {  	[bflag:$0x3] =	sbarrier.arrive $0xFFFF  }
0x5a: {  	_ =	shalt  }

// kernel: kernel.32.cloned.1.call-start
scs
__scs_entry_jumppad:
0x0: {  	(pc) =	sbr.rel $0x88, $3  }
0x1: {  	(tag) =	ssettag $0x0;
	lr =	simm.s32 $0x1  }
0x2: {  	[smem:$0x3F89] =	sst lr;
	_ =	strace $0xD0000000  }
0x3: {  	_ = 	snop  }
0x4: {  	_ = 	snop  }
0x5: {  	_ = 	snop  }
0x6: {  	_ = 	snop  }
0x7: {  	_ = 	snop  }
__scs_overlays_trampoline_lowered:
0x8: {  	[smem:$0x3F98] =	sst s0  }
0x9: {  	[smem:$0x3F99] =	sst s1  }
0xa: {  	[smem:$0x3F9A] =	sst s2  }
0xb: {  	[smem:$0x3F9B] =	sst s3  }
0xc: {  	[smem:$0x3F9C] =	sst s4  }
0xd: {  	[smem:$0x3F9D] =	sst s5  }
0xe: {  	[smem:$0x3F9E] =	sst s6  }
0xf: {  	[smem:$0x3F9F] =	sst s7  }
0x10: {  	[smem:$0x3FA0] =	sst s8  }
0x11: {  	[smem:$0x3FA1] =	sst s9;
	s0 =	simm.s32 @!p0 $0x0  }
0x12: {  	s1 =	sld [smem:$0x3F87];
	s0 =	simm.s32 @p0 $0x1  }
0x13: {  	[smem:$0x3FA2] =	sst s0;
	s0 =	simm.s32 @!p1 $0x0  }
0x14: {  	s2 =	sld [smem:$0x3F86];
	s0 =	simm.s32 @p1 $0x1  }
0x15: {  	[smem:$0x3FA3] =	sst s0;
	s0 =	simm.s32 @!p2 $0x0  }
0x16: {  	s3 =	sld [smem:$0x3FDB];
	s0 =	simm.s32 @p2 $0x1  }
0x17: {  	s4 =	simm.s32 $0x1BF5;
	[smem:$0x3FA5] =	sst s0  }
0x18: {  	s0 =	sld [smem:$0x3F88];
	_ =	swait.ge [sflag:s4], $0x0  }
0x19: {  	s7 =	sld [smem:$0x3F89]  }
0x1a: {  	s8 =	sadd.s32 $0xFFFFE003, lr  }
0x1b: {  	s9 =	sadd.s32 $0xFFFFFEF7, lr;
	s5 =	simm.s32 $0xFFFFFFFF;
	p2 =	slt.u32 s8, $0xFFFFF086  }
0x1c: {  	p1 =	slt.u32 s9, $0xF7A;
	s5 =	simm.s32 @!p2 $0x0  }
0x1d: {  	s5 =	simm.s32 @p1 $0x1;
	p0 =	seq.s32 s7, s2  }
0x1e: {  	s7 =	smul.u32 @!p0 $0xF7A, s2;
	p2 =	seq.s32 @!p0 s5, $0x0  }
0x1f: {  	s9 =	smul.u32 $0xF7A, s1;
	s8 =	simm.s32 @!p0 $0x1BF5;
	p2 =	por !p2, p0  }
0x20: {  	[sflag:s8] =	ssyncset.s32 @!p0 $0xFFFFF086;
	s6 =	sadd.s32 @!p0 s3, s7;
	s7 =	simm.s32 @!p0 $0x108  }
0x21: {  	s3 =	sadd.s32 s3, s9;
	s6 =	sadd.s32 @!p0 $0x88, s6;
	s7 =	simm.s32 @p2 $0x1082  }
0x22: {  	[simem:s7], [sflag:s8] =	dma.local @!p0 [hbm:s6], $0xF7A  }
0x23: {  	s9 =	sor.u32 $0xD0000000, s2;
	s6 =	simm.s32 $0x108;
	_ =	swait.ge @!p0 [sflag:s8], $0x0  }
0x24: {  	s3 =	sadd.s32 $0x88, s3;
	s6 =	simm.s32 @!p1 $0x1082;
	[sflag:s4] =	ssyncset.s32 $0xFFFFF086  }
0x25: {  	[simem:s6], [sflag:s4] =	dma.local [hbm:s3], $0xF7A  }
0x26: {  	[smem:$0x3F89] =	sst s1;
	(tag) =	ssettag s2;
	_ =	strace s9  }
0x27: {  	s1 =	sld [smem:$0x3F99]  }
0x28: {  	s2 =	sld [smem:$0x3F9A]  }
0x29: {  	s4 =	sld [smem:$0x3F9C]  }
0x2a: {  	p0 =	seq.s32 s5, $0x0;
	s5 =	sld [smem:$0x3F9D]  }
0x2b: {  	s6 =	sld [smem:$0x3F9E]  }
0x2c: {  	s7 =	sld [smem:$0x3F9F]  }
0x2d: {  	s3 =	simm.s32 $0x108;
	s8 =	sld [smem:$0x3FA0]  }
0x2e: {  	s3 =	simm.s32 @!p0 $0x1082;
	s9 =	sld [smem:$0x3FA1]  }
0x2f: {  	lr =	sadd.s32 s0, s3;
	s0 =	sld [smem:$0x3F98]  }
0x30: {  	s3 =	sld [smem:$0x3F9B]  }
0x31: {  	[smem:$0x3FA4] =	sst s10  }
0x32: {  	s10 =	sld [smem:$0x3FA2];
	_ =	sdelay $0x3  }
0x33: {  	p0 =	seq.s32 s10, $0x1;
	s10 =	sld [smem:$0x3FA4];
	_ =	sdelay $0x3  }
0x34: {  	[smem:$0x3FA4] =	sst s10  }
0x35: {  	s10 =	sld [smem:$0x3FA3];
	_ =	sdelay $0x3  }
0x36: {  	p1 =	seq.s32 s10, $0x1;
	s10 =	sld [smem:$0x3FA4];
	_ =	sdelay $0x3  }
0x37: {  	[smem:$0x3FA4] =	sst s10  }
0x38: {  	s10 =	sld [smem:$0x3FA5]  }
0x39: {  	_ = 	snop;
	(pc) =	sbr.ind lr, $3  }
0x3a: {  	_ = 	snop  }
0x3b: {  	_ = 	snop  }
0x3c: {  	p2 =	seq.s32 s10, $0x1;
	s10 =	sld [smem:$0x3FA4]  }
0x3d: {  	_ =	shalt  }
0x3e: {  	_ =	shalt  }
0x3f: {  	_ =	shalt  }
0x40: {  	_ =	shalt  }
0x41: {  	_ =	shalt  }
0x42: {  	_ =	shalt  }
0x43: {  	_ =	shalt  }
0x44: {  	_ =	shalt  }
0x45: {  	_ =	shalt  }
0x46: {  	_ =	shalt  }
0x47: {  	_ =	shalt  }
0x48: {  	_ =	shalt  }
0x49: {  	_ =	shalt  }
0x4a: {  	_ =	shalt  }
0x4b: {  	_ =	shalt  }
0x4c: {  	_ =	shalt  }
0x4d: {  	_ =	shalt  }
0x4e: {  	_ =	shalt  }
0x4f: {  	_ =	shalt  }
0x50: {  	_ =	shalt  }
0x51: {  	_ =	shalt  }
0x52: {  	_ =	shalt  }
0x53: {  	_ =	shalt  }
0x54: {  	_ =	shalt  }
0x55: {  	_ =	shalt  }
0x56: {  	_ =	shalt  }
0x57: {  	_ =	shalt  }
0x58: {  	_ =	shalt  }
0x59: {  	_ =	shalt  }
0x5a: {  	_ =	shalt  }
0x5b: {  	_ =	shalt  }
0x5c: {  	_ =	shalt  }
0x5d: {  	_ =	shalt  }
0x5e: {  	_ =	shalt  }
0x5f: {  	_ =	shalt  }
0x60: {  	_ =	shalt  }
0x61: {  	_ =	shalt  }
0x62: {  	_ =	shalt  }
0x63: {  	_ =	shalt  }
0x64: {  	_ =	shalt  }
0x65: {  	_ =	shalt  }
0x66: {  	_ =	shalt  }
0x67: {  	_ =	shalt  }
0x68: {  	_ =	shalt  }
0x69: {  	_ =	shalt  }
0x6a: {  	_ =	shalt  }
0x6b: {  	_ =	shalt  }
0x6c: {  	_ =	shalt  }
0x6d: {  	_ =	shalt  }
0x6e: {  	_ =	shalt  }
0x6f: {  	_ =	shalt  }
0x70: {  	_ =	shalt  }
0x71: {  	_ =	shalt  }
0x72: {  	_ =	shalt  }
0x73: {  	_ =	shalt  }
0x74: {  	_ =	shalt  }
0x75: {  	_ =	shalt  }
0x76: {  	_ =	shalt  }
0x77: {  	_ =	shalt  }
0x78: {  	_ =	shalt  }
0x79: {  	_ =	shalt  }
0x7a: {  	_ =	shalt  }
0x7b: {  	_ =	shalt  }
0x7c: {  	_ =	shalt  }
0x7d: {  	_ =	shalt  }
0x7e: {  	_ =	shalt  }
0x7f: {  	_ =	shalt  }
0x80: {  	_ =	shalt  }
0x81: {  	_ =	shalt  }
0x82: {  	_ =	shalt  }
0x83: {  	_ =	shalt  }
0x84: {  	_ =	shalt  }
0x85: {  	_ =	shalt  }
0x86: {  	_ =	shalt  }
0x87: {  	_ =	shalt  }
.Lfunc_end0:
.L_simem_size_0:
called_computation.2_lowered:
.L_overlay_start_0:
0x88: {  	s2 =	sld [smem:$0x3FD9]  }
0x89: {  	s3 =	sld [smem:$0x3FFE];
	_ =	sdelay $0x1  }
0x8a: {  	s1 =	srdreg.scid  }
0x8b: {  	s0 =	sand.u32 $0x1, s1  }
0x8c: {  	s17 =	sshll.u32 s0, $0xA;
	s2 =	sadd.s32 s3, s2  }
0x8d: {  	s2 =	sadd.s32 s2, s17  }
0x8e: {  	[smem:$0x3FB0] =	sst s2  }
0x8f: {  	_ = 	snop  }
0x90: {  	(tm) =	ssettm $0x1  }
0x91: {  	s18 =	sld [smem:$0x3FFB];
	_ =	sdelay $0x3  }
0x92: {  	_ =	strace s18  }
0x93: {  	s2 =	sld [smem:$0x3FFC];
	_ =	sdelay $0x3  }
0x94: {  	_ =	strace s2  }
0x95: {  	s2 =	sld [smem:$0x3FFD];
	_ =	sdelay $0x3  }
0x96: {  	_ =	strace s2  }
0x97: {  	_ =	strace $0x8FFFFFFF  }
0x98: {  	s19 =	sld [smem:$0x3FDB];
	_ =	sdelay $0x1  }
0x99: {  	s20 =	simm.s32 $_scs_section_size  }
0x9a: {  	s4 =	simm.s32 $_size__tile_overlayer_lowered;
	s5 =	simm.s32 $_tile_overlayer_lowered  }
0x9b: {  	s6 =	simm.s32 $0x1BFF;
	s21 =	sshll.u32 s5, $0x1;
	s3 =	sadd.s32 s20, s19  }
0x9c: {  	s22 =	simm.s32 $0x0;
	s4 =	sshll.u32 s4, $0x1;
	s5 =	sadd.s32 s21, s3  }
0x9d: {  	[timem:s22], [sflag:s6] =	dma.local [hbm:s5], s4  }
0x9e: {  	_ =	swait.ge [sflag:s6], s4  }
0x9f: {  	s4 =	ssub.s32 $0x0, s4;
	[sflag:s6] =	ssyncset.done $0x0  }
0xa0: {  	[sflag:s6] =	ssyncadd.s32 s4;
	_ =	sdelay $0x1  }
0xa1: {  	s23 =	simm.s32 $0x1B8B  }
0xa2: {  	_ =	swait.ge [sflag:s23], $0x1  }
0xa3: {  	[sflag:s23] =	ssyncset.done $0x0  }
0xa4: {  	[sflag:s23] =	ssyncadd.s32 $0xFFFFFFFF  }
0xa5: {  	s4 =	sld [smem:$0x0]  }
0xa6: {  	s5 =	sand.u32 $0xFFFFFFFE, s1  }
0xa7: {  	p0 =	sne.s32 s1, s5  }
0xa8: {  	s5 =	sshll.u32 @p0 s5, $0xE  }
0xa9: {  	s5 =	sadd.s32 @p0 $0x11B8D, s5;
	s6 =	sshll.u32 @p0 s4, $0x11  }
0xaa: {  	s5 =	sor.u32 @p0 s6, s5  }
0xab: {  	[sflag:s5] =	ssyncadd.remote.s32 @p0 $0x1;
	_ =	sdelay $0x1  }
0xac: {  	s5 =	simm.s32 @p0 $0x1B8D  }
0xad: {  	_ =	swait.eq @p0 [sflag:s5], $0x1  }
0xae: {  	[sflag:s5] =	ssyncadd.s32 @p0 $0xFFFFFFFF  }
0xaf: {  	s6 =	sshll.u32 @!p0 s1, $0xE  }
0xb0: {  	s6 =	sor.u32 @!p0 $0x4000, s6;
	s5 =	simm.s32 @!p0 $0x1B8D  }
0xb1: {  	s4 =	sshll.u32 @!p0 s4, $0x11;
	s6 =	sadd.s32 @!p0 $0x11B8D, s6;
	_ =	swait.eq @!p0 [sflag:s5], $0x1  }
0xb2: {  	s4 =	sor.u32 @!p0 s4, s6;
	[sflag:s5] =	ssyncadd.s32 @!p0 $0xFFFFFFFF  }
0xb3: {  	s25 =	simm.s32 $0x1B8E;
	s24 =	sld [smem:$0x3FFE];
	[sflag:s4] =	ssyncadd.remote.s32 @!p0 $0x1  }
0xb4: {  	s26 =	simm.s32 $execute0_lowered;
	[smem:$0x3FD2] =	sst s25  }
0xb5: {  	s5 =	sshll.u32 s26, $0x1;
	_ =	strace $0x8000005E;
	[dreg:$0x1] =	wrdreg $0xFFFFFFFF  }
0xb6: {  	s28 =	simm.s32 $_size_execute0_lowered;
	s3 =	sadd.s32 s3, s5;
	[dreg:$0x0] =	wrdreg $0x0  }
0xb7: {  	s5 =	sshll.u32 s28, $0x1;
	[dreg:$0x2] =	wrdreg s3  }
0xb8: {  	[dreg:$0x3] =	wrdreg s5  }
0xb9: {  	[dreg:$0x4] =	wrdreg $0xC0  }
0xba: {  	_ =	task [dreg:s22], $0x5FFFF  }
0xbb: {  	[dreg:$0x1] =	wrdreg $0xFFFFFFFF  }
0xbc: {  	[dreg:$0x0] =	wrdreg $0x60  }
0xbd: {  	[dreg:$0x2] =	wrdreg s24  }
0xbe: {  	[dreg:$0x3] =	wrdreg $0x21000  }
0xbf: {  	[dreg:$0x4] =	wrdreg $0x9  }
0xc0: {  	_ =	task.clear_ibuf [dreg:s22], $0x5FFFF;
	_ =	strace $0x9000005E  }
0xc1: {  	s29 =	simm.s32 $0x9;
	_ =	strace $0x80000060  }
0xc2: {  	_ =	swait.ge [sflag:s29], $0x1  }
0xc3: {  	[sflag:s29] =	ssyncadd.s32 $0xFFFFFFFF  }
0xc4: {  	_ =	strace $0x90000060  }
0xc5: {  	_ =	sfence  }
0xc6: {  	s30 =	sld [smem:$0x0];
	_ =	sdelay $0x2  }
0xc7: {  	s31 =	sshll.u32 s1, $0xD;
	s1 =	sshrl.u32 s1, $0x2  }
0xc8: {  	s4 =	sand.u32 $0x4000, s31;
	s1 =	sadd.s32 s1, s30  }
0xc9: {  	s0 =	sor.u32 s4, s0;
	s1 =	sshll.u32 s1, $0x11  }
0xca: {  	s0 =	sor.u32 s1, s0  }
0xcb: {  	s0 =	sadd.s32 $0x8F2B, s0  }
0xcc: {  	[sflag:s0] =	ssyncadd.remote.s32 $0x1  }
0xcd: {  	_ =	sfence.sel $0xFFFF  }
0xce: {  	[dreg:$0x0] =	wrdreg $0xFFFFFFFF;
	(pc) =	sbr.abs _section_cstart, $3  }
0xcf: {  	[dreg:$0x1] =	wrdreg $0xFFFFFFFF  }
0xd0: {  	_ =	task.clear_ibuf [dreg:s22], $0x2FFFF;
	_ =	strace $0x9FFFFFFF  }
0xd1: {  	(tm) =	ssettm $0x7FFFFFFF  }
tec
execute0_lowered:
.L_overlay_start_1:
0x0: {  	(tag) =	ssettag $0x1  }
0x1: {  	s6 =	rddreg [dreg:$0x0]  }
0x2: {  	s0 =	srdreg.scid;
	s2 =	rddreg [dreg:$0x1]  }
0x3: {  	s1 =	rddreg [dreg:$0x2];
	s5 =	sand.u32 $0x1, s0  }
0x4: {  	s0 =	stileid.u32;
	s4 =	smul.u32 $0x27400, s5  }
0x5: {  	s3 =	simm.s32 $0x0;
	s13 =	simm.s32 $0x40;
	s7 =	smul.u32 $0x2740, s0  }
0x6: {  	s14 =	simm.s32 $0x100;
	[smem:$0x7FF] =	sst s3;
	s16 =	smul.u32 $0x2800, s0  }
0x7: {  	s15 =	simm.s32 $0x1;
	_ =	strace $0x8000005F;
	s28 =	smul.u32 $0x28000, s5  }
0x8: {  	s5 =	ssub.s32 $0x2, s5;
	s8 =	smul.u32 $0x50000, s0;
	s31 =	sshll.u32 s0, $0x6  }
0x9: {  	s29 =	sshrl.u32 s5, $0x1;
	s4 =	sadd.s32 s7, s4;
	s10 =	sadd.s32 s16, s6  }
0xa: {  	s7 =	sadd.s32 s28, s6;
	s11 =	ssub.s32 s5, s29;
	s30 =	sshrl.u32 s8, $0x2  }
0xb: {  	s4 =	sshrl.u32 s4, $0x3;
	s12 =	sadd.s32 s30, s2;
	s5 =	sadd.s32 $0x21400, s10  }
0xc: {  	s17 =	sadd.s32 $0x19C000, s7;
	s7 =	smax.u32 s11, $0x1;
	s11 =	simm.s32 $0x2  }
0xd: {  	s9 =	sadd.s32 s4, s6;
	s4 =	sadd.s32 $0x49400, s6;
	s6 =	sor.u32 $0x1C02, s31  }
0xe: {  	s10 =	sshrl.u32 s12, $0x3;
	s12 =	simm.s32 $0x80;
	s16 =	sadd.s32 s16, s17  }
0xf: {  	s17 =	simm.s32 $0x0;
	s8 =	sadd.s32 $0x17600, s9;
	s9 =	sadd.s32 $0xD800, s9  }
.LBB2_1:
0x10: {  	[spmem:s10], [sflag:s6] =	dma.local [hbm:s5], $0x2800  }
0x11: {  	_ =	swait.ge [sflag:s11], $0x2800  }
0x12: {  	[sflag:s11] =	ssyncset.done $0x0  }
0x13: {  	[sflag:s11] =	ssyncadd.s32 $0xFFFFD800  }
0x14: {  	s18 =	sadd.s32 $0x0, s9;
	[bflag:$0x0] =	sbarrier.arrive $0xFFFF  }
0x15: {  	[tilespmem:s3], [sflag:$0x2] =	stream.linear.gather [hbm4b:s18+s3], $0x40, $0x38;
	[tilespmem:$0x16100] =	vst v63  }
0x16: {  	_ =	swait.ge [sflag:s11], $0x40  }
0x17: {  	[sflag:s11] =	ssyncset.done $0x0  }
0x18: {  	s31 =	sadd.s32 $0x0, s8;
	[sflag:s11] =	ssyncadd.s32 $0xFFFFFFC0  }
0x19: {  	[tilespmem:s12], [sflag:$0x2] =	stream.linear.gather [hbm4b:s31+s3], $0x40, $0x38;
	[tilespmem:$0x16100] =	vst v63  }
0x1a: {  	_ =	swait.ge [sflag:s11], $0x40  }
0x1b: {  	[sflag:s11] =	ssyncset.done $0x0  }
0x1c: {  	[sflag:s11] =	ssyncadd.s32 $0xFFFFFFC0  }
0x1d: {  	[tilespmem:s14], [sflag:$0x1] =	stream.indirect.gather [hbm4b:s4+s13], $0x80, s3, s13, $0xb8;
	[tilespmem:$0x16100] =	vst v63  }
0x1e: {  	_ =	swait.ge [sflag:s15], $0x2000  }
0x1f: {  	[sflag:s15] =	ssyncset.done $0x0  }
0x20: {  	[sflag:s15] =	ssyncadd.s32 $0xFFFFE000  }
0x21: {  	[spmem:s2] =	stream.indirect.scatter.add.f32 [tilespmem:s14], [sflag:$0x2], $0x80, s12, s13, $0xb8;
	[tilespmem:$0x16100] =	vst v63  }
0x22: {  	_ =	swait.ge [sflag:s11], $0x2000  }
0x23: {  	s19 =	simm.s32 $0x10;
	s18 =	simm.s32 $0x8;
	[sflag:s11] =	ssyncset.done $0x0  }
.LBB2_2:
0x24: {  	s20 =	sadd.s32 s18, s9  }
0x25: {  	[sflag:s11] =	ssyncadd.s32 $0xFFFFE000;
	s21 =	smov.u32 s19;
	s22 =	sadd.s32 $0x8, s19  }
0x26: {  	[tilespmem:s3], [sflag:$0x2] =	stream.linear.gather [hbm4b:s20+s3], $0x40, $0x38;
	[tilespmem:$0x16100] =	vst v63  }
0x27: {  	p0 =	sne.s32 s19, $0x4E0;
	_ =	swait.ge [sflag:s11], $0x40  }
0x28: {  	[sflag:s11] =	ssyncset.done $0x0  }
0x29: {  	s19 =	sadd.s32 s18, s8;
	s18 =	smov.u32 s21;
	[sflag:s11] =	ssyncadd.s32 $0xFFFFFFC0  }
0x2a: {  	[tilespmem:s12], [sflag:$0x2] =	stream.linear.gather [hbm4b:s19+s3], $0x40, $0x38;
	[tilespmem:$0x16100] =	vst v63  }
0x2b: {  	_ =	swait.ge [sflag:s11], $0x40  }
0x2c: {  	[sflag:s11] =	ssyncset.done $0x0  }
0x2d: {  	[sflag:s11] =	ssyncadd.s32 $0xFFFFFFC0  }
0x2e: {  	[tilespmem:s14], [sflag:$0x1] =	stream.indirect.gather [hbm4b:s4+s13], $0x80, s3, s13, $0xb8;
	[tilespmem:$0x16100] =	vst v63  }
0x2f: {  	_ =	swait.ge [sflag:s15], $0x2000  }
.Ltmp0:
0x30: {  	[sflag:s15] =	ssyncset.done $0x0;
	(pc) =	sbr.rel @p0 .LBB2_2-.Ltmp0, $4  }
0x31: {  	[sflag:s15] =	ssyncadd.s32 $0xFFFFE000  }
0x32: {  	[spmem:s2] =	stream.indirect.scatter.add.f32 [tilespmem:s14], [sflag:$0x2], $0x80, s12, s13, $0xb8;
	[tilespmem:$0x16100] =	vst v63  }
0x33: {  	_ =	swait.ge [sflag:s11], $0x2000  }
0x34: {  	s19 =	smov.u32 s22;
	[sflag:s11] =	ssyncset.done $0x0  }
0x35: {  	s19 =	sadd.s32 s18, s9;
	[sflag:s11] =	ssyncadd.s32 $0xFFFFE000  }
0x36: {  	[tilespmem:s3], [sflag:$0x2] =	stream.linear.gather [hbm4b:s19+s3], $0x40, $0x38;
	[tilespmem:$0x16100] =	vst v63  }
0x37: {  	_ =	swait.ge [sflag:s11], $0x40  }
0x38: {  	[sflag:s11] =	ssyncset.done $0x0  }
0x39: {  	s31 =	sadd.s32 s18, s8;
	[sflag:s11] =	ssyncadd.s32 $0xFFFFFFC0  }
0x3a: {  	[tilespmem:s12], [sflag:$0x2] =	stream.linear.gather [hbm4b:s31+s3], $0x40, $0x38;
	[tilespmem:$0x16100] =	vst v63  }
0x3b: {  	_ =	swait.ge [sflag:s11], $0x40  }
0x3c: {  	[sflag:s11] =	ssyncset.done $0x0  }
0x3d: {  	[sflag:s11] =	ssyncadd.s32 $0xFFFFFFC0  }
0x3e: {  	[tilespmem:s14], [sflag:$0x1] =	stream.indirect.gather [hbm4b:s4+s13], $0x80, s3, s13, $0xb8;
	[tilespmem:$0x16100] =	vst v63  }
0x3f: {  	_ =	swait.ge [sflag:s15], $0x2000  }
0x40: {  	[sflag:s15] =	ssyncset.done $0x0  }
0x41: {  	[sflag:s15] =	ssyncadd.s32 $0xFFFFE000  }
0x42: {  	[spmem:s2] =	stream.indirect.scatter.add.f32 [tilespmem:s14], [sflag:$0x2], $0x80, s12, s13, $0xb8;
	[tilespmem:$0x16100] =	vst v63  }
0x43: {  	_ =	swait.ge [sflag:s11], $0x2000  }
0x44: {  	s17 =	sadd.s32 $0x1, s17;
	[sflag:s11] =	ssyncset.done $0x0  }
0x45: {  	p0 =	sne.s32 s17, s7;
	[sflag:s11] =	ssyncadd.s32 $0xFFFFE000  }
.Ltmp1:
0x46: {  	[bflag:$0x0] =	sbarrier.arrive $0xFFFF;
	(pc) =	sbr.rel @p0 .LBB2_1-.Ltmp1, $4  }
0x47: {  	[hbm:s16], [sflag:s6] =	dma.local [spmem:s10], $0x2800  }
0x48: {  	_ =	swait.ge [sflag:s11], $0x2800  }
0x49: {  	[sflag:s11] =	ssyncset.done $0x0  }
0x4a: {  	[sflag:s11] =	ssyncadd.s32 $0xFFFFD800  }
0x4b: {  	_ =	sfence.sel $0x180000  }
0x4c: {  	[bflag:$0x0] =	sbarrier.arrive $0xFFFF  }
0x4d: {  	p0 =	sne.s32 s0, $0x0;
	_ =	strace $0x9000005F  }
0x4e: {  	s0 =	sadd.s32 @!p0 $0x100000, s1;
	[bflag:$0x2] =	sbarrier.arrive $0xFFFF  }
0x4f: {  	[sflag:s0] =	ssyncadd.tile.s32 @!p0 $0x1;
	_ =	shalt  }
.Lfunc_end2:
_tile_overlayer_lowered:
.L_overlay_start_2:
0x50: {  	(tag) =	ssettag $0x2  }
0x51: {  	s0 =	rddreg [dreg:$0x0];
	s2 =	stileid.u32  }
0x52: {  	s1 =	rddreg [dreg:$0x1];
	p0 =	sne.s32 s2, $0x0  }
0x53: {  	s3 =	rddreg [dreg:$0x2];
	[bflag:$0x3] =	sbarrier.arrive $0xFFFF;
	s2 =	simm.s32 @!p0 $0x1C02  }
0x54: {  	[timem:s3], [sflag:s2] =	dma.local @!p0 [hbm:s0], s1  }
0x55: {  	s0 =	simm.s32 @!p0 $0x2  }
0x56: {  	_ =	swait.ge @!p0 [sflag:s0], s1  }
0x57: {  	s1 =	ssub.s32 @!p0 $0x0, s1;
	[sflag:s0] =	ssyncset.done @!p0 $0x0  }
0x58: {  	[sflag:s0] =	ssyncadd.s32 @!p0 s1  }
0x59: {  	[bflag:$0x3] =	sbarrier.arrive $0xFFFF  }
0x5a: {  	_ =	shalt  }

// kernel: kernel.35.cloned.1.call-start
scs
__scs_entry_jumppad:
0x0: {  	(pc) =	sbr.rel $0x88, $3  }
0x1: {  	(tag) =	ssettag $0x0;
	lr =	simm.s32 $0x1  }
0x2: {  	[smem:$0x3F89] =	sst lr;
	_ =	strace $0xD0000000  }
0x3: {  	_ = 	snop  }
0x4: {  	_ = 	snop  }
0x5: {  	_ = 	snop  }
0x6: {  	_ = 	snop  }
0x7: {  	_ = 	snop  }
__scs_overlays_trampoline_lowered:
0x8: {  	[smem:$0x3F98] =	sst s0  }
0x9: {  	[smem:$0x3F99] =	sst s1  }
0xa: {  	[smem:$0x3F9A] =	sst s2  }
0xb: {  	[smem:$0x3F9B] =	sst s3  }
0xc: {  	[smem:$0x3F9C] =	sst s4  }
0xd: {  	[smem:$0x3F9D] =	sst s5  }
0xe: {  	[smem:$0x3F9E] =	sst s6  }
0xf: {  	[smem:$0x3F9F] =	sst s7  }
0x10: {  	[smem:$0x3FA0] =	sst s8  }
0x11: {  	[smem:$0x3FA1] =	sst s9;
	s0 =	simm.s32 @!p0 $0x0  }
0x12: {  	s1 =	sld [smem:$0x3F87];
	s0 =	simm.s32 @p0 $0x1  }
0x13: {  	[smem:$0x3FA2] =	sst s0;
	s0 =	simm.s32 @!p1 $0x0  }
0x14: {  	s2 =	sld [smem:$0x3F86];
	s0 =	simm.s32 @p1 $0x1  }
0x15: {  	[smem:$0x3FA3] =	sst s0;
	s0 =	simm.s32 @!p2 $0x0  }
0x16: {  	s3 =	sld [smem:$0x3FDB];
	s0 =	simm.s32 @p2 $0x1  }
0x17: {  	s4 =	simm.s32 $0x1BF5;
	[smem:$0x3FA5] =	sst s0  }
0x18: {  	s0 =	sld [smem:$0x3F88];
	_ =	swait.ge [sflag:s4], $0x0  }
0x19: {  	s7 =	sld [smem:$0x3F89]  }
0x1a: {  	s8 =	sadd.s32 $0xFFFFE003, lr  }
0x1b: {  	s9 =	sadd.s32 $0xFFFFFEF7, lr;
	s5 =	simm.s32 $0xFFFFFFFF;
	p2 =	slt.u32 s8, $0xFFFFF086  }
0x1c: {  	p1 =	slt.u32 s9, $0xF7A;
	s5 =	simm.s32 @!p2 $0x0  }
0x1d: {  	s5 =	simm.s32 @p1 $0x1;
	p0 =	seq.s32 s7, s2  }
0x1e: {  	s7 =	smul.u32 @!p0 $0xF7A, s2;
	p2 =	seq.s32 @!p0 s5, $0x0  }
0x1f: {  	s9 =	smul.u32 $0xF7A, s1;
	s8 =	simm.s32 @!p0 $0x1BF5;
	p2 =	por !p2, p0  }
0x20: {  	[sflag:s8] =	ssyncset.s32 @!p0 $0xFFFFF086;
	s6 =	sadd.s32 @!p0 s3, s7;
	s7 =	simm.s32 @!p0 $0x108  }
0x21: {  	s3 =	sadd.s32 s3, s9;
	s6 =	sadd.s32 @!p0 $0x88, s6;
	s7 =	simm.s32 @p2 $0x1082  }
0x22: {  	[simem:s7], [sflag:s8] =	dma.local @!p0 [hbm:s6], $0xF7A  }
0x23: {  	s9 =	sor.u32 $0xD0000000, s2;
	s6 =	simm.s32 $0x108;
	_ =	swait.ge @!p0 [sflag:s8], $0x0  }
0x24: {  	s3 =	sadd.s32 $0x88, s3;
	s6 =	simm.s32 @!p1 $0x1082;
	[sflag:s4] =	ssyncset.s32 $0xFFFFF086  }
0x25: {  	[simem:s6], [sflag:s4] =	dma.local [hbm:s3], $0xF7A  }
0x26: {  	[smem:$0x3F89] =	sst s1;
	(tag) =	ssettag s2;
	_ =	strace s9  }
0x27: {  	s1 =	sld [smem:$0x3F99]  }
0x28: {  	s2 =	sld [smem:$0x3F9A]  }
0x29: {  	s4 =	sld [smem:$0x3F9C]  }
0x2a: {  	p0 =	seq.s32 s5, $0x0;
	s5 =	sld [smem:$0x3F9D]  }
0x2b: {  	s6 =	sld [smem:$0x3F9E]  }
0x2c: {  	s7 =	sld [smem:$0x3F9F]  }
0x2d: {  	s3 =	simm.s32 $0x108;
	s8 =	sld [smem:$0x3FA0]  }
0x2e: {  	s3 =	simm.s32 @!p0 $0x1082;
	s9 =	sld [smem:$0x3FA1]  }
0x2f: {  	lr =	sadd.s32 s0, s3;
	s0 =	sld [smem:$0x3F98]  }
0x30: {  	s3 =	sld [smem:$0x3F9B]  }
0x31: {  	[smem:$0x3FA4] =	sst s10  }
0x32: {  	s10 =	sld [smem:$0x3FA2];
	_ =	sdelay $0x3  }
0x33: {  	p0 =	seq.s32 s10, $0x1;
	s10 =	sld [smem:$0x3FA4];
	_ =	sdelay $0x3  }
0x34: {  	[smem:$0x3FA4] =	sst s10  }
0x35: {  	s10 =	sld [smem:$0x3FA3];
	_ =	sdelay $0x3  }
0x36: {  	p1 =	seq.s32 s10, $0x1;
	s10 =	sld [smem:$0x3FA4];
	_ =	sdelay $0x3  }
0x37: {  	[smem:$0x3FA4] =	sst s10  }
0x38: {  	s10 =	sld [smem:$0x3FA5]  }
0x39: {  	_ = 	snop;
	(pc) =	sbr.ind lr, $3  }
0x3a: {  	_ = 	snop  }
0x3b: {  	_ = 	snop  }
0x3c: {  	p2 =	seq.s32 s10, $0x1;
	s10 =	sld [smem:$0x3FA4]  }
0x3d: {  	_ =	shalt  }
0x3e: {  	_ =	shalt  }
0x3f: {  	_ =	shalt  }
0x40: {  	_ =	shalt  }
0x41: {  	_ =	shalt  }
0x42: {  	_ =	shalt  }
0x43: {  	_ =	shalt  }
0x44: {  	_ =	shalt  }
0x45: {  	_ =	shalt  }
0x46: {  	_ =	shalt  }
0x47: {  	_ =	shalt  }
0x48: {  	_ =	shalt  }
0x49: {  	_ =	shalt  }
0x4a: {  	_ =	shalt  }
0x4b: {  	_ =	shalt  }
0x4c: {  	_ =	shalt  }
0x4d: {  	_ =	shalt  }
0x4e: {  	_ =	shalt  }
0x4f: {  	_ =	shalt  }
0x50: {  	_ =	shalt  }
0x51: {  	_ =	shalt  }
0x52: {  	_ =	shalt  }
0x53: {  	_ =	shalt  }
0x54: {  	_ =	shalt  }
0x55: {  	_ =	shalt  }
0x56: {  	_ =	shalt  }
0x57: {  	_ =	shalt  }
0x58: {  	_ =	shalt  }
0x59: {  	_ =	shalt  }
0x5a: {  	_ =	shalt  }
0x5b: {  	_ =	shalt  }
0x5c: {  	_ =	shalt  }
0x5d: {  	_ =	shalt  }
0x5e: {  	_ =	shalt  }
0x5f: {  	_ =	shalt  }
0x60: {  	_ =	shalt  }
0x61: {  	_ =	shalt  }
0x62: {  	_ =	shalt  }
0x63: {  	_ =	shalt  }
0x64: {  	_ =	shalt  }
0x65: {  	_ =	shalt  }
0x66: {  	_ =	shalt  }
0x67: {  	_ =	shalt  }
0x68: {  	_ =	shalt  }
0x69: {  	_ =	shalt  }
0x6a: {  	_ =	shalt  }
0x6b: {  	_ =	shalt  }
0x6c: {  	_ =	shalt  }
0x6d: {  	_ =	shalt  }
0x6e: {  	_ =	shalt  }
0x6f: {  	_ =	shalt  }
0x70: {  	_ =	shalt  }
0x71: {  	_ =	shalt  }
0x72: {  	_ =	shalt  }
0x73: {  	_ =	shalt  }
0x74: {  	_ =	shalt  }
0x75: {  	_ =	shalt  }
0x76: {  	_ =	shalt  }
0x77: {  	_ =	shalt  }
0x78: {  	_ =	shalt  }
0x79: {  	_ =	shalt  }
0x7a: {  	_ =	shalt  }
0x7b: {  	_ =	shalt  }
0x7c: {  	_ =	shalt  }
0x7d: {  	_ =	shalt  }
0x7e: {  	_ =	shalt  }
0x7f: {  	_ =	shalt  }
0x80: {  	_ =	shalt  }
0x81: {  	_ =	shalt  }
0x82: {  	_ =	shalt  }
0x83: {  	_ =	shalt  }
0x84: {  	_ =	shalt  }
0x85: {  	_ =	shalt  }
0x86: {  	_ =	shalt  }
0x87: {  	_ =	shalt  }
.Lfunc_end0:
.L_simem_size_0:
called_computation.3_lowered:
.L_overlay_start_0:
0x88: {  	s2 =	sld [smem:$0x3FD9]  }
0x89: {  	s3 =	sld [smem:$0x3FFE];
	_ =	sdelay $0x1  }
0x8a: {  	s1 =	srdreg.scid  }
0x8b: {  	s0 =	sand.u32 $0x1, s1  }
0x8c: {  	s17 =	sshll.u32 s0, $0xA;
	s2 =	sadd.s32 s3, s2  }
0x8d: {  	s2 =	sadd.s32 s2, s17  }
0x8e: {  	[smem:$0x3FB0] =	sst s2  }
0x8f: {  	_ = 	snop  }
0x90: {  	s18 =	sld [smem:$0x3FC9];
	(tm) =	ssettm $0x1  }
0x91: {  	s19 =	sld [smem:$0x3FFB];
	_ =	sdelay $0x3  }
0x92: {  	_ =	strace s19  }
0x93: {  	s2 =	sld [smem:$0x3FFC];
	_ =	sdelay $0x3  }
0x94: {  	_ =	strace s2  }
0x95: {  	s2 =	sld [smem:$0x3FFD];
	_ =	sdelay $0x3  }
0x96: {  	_ =	strace s2  }
0x97: {  	_ =	strace $0x8FFFFFFF  }
0x98: {  	s20 =	sld [smem:$0x3FDB];
	_ =	sdelay $0x1  }
0x99: {  	s4 =	simm.s32 $_scs_section_size  }
0x9a: {  	s5 =	simm.s32 $_size__tile_overlayer_lowered;
	s6 =	simm.s32 $_tile_overlayer_lowered  }
0x9b: {  	s7 =	simm.s32 $0x1BFF;
	s21 =	sshll.u32 s6, $0x1;
	s4 =	sadd.s32 s4, s20  }
0x9c: {  	s22 =	simm.s32 $0x0;
	s5 =	sshll.u32 s5, $0x1;
	s6 =	sadd.s32 s21, s4  }
0x9d: {  	[timem:s22], [sflag:s7] =	dma.local [hbm:s6], s5  }
0x9e: {  	_ =	swait.ge [sflag:s7], s5  }
0x9f: {  	s5 =	ssub.s32 $0x0, s5;
	[sflag:s7] =	ssyncset.done $0x0  }
0xa0: {  	[sflag:s7] =	ssyncadd.s32 s5;
	_ =	sdelay $0x1  }
0xa1: {  	s23 =	simm.s32 $0x1B8B  }
0xa2: {  	_ =	swait.ge [sflag:s23], $0x1  }
0xa3: {  	[sflag:s23] =	ssyncset.done $0x0  }
0xa4: {  	[sflag:s23] =	ssyncadd.s32 $0xFFFFFFFF  }
0xa5: {  	s5 =	sld [smem:$0x0]  }
0xa6: {  	s6 =	sand.u32 $0xFFFFFFFE, s1  }
0xa7: {  	p0 =	sne.s32 s1, s6  }
0xa8: {  	s6 =	sshll.u32 @p0 s6, $0xE  }
0xa9: {  	s6 =	sadd.s32 @p0 $0x11B8D, s6;
	s7 =	sshll.u32 @p0 s5, $0x11  }
0xaa: {  	s6 =	sor.u32 @p0 s7, s6  }
0xab: {  	[sflag:s6] =	ssyncadd.remote.s32 @p0 $0x1;
	_ =	sdelay $0x1  }
0xac: {  	s6 =	simm.s32 @p0 $0x1B8D  }
0xad: {  	_ =	swait.eq @p0 [sflag:s6], $0x1  }
0xae: {  	[sflag:s6] =	ssyncadd.s32 @p0 $0xFFFFFFFF  }
0xaf: {  	s7 =	sshll.u32 @!p0 s1, $0xE  }
0xb0: {  	s7 =	sor.u32 @!p0 $0x4000, s7;
	s6 =	simm.s32 @!p0 $0x1B8D  }
0xb1: {  	s5 =	sshll.u32 @!p0 s5, $0x11;
	s7 =	sadd.s32 @!p0 $0x11B8D, s7;
	_ =	swait.eq @!p0 [sflag:s6], $0x1  }
0xb2: {  	s5 =	sor.u32 @!p0 s5, s7;
	[sflag:s6] =	ssyncadd.s32 @!p0 $0xFFFFFFFF  }
0xb3: {  	s25 =	simm.s32 $0x1B8E;
	s24 =	sld [smem:$0x3FFE];
	[sflag:s5] =	ssyncadd.remote.s32 @!p0 $0x1  }
0xb4: {  	s26 =	simm.s32 $execute0_lowered;
	[smem:$0x3FD2] =	sst s25  }
0xb5: {  	s6 =	sshll.u32 s26, $0x1;
	_ =	strace $0x80000049;
	[dreg:$0x1] =	wrdreg $0xFFFFFFFF  }
0xb6: {  	s28 =	simm.s32 $_size_execute0_lowered;
	s4 =	sadd.s32 s4, s6;
	[dreg:$0x0] =	wrdreg $0x0  }
0xb7: {  	s6 =	sshll.u32 s28, $0x1;
	[dreg:$0x2] =	wrdreg s4  }
0xb8: {  	[dreg:$0x3] =	wrdreg s6  }
0xb9: {  	[dreg:$0x4] =	wrdreg $0xC0  }
0xba: {  	_ =	task [dreg:s22], $0x5FFFF  }
0xbb: {  	[dreg:$0x1] =	wrdreg $0xFFFFFFFF  }
0xbc: {  	[dreg:$0x0] =	wrdreg $0x60  }
0xbd: {  	[dreg:$0x2] =	wrdreg s24  }
0xbe: {  	[dreg:$0x3] =	wrdreg s18  }
0xbf: {  	[dreg:$0x4] =	wrdreg $0x21000  }
0xc0: {  	[dreg:$0x5] =	wrdreg $0xA  }
0xc1: {  	_ =	task.clear_ibuf [dreg:s22], $0x6FFFF;
	_ =	strace $0x90000049  }
0xc2: {  	s29 =	simm.s32 $0xA;
	_ =	strace $0x8000004B  }
0xc3: {  	_ =	swait.ge [sflag:s29], $0x1  }
0xc4: {  	[sflag:s29] =	ssyncadd.s32 $0xFFFFFFFF  }
0xc5: {  	_ =	strace $0x9000004B  }
0xc6: {  	_ =	sfence  }
0xc7: {  	s30 =	sld [smem:$0x0];
	_ =	sdelay $0x2  }
0xc8: {  	s31 =	sshll.u32 s1, $0xD;
	s1 =	sshrl.u32 s1, $0x2  }
0xc9: {  	s4 =	sand.u32 $0x4000, s31;
	s1 =	sadd.s32 s1, s30  }
0xca: {  	s0 =	sor.u32 s4, s0;
	s1 =	sshll.u32 s1, $0x11  }
0xcb: {  	s0 =	sor.u32 s1, s0  }
0xcc: {  	s0 =	sadd.s32 $0x8F2B, s0  }
0xcd: {  	[sflag:s0] =	ssyncadd.remote.s32 $0x1  }
0xce: {  	_ =	sfence.sel $0xFFFF  }
0xcf: {  	[dreg:$0x0] =	wrdreg $0xFFFFFFFF;
	(pc) =	sbr.abs _section_cstart, $3  }
0xd0: {  	[dreg:$0x1] =	wrdreg $0xFFFFFFFF  }
0xd1: {  	_ =	task.clear_ibuf [dreg:s22], $0x2FFFF;
	_ =	strace $0x9FFFFFFF  }
0xd2: {  	(tm) =	ssettm $0x7FFFFFFF  }
0xd3: {  	_ =	shalt  }
tec
execute0_lowered:
.L_overlay_start_1:
0x0: {  	(tag) =	ssettag $0x1  }
0x1: {  	s5 =	rddreg [dreg:$0x0]  }
0x2: {  	s0 =	srdreg.scid;
	s2 =	rddreg [dreg:$0x1]  }
0x3: {  	s3 =	rddreg [dreg:$0x2];
	s6 =	sand.u32 $0x1, s0  }
0x4: {  	s0 =	stileid.u32;
	s7 =	smul.u32 $0x27400, s6  }
0x5: {  	s1 =	rddreg [dreg:$0x3];
	s4 =	simm.s32 $0x0;
	s8 =	smul.u32 $0x2740, s0  }
0x6: {  	s13 =	simm.s32 $0x40;
	s14 =	simm.s32 $0x100;
	s16 =	smul.u32 $0x2800, s0  }
0x7: {  	s15 =	simm.s32 $0x1;
	[smem:$0x7FF] =	sst s4;
	s26 =	smul.u32 $0x28000, s6  }
0x8: {  	_ =	strace $0x8000004A;
	s6 =	ssub.s32 $0x2, s6;
	s28 =	smul.u32 $0x50000, s0  }
0x9: {  	s31 =	sshll.u32 s0, $0x6;
	s29 =	sshrl.u32 s6, $0x1;
	s7 =	sadd.s32 s8, s7  }
0xa: {  	s10 =	sadd.s32 s16, s5;
	s8 =	sadd.s32 s26, s5;
	s11 =	ssub.s32 s6, s29  }
0xb: {  	s30 =	sshrl.u32 s28, $0x2;
	s6 =	sor.u32 $0x1C02, s31;
	s7 =	sshrl.u32 s7, $0x3  }
0xc: {  	s12 =	sadd.s32 s30, s3;
	s17 =	sadd.s32 $0xAD000, s8;
	s9 =	sadd.s32 s7, s5  }
0xd: {  	s5 =	sadd.s32 $0x21400, s10;
	s7 =	smax.u32 s11, $0x1;
	s10 =	sshrl.u32 s12, $0x3  }
0xe: {  	s11 =	simm.s32 $0x2;
	s12 =	simm.s32 $0x80;
	s16 =	sadd.s32 s16, s17  }
0xf: {  	s17 =	simm.s32 $0x0;
	s8 =	sadd.s32 $0xA3200, s9;
	s9 =	sadd.s32 $0x99400, s9  }
.LBB2_1:
0x10: {  	[spmem:s10], [sflag:s6] =	dma.local [hbm:s5], $0x2800  }
0x11: {  	_ =	swait.ge [sflag:s11], $0x2800  }
0x12: {  	[sflag:s11] =	ssyncset.done $0x0  }
0x13: {  	[sflag:s11] =	ssyncadd.s32 $0xFFFFD800  }
0x14: {  	s18 =	sadd.s32 $0x0, s9;
	[bflag:$0x0] =	sbarrier.arrive $0xFFFF  }
0x15: {  	[tilespmem:s4], [sflag:$0x2] =	stream.linear.gather [hbm4b:s18+s4], $0x40, $0x38;
	[tilespmem:$0x16100] =	vst v63  }
0x16: {  	_ =	swait.ge [sflag:s11], $0x40  }
0x17: {  	[sflag:s11] =	ssyncset.done $0x0  }
0x18: {  	s31 =	sadd.s32 $0x0, s8;
	[sflag:s11] =	ssyncadd.s32 $0xFFFFFFC0  }
0x19: {  	[tilespmem:s12], [sflag:$0x2] =	stream.linear.gather [hbm4b:s31+s4], $0x40, $0x38;
	[tilespmem:$0x16100] =	vst v63  }
0x1a: {  	_ =	swait.ge [sflag:s11], $0x40  }
0x1b: {  	[sflag:s11] =	ssyncset.done $0x0  }
0x1c: {  	[sflag:s11] =	ssyncadd.s32 $0xFFFFFFC0  }
0x1d: {  	[tilespmem:s14], [sflag:$0x1] =	stream.indirect.gather [hbm4b:s2+s13], $0x80, s4, s13, $0xb8;
	[tilespmem:$0x16100] =	vst v63  }
0x1e: {  	_ =	swait.ge [sflag:s15], $0x2000  }
0x1f: {  	[sflag:s15] =	ssyncset.done $0x0  }
0x20: {  	[sflag:s15] =	ssyncadd.s32 $0xFFFFE000  }
0x21: {  	[spmem:s3] =	stream.indirect.scatter.add.f32 [tilespmem:s14], [sflag:$0x2], $0x80, s12, s13, $0xb8;
	[tilespmem:$0x16100] =	vst v63  }
0x22: {  	_ =	swait.ge [sflag:s11], $0x2000  }
0x23: {  	s19 =	simm.s32 $0x10;
	s18 =	simm.s32 $0x8;
	[sflag:s11] =	ssyncset.done $0x0  }
.LBB2_2:
0x24: {  	s20 =	sadd.s32 s18, s9  }
0x25: {  	[sflag:s11] =	ssyncadd.s32 $0xFFFFE000;
	s21 =	smov.u32 s19;
	s22 =	sadd.s32 $0x8, s19  }
0x26: {  	[tilespmem:s4], [sflag:$0x2] =	stream.linear.gather [hbm4b:s20+s4], $0x40, $0x38;
	[tilespmem:$0x16100] =	vst v63  }
0x27: {  	p0 =	sne.s32 s19, $0x4E0;
	_ =	swait.ge [sflag:s11], $0x40  }
0x28: {  	[sflag:s11] =	ssyncset.done $0x0  }
0x29: {  	s19 =	sadd.s32 s18, s8;
	s18 =	smov.u32 s21;
	[sflag:s11] =	ssyncadd.s32 $0xFFFFFFC0  }
0x2a: {  	[tilespmem:s12], [sflag:$0x2] =	stream.linear.gather [hbm4b:s19+s4], $0x40, $0x38;
	[tilespmem:$0x16100] =	vst v63  }
0x2b: {  	_ =	swait.ge [sflag:s11], $0x40  }
0x2c: {  	[sflag:s11] =	ssyncset.done $0x0  }
0x2d: {  	[sflag:s11] =	ssyncadd.s32 $0xFFFFFFC0  }
0x2e: {  	[tilespmem:s14], [sflag:$0x1] =	stream.indirect.gather [hbm4b:s2+s13], $0x80, s4, s13, $0xb8;
	[tilespmem:$0x16100] =	vst v63  }
0x2f: {  	_ =	swait.ge [sflag:s15], $0x2000  }
.Ltmp0:
0x30: {  	[sflag:s15] =	ssyncset.done $0x0;
	(pc) =	sbr.rel @p0 .LBB2_2-.Ltmp0, $4  }
0x31: {  	[sflag:s15] =	ssyncadd.s32 $0xFFFFE000  }
0x32: {  	[spmem:s3] =	stream.indirect.scatter.add.f32 [tilespmem:s14], [sflag:$0x2], $0x80, s12, s13, $0xb8;
	[tilespmem:$0x16100] =	vst v63  }
0x33: {  	_ =	swait.ge [sflag:s11], $0x2000  }
0x34: {  	s19 =	smov.u32 s22;
	[sflag:s11] =	ssyncset.done $0x0  }
0x35: {  	s19 =	sadd.s32 s18, s9;
	[sflag:s11] =	ssyncadd.s32 $0xFFFFE000  }
0x36: {  	[tilespmem:s4], [sflag:$0x2] =	stream.linear.gather [hbm4b:s19+s4], $0x40, $0x38;
	[tilespmem:$0x16100] =	vst v63  }
0x37: {  	_ =	swait.ge [sflag:s11], $0x40  }
0x38: {  	[sflag:s11] =	ssyncset.done $0x0  }
0x39: {  	s31 =	sadd.s32 s18, s8;
	[sflag:s11] =	ssyncadd.s32 $0xFFFFFFC0  }
0x3a: {  	[tilespmem:s12], [sflag:$0x2] =	stream.linear.gather [hbm4b:s31+s4], $0x40, $0x38;
	[tilespmem:$0x16100] =	vst v63  }
0x3b: {  	_ =	swait.ge [sflag:s11], $0x40  }
0x3c: {  	[sflag:s11] =	ssyncset.done $0x0  }
0x3d: {  	[sflag:s11] =	ssyncadd.s32 $0xFFFFFFC0  }
0x3e: {  	[tilespmem:s14], [sflag:$0x1] =	stream.indirect.gather [hbm4b:s2+s13], $0x80, s4, s13, $0xb8;
	[tilespmem:$0x16100] =	vst v63  }
0x3f: {  	_ =	swait.ge [sflag:s15], $0x2000  }
0x40: {  	[sflag:s15] =	ssyncset.done $0x0  }
0x41: {  	[sflag:s15] =	ssyncadd.s32 $0xFFFFE000  }
0x42: {  	[spmem:s3] =	stream.indirect.scatter.add.f32 [tilespmem:s14], [sflag:$0x2], $0x80, s12, s13, $0xb8;
	[tilespmem:$0x16100] =	vst v63  }
0x43: {  	_ =	swait.ge [sflag:s11], $0x2000  }
0x44: {  	s17 =	sadd.s32 $0x1, s17;
	[sflag:s11] =	ssyncset.done $0x0  }
0x45: {  	p0 =	sne.s32 s17, s7;
	[sflag:s11] =	ssyncadd.s32 $0xFFFFE000  }
.Ltmp1:
0x46: {  	[bflag:$0x0] =	sbarrier.arrive $0xFFFF;
	(pc) =	sbr.rel @p0 .LBB2_1-.Ltmp1, $4  }
0x47: {  	[hbm:s16], [sflag:s6] =	dma.local [spmem:s10], $0x2800  }
0x48: {  	_ =	swait.ge [sflag:s11], $0x2800  }
0x49: {  	[sflag:s11] =	ssyncset.done $0x0  }
0x4a: {  	[sflag:s11] =	ssyncadd.s32 $0xFFFFD800  }
0x4b: {  	_ =	sfence.sel $0x180000  }
0x4c: {  	[bflag:$0x0] =	sbarrier.arrive $0xFFFF  }
0x4d: {  	p0 =	sne.s32 s0, $0x0;
	_ =	strace $0x9000004A  }
0x4e: {  	s0 =	sadd.s32 @!p0 $0x100000, s1;
	[bflag:$0x2] =	sbarrier.arrive $0xFFFF  }
0x4f: {  	[sflag:s0] =	ssyncadd.tile.s32 @!p0 $0x1;
	_ =	shalt  }
.Lfunc_end2:
_tile_overlayer_lowered:
.L_overlay_start_2:
0x50: {  	(tag) =	ssettag $0x2  }
0x51: {  	s0 =	rddreg [dreg:$0x0];
	s2 =	stileid.u32  }
0x52: {  	s1 =	rddreg [dreg:$0x1];
	p0 =	sne.s32 s2, $0x0  }
0x53: {  	s3 =	rddreg [dreg:$0x2];
	[bflag:$0x3] =	sbarrier.arrive $0xFFFF;
	s2 =	simm.s32 @!p0 $0x1C02  }
0x54: {  	[timem:s3], [sflag:s2] =	dma.local @!p0 [hbm:s0], s1  }
0x55: {  	s0 =	simm.s32 @!p0 $0x2  }
0x56: {  	_ =	swait.ge @!p0 [sflag:s0], s1  }
0x57: {  	s1 =	ssub.s32 @!p0 $0x0, s1;
	[sflag:s0] =	ssyncset.done @!p0 $0x0  }
0x58: {  	[sflag:s0] =	ssyncadd.s32 @!p0 s1  }
0x59: {  	[bflag:$0x3] =	sbarrier.arrive $0xFFFF  }
0x5a: {  	_ =	shalt  }

// kernel: kernel.38.cloned.1.call-start
scs
__scs_entry_jumppad:
0x0: {  	(pc) =	sbr.rel $0x88, $3  }
0x1: {  	(tag) =	ssettag $0x0;
	lr =	simm.s32 $0x1  }
0x2: {  	[smem:$0x3F89] =	sst lr;
	_ =	strace $0xD0000000  }
0x3: {  	_ = 	snop  }
0x4: {  	_ = 	snop  }
0x5: {  	_ = 	snop  }
0x6: {  	_ = 	snop  }
0x7: {  	_ = 	snop  }
__scs_overlays_trampoline_lowered:
0x8: {  	[smem:$0x3F98] =	sst s0  }
0x9: {  	[smem:$0x3F99] =	sst s1  }
0xa: {  	[smem:$0x3F9A] =	sst s2  }
0xb: {  	[smem:$0x3F9B] =	sst s3  }
0xc: {  	[smem:$0x3F9C] =	sst s4  }
0xd: {  	[smem:$0x3F9D] =	sst s5  }
0xe: {  	[smem:$0x3F9E] =	sst s6  }
0xf: {  	[smem:$0x3F9F] =	sst s7  }
0x10: {  	[smem:$0x3FA0] =	sst s8  }
0x11: {  	[smem:$0x3FA1] =	sst s9;
	s0 =	simm.s32 @!p0 $0x0  }
0x12: {  	s1 =	sld [smem:$0x3F87];
	s0 =	simm.s32 @p0 $0x1  }
0x13: {  	[smem:$0x3FA2] =	sst s0;
	s0 =	simm.s32 @!p1 $0x0  }
0x14: {  	s2 =	sld [smem:$0x3F86];
	s0 =	simm.s32 @p1 $0x1  }
0x15: {  	[smem:$0x3FA3] =	sst s0;
	s0 =	simm.s32 @!p2 $0x0  }
0x16: {  	s3 =	sld [smem:$0x3FDB];
	s0 =	simm.s32 @p2 $0x1  }
0x17: {  	s4 =	simm.s32 $0x1BF5;
	[smem:$0x3FA5] =	sst s0  }
0x18: {  	s0 =	sld [smem:$0x3F88];
	_ =	swait.ge [sflag:s4], $0x0  }
0x19: {  	s7 =	sld [smem:$0x3F89]  }
0x1a: {  	s8 =	sadd.s32 $0xFFFFE003, lr  }
0x1b: {  	s9 =	sadd.s32 $0xFFFFFEF7, lr;
	s5 =	simm.s32 $0xFFFFFFFF;
	p2 =	slt.u32 s8, $0xFFFFF086  }
0x1c: {  	p1 =	slt.u32 s9, $0xF7A;
	s5 =	simm.s32 @!p2 $0x0  }
0x1d: {  	s5 =	simm.s32 @p1 $0x1;
	p0 =	seq.s32 s7, s2  }
0x1e: {  	s7 =	smul.u32 @!p0 $0xF7A, s2;
	p2 =	seq.s32 @!p0 s5, $0x0  }
0x1f: {  	s9 =	smul.u32 $0xF7A, s1;
	s8 =	simm.s32 @!p0 $0x1BF5;
	p2 =	por !p2, p0  }
0x20: {  	[sflag:s8] =	ssyncset.s32 @!p0 $0xFFFFF086;
	s6 =	sadd.s32 @!p0 s3, s7;
	s7 =	simm.s32 @!p0 $0x108  }
0x21: {  	s3 =	sadd.s32 s3, s9;
	s6 =	sadd.s32 @!p0 $0x88, s6;
	s7 =	simm.s32 @p2 $0x1082  }
0x22: {  	[simem:s7], [sflag:s8] =	dma.local @!p0 [hbm:s6], $0xF7A  }
0x23: {  	s9 =	sor.u32 $0xD0000000, s2;
	s6 =	simm.s32 $0x108;
	_ =	swait.ge @!p0 [sflag:s8], $0x0  }
0x24: {  	s3 =	sadd.s32 $0x88, s3;
	s6 =	simm.s32 @!p1 $0x1082;
	[sflag:s4] =	ssyncset.s32 $0xFFFFF086  }
0x25: {  	[simem:s6], [sflag:s4] =	dma.local [hbm:s3], $0xF7A  }
0x26: {  	[smem:$0x3F89] =	sst s1;
	(tag) =	ssettag s2;
	_ =	strace s9  }
0x27: {  	s1 =	sld [smem:$0x3F99]  }
0x28: {  	s2 =	sld [smem:$0x3F9A]  }
0x29: {  	s4 =	sld [smem:$0x3F9C]  }
0x2a: {  	p0 =	seq.s32 s5, $0x0;
	s5 =	sld [smem:$0x3F9D]  }
0x2b: {  	s6 =	sld [smem:$0x3F9E]  }
0x2c: {  	s7 =	sld [smem:$0x3F9F]  }
0x2d: {  	s3 =	simm.s32 $0x108;
	s8 =	sld [smem:$0x3FA0]  }
0x2e: {  	s3 =	simm.s32 @!p0 $0x1082;
	s9 =	sld [smem:$0x3FA1]  }
0x2f: {  	lr =	sadd.s32 s0, s3;
	s0 =	sld [smem:$0x3F98]  }
0x30: {  	s3 =	sld [smem:$0x3F9B]  }
0x31: {  	[smem:$0x3FA4] =	sst s10  }
0x32: {  	s10 =	sld [smem:$0x3FA2];
	_ =	sdelay $0x3  }
0x33: {  	p0 =	seq.s32 s10, $0x1;
	s10 =	sld [smem:$0x3FA4];
	_ =	sdelay $0x3  }
0x34: {  	[smem:$0x3FA4] =	sst s10  }
0x35: {  	s10 =	sld [smem:$0x3FA3];
	_ =	sdelay $0x3  }
0x36: {  	p1 =	seq.s32 s10, $0x1;
	s10 =	sld [smem:$0x3FA4];
	_ =	sdelay $0x3  }
0x37: {  	[smem:$0x3FA4] =	sst s10  }
0x38: {  	s10 =	sld [smem:$0x3FA5]  }
0x39: {  	_ = 	snop;
	(pc) =	sbr.ind lr, $3  }
0x3a: {  	_ = 	snop  }
0x3b: {  	_ = 	snop  }
0x3c: {  	p2 =	seq.s32 s10, $0x1;
	s10 =	sld [smem:$0x3FA4]  }
0x3d: {  	_ =	shalt  }
0x3e: {  	_ =	shalt  }
0x3f: {  	_ =	shalt  }
0x40: {  	_ =	shalt  }
0x41: {  	_ =	shalt  }
0x42: {  	_ =	shalt  }
0x43: {  	_ =	shalt  }
0x44: {  	_ =	shalt  }
0x45: {  	_ =	shalt  }
0x46: {  	_ =	shalt  }
0x47: {  	_ =	shalt  }
0x48: {  	_ =	shalt  }
0x49: {  	_ =	shalt  }
0x4a: {  	_ =	shalt  }
0x4b: {  	_ =	shalt  }
0x4c: {  	_ =	shalt  }
0x4d: {  	_ =	shalt  }
0x4e: {  	_ =	shalt  }
0x4f: {  	_ =	shalt  }
0x50: {  	_ =	shalt  }
0x51: {  	_ =	shalt  }
0x52: {  	_ =	shalt  }
0x53: {  	_ =	shalt  }
0x54: {  	_ =	shalt  }
0x55: {  	_ =	shalt  }
0x56: {  	_ =	shalt  }
0x57: {  	_ =	shalt  }
0x58: {  	_ =	shalt  }
0x59: {  	_ =	shalt  }
0x5a: {  	_ =	shalt  }
0x5b: {  	_ =	shalt  }
0x5c: {  	_ =	shalt  }
0x5d: {  	_ =	shalt  }
0x5e: {  	_ =	shalt  }
0x5f: {  	_ =	shalt  }
0x60: {  	_ =	shalt  }
0x61: {  	_ =	shalt  }
0x62: {  	_ =	shalt  }
0x63: {  	_ =	shalt  }
0x64: {  	_ =	shalt  }
0x65: {  	_ =	shalt  }
0x66: {  	_ =	shalt  }
0x67: {  	_ =	shalt  }
0x68: {  	_ =	shalt  }
0x69: {  	_ =	shalt  }
0x6a: {  	_ =	shalt  }
0x6b: {  	_ =	shalt  }
0x6c: {  	_ =	shalt  }
0x6d: {  	_ =	shalt  }
0x6e: {  	_ =	shalt  }
0x6f: {  	_ =	shalt  }
0x70: {  	_ =	shalt  }
0x71: {  	_ =	shalt  }
0x72: {  	_ =	shalt  }
0x73: {  	_ =	shalt  }
0x74: {  	_ =	shalt  }
0x75: {  	_ =	shalt  }
0x76: {  	_ =	shalt  }
0x77: {  	_ =	shalt  }
0x78: {  	_ =	shalt  }
0x79: {  	_ =	shalt  }
0x7a: {  	_ =	shalt  }
0x7b: {  	_ =	shalt  }
0x7c: {  	_ =	shalt  }
0x7d: {  	_ =	shalt  }
0x7e: {  	_ =	shalt  }
0x7f: {  	_ =	shalt  }
0x80: {  	_ =	shalt  }
0x81: {  	_ =	shalt  }
0x82: {  	_ =	shalt  }
0x83: {  	_ =	shalt  }
0x84: {  	_ =	shalt  }
0x85: {  	_ =	shalt  }
0x86: {  	_ =	shalt  }
0x87: {  	_ =	shalt  }
.Lfunc_end0:
.L_simem_size_0:
called_computation.4_lowered:
.L_overlay_start_0:
0x88: {  	s2 =	sld [smem:$0x3FD9]  }
0x89: {  	s3 =	sld [smem:$0x3FFE];
	_ =	sdelay $0x1  }
0x8a: {  	s1 =	srdreg.scid  }
0x8b: {  	s0 =	sand.u32 $0x1, s1  }
0x8c: {  	s17 =	sshll.u32 s0, $0xA;
	s2 =	sadd.s32 s3, s2  }
0x8d: {  	s2 =	sadd.s32 s2, s17  }
0x8e: {  	[smem:$0x3FB0] =	sst s2  }
0x8f: {  	_ = 	snop  }
0x90: {  	(tm) =	ssettm $0x1  }
0x91: {  	s18 =	sld [smem:$0x3FFB];
	_ =	sdelay $0x3  }
0x92: {  	_ =	strace s18  }
0x93: {  	s2 =	sld [smem:$0x3FFC];
	_ =	sdelay $0x3  }
0x94: {  	_ =	strace s2  }
0x95: {  	s2 =	sld [smem:$0x3FFD];
	_ =	sdelay $0x3  }
0x96: {  	_ =	strace s2  }
0x97: {  	_ =	strace $0x8FFFFFFF  }
0x98: {  	s19 =	sld [smem:$0x3FDB];
	_ =	sdelay $0x1  }
0x99: {  	s20 =	simm.s32 $_scs_section_size  }
0x9a: {  	s4 =	simm.s32 $_size__tile_overlayer_lowered;
	s5 =	simm.s32 $_tile_overlayer_lowered  }
0x9b: {  	s6 =	simm.s32 $0x1BFF;
	s21 =	sshll.u32 s5, $0x1;
	s3 =	sadd.s32 s20, s19  }
0x9c: {  	s22 =	simm.s32 $0x0;
	s4 =	sshll.u32 s4, $0x1;
	s5 =	sadd.s32 s21, s3  }
0x9d: {  	[timem:s22], [sflag:s6] =	dma.local [hbm:s5], s4  }
0x9e: {  	_ =	swait.ge [sflag:s6], s4  }
0x9f: {  	s4 =	ssub.s32 $0x0, s4;
	[sflag:s6] =	ssyncset.done $0x0  }
0xa0: {  	[sflag:s6] =	ssyncadd.s32 s4;
	_ =	sdelay $0x1  }
0xa1: {  	s23 =	simm.s32 $0x1B8B  }
0xa2: {  	_ =	swait.ge [sflag:s23], $0x1  }
0xa3: {  	[sflag:s23] =	ssyncset.done $0x0  }
0xa4: {  	[sflag:s23] =	ssyncadd.s32 $0xFFFFFFFF  }
0xa5: {  	s4 =	sld [smem:$0x0]  }
0xa6: {  	s5 =	sand.u32 $0xFFFFFFFE, s1  }
0xa7: {  	p0 =	sne.s32 s1, s5  }
0xa8: {  	s5 =	sshll.u32 @p0 s5, $0xE  }
0xa9: {  	s5 =	sadd.s32 @p0 $0x11B8D, s5;
	s6 =	sshll.u32 @p0 s4, $0x11  }
0xaa: {  	s5 =	sor.u32 @p0 s6, s5  }
0xab: {  	[sflag:s5] =	ssyncadd.remote.s32 @p0 $0x1;
	_ =	sdelay $0x1  }
0xac: {  	s5 =	simm.s32 @p0 $0x1B8D  }
0xad: {  	_ =	swait.eq @p0 [sflag:s5], $0x1  }
0xae: {  	[sflag:s5] =	ssyncadd.s32 @p0 $0xFFFFFFFF  }
0xaf: {  	s6 =	sshll.u32 @!p0 s1, $0xE  }
0xb0: {  	s6 =	sor.u32 @!p0 $0x4000, s6;
	s5 =	simm.s32 @!p0 $0x1B8D  }
0xb1: {  	s4 =	sshll.u32 @!p0 s4, $0x11;
	s6 =	sadd.s32 @!p0 $0x11B8D, s6;
	_ =	swait.eq @!p0 [sflag:s5], $0x1  }
0xb2: {  	s4 =	sor.u32 @!p0 s4, s6;
	[sflag:s5] =	ssyncadd.s32 @!p0 $0xFFFFFFFF  }
0xb3: {  	s25 =	simm.s32 $0x1B8E;
	s24 =	sld [smem:$0x3FFE];
	[sflag:s4] =	ssyncadd.remote.s32 @!p0 $0x1  }
0xb4: {  	s26 =	simm.s32 $execute0_lowered;
	[smem:$0x3FD2] =	sst s25  }
0xb5: {  	s5 =	sshll.u32 s26, $0x1;
	_ =	strace $0x80000055;
	[dreg:$0x1] =	wrdreg $0xFFFFFFFF  }
0xb6: {  	s28 =	simm.s32 $_size_execute0_lowered;
	s3 =	sadd.s32 s3, s5;
	[dreg:$0x0] =	wrdreg $0x0  }
0xb7: {  	s5 =	sshll.u32 s28, $0x1;
	[dreg:$0x2] =	wrdreg s3  }
0xb8: {  	[dreg:$0x3] =	wrdreg s5  }
0xb9: {  	[dreg:$0x4] =	wrdreg $0xC0  }
0xba: {  	_ =	task [dreg:s22], $0x5FFFF  }
0xbb: {  	[dreg:$0x1] =	wrdreg $0xFFFFFFFF  }
0xbc: {  	[dreg:$0x0] =	wrdreg $0x60  }
0xbd: {  	[dreg:$0x2] =	wrdreg s24  }
0xbe: {  	[dreg:$0x3] =	wrdreg $0x21000  }
0xbf: {  	[dreg:$0x4] =	wrdreg $0xA  }
0xc0: {  	_ =	task.clear_ibuf [dreg:s22], $0x5FFFF;
	_ =	strace $0x90000055  }
0xc1: {  	s29 =	simm.s32 $0xA;
	_ =	strace $0x80000057  }
0xc2: {  	_ =	swait.ge [sflag:s29], $0x1  }
0xc3: {  	[sflag:s29] =	ssyncadd.s32 $0xFFFFFFFF  }
0xc4: {  	_ =	strace $0x90000057  }
0xc5: {  	_ =	sfence  }
0xc6: {  	s30 =	sld [smem:$0x0];
	_ =	sdelay $0x2  }
0xc7: {  	s31 =	sshll.u32 s1, $0xD;
	s1 =	sshrl.u32 s1, $0x2  }
0xc8: {  	s4 =	sand.u32 $0x4000, s31;
	s1 =	sadd.s32 s1, s30  }
0xc9: {  	s0 =	sor.u32 s4, s0;
	s1 =	sshll.u32 s1, $0x11  }
0xca: {  	s0 =	sor.u32 s1, s0  }
0xcb: {  	s0 =	sadd.s32 $0x8F2B, s0  }
0xcc: {  	[sflag:s0] =	ssyncadd.remote.s32 $0x1  }
0xcd: {  	_ =	sfence.sel $0xFFFF  }
0xce: {  	[dreg:$0x0] =	wrdreg $0xFFFFFFFF;
	(pc) =	sbr.abs _section_cstart, $3  }
0xcf: {  	[dreg:$0x1] =	wrdreg $0xFFFFFFFF  }
0xd0: {  	_ =	task.clear_ibuf [dreg:s22], $0x2FFFF;
	_ =	strace $0x9FFFFFFF  }
0xd1: {  	(tm) =	ssettm $0x7FFFFFFF  }
tec
execute0_lowered:
.L_overlay_start_1:
0x0: {  	(tag) =	ssettag $0x1  }
0x1: {  	s6 =	rddreg [dreg:$0x0]  }
0x2: {  	s0 =	srdreg.scid;
	s2 =	rddreg [dreg:$0x1]  }
0x3: {  	s1 =	rddreg [dreg:$0x2];
	s5 =	sand.u32 $0x1, s0  }
0x4: {  	s0 =	stileid.u32;
	s4 =	smul.u32 $0x27400, s5  }
0x5: {  	s3 =	simm.s32 $0x0;
	s13 =	simm.s32 $0x40;
	s7 =	smul.u32 $0x2740, s0  }
0x6: {  	s14 =	simm.s32 $0x100;
	[smem:$0x7FF] =	sst s3;
	s16 =	smul.u32 $0x2800, s0  }
0x7: {  	s15 =	simm.s32 $0x1;
	_ =	strace $0x80000056;
	s28 =	smul.u32 $0x28000, s5  }
0x8: {  	s5 =	ssub.s32 $0x2, s5;
	s8 =	smul.u32 $0x50000, s0;
	s31 =	sshll.u32 s0, $0x6  }
0x9: {  	s29 =	sshrl.u32 s5, $0x1;
	s4 =	sadd.s32 s7, s4;
	s10 =	sadd.s32 s16, s6  }
0xa: {  	s7 =	sadd.s32 s28, s6;
	s11 =	ssub.s32 s5, s29;
	s30 =	sshrl.u32 s8, $0x2  }
0xb: {  	s4 =	sshrl.u32 s4, $0x3;
	s12 =	sadd.s32 s30, s2;
	s5 =	sadd.s32 $0x21400, s10  }
0xc: {  	s17 =	sadd.s32 $0xAD000, s7;
	s7 =	smax.u32 s11, $0x1;
	s11 =	simm.s32 $0x2  }
0xd: {  	s9 =	sadd.s32 s4, s6;
	s4 =	sadd.s32 $0x70600, s6;
	s6 =	sor.u32 $0x1C02, s31  }
0xe: {  	s10 =	sshrl.u32 s12, $0x3;
	s12 =	simm.s32 $0x80;
	s16 =	sadd.s32 s16, s17  }
0xf: {  	s17 =	simm.s32 $0x0;
	s8 =	sadd.s32 $0xA3200, s9;
	s9 =	sadd.s32 $0x99400, s9  }
.LBB2_1:
0x10: {  	[spmem:s10], [sflag:s6] =	dma.local [hbm:s5], $0x2800  }
0x11: {  	_ =	swait.ge [sflag:s11], $0x2800  }
0x12: {  	[sflag:s11] =	ssyncset.done $0x0  }
0x13: {  	[sflag:s11] =	ssyncadd.s32 $0xFFFFD800  }
0x14: {  	s18 =	sadd.s32 $0x0, s9;
	[bflag:$0x0] =	sbarrier.arrive $0xFFFF  }
0x15: {  	[tilespmem:s3], [sflag:$0x2] =	stream.linear.gather [hbm4b:s18+s3], $0x40, $0x38;
	[tilespmem:$0x16100] =	vst v63  }
0x16: {  	_ =	swait.ge [sflag:s11], $0x40  }
0x17: {  	[sflag:s11] =	ssyncset.done $0x0  }
0x18: {  	s31 =	sadd.s32 $0x0, s8;
	[sflag:s11] =	ssyncadd.s32 $0xFFFFFFC0  }
0x19: {  	[tilespmem:s12], [sflag:$0x2] =	stream.linear.gather [hbm4b:s31+s3], $0x40, $0x38;
	[tilespmem:$0x16100] =	vst v63  }
0x1a: {  	_ =	swait.ge [sflag:s11], $0x40  }
0x1b: {  	[sflag:s11] =	ssyncset.done $0x0  }
0x1c: {  	[sflag:s11] =	ssyncadd.s32 $0xFFFFFFC0  }
0x1d: {  	[tilespmem:s14], [sflag:$0x1] =	stream.indirect.gather [hbm4b:s4+s13], $0x80, s3, s13, $0xb8;
	[tilespmem:$0x16100] =	vst v63  }
0x1e: {  	_ =	swait.ge [sflag:s15], $0x2000  }
0x1f: {  	[sflag:s15] =	ssyncset.done $0x0  }
0x20: {  	[sflag:s15] =	ssyncadd.s32 $0xFFFFE000  }
0x21: {  	[spmem:s2] =	stream.indirect.scatter.add.f32 [tilespmem:s14], [sflag:$0x2], $0x80, s12, s13, $0xb8;
	[tilespmem:$0x16100] =	vst v63  }
0x22: {  	_ =	swait.ge [sflag:s11], $0x2000  }
0x23: {  	s19 =	simm.s32 $0x10;
	s18 =	simm.s32 $0x8;
	[sflag:s11] =	ssyncset.done $0x0  }
.LBB2_2:
0x24: {  	s20 =	sadd.s32 s18, s9  }
0x25: {  	[sflag:s11] =	ssyncadd.s32 $0xFFFFE000;
	s21 =	smov.u32 s19;
	s22 =	sadd.s32 $0x8, s19  }
0x26: {  	[tilespmem:s3], [sflag:$0x2] =	stream.linear.gather [hbm4b:s20+s3], $0x40, $0x38;
	[tilespmem:$0x16100] =	vst v63  }
0x27: {  	p0 =	sne.s32 s19, $0x4E0;
	_ =	swait.ge [sflag:s11], $0x40  }
0x28: {  	[sflag:s11] =	ssyncset.done $0x0  }
0x29: {  	s19 =	sadd.s32 s18, s8;
	s18 =	smov.u32 s21;
	[sflag:s11] =	ssyncadd.s32 $0xFFFFFFC0  }
0x2a: {  	[tilespmem:s12], [sflag:$0x2] =	stream.linear.gather [hbm4b:s19+s3], $0x40, $0x38;
	[tilespmem:$0x16100] =	vst v63  }
0x2b: {  	_ =	swait.ge [sflag:s11], $0x40  }
0x2c: {  	[sflag:s11] =	ssyncset.done $0x0  }
0x2d: {  	[sflag:s11] =	ssyncadd.s32 $0xFFFFFFC0  }
0x2e: {  	[tilespmem:s14], [sflag:$0x1] =	stream.indirect.gather [hbm4b:s4+s13], $0x80, s3, s13, $0xb8;
	[tilespmem:$0x16100] =	vst v63  }
0x2f: {  	_ =	swait.ge [sflag:s15], $0x2000  }
.Ltmp0:
0x30: {  	[sflag:s15] =	ssyncset.done $0x0;
	(pc) =	sbr.rel @p0 .LBB2_2-.Ltmp0, $4  }
0x31: {  	[sflag:s15] =	ssyncadd.s32 $0xFFFFE000  }
0x32: {  	[spmem:s2] =	stream.indirect.scatter.add.f32 [tilespmem:s14], [sflag:$0x2], $0x80, s12, s13, $0xb8;
	[tilespmem:$0x16100] =	vst v63  }
0x33: {  	_ =	swait.ge [sflag:s11], $0x2000  }
0x34: {  	s19 =	smov.u32 s22;
	[sflag:s11] =	ssyncset.done $0x0  }
0x35: {  	s19 =	sadd.s32 s18, s9;
	[sflag:s11] =	ssyncadd.s32 $0xFFFFE000  }
0x36: {  	[tilespmem:s3], [sflag:$0x2] =	stream.linear.gather [hbm4b:s19+s3], $0x40, $0x38;
	[tilespmem:$0x16100] =	vst v63  }
0x37: {  	_ =	swait.ge [sflag:s11], $0x40  }
0x38: {  	[sflag:s11] =	ssyncset.done $0x0  }
0x39: {  	s31 =	sadd.s32 s18, s8;
	[sflag:s11] =	ssyncadd.s32 $0xFFFFFFC0  }
0x3a: {  	[tilespmem:s12], [sflag:$0x2] =	stream.linear.gather [hbm4b:s31+s3], $0x40, $0x38;
	[tilespmem:$0x16100] =	vst v63  }
0x3b: {  	_ =	swait.ge [sflag:s11], $0x40  }
0x3c: {  	[sflag:s11] =	ssyncset.done $0x0  }
0x3d: {  	[sflag:s11] =	ssyncadd.s32 $0xFFFFFFC0  }
0x3e: {  	[tilespmem:s14], [sflag:$0x1] =	stream.indirect.gather [hbm4b:s4+s13], $0x80, s3, s13, $0xb8;
	[tilespmem:$0x16100] =	vst v63  }
0x3f: {  	_ =	swait.ge [sflag:s15], $0x2000  }
0x40: {  	[sflag:s15] =	ssyncset.done $0x0  }
0x41: {  	[sflag:s15] =	ssyncadd.s32 $0xFFFFE000  }
0x42: {  	[spmem:s2] =	stream.indirect.scatter.add.f32 [tilespmem:s14], [sflag:$0x2], $0x80, s12, s13, $0xb8;
	[tilespmem:$0x16100] =	vst v63  }
0x43: {  	_ =	swait.ge [sflag:s11], $0x2000  }
0x44: {  	s17 =	sadd.s32 $0x1, s17;
	[sflag:s11] =	ssyncset.done $0x0  }
0x45: {  	p0 =	sne.s32 s17, s7;
	[sflag:s11] =	ssyncadd.s32 $0xFFFFE000  }
.Ltmp1:
0x46: {  	[bflag:$0x0] =	sbarrier.arrive $0xFFFF;
	(pc) =	sbr.rel @p0 .LBB2_1-.Ltmp1, $4  }
0x47: {  	[hbm:s16], [sflag:s6] =	dma.local [spmem:s10], $0x2800  }
0x48: {  	_ =	swait.ge [sflag:s11], $0x2800  }
0x49: {  	[sflag:s11] =	ssyncset.done $0x0  }
0x4a: {  	[sflag:s11] =	ssyncadd.s32 $0xFFFFD800  }
0x4b: {  	_ =	sfence.sel $0x180000  }
0x4c: {  	[bflag:$0x0] =	sbarrier.arrive $0xFFFF  }
0x4d: {  	p0 =	sne.s32 s0, $0x0;
	_ =	strace $0x90000056  }
0x4e: {  	s0 =	sadd.s32 @!p0 $0x100000, s1;
	[bflag:$0x2] =	sbarrier.arrive $0xFFFF  }
0x4f: {  	[sflag:s0] =	ssyncadd.tile.s32 @!p0 $0x1;
	_ =	shalt  }
.Lfunc_end2:
_tile_overlayer_lowered:
.L_overlay_start_2:
0x50: {  	(tag) =	ssettag $0x2  }
0x51: {  	s0 =	rddreg [dreg:$0x0];
	s2 =	stileid.u32  }
0x52: {  	s1 =	rddreg [dreg:$0x1];
	p0 =	sne.s32 s2, $0x0  }
0x53: {  	s3 =	rddreg [dreg:$0x2];
	[bflag:$0x3] =	sbarrier.arrive $0xFFFF;
	s2 =	simm.s32 @!p0 $0x1C02  }
0x54: {  	[timem:s3], [sflag:s2] =	dma.local @!p0 [hbm:s0], s1  }
0x55: {  	s0 =	simm.s32 @!p0 $0x2  }
0x56: {  	_ =	swait.ge @!p0 [sflag:s0], s1  }
0x57: {  	s1 =	ssub.s32 @!p0 $0x0, s1;
	[sflag:s0] =	ssyncset.done @!p0 $0x0  }
0x58: {  	[sflag:s0] =	ssyncadd.s32 @!p0 s1  }
0x59: {  	[bflag:$0x3] =	sbarrier.arrive $0xFFFF  }
0x5a: {  	_ =	shalt  }

// kernel: kernel.41.cloned.1.call-start
scs
__scs_entry_jumppad:
0x0: {  	(pc) =	sbr.rel $0x88, $3  }
0x1: {  	(tag) =	ssettag $0x0;
	lr =	simm.s32 $0x1  }
0x2: {  	[smem:$0x3F89] =	sst lr;
	_ =	strace $0xD0000000  }
0x3: {  	_ = 	snop  }
0x4: {  	_ = 	snop  }
0x5: {  	_ = 	snop  }
0x6: {  	_ = 	snop  }
0x7: {  	_ = 	snop  }
__scs_overlays_trampoline_lowered:
0x8: {  	[smem:$0x3F98] =	sst s0  }
0x9: {  	[smem:$0x3F99] =	sst s1  }
0xa: {  	[smem:$0x3F9A] =	sst s2  }
0xb: {  	[smem:$0x3F9B] =	sst s3  }
0xc: {  	[smem:$0x3F9C] =	sst s4  }
0xd: {  	[smem:$0x3F9D] =	sst s5  }
0xe: {  	[smem:$0x3F9E] =	sst s6  }
0xf: {  	[smem:$0x3F9F] =	sst s7  }
0x10: {  	[smem:$0x3FA0] =	sst s8  }
0x11: {  	[smem:$0x3FA1] =	sst s9;
	s0 =	simm.s32 @!p0 $0x0  }
0x12: {  	s1 =	sld [smem:$0x3F87];
	s0 =	simm.s32 @p0 $0x1  }
0x13: {  	[smem:$0x3FA2] =	sst s0;
	s0 =	simm.s32 @!p1 $0x0  }
0x14: {  	s2 =	sld [smem:$0x3F86];
	s0 =	simm.s32 @p1 $0x1  }
0x15: {  	[smem:$0x3FA3] =	sst s0;
	s0 =	simm.s32 @!p2 $0x0  }
0x16: {  	s3 =	sld [smem:$0x3FDB];
	s0 =	simm.s32 @p2 $0x1  }
0x17: {  	s4 =	simm.s32 $0x1BF5;
	[smem:$0x3FA5] =	sst s0  }
0x18: {  	s0 =	sld [smem:$0x3F88];
	_ =	swait.ge [sflag:s4], $0x0  }
0x19: {  	s7 =	sld [smem:$0x3F89]  }
0x1a: {  	s8 =	sadd.s32 $0xFFFFE003, lr  }
0x1b: {  	s9 =	sadd.s32 $0xFFFFFEF7, lr;
	s5 =	simm.s32 $0xFFFFFFFF;
	p2 =	slt.u32 s8, $0xFFFFF086  }
0x1c: {  	p1 =	slt.u32 s9, $0xF7A;
	s5 =	simm.s32 @!p2 $0x0  }
0x1d: {  	s5 =	simm.s32 @p1 $0x1;
	p0 =	seq.s32 s7, s2  }
0x1e: {  	s7 =	smul.u32 @!p0 $0xF7A, s2;
	p2 =	seq.s32 @!p0 s5, $0x0  }
0x1f: {  	s9 =	smul.u32 $0xF7A, s1;
	s8 =	simm.s32 @!p0 $0x1BF5;
	p2 =	por !p2, p0  }
0x20: {  	[sflag:s8] =	ssyncset.s32 @!p0 $0xFFFFF086;
	s6 =	sadd.s32 @!p0 s3, s7;
	s7 =	simm.s32 @!p0 $0x108  }
0x21: {  	s3 =	sadd.s32 s3, s9;
	s6 =	sadd.s32 @!p0 $0x88, s6;
	s7 =	simm.s32 @p2 $0x1082  }
0x22: {  	[simem:s7], [sflag:s8] =	dma.local @!p0 [hbm:s6], $0xF7A  }
0x23: {  	s9 =	sor.u32 $0xD0000000, s2;
	s6 =	simm.s32 $0x108;
	_ =	swait.ge @!p0 [sflag:s8], $0x0  }
0x24: {  	s3 =	sadd.s32 $0x88, s3;
	s6 =	simm.s32 @!p1 $0x1082;
	[sflag:s4] =	ssyncset.s32 $0xFFFFF086  }
0x25: {  	[simem:s6], [sflag:s4] =	dma.local [hbm:s3], $0xF7A  }
0x26: {  	[smem:$0x3F89] =	sst s1;
	(tag) =	ssettag s2;
	_ =	strace s9  }
0x27: {  	s1 =	sld [smem:$0x3F99]  }
0x28: {  	s2 =	sld [smem:$0x3F9A]  }
0x29: {  	s4 =	sld [smem:$0x3F9C]  }
0x2a: {  	p0 =	seq.s32 s5, $0x0;
	s5 =	sld [smem:$0x3F9D]  }
0x2b: {  	s6 =	sld [smem:$0x3F9E]  }
0x2c: {  	s7 =	sld [smem:$0x3F9F]  }
0x2d: {  	s3 =	simm.s32 $0x108;
	s8 =	sld [smem:$0x3FA0]  }
0x2e: {  	s3 =	simm.s32 @!p0 $0x1082;
	s9 =	sld [smem:$0x3FA1]  }
0x2f: {  	lr =	sadd.s32 s0, s3;
	s0 =	sld [smem:$0x3F98]  }
0x30: {  	s3 =	sld [smem:$0x3F9B]  }
0x31: {  	[smem:$0x3FA4] =	sst s10  }
0x32: {  	s10 =	sld [smem:$0x3FA2];
	_ =	sdelay $0x3  }
0x33: {  	p0 =	seq.s32 s10, $0x1;
	s10 =	sld [smem:$0x3FA4];
	_ =	sdelay $0x3  }
0x34: {  	[smem:$0x3FA4] =	sst s10  }
0x35: {  	s10 =	sld [smem:$0x3FA3];
	_ =	sdelay $0x3  }
0x36: {  	p1 =	seq.s32 s10, $0x1;
	s10 =	sld [smem:$0x3FA4];
	_ =	sdelay $0x3  }
0x37: {  	[smem:$0x3FA4] =	sst s10  }
0x38: {  	s10 =	sld [smem:$0x3FA5]  }
0x39: {  	_ = 	snop;
	(pc) =	sbr.ind lr, $3  }
0x3a: {  	_ = 	snop  }
0x3b: {  	_ = 	snop  }
0x3c: {  	p2 =	seq.s32 s10, $0x1;
	s10 =	sld [smem:$0x3FA4]  }
0x3d: {  	_ =	shalt  }
0x3e: {  	_ =	shalt  }
0x3f: {  	_ =	shalt  }
0x40: {  	_ =	shalt  }
0x41: {  	_ =	shalt  }
0x42: {  	_ =	shalt  }
0x43: {  	_ =	shalt  }
0x44: {  	_ =	shalt  }
0x45: {  	_ =	shalt  }
0x46: {  	_ =	shalt  }
0x47: {  	_ =	shalt  }
0x48: {  	_ =	shalt  }
0x49: {  	_ =	shalt  }
0x4a: {  	_ =	shalt  }
0x4b: {  	_ =	shalt  }
0x4c: {  	_ =	shalt  }
0x4d: {  	_ =	shalt  }
0x4e: {  	_ =	shalt  }
0x4f: {  	_ =	shalt  }
0x50: {  	_ =	shalt  }
0x51: {  	_ =	shalt  }
0x52: {  	_ =	shalt  }
0x53: {  	_ =	shalt  }
0x54: {  	_ =	shalt  }
0x55: {  	_ =	shalt  }
0x56: {  	_ =	shalt  }
0x57: {  	_ =	shalt  }
0x58: {  	_ =	shalt  }
0x59: {  	_ =	shalt  }
0x5a: {  	_ =	shalt  }
0x5b: {  	_ =	shalt  }
0x5c: {  	_ =	shalt  }
0x5d: {  	_ =	shalt  }
0x5e: {  	_ =	shalt  }
0x5f: {  	_ =	shalt  }
0x60: {  	_ =	shalt  }
0x61: {  	_ =	shalt  }
0x62: {  	_ =	shalt  }
0x63: {  	_ =	shalt  }
0x64: {  	_ =	shalt  }
0x65: {  	_ =	shalt  }
0x66: {  	_ =	shalt  }
0x67: {  	_ =	shalt  }
0x68: {  	_ =	shalt  }
0x69: {  	_ =	shalt  }
0x6a: {  	_ =	shalt  }
0x6b: {  	_ =	shalt  }
0x6c: {  	_ =	shalt  }
0x6d: {  	_ =	shalt  }
0x6e: {  	_ =	shalt  }
0x6f: {  	_ =	shalt  }
0x70: {  	_ =	shalt  }
0x71: {  	_ =	shalt  }
0x72: {  	_ =	shalt  }
0x73: {  	_ =	shalt  }
0x74: {  	_ =	shalt  }
0x75: {  	_ =	shalt  }
0x76: {  	_ =	shalt  }
0x77: {  	_ =	shalt  }
0x78: {  	_ =	shalt  }
0x79: {  	_ =	shalt  }
0x7a: {  	_ =	shalt  }
0x7b: {  	_ =	shalt  }
0x7c: {  	_ =	shalt  }
0x7d: {  	_ =	shalt  }
0x7e: {  	_ =	shalt  }
0x7f: {  	_ =	shalt  }
0x80: {  	_ =	shalt  }
0x81: {  	_ =	shalt  }
0x82: {  	_ =	shalt  }
0x83: {  	_ =	shalt  }
0x84: {  	_ =	shalt  }
0x85: {  	_ =	shalt  }
0x86: {  	_ =	shalt  }
0x87: {  	_ =	shalt  }
.Lfunc_end0:
.L_simem_size_0:
called_computation.5_lowered:
.L_overlay_start_0:
0x88: {  	s2 =	sld [smem:$0x3FD9]  }
0x89: {  	s3 =	sld [smem:$0x3FFE];
	_ =	sdelay $0x1  }
0x8a: {  	s1 =	srdreg.scid  }
0x8b: {  	s0 =	sand.u32 $0x1, s1  }
0x8c: {  	s17 =	sshll.u32 s0, $0xA;
	s2 =	sadd.s32 s3, s2  }
0x8d: {  	s2 =	sadd.s32 s2, s17  }
0x8e: {  	[smem:$0x3FB0] =	sst s2  }
0x8f: {  	_ = 	snop  }
0x90: {  	(tm) =	ssettm $0x1  }
0x91: {  	s18 =	sld [smem:$0x3FFB];
	_ =	sdelay $0x3  }
0x92: {  	_ =	strace s18  }
0x93: {  	s2 =	sld [smem:$0x3FFC];
	_ =	sdelay $0x3  }
0x94: {  	_ =	strace s2  }
0x95: {  	s2 =	sld [smem:$0x3FFD];
	_ =	sdelay $0x3  }
0x96: {  	_ =	strace s2  }
0x97: {  	_ =	strace $0x8FFFFFFF  }
0x98: {  	s19 =	sld [smem:$0x3FDB];
	_ =	sdelay $0x1  }
0x99: {  	s20 =	simm.s32 $_scs_section_size  }
0x9a: {  	s4 =	simm.s32 $_size__tile_overlayer_lowered;
	s5 =	simm.s32 $_tile_overlayer_lowered  }
0x9b: {  	s6 =	simm.s32 $0x1BFF;
	s21 =	sshll.u32 s5, $0x1;
	s3 =	sadd.s32 s20, s19  }
0x9c: {  	s22 =	simm.s32 $0x0;
	s4 =	sshll.u32 s4, $0x1;
	s5 =	sadd.s32 s21, s3  }
0x9d: {  	[timem:s22], [sflag:s6] =	dma.local [hbm:s5], s4  }
0x9e: {  	_ =	swait.ge [sflag:s6], s4  }
0x9f: {  	s4 =	ssub.s32 $0x0, s4;
	[sflag:s6] =	ssyncset.done $0x0  }
0xa0: {  	[sflag:s6] =	ssyncadd.s32 s4;
	_ =	sdelay $0x1  }
0xa1: {  	s23 =	simm.s32 $0x1B8B  }
0xa2: {  	_ =	swait.ge [sflag:s23], $0x1  }
0xa3: {  	[sflag:s23] =	ssyncset.done $0x0  }
0xa4: {  	[sflag:s23] =	ssyncadd.s32 $0xFFFFFFFF  }
0xa5: {  	s4 =	sld [smem:$0x0]  }
0xa6: {  	s5 =	sand.u32 $0xFFFFFFFE, s1  }
0xa7: {  	p0 =	sne.s32 s1, s5  }
0xa8: {  	s5 =	sshll.u32 @p0 s5, $0xE  }
0xa9: {  	s5 =	sadd.s32 @p0 $0x11B8D, s5;
	s6 =	sshll.u32 @p0 s4, $0x11  }
0xaa: {  	s5 =	sor.u32 @p0 s6, s5  }
0xab: {  	[sflag:s5] =	ssyncadd.remote.s32 @p0 $0x1;
	_ =	sdelay $0x1  }
0xac: {  	s5 =	simm.s32 @p0 $0x1B8D  }
0xad: {  	_ =	swait.eq @p0 [sflag:s5], $0x1  }
0xae: {  	[sflag:s5] =	ssyncadd.s32 @p0 $0xFFFFFFFF  }
0xaf: {  	s6 =	sshll.u32 @!p0 s1, $0xE  }
0xb0: {  	s6 =	sor.u32 @!p0 $0x4000, s6;
	s5 =	simm.s32 @!p0 $0x1B8D  }
0xb1: {  	s4 =	sshll.u32 @!p0 s4, $0x11;
	s6 =	sadd.s32 @!p0 $0x11B8D, s6;
	_ =	swait.eq @!p0 [sflag:s5], $0x1  }
0xb2: {  	s4 =	sor.u32 @!p0 s4, s6;
	[sflag:s5] =	ssyncadd.s32 @!p0 $0xFFFFFFFF  }
0xb3: {  	s25 =	simm.s32 $0x1B8E;
	s24 =	sld [smem:$0x3FFE];
	[sflag:s4] =	ssyncadd.remote.s32 @!p0 $0x1  }
0xb4: {  	s26 =	simm.s32 $execute0_lowered;
	[smem:$0x3FD2] =	sst s25  }
0xb5: {  	s5 =	sshll.u32 s26, $0x1;
	_ =	strace $0x80000061;
	[dreg:$0x1] =	wrdreg $0xFFFFFFFF  }
0xb6: {  	s28 =	simm.s32 $_size_execute0_lowered;
	s3 =	sadd.s32 s3, s5;
	[dreg:$0x0] =	wrdreg $0x0  }
0xb7: {  	s5 =	sshll.u32 s28, $0x1;
	[dreg:$0x2] =	wrdreg s3  }
0xb8: {  	[dreg:$0x3] =	wrdreg s5  }
0xb9: {  	[dreg:$0x4] =	wrdreg $0xC0  }
0xba: {  	_ =	task [dreg:s22], $0x5FFFF  }
0xbb: {  	[dreg:$0x1] =	wrdreg $0xFFFFFFFF  }
0xbc: {  	[dreg:$0x0] =	wrdreg $0x60  }
0xbd: {  	[dreg:$0x2] =	wrdreg s24  }
0xbe: {  	[dreg:$0x3] =	wrdreg $0x21000  }
0xbf: {  	[dreg:$0x4] =	wrdreg $0xA  }
0xc0: {  	_ =	task.clear_ibuf [dreg:s22], $0x5FFFF;
	_ =	strace $0x90000061  }
0xc1: {  	s29 =	simm.s32 $0xA;
	_ =	strace $0x80000063  }
0xc2: {  	_ =	swait.ge [sflag:s29], $0x1  }
0xc3: {  	[sflag:s29] =	ssyncadd.s32 $0xFFFFFFFF  }
0xc4: {  	_ =	strace $0x90000063  }
0xc5: {  	_ =	sfence  }
0xc6: {  	s30 =	sld [smem:$0x0];
	_ =	sdelay $0x2  }
0xc7: {  	s31 =	sshll.u32 s1, $0xD;
	s1 =	sshrl.u32 s1, $0x2  }
0xc8: {  	s4 =	sand.u32 $0x4000, s31;
	s1 =	sadd.s32 s1, s30  }
0xc9: {  	s0 =	sor.u32 s4, s0;
	s1 =	sshll.u32 s1, $0x11  }
0xca: {  	s0 =	sor.u32 s1, s0  }
0xcb: {  	s0 =	sadd.s32 $0x8F2B, s0  }
0xcc: {  	[sflag:s0] =	ssyncadd.remote.s32 $0x1  }
0xcd: {  	_ =	sfence.sel $0xFFFF  }
0xce: {  	[dreg:$0x0] =	wrdreg $0xFFFFFFFF;
	(pc) =	sbr.abs _section_cstart, $3  }
0xcf: {  	[dreg:$0x1] =	wrdreg $0xFFFFFFFF  }
0xd0: {  	_ =	task.clear_ibuf [dreg:s22], $0x2FFFF;
	_ =	strace $0x9FFFFFFF  }
0xd1: {  	(tm) =	ssettm $0x7FFFFFFF  }
tec
execute0_lowered:
.L_overlay_start_1:
0x0: {  	(tag) =	ssettag $0x1  }
0x1: {  	s6 =	rddreg [dreg:$0x0]  }
0x2: {  	s0 =	srdreg.scid;
	s2 =	rddreg [dreg:$0x1]  }
0x3: {  	s1 =	rddreg [dreg:$0x2];
	s5 =	sand.u32 $0x1, s0  }
0x4: {  	s0 =	stileid.u32;
	s4 =	smul.u32 $0x27400, s5  }
0x5: {  	s3 =	simm.s32 $0x0;
	s13 =	simm.s32 $0x40;
	s7 =	smul.u32 $0x2740, s0  }
0x6: {  	s14 =	simm.s32 $0x100;
	[smem:$0x7FF] =	sst s3;
	s16 =	smul.u32 $0x2800, s0  }
0x7: {  	s15 =	simm.s32 $0x1;
	_ =	strace $0x80000062;
	s28 =	smul.u32 $0x28000, s5  }
0x8: {  	s5 =	ssub.s32 $0x2, s5;
	s8 =	smul.u32 $0x50000, s0;
	s31 =	sshll.u32 s0, $0x6  }
0x9: {  	s29 =	sshrl.u32 s5, $0x1;
	s4 =	sadd.s32 s7, s4;
	s10 =	sadd.s32 s16, s6  }
0xa: {  	s7 =	sadd.s32 s28, s6;
	s11 =	ssub.s32 s5, s29;
	s30 =	sshrl.u32 s8, $0x2  }
0xb: {  	s4 =	sshrl.u32 s4, $0x3;
	s12 =	sadd.s32 s30, s2;
	s5 =	sadd.s32 $0x21400, s10  }
0xc: {  	s17 =	sadd.s32 $0xAD000, s7;
	s7 =	smax.u32 s11, $0x1;
	s11 =	simm.s32 $0x2  }
0xd: {  	s9 =	sadd.s32 s4, s6;
	s4 =	sadd.s32 $0x70600, s6;
	s6 =	sor.u32 $0x1C02, s31  }
0xe: {  	s10 =	sshrl.u32 s12, $0x3;
	s12 =	simm.s32 $0x80;
	s16 =	sadd.s32 s16, s17  }
0xf: {  	s17 =	simm.s32 $0x0;
	s8 =	sadd.s32 $0xA3200, s9;
	s9 =	sadd.s32 $0x99400, s9  }
.LBB2_1:
0x10: {  	[spmem:s10], [sflag:s6] =	dma.local [hbm:s5], $0x2800  }
0x11: {  	_ =	swait.ge [sflag:s11], $0x2800  }
0x12: {  	[sflag:s11] =	ssyncset.done $0x0  }
0x13: {  	[sflag:s11] =	ssyncadd.s32 $0xFFFFD800  }
0x14: {  	s18 =	sadd.s32 $0x0, s9;
	[bflag:$0x0] =	sbarrier.arrive $0xFFFF  }
0x15: {  	[tilespmem:s3], [sflag:$0x2] =	stream.linear.gather [hbm4b:s18+s3], $0x40, $0x38;
	[tilespmem:$0x16100] =	vst v63  }
0x16: {  	_ =	swait.ge [sflag:s11], $0x40  }
0x17: {  	[sflag:s11] =	ssyncset.done $0x0  }
0x18: {  	s31 =	sadd.s32 $0x0, s8;
	[sflag:s11] =	ssyncadd.s32 $0xFFFFFFC0  }
0x19: {  	[tilespmem:s12], [sflag:$0x2] =	stream.linear.gather [hbm4b:s31+s3], $0x40, $0x38;
	[tilespmem:$0x16100] =	vst v63  }
0x1a: {  	_ =	swait.ge [sflag:s11], $0x40  }
0x1b: {  	[sflag:s11] =	ssyncset.done $0x0  }
0x1c: {  	[sflag:s11] =	ssyncadd.s32 $0xFFFFFFC0  }
0x1d: {  	[tilespmem:s14], [sflag:$0x1] =	stream.indirect.gather [hbm4b:s4+s13], $0x80, s3, s13, $0xb8;
	[tilespmem:$0x16100] =	vst v63  }
0x1e: {  	_ =	swait.ge [sflag:s15], $0x2000  }
0x1f: {  	[sflag:s15] =	ssyncset.done $0x0  }
0x20: {  	[sflag:s15] =	ssyncadd.s32 $0xFFFFE000  }
0x21: {  	[spmem:s2] =	stream.indirect.scatter.add.f32 [tilespmem:s14], [sflag:$0x2], $0x80, s12, s13, $0xb8;
	[tilespmem:$0x16100] =	vst v63  }
0x22: {  	_ =	swait.ge [sflag:s11], $0x2000  }
0x23: {  	s19 =	simm.s32 $0x10;
	s18 =	simm.s32 $0x8;
	[sflag:s11] =	ssyncset.done $0x0  }
.LBB2_2:
0x24: {  	s20 =	sadd.s32 s18, s9  }
0x25: {  	[sflag:s11] =	ssyncadd.s32 $0xFFFFE000;
	s21 =	smov.u32 s19;
	s22 =	sadd.s32 $0x8, s19  }
0x26: {  	[tilespmem:s3], [sflag:$0x2] =	stream.linear.gather [hbm4b:s20+s3], $0x40, $0x38;
	[tilespmem:$0x16100] =	vst v63  }
0x27: {  	p0 =	sne.s32 s19, $0x4E0;
	_ =	swait.ge [sflag:s11], $0x40  }
0x28: {  	[sflag:s11] =	ssyncset.done $0x0  }
0x29: {  	s19 =	sadd.s32 s18, s8;
	s18 =	smov.u32 s21;
	[sflag:s11] =	ssyncadd.s32 $0xFFFFFFC0  }
0x2a: {  	[tilespmem:s12], [sflag:$0x2] =	stream.linear.gather [hbm4b:s19+s3], $0x40, $0x38;
	[tilespmem:$0x16100] =	vst v63  }
0x2b: {  	_ =	swait.ge [sflag:s11], $0x40  }
0x2c: {  	[sflag:s11] =	ssyncset.done $0x0  }
0x2d: {  	[sflag:s11] =	ssyncadd.s32 $0xFFFFFFC0  }
0x2e: {  	[tilespmem:s14], [sflag:$0x1] =	stream.indirect.gather [hbm4b:s4+s13], $0x80, s3, s13, $0xb8;
	[tilespmem:$0x16100] =	vst v63  }
0x2f: {  	_ =	swait.ge [sflag:s15], $0x2000  }
.Ltmp0:
0x30: {  	[sflag:s15] =	ssyncset.done $0x0;
	(pc) =	sbr.rel @p0 .LBB2_2-.Ltmp0, $4  }
0x31: {  	[sflag:s15] =	ssyncadd.s32 $0xFFFFE000  }
0x32: {  	[spmem:s2] =	stream.indirect.scatter.add.f32 [tilespmem:s14], [sflag:$0x2], $0x80, s12, s13, $0xb8;
	[tilespmem:$0x16100] =	vst v63  }
0x33: {  	_ =	swait.ge [sflag:s11], $0x2000  }
0x34: {  	s19 =	smov.u32 s22;
	[sflag:s11] =	ssyncset.done $0x0  }
0x35: {  	s19 =	sadd.s32 s18, s9;
	[sflag:s11] =	ssyncadd.s32 $0xFFFFE000  }
0x36: {  	[tilespmem:s3], [sflag:$0x2] =	stream.linear.gather [hbm4b:s19+s3], $0x40, $0x38;
	[tilespmem:$0x16100] =	vst v63  }
0x37: {  	_ =	swait.ge [sflag:s11], $0x40  }
0x38: {  	[sflag:s11] =	ssyncset.done $0x0  }
0x39: {  	s31 =	sadd.s32 s18, s8;
	[sflag:s11] =	ssyncadd.s32 $0xFFFFFFC0  }
0x3a: {  	[tilespmem:s12], [sflag:$0x2] =	stream.linear.gather [hbm4b:s31+s3], $0x40, $0x38;
	[tilespmem:$0x16100] =	vst v63  }
0x3b: {  	_ =	swait.ge [sflag:s11], $0x40  }
0x3c: {  	[sflag:s11] =	ssyncset.done $0x0  }
0x3d: {  	[sflag:s11] =	ssyncadd.s32 $0xFFFFFFC0  }
0x3e: {  	[tilespmem:s14], [sflag:$0x1] =	stream.indirect.gather [hbm4b:s4+s13], $0x80, s3, s13, $0xb8;
	[tilespmem:$0x16100] =	vst v63  }
0x3f: {  	_ =	swait.ge [sflag:s15], $0x2000  }
0x40: {  	[sflag:s15] =	ssyncset.done $0x0  }
0x41: {  	[sflag:s15] =	ssyncadd.s32 $0xFFFFE000  }
0x42: {  	[spmem:s2] =	stream.indirect.scatter.add.f32 [tilespmem:s14], [sflag:$0x2], $0x80, s12, s13, $0xb8;
	[tilespmem:$0x16100] =	vst v63  }
0x43: {  	_ =	swait.ge [sflag:s11], $0x2000  }
0x44: {  	s17 =	sadd.s32 $0x1, s17;
	[sflag:s11] =	ssyncset.done $0x0  }
0x45: {  	p0 =	sne.s32 s17, s7;
	[sflag:s11] =	ssyncadd.s32 $0xFFFFE000  }
.Ltmp1:
0x46: {  	[bflag:$0x0] =	sbarrier.arrive $0xFFFF;
	(pc) =	sbr.rel @p0 .LBB2_1-.Ltmp1, $4  }
0x47: {  	[hbm:s16], [sflag:s6] =	dma.local [spmem:s10], $0x2800  }
0x48: {  	_ =	swait.ge [sflag:s11], $0x2800  }
0x49: {  	[sflag:s11] =	ssyncset.done $0x0  }
0x4a: {  	[sflag:s11] =	ssyncadd.s32 $0xFFFFD800  }
0x4b: {  	_ =	sfence.sel $0x180000  }
0x4c: {  	[bflag:$0x0] =	sbarrier.arrive $0xFFFF  }
0x4d: {  	p0 =	sne.s32 s0, $0x0;
	_ =	strace $0x90000062  }
0x4e: {  	s0 =	sadd.s32 @!p0 $0x100000, s1;
	[bflag:$0x2] =	sbarrier.arrive $0xFFFF  }
0x4f: {  	[sflag:s0] =	ssyncadd.tile.s32 @!p0 $0x1;
	_ =	shalt  }
.Lfunc_end2:
_tile_overlayer_lowered:
.L_overlay_start_2:
0x50: {  	(tag) =	ssettag $0x2  }
0x51: {  	s0 =	rddreg [dreg:$0x0];
	s2 =	stileid.u32  }
0x52: {  	s1 =	rddreg [dreg:$0x1];
	p0 =	sne.s32 s2, $0x0  }
0x53: {  	s3 =	rddreg [dreg:$0x2];
	[bflag:$0x3] =	sbarrier.arrive $0xFFFF;
	s2 =	simm.s32 @!p0 $0x1C02  }
0x54: {  	[timem:s3], [sflag:s2] =	dma.local @!p0 [hbm:s0], s1  }
0x55: {  	s0 =	simm.s32 @!p0 $0x2  }
0x56: {  	_ =	swait.ge @!p0 [sflag:s0], s1  }
0x57: {  	s1 =	ssub.s32 @!p0 $0x0, s1;
	[sflag:s0] =	ssyncset.done @!p0 $0x0  }
0x58: {  	[sflag:s0] =	ssyncadd.s32 @!p0 s1  }
0x59: {  	[bflag:$0x3] =	sbarrier.arrive $0xFFFF  }
0x5a: {  	_ =	shalt  }

// kernel: kernel.44.cloned.1.call-start
scs
__scs_entry_jumppad:
0x0: {  	(pc) =	sbr.rel $0x88, $3  }
0x1: {  	(tag) =	ssettag $0x0;
	lr =	simm.s32 $0x1  }
0x2: {  	[smem:$0x3F89] =	sst lr;
	_ =	strace $0xD0000000  }
0x3: {  	_ = 	snop  }
0x4: {  	_ = 	snop  }
0x5: {  	_ = 	snop  }
0x6: {  	_ = 	snop  }
0x7: {  	_ = 	snop  }
__scs_overlays_trampoline_lowered:
0x8: {  	[smem:$0x3F98] =	sst s0  }
0x9: {  	[smem:$0x3F99] =	sst s1  }
0xa: {  	[smem:$0x3F9A] =	sst s2  }
0xb: {  	[smem:$0x3F9B] =	sst s3  }
0xc: {  	[smem:$0x3F9C] =	sst s4  }
0xd: {  	[smem:$0x3F9D] =	sst s5  }
0xe: {  	[smem:$0x3F9E] =	sst s6  }
0xf: {  	[smem:$0x3F9F] =	sst s7  }
0x10: {  	[smem:$0x3FA0] =	sst s8  }
0x11: {  	[smem:$0x3FA1] =	sst s9;
	s0 =	simm.s32 @!p0 $0x0  }
0x12: {  	s1 =	sld [smem:$0x3F87];
	s0 =	simm.s32 @p0 $0x1  }
0x13: {  	[smem:$0x3FA2] =	sst s0;
	s0 =	simm.s32 @!p1 $0x0  }
0x14: {  	s2 =	sld [smem:$0x3F86];
	s0 =	simm.s32 @p1 $0x1  }
0x15: {  	[smem:$0x3FA3] =	sst s0;
	s0 =	simm.s32 @!p2 $0x0  }
0x16: {  	s3 =	sld [smem:$0x3FDB];
	s0 =	simm.s32 @p2 $0x1  }
0x17: {  	s4 =	simm.s32 $0x1BF5;
	[smem:$0x3FA5] =	sst s0  }
0x18: {  	s0 =	sld [smem:$0x3F88];
	_ =	swait.ge [sflag:s4], $0x0  }
0x19: {  	s7 =	sld [smem:$0x3F89]  }
0x1a: {  	s8 =	sadd.s32 $0xFFFFE003, lr  }
0x1b: {  	s9 =	sadd.s32 $0xFFFFFEF7, lr;
	s5 =	simm.s32 $0xFFFFFFFF;
	p2 =	slt.u32 s8, $0xFFFFF086  }
0x1c: {  	p1 =	slt.u32 s9, $0xF7A;
	s5 =	simm.s32 @!p2 $0x0  }
0x1d: {  	s5 =	simm.s32 @p1 $0x1;
	p0 =	seq.s32 s7, s2  }
0x1e: {  	s7 =	smul.u32 @!p0 $0xF7A, s2;
	p2 =	seq.s32 @!p0 s5, $0x0  }
0x1f: {  	s9 =	smul.u32 $0xF7A, s1;
	s8 =	simm.s32 @!p0 $0x1BF5;
	p2 =	por !p2, p0  }
0x20: {  	[sflag:s8] =	ssyncset.s32 @!p0 $0xFFFFF086;
	s6 =	sadd.s32 @!p0 s3, s7;
	s7 =	simm.s32 @!p0 $0x108  }
0x21: {  	s3 =	sadd.s32 s3, s9;
	s6 =	sadd.s32 @!p0 $0x88, s6;
	s7 =	simm.s32 @p2 $0x1082  }
0x22: {  	[simem:s7], [sflag:s8] =	dma.local @!p0 [hbm:s6], $0xF7A  }
0x23: {  	s9 =	sor.u32 $0xD0000000, s2;
	s6 =	simm.s32 $0x108;
	_ =	swait.ge @!p0 [sflag:s8], $0x0  }
0x24: {  	s3 =	sadd.s32 $0x88, s3;
	s6 =	simm.s32 @!p1 $0x1082;
	[sflag:s4] =	ssyncset.s32 $0xFFFFF086  }
0x25: {  	[simem:s6], [sflag:s4] =	dma.local [hbm:s3], $0xF7A  }
0x26: {  	[smem:$0x3F89] =	sst s1;
	(tag) =	ssettag s2;
	_ =	strace s9  }
0x27: {  	s1 =	sld [smem:$0x3F99]  }
0x28: {  	s2 =	sld [smem:$0x3F9A]  }
0x29: {  	s4 =	sld [smem:$0x3F9C]  }
0x2a: {  	p0 =	seq.s32 s5, $0x0;
	s5 =	sld [smem:$0x3F9D]  }
0x2b: {  	s6 =	sld [smem:$0x3F9E]  }
0x2c: {  	s7 =	sld [smem:$0x3F9F]  }
0x2d: {  	s3 =	simm.s32 $0x108;
	s8 =	sld [smem:$0x3FA0]  }
0x2e: {  	s3 =	simm.s32 @!p0 $0x1082;
	s9 =	sld [smem:$0x3FA1]  }
0x2f: {  	lr =	sadd.s32 s0, s3;
	s0 =	sld [smem:$0x3F98]  }
0x30: {  	s3 =	sld [smem:$0x3F9B]  }
0x31: {  	[smem:$0x3FA4] =	sst s10  }
0x32: {  	s10 =	sld [smem:$0x3FA2];
	_ =	sdelay $0x3  }
0x33: {  	p0 =	seq.s32 s10, $0x1;
	s10 =	sld [smem:$0x3FA4];
	_ =	sdelay $0x3  }
0x34: {  	[smem:$0x3FA4] =	sst s10  }
0x35: {  	s10 =	sld [smem:$0x3FA3];
	_ =	sdelay $0x3  }
0x36: {  	p1 =	seq.s32 s10, $0x1;
	s10 =	sld [smem:$0x3FA4];
	_ =	sdelay $0x3  }
0x37: {  	[smem:$0x3FA4] =	sst s10  }
0x38: {  	s10 =	sld [smem:$0x3FA5]  }
0x39: {  	_ = 	snop;
	(pc) =	sbr.ind lr, $3  }
0x3a: {  	_ = 	snop  }
0x3b: {  	_ = 	snop  }
0x3c: {  	p2 =	seq.s32 s10, $0x1;
	s10 =	sld [smem:$0x3FA4]  }
0x3d: {  	_ =	shalt  }
0x3e: {  	_ =	shalt  }
0x3f: {  	_ =	shalt  }
0x40: {  	_ =	shalt  }
0x41: {  	_ =	shalt  }
0x42: {  	_ =	shalt  }
0x43: {  	_ =	shalt  }
0x44: {  	_ =	shalt  }
0x45: {  	_ =	shalt  }
0x46: {  	_ =	shalt  }
0x47: {  	_ =	shalt  }
0x48: {  	_ =	shalt  }
0x49: {  	_ =	shalt  }
0x4a: {  	_ =	shalt  }
0x4b: {  	_ =	shalt  }
0x4c: {  	_ =	shalt  }
0x4d: {  	_ =	shalt  }
0x4e: {  	_ =	shalt  }
0x4f: {  	_ =	shalt  }
0x50: {  	_ =	shalt  }
0x51: {  	_ =	shalt  }
0x52: {  	_ =	shalt  }
0x53: {  	_ =	shalt  }
0x54: {  	_ =	shalt  }
0x55: {  	_ =	shalt  }
0x56: {  	_ =	shalt  }
0x57: {  	_ =	shalt  }
0x58: {  	_ =	shalt  }
0x59: {  	_ =	shalt  }
0x5a: {  	_ =	shalt  }
0x5b: {  	_ =	shalt  }
0x5c: {  	_ =	shalt  }
0x5d: {  	_ =	shalt  }
0x5e: {  	_ =	shalt  }
0x5f: {  	_ =	shalt  }
0x60: {  	_ =	shalt  }
0x61: {  	_ =	shalt  }
0x62: {  	_ =	shalt  }
0x63: {  	_ =	shalt  }
0x64: {  	_ =	shalt  }
0x65: {  	_ =	shalt  }
0x66: {  	_ =	shalt  }
0x67: {  	_ =	shalt  }
0x68: {  	_ =	shalt  }
0x69: {  	_ =	shalt  }
0x6a: {  	_ =	shalt  }
0x6b: {  	_ =	shalt  }
0x6c: {  	_ =	shalt  }
0x6d: {  	_ =	shalt  }
0x6e: {  	_ =	shalt  }
0x6f: {  	_ =	shalt  }
0x70: {  	_ =	shalt  }
0x71: {  	_ =	shalt  }
0x72: {  	_ =	shalt  }
0x73: {  	_ =	shalt  }
0x74: {  	_ =	shalt  }
0x75: {  	_ =	shalt  }
0x76: {  	_ =	shalt  }
0x77: {  	_ =	shalt  }
0x78: {  	_ =	shalt  }
0x79: {  	_ =	shalt  }
0x7a: {  	_ =	shalt  }
0x7b: {  	_ =	shalt  }
0x7c: {  	_ =	shalt  }
0x7d: {  	_ =	shalt  }
0x7e: {  	_ =	shalt  }
0x7f: {  	_ =	shalt  }
0x80: {  	_ =	shalt  }
0x81: {  	_ =	shalt  }
0x82: {  	_ =	shalt  }
0x83: {  	_ =	shalt  }
0x84: {  	_ =	shalt  }
0x85: {  	_ =	shalt  }
0x86: {  	_ =	shalt  }
0x87: {  	_ =	shalt  }
.Lfunc_end0:
.L_simem_size_0:
called_computation.6_lowered:
.L_overlay_start_0:
0x88: {  	s2 =	sld [smem:$0x3FD9]  }
0x89: {  	s3 =	sld [smem:$0x3FFE];
	_ =	sdelay $0x1  }
0x8a: {  	s1 =	srdreg.scid  }
0x8b: {  	s0 =	sand.u32 $0x1, s1  }
0x8c: {  	s17 =	sshll.u32 s0, $0xA;
	s2 =	sadd.s32 s3, s2  }
0x8d: {  	s2 =	sadd.s32 s2, s17  }
0x8e: {  	[smem:$0x3FB0] =	sst s2  }
0x8f: {  	_ = 	snop  }
0x90: {  	s18 =	sld [smem:$0x3FC9];
	(tm) =	ssettm $0x1  }
0x91: {  	s19 =	sld [smem:$0x3FFB];
	_ =	sdelay $0x3  }
0x92: {  	_ =	strace s19  }
0x93: {  	s2 =	sld [smem:$0x3FFC];
	_ =	sdelay $0x3  }
0x94: {  	_ =	strace s2  }
0x95: {  	s2 =	sld [smem:$0x3FFD];
	_ =	sdelay $0x3  }
0x96: {  	_ =	strace s2  }
0x97: {  	_ =	strace $0x8FFFFFFF  }
0x98: {  	s20 =	sld [smem:$0x3FDB];
	_ =	sdelay $0x1  }
0x99: {  	s4 =	simm.s32 $_scs_section_size  }
0x9a: {  	s5 =	simm.s32 $_size__tile_overlayer_lowered;
	s6 =	simm.s32 $_tile_overlayer_lowered  }
0x9b: {  	s7 =	simm.s32 $0x1BFF;
	s21 =	sshll.u32 s6, $0x1;
	s4 =	sadd.s32 s4, s20  }
0x9c: {  	s22 =	simm.s32 $0x0;
	s5 =	sshll.u32 s5, $0x1;
	s6 =	sadd.s32 s21, s4  }
0x9d: {  	[timem:s22], [sflag:s7] =	dma.local [hbm:s6], s5  }
0x9e: {  	_ =	swait.ge [sflag:s7], s5  }
0x9f: {  	s5 =	ssub.s32 $0x0, s5;
	[sflag:s7] =	ssyncset.done $0x0  }
0xa0: {  	[sflag:s7] =	ssyncadd.s32 s5;
	_ =	sdelay $0x1  }
0xa1: {  	s23 =	simm.s32 $0x1B8B  }
0xa2: {  	_ =	swait.ge [sflag:s23], $0x1  }
0xa3: {  	[sflag:s23] =	ssyncset.done $0x0  }
0xa4: {  	[sflag:s23] =	ssyncadd.s32 $0xFFFFFFFF  }
0xa5: {  	s5 =	sld [smem:$0x0]  }
0xa6: {  	s6 =	sand.u32 $0xFFFFFFFE, s1  }
0xa7: {  	p0 =	sne.s32 s1, s6  }
0xa8: {  	s6 =	sshll.u32 @p0 s6, $0xE  }
0xa9: {  	s6 =	sadd.s32 @p0 $0x11B8D, s6;
	s7 =	sshll.u32 @p0 s5, $0x11  }
0xaa: {  	s6 =	sor.u32 @p0 s7, s6  }
0xab: {  	[sflag:s6] =	ssyncadd.remote.s32 @p0 $0x1;
	_ =	sdelay $0x1  }
0xac: {  	s6 =	simm.s32 @p0 $0x1B8D  }
0xad: {  	_ =	swait.eq @p0 [sflag:s6], $0x1  }
0xae: {  	[sflag:s6] =	ssyncadd.s32 @p0 $0xFFFFFFFF  }
0xaf: {  	s7 =	sshll.u32 @!p0 s1, $0xE  }
0xb0: {  	s7 =	sor.u32 @!p0 $0x4000, s7;
	s6 =	simm.s32 @!p0 $0x1B8D  }
0xb1: {  	s5 =	sshll.u32 @!p0 s5, $0x11;
	s7 =	sadd.s32 @!p0 $0x11B8D, s7;
	_ =	swait.eq @!p0 [sflag:s6], $0x1  }
0xb2: {  	s5 =	sor.u32 @!p0 s5, s7;
	[sflag:s6] =	ssyncadd.s32 @!p0 $0xFFFFFFFF  }
0xb3: {  	s25 =	simm.s32 $0x1B8E;
	s24 =	sld [smem:$0x3FFE];
	[sflag:s5] =	ssyncadd.remote.s32 @!p0 $0x1  }
0xb4: {  	s26 =	simm.s32 $execute0_lowered;
	[smem:$0x3FD2] =	sst s25  }
0xb5: {  	s6 =	sshll.u32 s26, $0x1;
	_ =	strace $0x8000004C;
	[dreg:$0x1] =	wrdreg $0xFFFFFFFF  }
0xb6: {  	s28 =	simm.s32 $_size_execute0_lowered;
	s4 =	sadd.s32 s4, s6;
	[dreg:$0x0] =	wrdreg $0x0  }
0xb7: {  	s6 =	sshll.u32 s28, $0x1;
	[dreg:$0x2] =	wrdreg s4  }
0xb8: {  	[dreg:$0x3] =	wrdreg s6  }
0xb9: {  	[dreg:$0x4] =	wrdreg $0xC0  }
0xba: {  	_ =	task [dreg:s22], $0x5FFFF  }
0xbb: {  	[dreg:$0x1] =	wrdreg $0xFFFFFFFF  }
0xbc: {  	[dreg:$0x0] =	wrdreg $0x60  }
0xbd: {  	[dreg:$0x2] =	wrdreg s24  }
0xbe: {  	[dreg:$0x3] =	wrdreg s18  }
0xbf: {  	[dreg:$0x4] =	wrdreg $0x21000  }
0xc0: {  	[dreg:$0x5] =	wrdreg $0xB  }
0xc1: {  	_ =	task.clear_ibuf [dreg:s22], $0x6FFFF;
	_ =	strace $0x9000004C  }
0xc2: {  	s29 =	simm.s32 $0xB;
	_ =	strace $0x8000004E  }
0xc3: {  	_ =	swait.ge [sflag:s29], $0x1  }
0xc4: {  	[sflag:s29] =	ssyncadd.s32 $0xFFFFFFFF  }
0xc5: {  	_ =	strace $0x9000004E  }
0xc6: {  	_ =	sfence  }
0xc7: {  	s30 =	sld [smem:$0x0];
	_ =	sdelay $0x2  }
0xc8: {  	s31 =	sshll.u32 s1, $0xD;
	s1 =	sshrl.u32 s1, $0x2  }
0xc9: {  	s4 =	sand.u32 $0x4000, s31;
	s1 =	sadd.s32 s1, s30  }
0xca: {  	s0 =	sor.u32 s4, s0;
	s1 =	sshll.u32 s1, $0x11  }
0xcb: {  	s0 =	sor.u32 s1, s0  }
0xcc: {  	s0 =	sadd.s32 $0x8F2B, s0  }
0xcd: {  	[sflag:s0] =	ssyncadd.remote.s32 $0x1  }
0xce: {  	_ =	sfence.sel $0xFFFF  }
0xcf: {  	[dreg:$0x0] =	wrdreg $0xFFFFFFFF;
	(pc) =	sbr.abs _section_cstart, $3  }
0xd0: {  	[dreg:$0x1] =	wrdreg $0xFFFFFFFF  }
0xd1: {  	_ =	task.clear_ibuf [dreg:s22], $0x2FFFF;
	_ =	strace $0x9FFFFFFF  }
0xd2: {  	(tm) =	ssettm $0x7FFFFFFF  }
0xd3: {  	_ =	shalt  }
tec
execute0_lowered:
.L_overlay_start_1:
0x0: {  	(tag) =	ssettag $0x1  }
0x1: {  	s24 =	rddreg [dreg:$0x0]  }
0x2: {  	s2 =	rddreg [dreg:$0x1]  }
0x3: {  	s3 =	rddreg [dreg:$0x2]  }
0x4: {  	s0 =	rddreg [dreg:$0x3];
	s1 =	stileid.u32  }
0x5: {  	s4 =	simm.s32 $0x0;
	s5 =	srdreg.scid;
	s23 =	smul.u32 $0x2800, s1  }
0x6: {  	[smem:$0x7FF] =	sst s4;
	s28 =	smul.u32 $0x50000, s1  }
0x7: {  	s25 =	sand.u32 $0x1, s5;
	s29 =	sshll.u32 s1, $0x6;
	_ =	strace $0x8000004D  }
0x8: {  	s6 =	sshll.u32 s25, $0x4;
	s7 =	sadd.s32 s23, s24;
	s5 =	sshrl.u32 s28, $0x2  }
0x9: {  	s9 =	sor.u32 s1, s6;
	s6 =	sor.u32 $0x1C02, s29;
	s8 =	sadd.s32 s5, s3  }
0xa: {  	s5 =	sadd.s32 $0x21400, s7;
	s7 =	simm.s32 $0x2;
	s8 =	sshrl.u32 s8, $0x3  }
0xb: {  	[spmem:s8], [sflag:s6] =	dma.local [hbm:s5], $0x2800  }
0xc: {  	s9 =	smul.u32 $0x140, s9;
	_ =	swait.ge [sflag:s7], $0x2800  }
0xd: {  	[sflag:s7] =	ssyncset.done $0x0  }
0xe: {  	s21 =	sadd.s32 $0xFD000, s24;
	s26 =	sshrl.u32 s9, $0x3;
	[sflag:s7] =	ssyncadd.s32 $0xFFFFD800  }
0xf: {  	s9 =	sadd.s32 s21, s26;
	[bflag:$0x0] =	sbarrier.arrive $0xFFFF  }
0x10: {  	[tilespmem:s4], [sflag:$0x2] =	stream.linear.gather [hbm4b:s9+s4], $0x40, $0x38;
	[tilespmem:$0x16100] =	vst v63  }
0x11: {  	_ =	swait.ge [sflag:s7], $0x40  }
0x12: {  	s22 =	sadd.s32 $0xFD600, s24;
	[sflag:s7] =	ssyncset.done $0x0  }
0x13: {  	s11 =	simm.s32 $0x80;
	s10 =	sadd.s32 s22, s26;
	[sflag:s7] =	ssyncadd.s32 $0xFFFFFFC0  }
0x14: {  	[tilespmem:s11], [sflag:$0x2] =	stream.linear.gather [hbm4b:s10+s4], $0x40, $0x38;
	[tilespmem:$0x16100] =	vst v63  }
0x15: {  	_ =	swait.ge [sflag:s7], $0x40  }
0x16: {  	s12 =	simm.s32 $0x40;
	[sflag:s7] =	ssyncset.done $0x0  }
0x17: {  	s13 =	simm.s32 $0x100;
	s14 =	simm.s32 $0x1;
	[sflag:s7] =	ssyncadd.s32 $0xFFFFFFC0  }
0x18: {  	[tilespmem:s13], [sflag:$0x1] =	stream.indirect.gather [hbm4b:s2+s12], $0x80, s4, s12, $0xb8;
	[tilespmem:$0x16100] =	vst v63  }
0x19: {  	_ =	swait.ge [sflag:s14], $0x2000  }
0x1a: {  	[sflag:s14] =	ssyncset.done $0x0  }
0x1b: {  	[sflag:s14] =	ssyncadd.s32 $0xFFFFE000  }
0x1c: {  	[spmem:s3] =	stream.indirect.scatter.add.f32 [tilespmem:s13], [sflag:$0x2], $0x80, s11, s12, $0xb8;
	[tilespmem:$0x16100] =	vst v63  }
0x1d: {  	_ =	swait.ge [sflag:s7], $0x2000  }
0x1e: {  	s16 =	sadd.s32 $0x8, s26;
	[sflag:s7] =	ssyncset.done $0x0  }
0x1f: {  	s15 =	sadd.s32 s21, s16;
	[sflag:s7] =	ssyncadd.s32 $0xFFFFE000  }
0x20: {  	[tilespmem:s4], [sflag:$0x2] =	stream.linear.gather [hbm4b:s15+s4], $0x40, $0x38;
	[tilespmem:$0x16100] =	vst v63  }
0x21: {  	_ =	swait.ge [sflag:s7], $0x40  }
0x22: {  	[sflag:s7] =	ssyncset.done $0x0  }
0x23: {  	s16 =	sadd.s32 s22, s16;
	[sflag:s7] =	ssyncadd.s32 $0xFFFFFFC0  }
0x24: {  	[tilespmem:s11], [sflag:$0x2] =	stream.linear.gather [hbm4b:s16+s4], $0x40, $0x38;
	[tilespmem:$0x16100] =	vst v63  }
0x25: {  	_ =	swait.ge [sflag:s7], $0x40  }
0x26: {  	[sflag:s7] =	ssyncset.done $0x0  }
0x27: {  	[sflag:s7] =	ssyncadd.s32 $0xFFFFFFC0  }
0x28: {  	[tilespmem:s13], [sflag:$0x1] =	stream.indirect.gather [hbm4b:s2+s12], $0x80, s4, s12, $0xb8;
	[tilespmem:$0x16100] =	vst v63  }
0x29: {  	_ =	swait.ge [sflag:s14], $0x2000  }
0x2a: {  	[sflag:s14] =	ssyncset.done $0x0  }
0x2b: {  	[sflag:s14] =	ssyncadd.s32 $0xFFFFE000  }
0x2c: {  	[spmem:s3] =	stream.indirect.scatter.add.f32 [tilespmem:s13], [sflag:$0x2], $0x80, s11, s12, $0xb8;
	[tilespmem:$0x16100] =	vst v63  }
0x2d: {  	_ =	swait.ge [sflag:s7], $0x2000  }
0x2e: {  	s18 =	sadd.s32 $0x10, s26;
	[sflag:s7] =	ssyncset.done $0x0  }
0x2f: {  	s17 =	sadd.s32 s21, s18;
	[sflag:s7] =	ssyncadd.s32 $0xFFFFE000  }
0x30: {  	[tilespmem:s4], [sflag:$0x2] =	stream.linear.gather [hbm4b:s17+s4], $0x40, $0x38;
	[tilespmem:$0x16100] =	vst v63  }
0x31: {  	_ =	swait.ge [sflag:s7], $0x40  }
0x32: {  	[sflag:s7] =	ssyncset.done $0x0  }
0x33: {  	s18 =	sadd.s32 s22, s18;
	[sflag:s7] =	ssyncadd.s32 $0xFFFFFFC0  }
0x34: {  	[tilespmem:s11], [sflag:$0x2] =	stream.linear.gather [hbm4b:s18+s4], $0x40, $0x38;
	[tilespmem:$0x16100] =	vst v63  }
0x35: {  	_ =	swait.ge [sflag:s7], $0x40  }
0x36: {  	[sflag:s7] =	ssyncset.done $0x0  }
0x37: {  	[sflag:s7] =	ssyncadd.s32 $0xFFFFFFC0  }
0x38: {  	[tilespmem:s13], [sflag:$0x1] =	stream.indirect.gather [hbm4b:s2+s12], $0x80, s4, s12, $0xb8;
	[tilespmem:$0x16100] =	vst v63  }
0x39: {  	_ =	swait.ge [sflag:s14], $0x2000  }
0x3a: {  	[sflag:s14] =	ssyncset.done $0x0  }
0x3b: {  	[sflag:s14] =	ssyncadd.s32 $0xFFFFE000  }
0x3c: {  	[spmem:s3] =	stream.indirect.scatter.add.f32 [tilespmem:s13], [sflag:$0x2], $0x80, s11, s12, $0xb8;
	[tilespmem:$0x16100] =	vst v63  }
0x3d: {  	_ =	swait.ge [sflag:s7], $0x2000  }
0x3e: {  	s20 =	sadd.s32 $0x18, s26;
	[sflag:s7] =	ssyncset.done $0x0  }
0x3f: {  	s19 =	sadd.s32 s21, s20;
	[sflag:s7] =	ssyncadd.s32 $0xFFFFE000  }
0x40: {  	[tilespmem:s4], [sflag:$0x2] =	stream.linear.gather [hbm4b:s19+s4], $0x40, $0x38;
	[tilespmem:$0x16100] =	vst v63  }
0x41: {  	_ =	swait.ge [sflag:s7], $0x40  }
0x42: {  	[sflag:s7] =	ssyncset.done $0x0  }
0x43: {  	s20 =	sadd.s32 s22, s20;
	[sflag:s7] =	ssyncadd.s32 $0xFFFFFFC0  }
0x44: {  	[tilespmem:s11], [sflag:$0x2] =	stream.linear.gather [hbm4b:s20+s4], $0x40, $0x38;
	[tilespmem:$0x16100] =	vst v63  }
0x45: {  	_ =	swait.ge [sflag:s7], $0x40  }
0x46: {  	[sflag:s7] =	ssyncset.done $0x0  }
0x47: {  	[sflag:s7] =	ssyncadd.s32 $0xFFFFFFC0  }
0x48: {  	[tilespmem:s13], [sflag:$0x1] =	stream.indirect.gather [hbm4b:s2+s12], $0x80, s4, s12, $0xb8;
	[tilespmem:$0x16100] =	vst v63  }
0x49: {  	_ =	swait.ge [sflag:s14], $0x2000  }
0x4a: {  	[sflag:s14] =	ssyncset.done $0x0  }
0x4b: {  	[sflag:s14] =	ssyncadd.s32 $0xFFFFE000  }
0x4c: {  	[spmem:s3] =	stream.indirect.scatter.add.f32 [tilespmem:s13], [sflag:$0x2], $0x80, s11, s12, $0xb8;
	[tilespmem:$0x16100] =	vst v63  }
0x4d: {  	_ =	swait.ge [sflag:s7], $0x2000  }
0x4e: {  	s26 =	sadd.s32 $0x20, s26;
	[sflag:s7] =	ssyncset.done $0x0  }
0x4f: {  	s21 =	sadd.s32 s21, s26;
	[sflag:s7] =	ssyncadd.s32 $0xFFFFE000  }
0x50: {  	[tilespmem:s4], [sflag:$0x2] =	stream.linear.gather [hbm4b:s21+s4], $0x40, $0x38;
	[tilespmem:$0x16100] =	vst v63  }
0x51: {  	_ =	swait.ge [sflag:s7], $0x40  }
0x52: {  	[sflag:s7] =	ssyncset.done $0x0  }
0x53: {  	s22 =	sadd.s32 s22, s26;
	[sflag:s7] =	ssyncadd.s32 $0xFFFFFFC0  }
0x54: {  	[tilespmem:s11], [sflag:$0x2] =	stream.linear.gather [hbm4b:s22+s4], $0x40, $0x38;
	[tilespmem:$0x16100] =	vst v63  }
0x55: {  	_ =	swait.ge [sflag:s7], $0x40  }
0x56: {  	[sflag:s7] =	ssyncset.done $0x0  }
0x57: {  	[sflag:s7] =	ssyncadd.s32 $0xFFFFFFC0  }
0x58: {  	[tilespmem:s13], [sflag:$0x1] =	stream.indirect.gather [hbm4b:s2+s12], $0x80, s4, s12, $0xb8;
	[tilespmem:$0x16100] =	vst v63  }
0x59: {  	s30 =	smul.u32 $0x28000, s25;
	s25 =	ssub.s32 $0x2, s25;
	_ =	swait.ge [sflag:s14], $0x2000  }
0x5a: {  	s31 =	sshrl.u32 s25, $0x1;
	[sflag:s14] =	ssyncset.done $0x0  }
0x5b: {  	s25 =	ssub.s32 s25, s31;
	[sflag:s14] =	ssyncadd.s32 $0xFFFFE000  }
0x5c: {  	[spmem:s3] =	stream.indirect.scatter.add.f32 [tilespmem:s13], [sflag:$0x2], $0x80, s11, s12, $0xb8;
	[tilespmem:$0x16100] =	vst v63  }
0x5d: {  	s25 =	smax.u32 s25, $0x1;
	_ =	swait.ge [sflag:s7], $0x2000  }
0x5e: {  	s24 =	sadd.s32 s30, s24;
	p0 =	sne.s32 s25, $0x1;
	[sflag:s7] =	ssyncset.done $0x0  }
.Ltmp0:
0x5f: {  	s24 =	sadd.s32 $0xFDC00, s24;
	[sflag:s7] =	ssyncadd.s32 $0xFFFFE000;
	(pc) =	sbr.rel @!p0 .LBB2_2-.Ltmp0, $4  }
0x60: {  	s23 =	sadd.s32 s23, s24;
	[bflag:$0x0] =	sbarrier.arrive $0xFFFF  }
0x61: {  	[hbm:s23], [sflag:s6] =	dma.local [spmem:s8], $0x2800  }
0x62: {  	_ =	swait.ge [sflag:s7], $0x2800  }
0x63: {  	s24 =	sadd.s32 $0xFFFFFFFF, s25;
	[sflag:s7] =	ssyncset.done $0x0  }
.LBB2_1:
0x64: {  	p0 =	sne.s32 s24, $0x1;
	s24 =	sadd.s32 $0xFFFFFFFF, s24;
	[sflag:s7] =	ssyncadd.s32 $0xFFFFD800  }
0x65: {  	[spmem:s8], [sflag:s6] =	dma.local [hbm:s5], $0x2800  }
0x66: {  	_ =	swait.ge [sflag:s7], $0x2800  }
0x67: {  	[sflag:s7] =	ssyncset.done $0x0  }
0x68: {  	[sflag:s7] =	ssyncadd.s32 $0xFFFFD800  }
0x69: {  	[bflag:$0x0] =	sbarrier.arrive $0xFFFF  }
0x6a: {  	[tilespmem:s4], [sflag:$0x2] =	stream.linear.gather [hbm4b:s9+s4], $0x40, $0x38;
	[tilespmem:$0x16100] =	vst v63  }
0x6b: {  	_ =	swait.ge [sflag:s7], $0x40  }
0x6c: {  	[sflag:s7] =	ssyncset.done $0x0  }
0x6d: {  	[sflag:s7] =	ssyncadd.s32 $0xFFFFFFC0  }
0x6e: {  	[tilespmem:s11], [sflag:$0x2] =	stream.linear.gather [hbm4b:s10+s4], $0x40, $0x38;
	[tilespmem:$0x16100] =	vst v63  }
0x6f: {  	_ =	swait.ge [sflag:s7], $0x40  }
0x70: {  	[sflag:s7] =	ssyncset.done $0x0  }
0x71: {  	[sflag:s7] =	ssyncadd.s32 $0xFFFFFFC0  }
0x72: {  	[tilespmem:s13], [sflag:$0x1] =	stream.indirect.gather [hbm4b:s2+s12], $0x80, s4, s12, $0xb8;
	[tilespmem:$0x16100] =	vst v63  }
0x73: {  	_ =	swait.ge [sflag:s14], $0x2000  }
0x74: {  	[sflag:s14] =	ssyncset.done $0x0  }
0x75: {  	[sflag:s14] =	ssyncadd.s32 $0xFFFFE000  }
0x76: {  	[spmem:s3] =	stream.indirect.scatter.add.f32 [tilespmem:s13], [sflag:$0x2], $0x80, s11, s12, $0xb8;
	[tilespmem:$0x16100] =	vst v63  }
0x77: {  	_ =	swait.ge [sflag:s7], $0x2000  }
0x78: {  	[sflag:s7] =	ssyncset.done $0x0  }
0x79: {  	[sflag:s7] =	ssyncadd.s32 $0xFFFFE000  }
0x7a: {  	[tilespmem:s4], [sflag:$0x2] =	stream.linear.gather [hbm4b:s15+s4], $0x40, $0x38;
	[tilespmem:$0x16100] =	vst v63  }
0x7b: {  	_ =	swait.ge [sflag:s7], $0x40  }
0x7c: {  	[sflag:s7] =	ssyncset.done $0x0  }
0x7d: {  	[sflag:s7] =	ssyncadd.s32 $0xFFFFFFC0  }
0x7e: {  	[tilespmem:s11], [sflag:$0x2] =	stream.linear.gather [hbm4b:s16+s4], $0x40, $0x38;
	[tilespmem:$0x16100] =	vst v63  }
0x7f: {  	_ =	swait.ge [sflag:s7], $0x40  }
0x80: {  	[sflag:s7] =	ssyncset.done $0x0  }
0x81: {  	[sflag:s7] =	ssyncadd.s32 $0xFFFFFFC0  }
0x82: {  	[tilespmem:s13], [sflag:$0x1] =	stream.indirect.gather [hbm4b:s2+s12], $0x80, s4, s12, $0xb8;
	[tilespmem:$0x16100] =	vst v63  }
0x83: {  	_ =	swait.ge [sflag:s14], $0x2000  }
0x84: {  	[sflag:s14] =	ssyncset.done $0x0  }
0x85: {  	[sflag:s14] =	ssyncadd.s32 $0xFFFFE000  }
0x86: {  	[spmem:s3] =	stream.indirect.scatter.add.f32 [tilespmem:s13], [sflag:$0x2], $0x80, s11, s12, $0xb8;
	[tilespmem:$0x16100] =	vst v63  }
0x87: {  	_ =	swait.ge [sflag:s7], $0x2000  }
0x88: {  	[sflag:s7] =	ssyncset.done $0x0  }
0x89: {  	[sflag:s7] =	ssyncadd.s32 $0xFFFFE000  }
0x8a: {  	[tilespmem:s4], [sflag:$0x2] =	stream.linear.gather [hbm4b:s17+s4], $0x40, $0x38;
	[tilespmem:$0x16100] =	vst v63  }
0x8b: {  	_ =	swait.ge [sflag:s7], $0x40  }
0x8c: {  	[sflag:s7] =	ssyncset.done $0x0  }
0x8d: {  	[sflag:s7] =	ssyncadd.s32 $0xFFFFFFC0  }
0x8e: {  	[tilespmem:s11], [sflag:$0x2] =	stream.linear.gather [hbm4b:s18+s4], $0x40, $0x38;
	[tilespmem:$0x16100] =	vst v63  }
0x8f: {  	_ =	swait.ge [sflag:s7], $0x40  }
0x90: {  	[sflag:s7] =	ssyncset.done $0x0  }
0x91: {  	[sflag:s7] =	ssyncadd.s32 $0xFFFFFFC0  }
0x92: {  	[tilespmem:s13], [sflag:$0x1] =	stream.indirect.gather [hbm4b:s2+s12], $0x80, s4, s12, $0xb8;
	[tilespmem:$0x16100] =	vst v63  }
0x93: {  	_ =	swait.ge [sflag:s14], $0x2000  }
0x94: {  	[sflag:s14] =	ssyncset.done $0x0  }
0x95: {  	[sflag:s14] =	ssyncadd.s32 $0xFFFFE000  }
0x96: {  	[spmem:s3] =	stream.indirect.scatter.add.f32 [tilespmem:s13], [sflag:$0x2], $0x80, s11, s12, $0xb8;
	[tilespmem:$0x16100] =	vst v63  }
0x97: {  	_ =	swait.ge [sflag:s7], $0x2000  }
0x98: {  	[sflag:s7] =	ssyncset.done $0x0  }
0x99: {  	[sflag:s7] =	ssyncadd.s32 $0xFFFFE000  }
0x9a: {  	[tilespmem:s4], [sflag:$0x2] =	stream.linear.gather [hbm4b:s19+s4], $0x40, $0x38;
	[tilespmem:$0x16100] =	vst v63  }
0x9b: {  	_ =	swait.ge [sflag:s7], $0x40  }
0x9c: {  	[sflag:s7] =	ssyncset.done $0x0  }
0x9d: {  	[sflag:s7] =	ssyncadd.s32 $0xFFFFFFC0  }
0x9e: {  	[tilespmem:s11], [sflag:$0x2] =	stream.linear.gather [hbm4b:s20+s4], $0x40, $0x38;
	[tilespmem:$0x16100] =	vst v63  }
0x9f: {  	_ =	swait.ge [sflag:s7], $0x40  }
0xa0: {  	[sflag:s7] =	ssyncset.done $0x0  }
0xa1: {  	[sflag:s7] =	ssyncadd.s32 $0xFFFFFFC0  }
0xa2: {  	[tilespmem:s13], [sflag:$0x1] =	stream.indirect.gather [hbm4b:s2+s12], $0x80, s4, s12, $0xb8;
	[tilespmem:$0x16100] =	vst v63  }
0xa3: {  	_ =	swait.ge [sflag:s14], $0x2000  }
0xa4: {  	[sflag:s14] =	ssyncset.done $0x0  }
0xa5: {  	[sflag:s14] =	ssyncadd.s32 $0xFFFFE000  }
0xa6: {  	[spmem:s3] =	stream.indirect.scatter.add.f32 [tilespmem:s13], [sflag:$0x2], $0x80, s11, s12, $0xb8;
	[tilespmem:$0x16100] =	vst v63  }
0xa7: {  	_ =	swait.ge [sflag:s7], $0x2000  }
0xa8: {  	[sflag:s7] =	ssyncset.done $0x0  }
0xa9: {  	[sflag:s7] =	ssyncadd.s32 $0xFFFFE000  }
0xaa: {  	[tilespmem:s4], [sflag:$0x2] =	stream.linear.gather [hbm4b:s21+s4], $0x40, $0x38;
	[tilespmem:$0x16100] =	vst v63  }
0xab: {  	_ =	swait.ge [sflag:s7], $0x40  }
0xac: {  	[sflag:s7] =	ssyncset.done $0x0  }
0xad: {  	[sflag:s7] =	ssyncadd.s32 $0xFFFFFFC0  }
0xae: {  	[tilespmem:s11], [sflag:$0x2] =	stream.linear.gather [hbm4b:s22+s4], $0x40, $0x38;
	[tilespmem:$0x16100] =	vst v63  }
0xaf: {  	_ =	swait.ge [sflag:s7], $0x40  }
0xb0: {  	[sflag:s7] =	ssyncset.done $0x0  }
0xb1: {  	[sflag:s7] =	ssyncadd.s32 $0xFFFFFFC0  }
0xb2: {  	[tilespmem:s13], [sflag:$0x1] =	stream.indirect.gather [hbm4b:s2+s12], $0x80, s4, s12, $0xb8;
	[tilespmem:$0x16100] =	vst v63  }
0xb3: {  	_ =	swait.ge [sflag:s14], $0x2000  }
0xb4: {  	[sflag:s14] =	ssyncset.done $0x0  }
0xb5: {  	[sflag:s14] =	ssyncadd.s32 $0xFFFFE000  }
0xb6: {  	[spmem:s3] =	stream.indirect.scatter.add.f32 [tilespmem:s13], [sflag:$0x2], $0x80, s11, s12, $0xb8;
	[tilespmem:$0x16100] =	vst v63  }
0xb7: {  	_ =	swait.ge [sflag:s7], $0x2000  }
0xb8: {  	[sflag:s7] =	ssyncset.done $0x0  }
.Ltmp1:
0xb9: {  	[sflag:s7] =	ssyncadd.s32 $0xFFFFE000;
	(pc) =	sbr.rel @p0 .LBB2_1-.Ltmp1, $4  }
0xba: {  	[bflag:$0x0] =	sbarrier.arrive $0xFFFF  }
0xbb: {  	[hbm:s23], [sflag:s6] =	dma.local [spmem:s8], $0x2800  }
0xbc: {  	_ =	swait.ge [sflag:s7], $0x2800  }
0xbd: {  	[sflag:s7] =	ssyncset.done $0x0  }
.LBB2_2:
0xbe: {  	[sflag:s7] =	ssyncadd.s32 $0xFFFFD800  }
0xbf: {  	_ =	sfence.sel $0x180000  }
0xc0: {  	[bflag:$0x0] =	sbarrier.arrive $0xFFFF  }
0xc1: {  	p0 =	sne.s32 s1, $0x0;
	_ =	strace $0x9000004D  }
0xc2: {  	s0 =	sadd.s32 @!p0 $0x100000, s0;
	[bflag:$0x2] =	sbarrier.arrive $0xFFFF  }
0xc3: {  	[sflag:s0] =	ssyncadd.tile.s32 @!p0 $0x1;
	_ =	shalt  }
.Lfunc_end2:
_tile_overlayer_lowered:
.L_overlay_start_2:
0xc4: {  	(tag) =	ssettag $0x2  }
0xc5: {  	s0 =	rddreg [dreg:$0x0];
	s2 =	stileid.u32  }
0xc6: {  	s1 =	rddreg [dreg:$0x1];
	p0 =	sne.s32 s2, $0x0  }
0xc7: {  	s3 =	rddreg [dreg:$0x2];
	[bflag:$0x3] =	sbarrier.arrive $0xFFFF;
	s2 =	simm.s32 @!p0 $0x1C02  }
0xc8: {  	[timem:s3], [sflag:s2] =	dma.local @!p0 [hbm:s0], s1  }
0xc9: {  	s0 =	simm.s32 @!p0 $0x2  }
0xca: {  	_ =	swait.ge @!p0 [sflag:s0], s1  }
0xcb: {  	s1 =	ssub.s32 @!p0 $0x0, s1;
	[sflag:s0] =	ssyncset.done @!p0 $0x0  }
0xcc: {  	[sflag:s0] =	ssyncadd.s32 @!p0 s1  }
0xcd: {  	[bflag:$0x3] =	sbarrier.arrive $0xFFFF  }
0xce: {  	_ =	shalt  }

// kernel: kernel.47.cloned.1.call-start
scs
__scs_entry_jumppad:
0x0: {  	(pc) =	sbr.rel $0x88, $3  }
0x1: {  	(tag) =	ssettag $0x0;
	lr =	simm.s32 $0x1  }
0x2: {  	[smem:$0x3F89] =	sst lr;
	_ =	strace $0xD0000000  }
0x3: {  	_ = 	snop  }
0x4: {  	_ = 	snop  }
0x5: {  	_ = 	snop  }
0x6: {  	_ = 	snop  }
0x7: {  	_ = 	snop  }
__scs_overlays_trampoline_lowered:
0x8: {  	[smem:$0x3F98] =	sst s0  }
0x9: {  	[smem:$0x3F99] =	sst s1  }
0xa: {  	[smem:$0x3F9A] =	sst s2  }
0xb: {  	[smem:$0x3F9B] =	sst s3  }
0xc: {  	[smem:$0x3F9C] =	sst s4  }
0xd: {  	[smem:$0x3F9D] =	sst s5  }
0xe: {  	[smem:$0x3F9E] =	sst s6  }
0xf: {  	[smem:$0x3F9F] =	sst s7  }
0x10: {  	[smem:$0x3FA0] =	sst s8  }
0x11: {  	[smem:$0x3FA1] =	sst s9;
	s0 =	simm.s32 @!p0 $0x0  }
0x12: {  	s1 =	sld [smem:$0x3F87];
	s0 =	simm.s32 @p0 $0x1  }
0x13: {  	[smem:$0x3FA2] =	sst s0;
	s0 =	simm.s32 @!p1 $0x0  }
0x14: {  	s2 =	sld [smem:$0x3F86];
	s0 =	simm.s32 @p1 $0x1  }
0x15: {  	[smem:$0x3FA3] =	sst s0;
	s0 =	simm.s32 @!p2 $0x0  }
0x16: {  	s3 =	sld [smem:$0x3FDB];
	s0 =	simm.s32 @p2 $0x1  }
0x17: {  	s4 =	simm.s32 $0x1BF5;
	[smem:$0x3FA5] =	sst s0  }
0x18: {  	s0 =	sld [smem:$0x3F88];
	_ =	swait.ge [sflag:s4], $0x0  }
0x19: {  	s7 =	sld [smem:$0x3F89]  }
0x1a: {  	s8 =	sadd.s32 $0xFFFFE003, lr  }
0x1b: {  	s9 =	sadd.s32 $0xFFFFFEF7, lr;
	s5 =	simm.s32 $0xFFFFFFFF;
	p2 =	slt.u32 s8, $0xFFFFF086  }
0x1c: {  	p1 =	slt.u32 s9, $0xF7A;
	s5 =	simm.s32 @!p2 $0x0  }
0x1d: {  	s5 =	simm.s32 @p1 $0x1;
	p0 =	seq.s32 s7, s2  }
0x1e: {  	s7 =	smul.u32 @!p0 $0xF7A, s2;
	p2 =	seq.s32 @!p0 s5, $0x0  }
0x1f: {  	s9 =	smul.u32 $0xF7A, s1;
	s8 =	simm.s32 @!p0 $0x1BF5;
	p2 =	por !p2, p0  }
0x20: {  	[sflag:s8] =	ssyncset.s32 @!p0 $0xFFFFF086;
	s6 =	sadd.s32 @!p0 s3, s7;
	s7 =	simm.s32 @!p0 $0x108  }
0x21: {  	s3 =	sadd.s32 s3, s9;
	s6 =	sadd.s32 @!p0 $0x88, s6;
	s7 =	simm.s32 @p2 $0x1082  }
0x22: {  	[simem:s7], [sflag:s8] =	dma.local @!p0 [hbm:s6], $0xF7A  }
0x23: {  	s9 =	sor.u32 $0xD0000000, s2;
	s6 =	simm.s32 $0x108;
	_ =	swait.ge @!p0 [sflag:s8], $0x0  }
0x24: {  	s3 =	sadd.s32 $0x88, s3;
	s6 =	simm.s32 @!p1 $0x1082;
	[sflag:s4] =	ssyncset.s32 $0xFFFFF086  }
0x25: {  	[simem:s6], [sflag:s4] =	dma.local [hbm:s3], $0xF7A  }
0x26: {  	[smem:$0x3F89] =	sst s1;
	(tag) =	ssettag s2;
	_ =	strace s9  }
0x27: {  	s1 =	sld [smem:$0x3F99]  }
0x28: {  	s2 =	sld [smem:$0x3F9A]  }
0x29: {  	s4 =	sld [smem:$0x3F9C]  }
0x2a: {  	p0 =	seq.s32 s5, $0x0;
	s5 =	sld [smem:$0x3F9D]  }
0x2b: {  	s6 =	sld [smem:$0x3F9E]  }
0x2c: {  	s7 =	sld [smem:$0x3F9F]  }
0x2d: {  	s3 =	simm.s32 $0x108;
	s8 =	sld [smem:$0x3FA0]  }
0x2e: {  	s3 =	simm.s32 @!p0 $0x1082;
	s9 =	sld [smem:$0x3FA1]  }
0x2f: {  	lr =	sadd.s32 s0, s3;
	s0 =	sld [smem:$0x3F98]  }
0x30: {  	s3 =	sld [smem:$0x3F9B]  }
0x31: {  	[smem:$0x3FA4] =	sst s10  }
0x32: {  	s10 =	sld [smem:$0x3FA2];
	_ =	sdelay $0x3  }
0x33: {  	p0 =	seq.s32 s10, $0x1;
	s10 =	sld [smem:$0x3FA4];
	_ =	sdelay $0x3  }
0x34: {  	[smem:$0x3FA4] =	sst s10  }
0x35: {  	s10 =	sld [smem:$0x3FA3];
	_ =	sdelay $0x3  }
0x36: {  	p1 =	seq.s32 s10, $0x1;
	s10 =	sld [smem:$0x3FA4];
	_ =	sdelay $0x3  }
0x37: {  	[smem:$0x3FA4] =	sst s10  }
0x38: {  	s10 =	sld [smem:$0x3FA5]  }
0x39: {  	_ = 	snop;
	(pc) =	sbr.ind lr, $3  }
0x3a: {  	_ = 	snop  }
0x3b: {  	_ = 	snop  }
0x3c: {  	p2 =	seq.s32 s10, $0x1;
	s10 =	sld [smem:$0x3FA4]  }
0x3d: {  	_ =	shalt  }
0x3e: {  	_ =	shalt  }
0x3f: {  	_ =	shalt  }
0x40: {  	_ =	shalt  }
0x41: {  	_ =	shalt  }
0x42: {  	_ =	shalt  }
0x43: {  	_ =	shalt  }
0x44: {  	_ =	shalt  }
0x45: {  	_ =	shalt  }
0x46: {  	_ =	shalt  }
0x47: {  	_ =	shalt  }
0x48: {  	_ =	shalt  }
0x49: {  	_ =	shalt  }
0x4a: {  	_ =	shalt  }
0x4b: {  	_ =	shalt  }
0x4c: {  	_ =	shalt  }
0x4d: {  	_ =	shalt  }
0x4e: {  	_ =	shalt  }
0x4f: {  	_ =	shalt  }
0x50: {  	_ =	shalt  }
0x51: {  	_ =	shalt  }
0x52: {  	_ =	shalt  }
0x53: {  	_ =	shalt  }
0x54: {  	_ =	shalt  }
0x55: {  	_ =	shalt  }
0x56: {  	_ =	shalt  }
0x57: {  	_ =	shalt  }
0x58: {  	_ =	shalt  }
0x59: {  	_ =	shalt  }
0x5a: {  	_ =	shalt  }
0x5b: {  	_ =	shalt  }
0x5c: {  	_ =	shalt  }
0x5d: {  	_ =	shalt  }
0x5e: {  	_ =	shalt  }
0x5f: {  	_ =	shalt  }
0x60: {  	_ =	shalt  }
0x61: {  	_ =	shalt  }
0x62: {  	_ =	shalt  }
0x63: {  	_ =	shalt  }
0x64: {  	_ =	shalt  }
0x65: {  	_ =	shalt  }
0x66: {  	_ =	shalt  }
0x67: {  	_ =	shalt  }
0x68: {  	_ =	shalt  }
0x69: {  	_ =	shalt  }
0x6a: {  	_ =	shalt  }
0x6b: {  	_ =	shalt  }
0x6c: {  	_ =	shalt  }
0x6d: {  	_ =	shalt  }
0x6e: {  	_ =	shalt  }
0x6f: {  	_ =	shalt  }
0x70: {  	_ =	shalt  }
0x71: {  	_ =	shalt  }
0x72: {  	_ =	shalt  }
0x73: {  	_ =	shalt  }
0x74: {  	_ =	shalt  }
0x75: {  	_ =	shalt  }
0x76: {  	_ =	shalt  }
0x77: {  	_ =	shalt  }
0x78: {  	_ =	shalt  }
0x79: {  	_ =	shalt  }
0x7a: {  	_ =	shalt  }
0x7b: {  	_ =	shalt  }
0x7c: {  	_ =	shalt  }
0x7d: {  	_ =	shalt  }
0x7e: {  	_ =	shalt  }
0x7f: {  	_ =	shalt  }
0x80: {  	_ =	shalt  }
0x81: {  	_ =	shalt  }
0x82: {  	_ =	shalt  }
0x83: {  	_ =	shalt  }
0x84: {  	_ =	shalt  }
0x85: {  	_ =	shalt  }
0x86: {  	_ =	shalt  }
0x87: {  	_ =	shalt  }
.Lfunc_end0:
.L_simem_size_0:
called_computation.7_lowered:
.L_overlay_start_0:
0x88: {  	s2 =	sld [smem:$0x3FD9]  }
0x89: {  	s3 =	sld [smem:$0x3FFE];
	_ =	sdelay $0x1  }
0x8a: {  	s1 =	srdreg.scid  }
0x8b: {  	s0 =	sand.u32 $0x1, s1  }
0x8c: {  	s17 =	sshll.u32 s0, $0xA;
	s2 =	sadd.s32 s3, s2  }
0x8d: {  	s2 =	sadd.s32 s2, s17  }
0x8e: {  	[smem:$0x3FB0] =	sst s2  }
0x8f: {  	_ = 	snop  }
0x90: {  	(tm) =	ssettm $0x1  }
0x91: {  	s18 =	sld [smem:$0x3FFB];
	_ =	sdelay $0x3  }
0x92: {  	_ =	strace s18  }
0x93: {  	s2 =	sld [smem:$0x3FFC];
	_ =	sdelay $0x3  }
0x94: {  	_ =	strace s2  }
0x95: {  	s2 =	sld [smem:$0x3FFD];
	_ =	sdelay $0x3  }
0x96: {  	_ =	strace s2  }
0x97: {  	_ =	strace $0x8FFFFFFF  }
0x98: {  	s19 =	sld [smem:$0x3FDB];
	_ =	sdelay $0x1  }
0x99: {  	s20 =	simm.s32 $_scs_section_size  }
0x9a: {  	s4 =	simm.s32 $_size__tile_overlayer_lowered;
	s5 =	simm.s32 $_tile_overlayer_lowered  }
0x9b: {  	s6 =	simm.s32 $0x1BFF;
	s21 =	sshll.u32 s5, $0x1;
	s3 =	sadd.s32 s20, s19  }
0x9c: {  	s22 =	simm.s32 $0x0;
	s4 =	sshll.u32 s4, $0x1;
	s5 =	sadd.s32 s21, s3  }
0x9d: {  	[timem:s22], [sflag:s6] =	dma.local [hbm:s5], s4  }
0x9e: {  	_ =	swait.ge [sflag:s6], s4  }
0x9f: {  	s4 =	ssub.s32 $0x0, s4;
	[sflag:s6] =	ssyncset.done $0x0  }
0xa0: {  	[sflag:s6] =	ssyncadd.s32 s4;
	_ =	sdelay $0x1  }
0xa1: {  	s23 =	simm.s32 $0x1B8B  }
0xa2: {  	_ =	swait.ge [sflag:s23], $0x1  }
0xa3: {  	[sflag:s23] =	ssyncset.done $0x0  }
0xa4: {  	[sflag:s23] =	ssyncadd.s32 $0xFFFFFFFF  }
0xa5: {  	s4 =	sld [smem:$0x0]  }
0xa6: {  	s5 =	sand.u32 $0xFFFFFFFE, s1  }
0xa7: {  	p0 =	sne.s32 s1, s5  }
0xa8: {  	s5 =	sshll.u32 @p0 s5, $0xE  }
0xa9: {  	s5 =	sadd.s32 @p0 $0x11B8D, s5;
	s6 =	sshll.u32 @p0 s4, $0x11  }
0xaa: {  	s5 =	sor.u32 @p0 s6, s5  }
0xab: {  	[sflag:s5] =	ssyncadd.remote.s32 @p0 $0x1;
	_ =	sdelay $0x1  }
0xac: {  	s5 =	simm.s32 @p0 $0x1B8D  }
0xad: {  	_ =	swait.eq @p0 [sflag:s5], $0x1  }
0xae: {  	[sflag:s5] =	ssyncadd.s32 @p0 $0xFFFFFFFF  }
0xaf: {  	s6 =	sshll.u32 @!p0 s1, $0xE  }
0xb0: {  	s6 =	sor.u32 @!p0 $0x4000, s6;
	s5 =	simm.s32 @!p0 $0x1B8D  }
0xb1: {  	s4 =	sshll.u32 @!p0 s4, $0x11;
	s6 =	sadd.s32 @!p0 $0x11B8D, s6;
	_ =	swait.eq @!p0 [sflag:s5], $0x1  }
0xb2: {  	s4 =	sor.u32 @!p0 s4, s6;
	[sflag:s5] =	ssyncadd.s32 @!p0 $0xFFFFFFFF  }
0xb3: {  	s25 =	simm.s32 $0x1B8E;
	s24 =	sld [smem:$0x3FFE];
	[sflag:s4] =	ssyncadd.remote.s32 @!p0 $0x1  }
0xb4: {  	s26 =	simm.s32 $execute0_lowered;
	[smem:$0x3FD2] =	sst s25  }
0xb5: {  	s5 =	sshll.u32 s26, $0x1;
	_ =	strace $0x80000058;
	[dreg:$0x1] =	wrdreg $0xFFFFFFFF  }
0xb6: {  	s28 =	simm.s32 $_size_execute0_lowered;
	s3 =	sadd.s32 s3, s5;
	[dreg:$0x0] =	wrdreg $0x0  }
0xb7: {  	s5 =	sshll.u32 s28, $0x1;
	[dreg:$0x2] =	wrdreg s3  }
0xb8: {  	[dreg:$0x3] =	wrdreg s5  }
0xb9: {  	[dreg:$0x4] =	wrdreg $0xC0  }
0xba: {  	_ =	task [dreg:s22], $0x5FFFF  }
0xbb: {  	[dreg:$0x1] =	wrdreg $0xFFFFFFFF  }
0xbc: {  	[dreg:$0x0] =	wrdreg $0x60  }
0xbd: {  	[dreg:$0x2] =	wrdreg s24  }
0xbe: {  	[dreg:$0x3] =	wrdreg $0x21000  }
0xbf: {  	[dreg:$0x4] =	wrdreg $0xB  }
0xc0: {  	_ =	task.clear_ibuf [dreg:s22], $0x5FFFF;
	_ =	strace $0x90000058  }
0xc1: {  	s29 =	simm.s32 $0xB;
	_ =	strace $0x8000005A  }
0xc2: {  	_ =	swait.ge [sflag:s29], $0x1  }
0xc3: {  	[sflag:s29] =	ssyncadd.s32 $0xFFFFFFFF  }
0xc4: {  	_ =	strace $0x9000005A  }
0xc5: {  	_ =	sfence  }
0xc6: {  	s30 =	sld [smem:$0x0];
	_ =	sdelay $0x2  }
0xc7: {  	s31 =	sshll.u32 s1, $0xD;
	s1 =	sshrl.u32 s1, $0x2  }
0xc8: {  	s4 =	sand.u32 $0x4000, s31;
	s1 =	sadd.s32 s1, s30  }
0xc9: {  	s0 =	sor.u32 s4, s0;
	s1 =	sshll.u32 s1, $0x11  }
0xca: {  	s0 =	sor.u32 s1, s0  }
0xcb: {  	s0 =	sadd.s32 $0x8F2B, s0  }
0xcc: {  	[sflag:s0] =	ssyncadd.remote.s32 $0x1  }
0xcd: {  	_ =	sfence.sel $0xFFFF  }
0xce: {  	[dreg:$0x0] =	wrdreg $0xFFFFFFFF;
	(pc) =	sbr.abs _section_cstart, $3  }
0xcf: {  	[dreg:$0x1] =	wrdreg $0xFFFFFFFF  }
0xd0: {  	_ =	task.clear_ibuf [dreg:s22], $0x2FFFF;
	_ =	strace $0x9FFFFFFF  }
0xd1: {  	(tm) =	ssettm $0x7FFFFFFF  }
tec
execute0_lowered:
.L_overlay_start_1:
0x0: {  	(tag) =	ssettag $0x1  }
0x1: {  	s24 =	rddreg [dreg:$0x0]  }
0x2: {  	s2 =	rddreg [dreg:$0x1]  }
0x3: {  	s0 =	rddreg [dreg:$0x2];
	s1 =	stileid.u32  }
0x4: {  	s3 =	simm.s32 $0x0;
	s4 =	srdreg.scid;
	s23 =	smul.u32 $0x2800, s1  }
0x5: {  	[smem:$0x7FF] =	sst s3;
	s28 =	smul.u32 $0x50000, s1  }
0x6: {  	s25 =	sand.u32 $0x1, s4;
	s29 =	sshll.u32 s1, $0x6;
	_ =	strace $0x80000059  }
0x7: {  	s5 =	sshll.u32 s25, $0x4;
	s6 =	sadd.s32 s23, s24;
	s4 =	sshrl.u32 s28, $0x2  }
0x8: {  	s8 =	sor.u32 s1, s5;
	s5 =	sor.u32 $0x1C02, s29;
	s7 =	sadd.s32 s4, s2  }
0x9: {  	s4 =	sadd.s32 $0x21400, s6;
	s6 =	simm.s32 $0x2;
	s7 =	sshrl.u32 s7, $0x3  }
0xa: {  	[spmem:s7], [sflag:s5] =	dma.local [hbm:s4], $0x2800  }
0xb: {  	s8 =	smul.u32 $0x140, s8;
	_ =	swait.ge [sflag:s6], $0x2800  }
0xc: {  	[sflag:s6] =	ssyncset.done $0x0  }
0xd: {  	s21 =	sadd.s32 $0xFD000, s24;
	s26 =	sshrl.u32 s8, $0x3;
	[sflag:s6] =	ssyncadd.s32 $0xFFFFD800  }
0xe: {  	s8 =	sadd.s32 s21, s26;
	[bflag:$0x0] =	sbarrier.arrive $0xFFFF  }
0xf: {  	[tilespmem:s3], [sflag:$0x2] =	stream.linear.gather [hbm4b:s8+s3], $0x40, $0x38;
	[tilespmem:$0x16100] =	vst v63  }
0x10: {  	_ =	swait.ge [sflag:s6], $0x40  }
0x11: {  	s22 =	sadd.s32 $0xFD600, s24;
	[sflag:s6] =	ssyncset.done $0x0  }
0x12: {  	s10 =	simm.s32 $0x80;
	s9 =	sadd.s32 s22, s26;
	[sflag:s6] =	ssyncadd.s32 $0xFFFFFFC0  }
0x13: {  	[tilespmem:s10], [sflag:$0x2] =	stream.linear.gather [hbm4b:s9+s3], $0x40, $0x38;
	[tilespmem:$0x16100] =	vst v63  }
0x14: {  	_ =	swait.ge [sflag:s6], $0x40  }
0x15: {  	s12 =	simm.s32 $0x40;
	s13 =	simm.s32 $0x100;
	[sflag:s6] =	ssyncset.done $0x0  }
0x16: {  	s14 =	simm.s32 $0x1;
	s11 =	sadd.s32 $0xFDC00, s24;
	[sflag:s6] =	ssyncadd.s32 $0xFFFFFFC0  }
0x17: {  	[tilespmem:s13], [sflag:$0x1] =	stream.indirect.gather [hbm4b:s11+s12], $0x80, s3, s12, $0xb8;
	[tilespmem:$0x16100] =	vst v63  }
0x18: {  	_ =	swait.ge [sflag:s14], $0x2000  }
0x19: {  	[sflag:s14] =	ssyncset.done $0x0  }
0x1a: {  	[sflag:s14] =	ssyncadd.s32 $0xFFFFE000  }
0x1b: {  	[spmem:s2] =	stream.indirect.scatter.add.f32 [tilespmem:s13], [sflag:$0x2], $0x80, s10, s12, $0xb8;
	[tilespmem:$0x16100] =	vst v63  }
0x1c: {  	_ =	swait.ge [sflag:s6], $0x2000  }
0x1d: {  	s16 =	sadd.s32 $0x8, s26;
	[sflag:s6] =	ssyncset.done $0x0  }
0x1e: {  	s15 =	sadd.s32 s21, s16;
	[sflag:s6] =	ssyncadd.s32 $0xFFFFE000  }
0x1f: {  	[tilespmem:s3], [sflag:$0x2] =	stream.linear.gather [hbm4b:s15+s3], $0x40, $0x38;
	[tilespmem:$0x16100] =	vst v63  }
0x20: {  	_ =	swait.ge [sflag:s6], $0x40  }
0x21: {  	[sflag:s6] =	ssyncset.done $0x0  }
0x22: {  	s16 =	sadd.s32 s22, s16;
	[sflag:s6] =	ssyncadd.s32 $0xFFFFFFC0  }
0x23: {  	[tilespmem:s10], [sflag:$0x2] =	stream.linear.gather [hbm4b:s16+s3], $0x40, $0x38;
	[tilespmem:$0x16100] =	vst v63  }
0x24: {  	_ =	swait.ge [sflag:s6], $0x40  }
0x25: {  	[sflag:s6] =	ssyncset.done $0x0  }
0x26: {  	[sflag:s6] =	ssyncadd.s32 $0xFFFFFFC0  }
0x27: {  	[tilespmem:s13], [sflag:$0x1] =	stream.indirect.gather [hbm4b:s11+s12], $0x80, s3, s12, $0xb8;
	[tilespmem:$0x16100] =	vst v63  }
0x28: {  	_ =	swait.ge [sflag:s14], $0x2000  }
0x29: {  	[sflag:s14] =	ssyncset.done $0x0  }
0x2a: {  	[sflag:s14] =	ssyncadd.s32 $0xFFFFE000  }
0x2b: {  	[spmem:s2] =	stream.indirect.scatter.add.f32 [tilespmem:s13], [sflag:$0x2], $0x80, s10, s12, $0xb8;
	[tilespmem:$0x16100] =	vst v63  }
0x2c: {  	_ =	swait.ge [sflag:s6], $0x2000  }
0x2d: {  	s18 =	sadd.s32 $0x10, s26;
	[sflag:s6] =	ssyncset.done $0x0  }
0x2e: {  	s17 =	sadd.s32 s21, s18;
	[sflag:s6] =	ssyncadd.s32 $0xFFFFE000  }
0x2f: {  	[tilespmem:s3], [sflag:$0x2] =	stream.linear.gather [hbm4b:s17+s3], $0x40, $0x38;
	[tilespmem:$0x16100] =	vst v63  }
0x30: {  	_ =	swait.ge [sflag:s6], $0x40  }
0x31: {  	[sflag:s6] =	ssyncset.done $0x0  }
0x32: {  	s18 =	sadd.s32 s22, s18;
	[sflag:s6] =	ssyncadd.s32 $0xFFFFFFC0  }
0x33: {  	[tilespmem:s10], [sflag:$0x2] =	stream.linear.gather [hbm4b:s18+s3], $0x40, $0x38;
	[tilespmem:$0x16100] =	vst v63  }
0x34: {  	_ =	swait.ge [sflag:s6], $0x40  }
0x35: {  	[sflag:s6] =	ssyncset.done $0x0  }
0x36: {  	[sflag:s6] =	ssyncadd.s32 $0xFFFFFFC0  }
0x37: {  	[tilespmem:s13], [sflag:$0x1] =	stream.indirect.gather [hbm4b:s11+s12], $0x80, s3, s12, $0xb8;
	[tilespmem:$0x16100] =	vst v63  }
0x38: {  	_ =	swait.ge [sflag:s14], $0x2000  }
0x39: {  	[sflag:s14] =	ssyncset.done $0x0  }
0x3a: {  	[sflag:s14] =	ssyncadd.s32 $0xFFFFE000  }
0x3b: {  	[spmem:s2] =	stream.indirect.scatter.add.f32 [tilespmem:s13], [sflag:$0x2], $0x80, s10, s12, $0xb8;
	[tilespmem:$0x16100] =	vst v63  }
0x3c: {  	_ =	swait.ge [sflag:s6], $0x2000  }
0x3d: {  	s20 =	sadd.s32 $0x18, s26;
	[sflag:s6] =	ssyncset.done $0x0  }
0x3e: {  	s19 =	sadd.s32 s21, s20;
	[sflag:s6] =	ssyncadd.s32 $0xFFFFE000  }
0x3f: {  	[tilespmem:s3], [sflag:$0x2] =	stream.linear.gather [hbm4b:s19+s3], $0x40, $0x38;
	[tilespmem:$0x16100] =	vst v63  }
0x40: {  	_ =	swait.ge [sflag:s6], $0x40  }
0x41: {  	[sflag:s6] =	ssyncset.done $0x0  }
0x42: {  	s20 =	sadd.s32 s22, s20;
	[sflag:s6] =	ssyncadd.s32 $0xFFFFFFC0  }
0x43: {  	[tilespmem:s10], [sflag:$0x2] =	stream.linear.gather [hbm4b:s20+s3], $0x40, $0x38;
	[tilespmem:$0x16100] =	vst v63  }
0x44: {  	_ =	swait.ge [sflag:s6], $0x40  }
0x45: {  	[sflag:s6] =	ssyncset.done $0x0  }
0x46: {  	[sflag:s6] =	ssyncadd.s32 $0xFFFFFFC0  }
0x47: {  	[tilespmem:s13], [sflag:$0x1] =	stream.indirect.gather [hbm4b:s11+s12], $0x80, s3, s12, $0xb8;
	[tilespmem:$0x16100] =	vst v63  }
0x48: {  	_ =	swait.ge [sflag:s14], $0x2000  }
0x49: {  	[sflag:s14] =	ssyncset.done $0x0  }
0x4a: {  	[sflag:s14] =	ssyncadd.s32 $0xFFFFE000  }
0x4b: {  	[spmem:s2] =	stream.indirect.scatter.add.f32 [tilespmem:s13], [sflag:$0x2], $0x80, s10, s12, $0xb8;
	[tilespmem:$0x16100] =	vst v63  }
0x4c: {  	_ =	swait.ge [sflag:s6], $0x2000  }
0x4d: {  	s26 =	sadd.s32 $0x20, s26;
	[sflag:s6] =	ssyncset.done $0x0  }
0x4e: {  	s21 =	sadd.s32 s21, s26;
	[sflag:s6] =	ssyncadd.s32 $0xFFFFE000  }
0x4f: {  	[tilespmem:s3], [sflag:$0x2] =	stream.linear.gather [hbm4b:s21+s3], $0x40, $0x38;
	[tilespmem:$0x16100] =	vst v63  }
0x50: {  	_ =	swait.ge [sflag:s6], $0x40  }
0x51: {  	[sflag:s6] =	ssyncset.done $0x0  }
0x52: {  	s22 =	sadd.s32 s22, s26;
	[sflag:s6] =	ssyncadd.s32 $0xFFFFFFC0  }
0x53: {  	[tilespmem:s10], [sflag:$0x2] =	stream.linear.gather [hbm4b:s22+s3], $0x40, $0x38;
	[tilespmem:$0x16100] =	vst v63  }
0x54: {  	_ =	swait.ge [sflag:s6], $0x40  }
0x55: {  	[sflag:s6] =	ssyncset.done $0x0  }
0x56: {  	[sflag:s6] =	ssyncadd.s32 $0xFFFFFFC0  }
0x57: {  	[tilespmem:s13], [sflag:$0x1] =	stream.indirect.gather [hbm4b:s11+s12], $0x80, s3, s12, $0xb8;
	[tilespmem:$0x16100] =	vst v63  }
0x58: {  	s30 =	smul.u32 $0x28000, s25;
	s25 =	ssub.s32 $0x2, s25;
	_ =	swait.ge [sflag:s14], $0x2000  }
0x59: {  	s31 =	sshrl.u32 s25, $0x1;
	[sflag:s14] =	ssyncset.done $0x0  }
0x5a: {  	s25 =	ssub.s32 s25, s31;
	[sflag:s14] =	ssyncadd.s32 $0xFFFFE000  }
0x5b: {  	[spmem:s2] =	stream.indirect.scatter.add.f32 [tilespmem:s13], [sflag:$0x2], $0x80, s10, s12, $0xb8;
	[tilespmem:$0x16100] =	vst v63  }
0x5c: {  	s25 =	smax.u32 s25, $0x1;
	_ =	swait.ge [sflag:s6], $0x2000  }
0x5d: {  	s24 =	sadd.s32 s30, s24;
	p0 =	sne.s32 s25, $0x1;
	[sflag:s6] =	ssyncset.done $0x0  }
.Ltmp0:
0x5e: {  	s24 =	sadd.s32 $0x1EDC00, s24;
	[sflag:s6] =	ssyncadd.s32 $0xFFFFE000;
	(pc) =	sbr.rel @!p0 .LBB2_2-.Ltmp0, $4  }
0x5f: {  	s23 =	sadd.s32 s23, s24;
	[bflag:$0x0] =	sbarrier.arrive $0xFFFF  }
0x60: {  	[hbm:s23], [sflag:s5] =	dma.local [spmem:s7], $0x2800  }
0x61: {  	_ =	swait.ge [sflag:s6], $0x2800  }
0x62: {  	s24 =	sadd.s32 $0xFFFFFFFF, s25;
	[sflag:s6] =	ssyncset.done $0x0  }
.LBB2_1:
0x63: {  	p0 =	sne.s32 s24, $0x1;
	s24 =	sadd.s32 $0xFFFFFFFF, s24;
	[sflag:s6] =	ssyncadd.s32 $0xFFFFD800  }
0x64: {  	[spmem:s7], [sflag:s5] =	dma.local [hbm:s4], $0x2800  }
0x65: {  	_ =	swait.ge [sflag:s6], $0x2800  }
0x66: {  	[sflag:s6] =	ssyncset.done $0x0  }
0x67: {  	[sflag:s6] =	ssyncadd.s32 $0xFFFFD800  }
0x68: {  	[bflag:$0x0] =	sbarrier.arrive $0xFFFF  }
0x69: {  	[tilespmem:s3], [sflag:$0x2] =	stream.linear.gather [hbm4b:s8+s3], $0x40, $0x38;
	[tilespmem:$0x16100] =	vst v63  }
0x6a: {  	_ =	swait.ge [sflag:s6], $0x40  }
0x6b: {  	[sflag:s6] =	ssyncset.done $0x0  }
0x6c: {  	[sflag:s6] =	ssyncadd.s32 $0xFFFFFFC0  }
0x6d: {  	[tilespmem:s10], [sflag:$0x2] =	stream.linear.gather [hbm4b:s9+s3], $0x40, $0x38;
	[tilespmem:$0x16100] =	vst v63  }
0x6e: {  	_ =	swait.ge [sflag:s6], $0x40  }
0x6f: {  	[sflag:s6] =	ssyncset.done $0x0  }
0x70: {  	[sflag:s6] =	ssyncadd.s32 $0xFFFFFFC0  }
0x71: {  	[tilespmem:s13], [sflag:$0x1] =	stream.indirect.gather [hbm4b:s11+s12], $0x80, s3, s12, $0xb8;
	[tilespmem:$0x16100] =	vst v63  }
0x72: {  	_ =	swait.ge [sflag:s14], $0x2000  }
0x73: {  	[sflag:s14] =	ssyncset.done $0x0  }
0x74: {  	[sflag:s14] =	ssyncadd.s32 $0xFFFFE000  }
0x75: {  	[spmem:s2] =	stream.indirect.scatter.add.f32 [tilespmem:s13], [sflag:$0x2], $0x80, s10, s12, $0xb8;
	[tilespmem:$0x16100] =	vst v63  }
0x76: {  	_ =	swait.ge [sflag:s6], $0x2000  }
0x77: {  	[sflag:s6] =	ssyncset.done $0x0  }
0x78: {  	[sflag:s6] =	ssyncadd.s32 $0xFFFFE000  }
0x79: {  	[tilespmem:s3], [sflag:$0x2] =	stream.linear.gather [hbm4b:s15+s3], $0x40, $0x38;
	[tilespmem:$0x16100] =	vst v63  }
0x7a: {  	_ =	swait.ge [sflag:s6], $0x40  }
0x7b: {  	[sflag:s6] =	ssyncset.done $0x0  }
0x7c: {  	[sflag:s6] =	ssyncadd.s32 $0xFFFFFFC0  }
0x7d: {  	[tilespmem:s10], [sflag:$0x2] =	stream.linear.gather [hbm4b:s16+s3], $0x40, $0x38;
	[tilespmem:$0x16100] =	vst v63  }
0x7e: {  	_ =	swait.ge [sflag:s6], $0x40  }
0x7f: {  	[sflag:s6] =	ssyncset.done $0x0  }
0x80: {  	[sflag:s6] =	ssyncadd.s32 $0xFFFFFFC0  }
0x81: {  	[tilespmem:s13], [sflag:$0x1] =	stream.indirect.gather [hbm4b:s11+s12], $0x80, s3, s12, $0xb8;
	[tilespmem:$0x16100] =	vst v63  }
0x82: {  	_ =	swait.ge [sflag:s14], $0x2000  }
0x83: {  	[sflag:s14] =	ssyncset.done $0x0  }
0x84: {  	[sflag:s14] =	ssyncadd.s32 $0xFFFFE000  }
0x85: {  	[spmem:s2] =	stream.indirect.scatter.add.f32 [tilespmem:s13], [sflag:$0x2], $0x80, s10, s12, $0xb8;
	[tilespmem:$0x16100] =	vst v63  }
0x86: {  	_ =	swait.ge [sflag:s6], $0x2000  }
0x87: {  	[sflag:s6] =	ssyncset.done $0x0  }
0x88: {  	[sflag:s6] =	ssyncadd.s32 $0xFFFFE000  }
0x89: {  	[tilespmem:s3], [sflag:$0x2] =	stream.linear.gather [hbm4b:s17+s3], $0x40, $0x38;
	[tilespmem:$0x16100] =	vst v63  }
0x8a: {  	_ =	swait.ge [sflag:s6], $0x40  }
0x8b: {  	[sflag:s6] =	ssyncset.done $0x0  }
0x8c: {  	[sflag:s6] =	ssyncadd.s32 $0xFFFFFFC0  }
0x8d: {  	[tilespmem:s10], [sflag:$0x2] =	stream.linear.gather [hbm4b:s18+s3], $0x40, $0x38;
	[tilespmem:$0x16100] =	vst v63  }
0x8e: {  	_ =	swait.ge [sflag:s6], $0x40  }
0x8f: {  	[sflag:s6] =	ssyncset.done $0x0  }
0x90: {  	[sflag:s6] =	ssyncadd.s32 $0xFFFFFFC0  }
0x91: {  	[tilespmem:s13], [sflag:$0x1] =	stream.indirect.gather [hbm4b:s11+s12], $0x80, s3, s12, $0xb8;
	[tilespmem:$0x16100] =	vst v63  }
0x92: {  	_ =	swait.ge [sflag:s14], $0x2000  }
0x93: {  	[sflag:s14] =	ssyncset.done $0x0  }
0x94: {  	[sflag:s14] =	ssyncadd.s32 $0xFFFFE000  }
0x95: {  	[spmem:s2] =	stream.indirect.scatter.add.f32 [tilespmem:s13], [sflag:$0x2], $0x80, s10, s12, $0xb8;
	[tilespmem:$0x16100] =	vst v63  }
0x96: {  	_ =	swait.ge [sflag:s6], $0x2000  }
0x97: {  	[sflag:s6] =	ssyncset.done $0x0  }
0x98: {  	[sflag:s6] =	ssyncadd.s32 $0xFFFFE000  }
0x99: {  	[tilespmem:s3], [sflag:$0x2] =	stream.linear.gather [hbm4b:s19+s3], $0x40, $0x38;
	[tilespmem:$0x16100] =	vst v63  }
0x9a: {  	_ =	swait.ge [sflag:s6], $0x40  }
0x9b: {  	[sflag:s6] =	ssyncset.done $0x0  }
0x9c: {  	[sflag:s6] =	ssyncadd.s32 $0xFFFFFFC0  }
0x9d: {  	[tilespmem:s10], [sflag:$0x2] =	stream.linear.gather [hbm4b:s20+s3], $0x40, $0x38;
	[tilespmem:$0x16100] =	vst v63  }
0x9e: {  	_ =	swait.ge [sflag:s6], $0x40  }
0x9f: {  	[sflag:s6] =	ssyncset.done $0x0  }
0xa0: {  	[sflag:s6] =	ssyncadd.s32 $0xFFFFFFC0  }
0xa1: {  	[tilespmem:s13], [sflag:$0x1] =	stream.indirect.gather [hbm4b:s11+s12], $0x80, s3, s12, $0xb8;
	[tilespmem:$0x16100] =	vst v63  }
0xa2: {  	_ =	swait.ge [sflag:s14], $0x2000  }
0xa3: {  	[sflag:s14] =	ssyncset.done $0x0  }
0xa4: {  	[sflag:s14] =	ssyncadd.s32 $0xFFFFE000  }
0xa5: {  	[spmem:s2] =	stream.indirect.scatter.add.f32 [tilespmem:s13], [sflag:$0x2], $0x80, s10, s12, $0xb8;
	[tilespmem:$0x16100] =	vst v63  }
0xa6: {  	_ =	swait.ge [sflag:s6], $0x2000  }
0xa7: {  	[sflag:s6] =	ssyncset.done $0x0  }
0xa8: {  	[sflag:s6] =	ssyncadd.s32 $0xFFFFE000  }
0xa9: {  	[tilespmem:s3], [sflag:$0x2] =	stream.linear.gather [hbm4b:s21+s3], $0x40, $0x38;
	[tilespmem:$0x16100] =	vst v63  }
0xaa: {  	_ =	swait.ge [sflag:s6], $0x40  }
0xab: {  	[sflag:s6] =	ssyncset.done $0x0  }
0xac: {  	[sflag:s6] =	ssyncadd.s32 $0xFFFFFFC0  }
0xad: {  	[tilespmem:s10], [sflag:$0x2] =	stream.linear.gather [hbm4b:s22+s3], $0x40, $0x38;
	[tilespmem:$0x16100] =	vst v63  }
0xae: {  	_ =	swait.ge [sflag:s6], $0x40  }
0xaf: {  	[sflag:s6] =	ssyncset.done $0x0  }
0xb0: {  	[sflag:s6] =	ssyncadd.s32 $0xFFFFFFC0  }
0xb1: {  	[tilespmem:s13], [sflag:$0x1] =	stream.indirect.gather [hbm4b:s11+s12], $0x80, s3, s12, $0xb8;
	[tilespmem:$0x16100] =	vst v63  }
0xb2: {  	_ =	swait.ge [sflag:s14], $0x2000  }
0xb3: {  	[sflag:s14] =	ssyncset.done $0x0  }
0xb4: {  	[sflag:s14] =	ssyncadd.s32 $0xFFFFE000  }
0xb5: {  	[spmem:s2] =	stream.indirect.scatter.add.f32 [tilespmem:s13], [sflag:$0x2], $0x80, s10, s12, $0xb8;
	[tilespmem:$0x16100] =	vst v63  }
0xb6: {  	_ =	swait.ge [sflag:s6], $0x2000  }
0xb7: {  	[sflag:s6] =	ssyncset.done $0x0  }
.Ltmp1:
0xb8: {  	[sflag:s6] =	ssyncadd.s32 $0xFFFFE000;
	(pc) =	sbr.rel @p0 .LBB2_1-.Ltmp1, $4  }
0xb9: {  	[bflag:$0x0] =	sbarrier.arrive $0xFFFF  }
0xba: {  	[hbm:s23], [sflag:s5] =	dma.local [spmem:s7], $0x2800  }
0xbb: {  	_ =	swait.ge [sflag:s6], $0x2800  }
0xbc: {  	[sflag:s6] =	ssyncset.done $0x0  }
.LBB2_2:
0xbd: {  	[sflag:s6] =	ssyncadd.s32 $0xFFFFD800  }
0xbe: {  	_ =	sfence.sel $0x180000  }
0xbf: {  	[bflag:$0x0] =	sbarrier.arrive $0xFFFF  }
0xc0: {  	p0 =	sne.s32 s1, $0x0;
	_ =	strace $0x90000059  }
0xc1: {  	s0 =	sadd.s32 @!p0 $0x100000, s0;
	[bflag:$0x2] =	sbarrier.arrive $0xFFFF  }
0xc2: {  	[sflag:s0] =	ssyncadd.tile.s32 @!p0 $0x1;
	_ =	shalt  }
.Lfunc_end2:
_tile_overlayer_lowered:
.L_overlay_start_2:
0xc3: {  	(tag) =	ssettag $0x2  }
0xc4: {  	s0 =	rddreg [dreg:$0x0];
	s2 =	stileid.u32  }
0xc5: {  	s1 =	rddreg [dreg:$0x1];
	p0 =	sne.s32 s2, $0x0  }
0xc6: {  	s3 =	rddreg [dreg:$0x2];
	[bflag:$0x3] =	sbarrier.arrive $0xFFFF;
	s2 =	simm.s32 @!p0 $0x1C02  }
0xc7: {  	[timem:s3], [sflag:s2] =	dma.local @!p0 [hbm:s0], s1  }
0xc8: {  	s0 =	simm.s32 @!p0 $0x2  }
0xc9: {  	_ =	swait.ge @!p0 [sflag:s0], s1  }
0xca: {  	s1 =	ssub.s32 @!p0 $0x0, s1;
	[sflag:s0] =	ssyncset.done @!p0 $0x0  }
0xcb: {  	[sflag:s0] =	ssyncadd.s32 @!p0 s1  }
0xcc: {  	[bflag:$0x3] =	sbarrier.arrive $0xFFFF  }
0xcd: {  	_ =	shalt  }

// kernel: kernel.50.cloned.1.call-start
scs
__scs_entry_jumppad:
0x0: {  	(pc) =	sbr.rel $0x88, $3  }
0x1: {  	(tag) =	ssettag $0x0;
	lr =	simm.s32 $0x1  }
0x2: {  	[smem:$0x3F89] =	sst lr;
	_ =	strace $0xD0000000  }
0x3: {  	_ = 	snop  }
0x4: {  	_ = 	snop  }
0x5: {  	_ = 	snop  }
0x6: {  	_ = 	snop  }
0x7: {  	_ = 	snop  }
__scs_overlays_trampoline_lowered:
0x8: {  	[smem:$0x3F98] =	sst s0  }
0x9: {  	[smem:$0x3F99] =	sst s1  }
0xa: {  	[smem:$0x3F9A] =	sst s2  }
0xb: {  	[smem:$0x3F9B] =	sst s3  }
0xc: {  	[smem:$0x3F9C] =	sst s4  }
0xd: {  	[smem:$0x3F9D] =	sst s5  }
0xe: {  	[smem:$0x3F9E] =	sst s6  }
0xf: {  	[smem:$0x3F9F] =	sst s7  }
0x10: {  	[smem:$0x3FA0] =	sst s8  }
0x11: {  	[smem:$0x3FA1] =	sst s9;
	s0 =	simm.s32 @!p0 $0x0  }
0x12: {  	s1 =	sld [smem:$0x3F87];
	s0 =	simm.s32 @p0 $0x1  }
0x13: {  	[smem:$0x3FA2] =	sst s0;
	s0 =	simm.s32 @!p1 $0x0  }
0x14: {  	s2 =	sld [smem:$0x3F86];
	s0 =	simm.s32 @p1 $0x1  }
0x15: {  	[smem:$0x3FA3] =	sst s0;
	s0 =	simm.s32 @!p2 $0x0  }
0x16: {  	s3 =	sld [smem:$0x3FDB];
	s0 =	simm.s32 @p2 $0x1  }
0x17: {  	s4 =	simm.s32 $0x1BF5;
	[smem:$0x3FA5] =	sst s0  }
0x18: {  	s0 =	sld [smem:$0x3F88];
	_ =	swait.ge [sflag:s4], $0x0  }
0x19: {  	s7 =	sld [smem:$0x3F89]  }
0x1a: {  	s8 =	sadd.s32 $0xFFFFE003, lr  }
0x1b: {  	s9 =	sadd.s32 $0xFFFFFEF7, lr;
	s5 =	simm.s32 $0xFFFFFFFF;
	p2 =	slt.u32 s8, $0xFFFFF086  }
0x1c: {  	p1 =	slt.u32 s9, $0xF7A;
	s5 =	simm.s32 @!p2 $0x0  }
0x1d: {  	s5 =	simm.s32 @p1 $0x1;
	p0 =	seq.s32 s7, s2  }
0x1e: {  	s7 =	smul.u32 @!p0 $0xF7A, s2;
	p2 =	seq.s32 @!p0 s5, $0x0  }
0x1f: {  	s9 =	smul.u32 $0xF7A, s1;
	s8 =	simm.s32 @!p0 $0x1BF5;
	p2 =	por !p2, p0  }
0x20: {  	[sflag:s8] =	ssyncset.s32 @!p0 $0xFFFFF086;
	s6 =	sadd.s32 @!p0 s3, s7;
	s7 =	simm.s32 @!p0 $0x108  }
0x21: {  	s3 =	sadd.s32 s3, s9;
	s6 =	sadd.s32 @!p0 $0x88, s6;
	s7 =	simm.s32 @p2 $0x1082  }
0x22: {  	[simem:s7], [sflag:s8] =	dma.local @!p0 [hbm:s6], $0xF7A  }
0x23: {  	s9 =	sor.u32 $0xD0000000, s2;
	s6 =	simm.s32 $0x108;
	_ =	swait.ge @!p0 [sflag:s8], $0x0  }
0x24: {  	s3 =	sadd.s32 $0x88, s3;
	s6 =	simm.s32 @!p1 $0x1082;
	[sflag:s4] =	ssyncset.s32 $0xFFFFF086  }
0x25: {  	[simem:s6], [sflag:s4] =	dma.local [hbm:s3], $0xF7A  }
0x26: {  	[smem:$0x3F89] =	sst s1;
	(tag) =	ssettag s2;
	_ =	strace s9  }
0x27: {  	s1 =	sld [smem:$0x3F99]  }
0x28: {  	s2 =	sld [smem:$0x3F9A]  }
0x29: {  	s4 =	sld [smem:$0x3F9C]  }
0x2a: {  	p0 =	seq.s32 s5, $0x0;
	s5 =	sld [smem:$0x3F9D]  }
0x2b: {  	s6 =	sld [smem:$0x3F9E]  }
0x2c: {  	s7 =	sld [smem:$0x3F9F]  }
0x2d: {  	s3 =	simm.s32 $0x108;
	s8 =	sld [smem:$0x3FA0]  }
0x2e: {  	s3 =	simm.s32 @!p0 $0x1082;
	s9 =	sld [smem:$0x3FA1]  }
0x2f: {  	lr =	sadd.s32 s0, s3;
	s0 =	sld [smem:$0x3F98]  }
0x30: {  	s3 =	sld [smem:$0x3F9B]  }
0x31: {  	[smem:$0x3FA4] =	sst s10  }
0x32: {  	s10 =	sld [smem:$0x3FA2];
	_ =	sdelay $0x3  }
0x33: {  	p0 =	seq.s32 s10, $0x1;
	s10 =	sld [smem:$0x3FA4];
	_ =	sdelay $0x3  }
0x34: {  	[smem:$0x3FA4] =	sst s10  }
0x35: {  	s10 =	sld [smem:$0x3FA3];
	_ =	sdelay $0x3  }
0x36: {  	p1 =	seq.s32 s10, $0x1;
	s10 =	sld [smem:$0x3FA4];
	_ =	sdelay $0x3  }
0x37: {  	[smem:$0x3FA4] =	sst s10  }
0x38: {  	s10 =	sld [smem:$0x3FA5]  }
0x39: {  	_ = 	snop;
	(pc) =	sbr.ind lr, $3  }
0x3a: {  	_ = 	snop  }
0x3b: {  	_ = 	snop  }
0x3c: {  	p2 =	seq.s32 s10, $0x1;
	s10 =	sld [smem:$0x3FA4]  }
0x3d: {  	_ =	shalt  }
0x3e: {  	_ =	shalt  }
0x3f: {  	_ =	shalt  }
0x40: {  	_ =	shalt  }
0x41: {  	_ =	shalt  }
0x42: {  	_ =	shalt  }
0x43: {  	_ =	shalt  }
0x44: {  	_ =	shalt  }
0x45: {  	_ =	shalt  }
0x46: {  	_ =	shalt  }
0x47: {  	_ =	shalt  }
0x48: {  	_ =	shalt  }
0x49: {  	_ =	shalt  }
0x4a: {  	_ =	shalt  }
0x4b: {  	_ =	shalt  }
0x4c: {  	_ =	shalt  }
0x4d: {  	_ =	shalt  }
0x4e: {  	_ =	shalt  }
0x4f: {  	_ =	shalt  }
0x50: {  	_ =	shalt  }
0x51: {  	_ =	shalt  }
0x52: {  	_ =	shalt  }
0x53: {  	_ =	shalt  }
0x54: {  	_ =	shalt  }
0x55: {  	_ =	shalt  }
0x56: {  	_ =	shalt  }
0x57: {  	_ =	shalt  }
0x58: {  	_ =	shalt  }
0x59: {  	_ =	shalt  }
0x5a: {  	_ =	shalt  }
0x5b: {  	_ =	shalt  }
0x5c: {  	_ =	shalt  }
0x5d: {  	_ =	shalt  }
0x5e: {  	_ =	shalt  }
0x5f: {  	_ =	shalt  }
0x60: {  	_ =	shalt  }
0x61: {  	_ =	shalt  }
0x62: {  	_ =	shalt  }
0x63: {  	_ =	shalt  }
0x64: {  	_ =	shalt  }
0x65: {  	_ =	shalt  }
0x66: {  	_ =	shalt  }
0x67: {  	_ =	shalt  }
0x68: {  	_ =	shalt  }
0x69: {  	_ =	shalt  }
0x6a: {  	_ =	shalt  }
0x6b: {  	_ =	shalt  }
0x6c: {  	_ =	shalt  }
0x6d: {  	_ =	shalt  }
0x6e: {  	_ =	shalt  }
0x6f: {  	_ =	shalt  }
0x70: {  	_ =	shalt  }
0x71: {  	_ =	shalt  }
0x72: {  	_ =	shalt  }
0x73: {  	_ =	shalt  }
0x74: {  	_ =	shalt  }
0x75: {  	_ =	shalt  }
0x76: {  	_ =	shalt  }
0x77: {  	_ =	shalt  }
0x78: {  	_ =	shalt  }
0x79: {  	_ =	shalt  }
0x7a: {  	_ =	shalt  }
0x7b: {  	_ =	shalt  }
0x7c: {  	_ =	shalt  }
0x7d: {  	_ =	shalt  }
0x7e: {  	_ =	shalt  }
0x7f: {  	_ =	shalt  }
0x80: {  	_ =	shalt  }
0x81: {  	_ =	shalt  }
0x82: {  	_ =	shalt  }
0x83: {  	_ =	shalt  }
0x84: {  	_ =	shalt  }
0x85: {  	_ =	shalt  }
0x86: {  	_ =	shalt  }
0x87: {  	_ =	shalt  }
.Lfunc_end0:
.L_simem_size_0:
called_computation.8_lowered:
.L_overlay_start_0:
0x88: {  	s2 =	sld [smem:$0x3FD9]  }
0x89: {  	s3 =	sld [smem:$0x3FFE];
	_ =	sdelay $0x1  }
0x8a: {  	s1 =	srdreg.scid  }
0x8b: {  	s0 =	sand.u32 $0x1, s1  }
0x8c: {  	s17 =	sshll.u32 s0, $0xA;
	s2 =	sadd.s32 s3, s2  }
0x8d: {  	s2 =	sadd.s32 s2, s17  }
0x8e: {  	[smem:$0x3FB0] =	sst s2  }
0x8f: {  	_ = 	snop  }
0x90: {  	(tm) =	ssettm $0x1  }
0x91: {  	s18 =	sld [smem:$0x3FFB];
	_ =	sdelay $0x3  }
0x92: {  	_ =	strace s18  }
0x93: {  	s2 =	sld [smem:$0x3FFC];
	_ =	sdelay $0x3  }
0x94: {  	_ =	strace s2  }
0x95: {  	s2 =	sld [smem:$0x3FFD];
	_ =	sdelay $0x3  }
0x96: {  	_ =	strace s2  }
0x97: {  	_ =	strace $0x8FFFFFFF  }
0x98: {  	s19 =	sld [smem:$0x3FDB];
	_ =	sdelay $0x1  }
0x99: {  	s20 =	simm.s32 $_scs_section_size  }
0x9a: {  	s4 =	simm.s32 $_size__tile_overlayer_lowered;
	s5 =	simm.s32 $_tile_overlayer_lowered  }
0x9b: {  	s6 =	simm.s32 $0x1BFF;
	s21 =	sshll.u32 s5, $0x1;
	s3 =	sadd.s32 s20, s19  }
0x9c: {  	s22 =	simm.s32 $0x0;
	s4 =	sshll.u32 s4, $0x1;
	s5 =	sadd.s32 s21, s3  }
0x9d: {  	[timem:s22], [sflag:s6] =	dma.local [hbm:s5], s4  }
0x9e: {  	_ =	swait.ge [sflag:s6], s4  }
0x9f: {  	s4 =	ssub.s32 $0x0, s4;
	[sflag:s6] =	ssyncset.done $0x0  }
0xa0: {  	[sflag:s6] =	ssyncadd.s32 s4;
	_ =	sdelay $0x1  }
0xa1: {  	s23 =	simm.s32 $0x1B8B  }
0xa2: {  	_ =	swait.ge [sflag:s23], $0x1  }
0xa3: {  	[sflag:s23] =	ssyncset.done $0x0  }
0xa4: {  	[sflag:s23] =	ssyncadd.s32 $0xFFFFFFFF  }
0xa5: {  	s4 =	sld [smem:$0x0]  }
0xa6: {  	s5 =	sand.u32 $0xFFFFFFFE, s1  }
0xa7: {  	p0 =	sne.s32 s1, s5  }
0xa8: {  	s5 =	sshll.u32 @p0 s5, $0xE  }
0xa9: {  	s5 =	sadd.s32 @p0 $0x11B8D, s5;
	s6 =	sshll.u32 @p0 s4, $0x11  }
0xaa: {  	s5 =	sor.u32 @p0 s6, s5  }
0xab: {  	[sflag:s5] =	ssyncadd.remote.s32 @p0 $0x1;
	_ =	sdelay $0x1  }
0xac: {  	s5 =	simm.s32 @p0 $0x1B8D  }
0xad: {  	_ =	swait.eq @p0 [sflag:s5], $0x1  }
0xae: {  	[sflag:s5] =	ssyncadd.s32 @p0 $0xFFFFFFFF  }
0xaf: {  	s6 =	sshll.u32 @!p0 s1, $0xE  }
0xb0: {  	s6 =	sor.u32 @!p0 $0x4000, s6;
	s5 =	simm.s32 @!p0 $0x1B8D  }
0xb1: {  	s4 =	sshll.u32 @!p0 s4, $0x11;
	s6 =	sadd.s32 @!p0 $0x11B8D, s6;
	_ =	swait.eq @!p0 [sflag:s5], $0x1  }
0xb2: {  	s4 =	sor.u32 @!p0 s4, s6;
	[sflag:s5] =	ssyncadd.s32 @!p0 $0xFFFFFFFF  }
0xb3: {  	s25 =	simm.s32 $0x1B8E;
	s24 =	sld [smem:$0x3FFE];
	[sflag:s4] =	ssyncadd.remote.s32 @!p0 $0x1  }
0xb4: {  	s26 =	simm.s32 $execute0_lowered;
	[smem:$0x3FD2] =	sst s25  }
0xb5: {  	s5 =	sshll.u32 s26, $0x1;
	_ =	strace $0x80000064;
	[dreg:$0x1] =	wrdreg $0xFFFFFFFF  }
0xb6: {  	s28 =	simm.s32 $_size_execute0_lowered;
	s3 =	sadd.s32 s3, s5;
	[dreg:$0x0] =	wrdreg $0x0  }
0xb7: {  	s5 =	sshll.u32 s28, $0x1;
	[dreg:$0x2] =	wrdreg s3  }
0xb8: {  	[dreg:$0x3] =	wrdreg s5  }
0xb9: {  	[dreg:$0x4] =	wrdreg $0xC0  }
0xba: {  	_ =	task [dreg:s22], $0x5FFFF  }
0xbb: {  	[dreg:$0x1] =	wrdreg $0xFFFFFFFF  }
0xbc: {  	[dreg:$0x0] =	wrdreg $0x60  }
0xbd: {  	[dreg:$0x2] =	wrdreg s24  }
0xbe: {  	[dreg:$0x3] =	wrdreg $0x21000  }
0xbf: {  	[dreg:$0x4] =	wrdreg $0xB  }
0xc0: {  	_ =	task.clear_ibuf [dreg:s22], $0x5FFFF;
	_ =	strace $0x90000064  }
0xc1: {  	s29 =	simm.s32 $0xB;
	_ =	strace $0x80000066  }
0xc2: {  	_ =	swait.ge [sflag:s29], $0x1  }
0xc3: {  	[sflag:s29] =	ssyncadd.s32 $0xFFFFFFFF  }
0xc4: {  	_ =	strace $0x90000066  }
0xc5: {  	_ =	sfence  }
0xc6: {  	s30 =	sld [smem:$0x0];
	_ =	sdelay $0x2  }
0xc7: {  	s31 =	sshll.u32 s1, $0xD;
	s1 =	sshrl.u32 s1, $0x2  }
0xc8: {  	s4 =	sand.u32 $0x4000, s31;
	s1 =	sadd.s32 s1, s30  }
0xc9: {  	s0 =	sor.u32 s4, s0;
	s1 =	sshll.u32 s1, $0x11  }
0xca: {  	s0 =	sor.u32 s1, s0  }
0xcb: {  	s0 =	sadd.s32 $0x8F2B, s0  }
0xcc: {  	[sflag:s0] =	ssyncadd.remote.s32 $0x1  }
0xcd: {  	_ =	sfence.sel $0xFFFF  }
0xce: {  	[dreg:$0x0] =	wrdreg $0xFFFFFFFF;
	(pc) =	sbr.abs _section_cstart, $3  }
0xcf: {  	[dreg:$0x1] =	wrdreg $0xFFFFFFFF  }
0xd0: {  	_ =	task.clear_ibuf [dreg:s22], $0x2FFFF;
	_ =	strace $0x9FFFFFFF  }
0xd1: {  	(tm) =	ssettm $0x7FFFFFFF  }
tec
execute0_lowered:
.L_overlay_start_1:
0x0: {  	(tag) =	ssettag $0x1  }
0x1: {  	s24 =	rddreg [dreg:$0x0]  }
0x2: {  	s2 =	rddreg [dreg:$0x1]  }
0x3: {  	s0 =	rddreg [dreg:$0x2];
	s1 =	stileid.u32  }
0x4: {  	s3 =	simm.s32 $0x0;
	s4 =	srdreg.scid;
	s23 =	smul.u32 $0x2800, s1  }
0x5: {  	[smem:$0x7FF] =	sst s3;
	s28 =	smul.u32 $0x50000, s1  }
0x6: {  	s25 =	sand.u32 $0x1, s4;
	s29 =	sshll.u32 s1, $0x6;
	_ =	strace $0x80000065  }
0x7: {  	s5 =	sshll.u32 s25, $0x4;
	s6 =	sadd.s32 s23, s24;
	s4 =	sshrl.u32 s28, $0x2  }
0x8: {  	s8 =	sor.u32 s1, s5;
	s5 =	sor.u32 $0x1C02, s29;
	s7 =	sadd.s32 s4, s2  }
0x9: {  	s4 =	sadd.s32 $0x21400, s6;
	s6 =	simm.s32 $0x2;
	s7 =	sshrl.u32 s7, $0x3  }
0xa: {  	[spmem:s7], [sflag:s5] =	dma.local [hbm:s4], $0x2800  }
0xb: {  	s8 =	smul.u32 $0x140, s8;
	_ =	swait.ge [sflag:s6], $0x2800  }
0xc: {  	[sflag:s6] =	ssyncset.done $0x0  }
0xd: {  	s21 =	sadd.s32 $0xFD000, s24;
	s26 =	sshrl.u32 s8, $0x3;
	[sflag:s6] =	ssyncadd.s32 $0xFFFFD800  }
0xe: {  	s8 =	sadd.s32 s21, s26;
	[bflag:$0x0] =	sbarrier.arrive $0xFFFF  }
0xf: {  	[tilespmem:s3], [sflag:$0x2] =	stream.linear.gather [hbm4b:s8+s3], $0x40, $0x38;
	[tilespmem:$0x16100] =	vst v63  }
0x10: {  	_ =	swait.ge [sflag:s6], $0x40  }
0x11: {  	s22 =	sadd.s32 $0xFD600, s24;
	[sflag:s6] =	ssyncset.done $0x0  }
0x12: {  	s10 =	simm.s32 $0x80;
	s9 =	sadd.s32 s22, s26;
	[sflag:s6] =	ssyncadd.s32 $0xFFFFFFC0  }
0x13: {  	[tilespmem:s10], [sflag:$0x2] =	stream.linear.gather [hbm4b:s9+s3], $0x40, $0x38;
	[tilespmem:$0x16100] =	vst v63  }
0x14: {  	_ =	swait.ge [sflag:s6], $0x40  }
0x15: {  	s12 =	simm.s32 $0x40;
	s13 =	simm.s32 $0x100;
	[sflag:s6] =	ssyncset.done $0x0  }
0x16: {  	s14 =	simm.s32 $0x1;
	s11 =	sadd.s32 $0xFDC00, s24;
	[sflag:s6] =	ssyncadd.s32 $0xFFFFFFC0  }
0x17: {  	[tilespmem:s13], [sflag:$0x1] =	stream.indirect.gather [hbm4b:s11+s12], $0x80, s3, s12, $0xb8;
	[tilespmem:$0x16100] =	vst v63  }
0x18: {  	_ =	swait.ge [sflag:s14], $0x2000  }
0x19: {  	[sflag:s14] =	ssyncset.done $0x0  }
0x1a: {  	[sflag:s14] =	ssyncadd.s32 $0xFFFFE000  }
0x1b: {  	[spmem:s2] =	stream.indirect.scatter.add.f32 [tilespmem:s13], [sflag:$0x2], $0x80, s10, s12, $0xb8;
	[tilespmem:$0x16100] =	vst v63  }
0x1c: {  	_ =	swait.ge [sflag:s6], $0x2000  }
0x1d: {  	s16 =	sadd.s32 $0x8, s26;
	[sflag:s6] =	ssyncset.done $0x0  }
0x1e: {  	s15 =	sadd.s32 s21, s16;
	[sflag:s6] =	ssyncadd.s32 $0xFFFFE000  }
0x1f: {  	[tilespmem:s3], [sflag:$0x2] =	stream.linear.gather [hbm4b:s15+s3], $0x40, $0x38;
	[tilespmem:$0x16100] =	vst v63  }
0x20: {  	_ =	swait.ge [sflag:s6], $0x40  }
0x21: {  	[sflag:s6] =	ssyncset.done $0x0  }
0x22: {  	s16 =	sadd.s32 s22, s16;
	[sflag:s6] =	ssyncadd.s32 $0xFFFFFFC0  }
0x23: {  	[tilespmem:s10], [sflag:$0x2] =	stream.linear.gather [hbm4b:s16+s3], $0x40, $0x38;
	[tilespmem:$0x16100] =	vst v63  }
0x24: {  	_ =	swait.ge [sflag:s6], $0x40  }
0x25: {  	[sflag:s6] =	ssyncset.done $0x0  }
0x26: {  	[sflag:s6] =	ssyncadd.s32 $0xFFFFFFC0  }
0x27: {  	[tilespmem:s13], [sflag:$0x1] =	stream.indirect.gather [hbm4b:s11+s12], $0x80, s3, s12, $0xb8;
	[tilespmem:$0x16100] =	vst v63  }
0x28: {  	_ =	swait.ge [sflag:s14], $0x2000  }
0x29: {  	[sflag:s14] =	ssyncset.done $0x0  }
0x2a: {  	[sflag:s14] =	ssyncadd.s32 $0xFFFFE000  }
0x2b: {  	[spmem:s2] =	stream.indirect.scatter.add.f32 [tilespmem:s13], [sflag:$0x2], $0x80, s10, s12, $0xb8;
	[tilespmem:$0x16100] =	vst v63  }
0x2c: {  	_ =	swait.ge [sflag:s6], $0x2000  }
0x2d: {  	s18 =	sadd.s32 $0x10, s26;
	[sflag:s6] =	ssyncset.done $0x0  }
0x2e: {  	s17 =	sadd.s32 s21, s18;
	[sflag:s6] =	ssyncadd.s32 $0xFFFFE000  }
0x2f: {  	[tilespmem:s3], [sflag:$0x2] =	stream.linear.gather [hbm4b:s17+s3], $0x40, $0x38;
	[tilespmem:$0x16100] =	vst v63  }
0x30: {  	_ =	swait.ge [sflag:s6], $0x40  }
0x31: {  	[sflag:s6] =	ssyncset.done $0x0  }
0x32: {  	s18 =	sadd.s32 s22, s18;
	[sflag:s6] =	ssyncadd.s32 $0xFFFFFFC0  }
0x33: {  	[tilespmem:s10], [sflag:$0x2] =	stream.linear.gather [hbm4b:s18+s3], $0x40, $0x38;
	[tilespmem:$0x16100] =	vst v63  }
0x34: {  	_ =	swait.ge [sflag:s6], $0x40  }
0x35: {  	[sflag:s6] =	ssyncset.done $0x0  }
0x36: {  	[sflag:s6] =	ssyncadd.s32 $0xFFFFFFC0  }
0x37: {  	[tilespmem:s13], [sflag:$0x1] =	stream.indirect.gather [hbm4b:s11+s12], $0x80, s3, s12, $0xb8;
	[tilespmem:$0x16100] =	vst v63  }
0x38: {  	_ =	swait.ge [sflag:s14], $0x2000  }
0x39: {  	[sflag:s14] =	ssyncset.done $0x0  }
0x3a: {  	[sflag:s14] =	ssyncadd.s32 $0xFFFFE000  }
0x3b: {  	[spmem:s2] =	stream.indirect.scatter.add.f32 [tilespmem:s13], [sflag:$0x2], $0x80, s10, s12, $0xb8;
	[tilespmem:$0x16100] =	vst v63  }
0x3c: {  	_ =	swait.ge [sflag:s6], $0x2000  }
0x3d: {  	s20 =	sadd.s32 $0x18, s26;
	[sflag:s6] =	ssyncset.done $0x0  }
0x3e: {  	s19 =	sadd.s32 s21, s20;
	[sflag:s6] =	ssyncadd.s32 $0xFFFFE000  }
0x3f: {  	[tilespmem:s3], [sflag:$0x2] =	stream.linear.gather [hbm4b:s19+s3], $0x40, $0x38;
	[tilespmem:$0x16100] =	vst v63  }
0x40: {  	_ =	swait.ge [sflag:s6], $0x40  }
0x41: {  	[sflag:s6] =	ssyncset.done $0x0  }
0x42: {  	s20 =	sadd.s32 s22, s20;
	[sflag:s6] =	ssyncadd.s32 $0xFFFFFFC0  }
0x43: {  	[tilespmem:s10], [sflag:$0x2] =	stream.linear.gather [hbm4b:s20+s3], $0x40, $0x38;
	[tilespmem:$0x16100] =	vst v63  }
0x44: {  	_ =	swait.ge [sflag:s6], $0x40  }
0x45: {  	[sflag:s6] =	ssyncset.done $0x0  }
0x46: {  	[sflag:s6] =	ssyncadd.s32 $0xFFFFFFC0  }
0x47: {  	[tilespmem:s13], [sflag:$0x1] =	stream.indirect.gather [hbm4b:s11+s12], $0x80, s3, s12, $0xb8;
	[tilespmem:$0x16100] =	vst v63  }
0x48: {  	_ =	swait.ge [sflag:s14], $0x2000  }
0x49: {  	[sflag:s14] =	ssyncset.done $0x0  }
0x4a: {  	[sflag:s14] =	ssyncadd.s32 $0xFFFFE000  }
0x4b: {  	[spmem:s2] =	stream.indirect.scatter.add.f32 [tilespmem:s13], [sflag:$0x2], $0x80, s10, s12, $0xb8;
	[tilespmem:$0x16100] =	vst v63  }
0x4c: {  	_ =	swait.ge [sflag:s6], $0x2000  }
0x4d: {  	s26 =	sadd.s32 $0x20, s26;
	[sflag:s6] =	ssyncset.done $0x0  }
0x4e: {  	s21 =	sadd.s32 s21, s26;
	[sflag:s6] =	ssyncadd.s32 $0xFFFFE000  }
0x4f: {  	[tilespmem:s3], [sflag:$0x2] =	stream.linear.gather [hbm4b:s21+s3], $0x40, $0x38;
	[tilespmem:$0x16100] =	vst v63  }
0x50: {  	_ =	swait.ge [sflag:s6], $0x40  }
0x51: {  	[sflag:s6] =	ssyncset.done $0x0  }
0x52: {  	s22 =	sadd.s32 s22, s26;
	[sflag:s6] =	ssyncadd.s32 $0xFFFFFFC0  }
0x53: {  	[tilespmem:s10], [sflag:$0x2] =	stream.linear.gather [hbm4b:s22+s3], $0x40, $0x38;
	[tilespmem:$0x16100] =	vst v63  }
0x54: {  	_ =	swait.ge [sflag:s6], $0x40  }
0x55: {  	[sflag:s6] =	ssyncset.done $0x0  }
0x56: {  	[sflag:s6] =	ssyncadd.s32 $0xFFFFFFC0  }
0x57: {  	[tilespmem:s13], [sflag:$0x1] =	stream.indirect.gather [hbm4b:s11+s12], $0x80, s3, s12, $0xb8;
	[tilespmem:$0x16100] =	vst v63  }
0x58: {  	s30 =	smul.u32 $0x28000, s25;
	s25 =	ssub.s32 $0x2, s25;
	_ =	swait.ge [sflag:s14], $0x2000  }
0x59: {  	s31 =	sshrl.u32 s25, $0x1;
	[sflag:s14] =	ssyncset.done $0x0  }
0x5a: {  	s25 =	ssub.s32 s25, s31;
	[sflag:s14] =	ssyncadd.s32 $0xFFFFE000  }
0x5b: {  	[spmem:s2] =	stream.indirect.scatter.add.f32 [tilespmem:s13], [sflag:$0x2], $0x80, s10, s12, $0xb8;
	[tilespmem:$0x16100] =	vst v63  }
0x5c: {  	s25 =	smax.u32 s25, $0x1;
	_ =	swait.ge [sflag:s6], $0x2000  }
0x5d: {  	s24 =	sadd.s32 s30, s24;
	p0 =	sne.s32 s25, $0x1;
	[sflag:s6] =	ssyncset.done $0x0  }
.Ltmp0:
0x5e: {  	s24 =	sadd.s32 $0x1EC000, s24;
	[sflag:s6] =	ssyncadd.s32 $0xFFFFE000;
	(pc) =	sbr.rel @!p0 .LBB2_2-.Ltmp0, $4  }
0x5f: {  	s23 =	sadd.s32 s23, s24;
	[bflag:$0x0] =	sbarrier.arrive $0xFFFF  }
0x60: {  	[hbm:s23], [sflag:s5] =	dma.local [spmem:s7], $0x2800  }
0x61: {  	_ =	swait.ge [sflag:s6], $0x2800  }
0x62: {  	s24 =	sadd.s32 $0xFFFFFFFF, s25;
	[sflag:s6] =	ssyncset.done $0x0  }
.LBB2_1:
0x63: {  	p0 =	sne.s32 s24, $0x1;
	s24 =	sadd.s32 $0xFFFFFFFF, s24;
	[sflag:s6] =	ssyncadd.s32 $0xFFFFD800  }
0x64: {  	[spmem:s7], [sflag:s5] =	dma.local [hbm:s4], $0x2800  }
0x65: {  	_ =	swait.ge [sflag:s6], $0x2800  }
0x66: {  	[sflag:s6] =	ssyncset.done $0x0  }
0x67: {  	[sflag:s6] =	ssyncadd.s32 $0xFFFFD800  }
0x68: {  	[bflag:$0x0] =	sbarrier.arrive $0xFFFF  }
0x69: {  	[tilespmem:s3], [sflag:$0x2] =	stream.linear.gather [hbm4b:s8+s3], $0x40, $0x38;
	[tilespmem:$0x16100] =	vst v63  }
0x6a: {  	_ =	swait.ge [sflag:s6], $0x40  }
0x6b: {  	[sflag:s6] =	ssyncset.done $0x0  }
0x6c: {  	[sflag:s6] =	ssyncadd.s32 $0xFFFFFFC0  }
0x6d: {  	[tilespmem:s10], [sflag:$0x2] =	stream.linear.gather [hbm4b:s9+s3], $0x40, $0x38;
	[tilespmem:$0x16100] =	vst v63  }
0x6e: {  	_ =	swait.ge [sflag:s6], $0x40  }
0x6f: {  	[sflag:s6] =	ssyncset.done $0x0  }
0x70: {  	[sflag:s6] =	ssyncadd.s32 $0xFFFFFFC0  }
0x71: {  	[tilespmem:s13], [sflag:$0x1] =	stream.indirect.gather [hbm4b:s11+s12], $0x80, s3, s12, $0xb8;
	[tilespmem:$0x16100] =	vst v63  }
0x72: {  	_ =	swait.ge [sflag:s14], $0x2000  }
0x73: {  	[sflag:s14] =	ssyncset.done $0x0  }
0x74: {  	[sflag:s14] =	ssyncadd.s32 $0xFFFFE000  }
0x75: {  	[spmem:s2] =	stream.indirect.scatter.add.f32 [tilespmem:s13], [sflag:$0x2], $0x80, s10, s12, $0xb8;
	[tilespmem:$0x16100] =	vst v63  }
0x76: {  	_ =	swait.ge [sflag:s6], $0x2000  }
0x77: {  	[sflag:s6] =	ssyncset.done $0x0  }
0x78: {  	[sflag:s6] =	ssyncadd.s32 $0xFFFFE000  }
0x79: {  	[tilespmem:s3], [sflag:$0x2] =	stream.linear.gather [hbm4b:s15+s3], $0x40, $0x38;
	[tilespmem:$0x16100] =	vst v63  }
0x7a: {  	_ =	swait.ge [sflag:s6], $0x40  }
0x7b: {  	[sflag:s6] =	ssyncset.done $0x0  }
0x7c: {  	[sflag:s6] =	ssyncadd.s32 $0xFFFFFFC0  }
0x7d: {  	[tilespmem:s10], [sflag:$0x2] =	stream.linear.gather [hbm4b:s16+s3], $0x40, $0x38;
	[tilespmem:$0x16100] =	vst v63  }
0x7e: {  	_ =	swait.ge [sflag:s6], $0x40  }
0x7f: {  	[sflag:s6] =	ssyncset.done $0x0  }
0x80: {  	[sflag:s6] =	ssyncadd.s32 $0xFFFFFFC0  }
0x81: {  	[tilespmem:s13], [sflag:$0x1] =	stream.indirect.gather [hbm4b:s11+s12], $0x80, s3, s12, $0xb8;
	[tilespmem:$0x16100] =	vst v63  }
0x82: {  	_ =	swait.ge [sflag:s14], $0x2000  }
0x83: {  	[sflag:s14] =	ssyncset.done $0x0  }
0x84: {  	[sflag:s14] =	ssyncadd.s32 $0xFFFFE000  }
0x85: {  	[spmem:s2] =	stream.indirect.scatter.add.f32 [tilespmem:s13], [sflag:$0x2], $0x80, s10, s12, $0xb8;
	[tilespmem:$0x16100] =	vst v63  }
0x86: {  	_ =	swait.ge [sflag:s6], $0x2000  }
0x87: {  	[sflag:s6] =	ssyncset.done $0x0  }
0x88: {  	[sflag:s6] =	ssyncadd.s32 $0xFFFFE000  }
0x89: {  	[tilespmem:s3], [sflag:$0x2] =	stream.linear.gather [hbm4b:s17+s3], $0x40, $0x38;
	[tilespmem:$0x16100] =	vst v63  }
0x8a: {  	_ =	swait.ge [sflag:s6], $0x40  }
0x8b: {  	[sflag:s6] =	ssyncset.done $0x0  }
0x8c: {  	[sflag:s6] =	ssyncadd.s32 $0xFFFFFFC0  }
0x8d: {  	[tilespmem:s10], [sflag:$0x2] =	stream.linear.gather [hbm4b:s18+s3], $0x40, $0x38;
	[tilespmem:$0x16100] =	vst v63  }
0x8e: {  	_ =	swait.ge [sflag:s6], $0x40  }
0x8f: {  	[sflag:s6] =	ssyncset.done $0x0  }
0x90: {  	[sflag:s6] =	ssyncadd.s32 $0xFFFFFFC0  }
0x91: {  	[tilespmem:s13], [sflag:$0x1] =	stream.indirect.gather [hbm4b:s11+s12], $0x80, s3, s12, $0xb8;
	[tilespmem:$0x16100] =	vst v63  }
0x92: {  	_ =	swait.ge [sflag:s14], $0x2000  }
0x93: {  	[sflag:s14] =	ssyncset.done $0x0  }
0x94: {  	[sflag:s14] =	ssyncadd.s32 $0xFFFFE000  }
0x95: {  	[spmem:s2] =	stream.indirect.scatter.add.f32 [tilespmem:s13], [sflag:$0x2], $0x80, s10, s12, $0xb8;
	[tilespmem:$0x16100] =	vst v63  }
0x96: {  	_ =	swait.ge [sflag:s6], $0x2000  }
0x97: {  	[sflag:s6] =	ssyncset.done $0x0  }
0x98: {  	[sflag:s6] =	ssyncadd.s32 $0xFFFFE000  }
0x99: {  	[tilespmem:s3], [sflag:$0x2] =	stream.linear.gather [hbm4b:s19+s3], $0x40, $0x38;
	[tilespmem:$0x16100] =	vst v63  }
0x9a: {  	_ =	swait.ge [sflag:s6], $0x40  }
0x9b: {  	[sflag:s6] =	ssyncset.done $0x0  }
0x9c: {  	[sflag:s6] =	ssyncadd.s32 $0xFFFFFFC0  }
0x9d: {  	[tilespmem:s10], [sflag:$0x2] =	stream.linear.gather [hbm4b:s20+s3], $0x40, $0x38;
	[tilespmem:$0x16100] =	vst v63  }
0x9e: {  	_ =	swait.ge [sflag:s6], $0x40  }
0x9f: {  	[sflag:s6] =	ssyncset.done $0x0  }
0xa0: {  	[sflag:s6] =	ssyncadd.s32 $0xFFFFFFC0  }
0xa1: {  	[tilespmem:s13], [sflag:$0x1] =	stream.indirect.gather [hbm4b:s11+s12], $0x80, s3, s12, $0xb8;
	[tilespmem:$0x16100] =	vst v63  }
0xa2: {  	_ =	swait.ge [sflag:s14], $0x2000  }
0xa3: {  	[sflag:s14] =	ssyncset.done $0x0  }
0xa4: {  	[sflag:s14] =	ssyncadd.s32 $0xFFFFE000  }
0xa5: {  	[spmem:s2] =	stream.indirect.scatter.add.f32 [tilespmem:s13], [sflag:$0x2], $0x80, s10, s12, $0xb8;
	[tilespmem:$0x16100] =	vst v63  }
0xa6: {  	_ =	swait.ge [sflag:s6], $0x2000  }
0xa7: {  	[sflag:s6] =	ssyncset.done $0x0  }
0xa8: {  	[sflag:s6] =	ssyncadd.s32 $0xFFFFE000  }
0xa9: {  	[tilespmem:s3], [sflag:$0x2] =	stream.linear.gather [hbm4b:s21+s3], $0x40, $0x38;
	[tilespmem:$0x16100] =	vst v63  }
0xaa: {  	_ =	swait.ge [sflag:s6], $0x40  }
0xab: {  	[sflag:s6] =	ssyncset.done $0x0  }
0xac: {  	[sflag:s6] =	ssyncadd.s32 $0xFFFFFFC0  }
0xad: {  	[tilespmem:s10], [sflag:$0x2] =	stream.linear.gather [hbm4b:s22+s3], $0x40, $0x38;
	[tilespmem:$0x16100] =	vst v63  }
0xae: {  	_ =	swait.ge [sflag:s6], $0x40  }
0xaf: {  	[sflag:s6] =	ssyncset.done $0x0  }
0xb0: {  	[sflag:s6] =	ssyncadd.s32 $0xFFFFFFC0  }
0xb1: {  	[tilespmem:s13], [sflag:$0x1] =	stream.indirect.gather [hbm4b:s11+s12], $0x80, s3, s12, $0xb8;
	[tilespmem:$0x16100] =	vst v63  }
0xb2: {  	_ =	swait.ge [sflag:s14], $0x2000  }
0xb3: {  	[sflag:s14] =	ssyncset.done $0x0  }
0xb4: {  	[sflag:s14] =	ssyncadd.s32 $0xFFFFE000  }
0xb5: {  	[spmem:s2] =	stream.indirect.scatter.add.f32 [tilespmem:s13], [sflag:$0x2], $0x80, s10, s12, $0xb8;
	[tilespmem:$0x16100] =	vst v63  }
0xb6: {  	_ =	swait.ge [sflag:s6], $0x2000  }
0xb7: {  	[sflag:s6] =	ssyncset.done $0x0  }
.Ltmp1:
0xb8: {  	[sflag:s6] =	ssyncadd.s32 $0xFFFFE000;
	(pc) =	sbr.rel @p0 .LBB2_1-.Ltmp1, $4  }
0xb9: {  	[bflag:$0x0] =	sbarrier.arrive $0xFFFF  }
0xba: {  	[hbm:s23], [sflag:s5] =	dma.local [spmem:s7], $0x2800  }
0xbb: {  	_ =	swait.ge [sflag:s6], $0x2800  }
0xbc: {  	[sflag:s6] =	ssyncset.done $0x0  }
.LBB2_2:
0xbd: {  	[sflag:s6] =	ssyncadd.s32 $0xFFFFD800  }
0xbe: {  	_ =	sfence.sel $0x180000  }
0xbf: {  	[bflag:$0x0] =	sbarrier.arrive $0xFFFF  }
0xc0: {  	p0 =	sne.s32 s1, $0x0;
	_ =	strace $0x90000065  }
0xc1: {  	s0 =	sadd.s32 @!p0 $0x100000, s0;
	[bflag:$0x2] =	sbarrier.arrive $0xFFFF  }
0xc2: {  	[sflag:s0] =	ssyncadd.tile.s32 @!p0 $0x1;
	_ =	shalt  }
.Lfunc_end2:
_tile_overlayer_lowered:
.L_overlay_start_2:
0xc3: {  	(tag) =	ssettag $0x2  }
0xc4: {  	s0 =	rddreg [dreg:$0x0];
	s2 =	stileid.u32  }
0xc5: {  	s1 =	rddreg [dreg:$0x1];
	p0 =	sne.s32 s2, $0x0  }
0xc6: {  	s3 =	rddreg [dreg:$0x2];
	[bflag:$0x3] =	sbarrier.arrive $0xFFFF;
	s2 =	simm.s32 @!p0 $0x1C02  }
0xc7: {  	[timem:s3], [sflag:s2] =	dma.local @!p0 [hbm:s0], s1  }
0xc8: {  	s0 =	simm.s32 @!p0 $0x2  }
0xc9: {  	_ =	swait.ge @!p0 [sflag:s0], s1  }
0xca: {  	s1 =	ssub.s32 @!p0 $0x0, s1;
	[sflag:s0] =	ssyncset.done @!p0 $0x0  }
0xcb: {  	[sflag:s0] =	ssyncadd.s32 @!p0 s1  }
0xcc: {  	[bflag:$0x3] =	sbarrier.arrive $0xFFFF  }
0xcd: {  	_ =	shalt  }

// kernel: kernel.53.cloned.1.call-start
scs
__scs_entry_jumppad:
0x0: {  	(pc) =	sbr.rel $0x88, $3  }
0x1: {  	(tag) =	ssettag $0x0;
	lr =	simm.s32 $0x1  }
0x2: {  	[smem:$0x3F89] =	sst lr;
	_ =	strace $0xD0000000  }
0x3: {  	_ = 	snop  }
0x4: {  	_ = 	snop  }
0x5: {  	_ = 	snop  }
0x6: {  	_ = 	snop  }
0x7: {  	_ = 	snop  }
__scs_overlays_trampoline_lowered:
0x8: {  	[smem:$0x3F98] =	sst s0  }
0x9: {  	[smem:$0x3F99] =	sst s1  }
0xa: {  	[smem:$0x3F9A] =	sst s2  }
0xb: {  	[smem:$0x3F9B] =	sst s3  }
0xc: {  	[smem:$0x3F9C] =	sst s4  }
0xd: {  	[smem:$0x3F9D] =	sst s5  }
0xe: {  	[smem:$0x3F9E] =	sst s6  }
0xf: {  	[smem:$0x3F9F] =	sst s7  }
0x10: {  	[smem:$0x3FA0] =	sst s8  }
0x11: {  	[smem:$0x3FA1] =	sst s9;
	s0 =	simm.s32 @!p0 $0x0  }
0x12: {  	s1 =	sld [smem:$0x3F87];
	s0 =	simm.s32 @p0 $0x1  }
0x13: {  	[smem:$0x3FA2] =	sst s0;
	s0 =	simm.s32 @!p1 $0x0  }
0x14: {  	s2 =	sld [smem:$0x3F86];
	s0 =	simm.s32 @p1 $0x1  }
0x15: {  	[smem:$0x3FA3] =	sst s0;
	s0 =	simm.s32 @!p2 $0x0  }
0x16: {  	s3 =	sld [smem:$0x3FDB];
	s0 =	simm.s32 @p2 $0x1  }
0x17: {  	s4 =	simm.s32 $0x1BF5;
	[smem:$0x3FA5] =	sst s0  }
0x18: {  	s0 =	sld [smem:$0x3F88];
	_ =	swait.ge [sflag:s4], $0x0  }
0x19: {  	s7 =	sld [smem:$0x3F89]  }
0x1a: {  	s8 =	sadd.s32 $0xFFFFE003, lr  }
0x1b: {  	s9 =	sadd.s32 $0xFFFFFEF7, lr;
	s5 =	simm.s32 $0xFFFFFFFF;
	p2 =	slt.u32 s8, $0xFFFFF086  }
0x1c: {  	p1 =	slt.u32 s9, $0xF7A;
	s5 =	simm.s32 @!p2 $0x0  }
0x1d: {  	s5 =	simm.s32 @p1 $0x1;
	p0 =	seq.s32 s7, s2  }
0x1e: {  	s7 =	smul.u32 @!p0 $0xF7A, s2;
	p2 =	seq.s32 @!p0 s5, $0x0  }
0x1f: {  	s9 =	smul.u32 $0xF7A, s1;
	s8 =	simm.s32 @!p0 $0x1BF5;
	p2 =	por !p2, p0  }
0x20: {  	[sflag:s8] =	ssyncset.s32 @!p0 $0xFFFFF086;
	s6 =	sadd.s32 @!p0 s3, s7;
	s7 =	simm.s32 @!p0 $0x108  }
0x21: {  	s3 =	sadd.s32 s3, s9;
	s6 =	sadd.s32 @!p0 $0x88, s6;
	s7 =	simm.s32 @p2 $0x1082  }
0x22: {  	[simem:s7], [sflag:s8] =	dma.local @!p0 [hbm:s6], $0xF7A  }
0x23: {  	s9 =	sor.u32 $0xD0000000, s2;
	s6 =	simm.s32 $0x108;
	_ =	swait.ge @!p0 [sflag:s8], $0x0  }
0x24: {  	s3 =	sadd.s32 $0x88, s3;
	s6 =	simm.s32 @!p1 $0x1082;
	[sflag:s4] =	ssyncset.s32 $0xFFFFF086  }
0x25: {  	[simem:s6], [sflag:s4] =	dma.local [hbm:s3], $0xF7A  }
0x26: {  	[smem:$0x3F89] =	sst s1;
	(tag) =	ssettag s2;
	_ =	strace s9  }
0x27: {  	s1 =	sld [smem:$0x3F99]  }
0x28: {  	s2 =	sld [smem:$0x3F9A]  }
0x29: {  	s4 =	sld [smem:$0x3F9C]  }
0x2a: {  	p0 =	seq.s32 s5, $0x0;
	s5 =	sld [smem:$0x3F9D]  }
0x2b: {  	s6 =	sld [smem:$0x3F9E]  }
0x2c: {  	s7 =	sld [smem:$0x3F9F]  }
0x2d: {  	s3 =	simm.s32 $0x108;
	s8 =	sld [smem:$0x3FA0]  }
0x2e: {  	s3 =	simm.s32 @!p0 $0x1082;
	s9 =	sld [smem:$0x3FA1]  }
0x2f: {  	lr =	sadd.s32 s0, s3;
	s0 =	sld [smem:$0x3F98]  }
0x30: {  	s3 =	sld [smem:$0x3F9B]  }
0x31: {  	[smem:$0x3FA4] =	sst s10  }
0x32: {  	s10 =	sld [smem:$0x3FA2];
	_ =	sdelay $0x3  }
0x33: {  	p0 =	seq.s32 s10, $0x1;
	s10 =	sld [smem:$0x3FA4];
	_ =	sdelay $0x3  }
0x34: {  	[smem:$0x3FA4] =	sst s10  }
0x35: {  	s10 =	sld [smem:$0x3FA3];
	_ =	sdelay $0x3  }
0x36: {  	p1 =	seq.s32 s10, $0x1;
	s10 =	sld [smem:$0x3FA4];
	_ =	sdelay $0x3  }
0x37: {  	[smem:$0x3FA4] =	sst s10  }
0x38: {  	s10 =	sld [smem:$0x3FA5]  }
0x39: {  	_ = 	snop;
	(pc) =	sbr.ind lr, $3  }
0x3a: {  	_ = 	snop  }
0x3b: {  	_ = 	snop  }
0x3c: {  	p2 =	seq.s32 s10, $0x1;
	s10 =	sld [smem:$0x3FA4]  }
0x3d: {  	_ =	shalt  }
0x3e: {  	_ =	shalt  }
0x3f: {  	_ =	shalt  }
0x40: {  	_ =	shalt  }
0x41: {  	_ =	shalt  }
0x42: {  	_ =	shalt  }
0x43: {  	_ =	shalt  }
0x44: {  	_ =	shalt  }
0x45: {  	_ =	shalt  }
0x46: {  	_ =	shalt  }
0x47: {  	_ =	shalt  }
0x48: {  	_ =	shalt  }
0x49: {  	_ =	shalt  }
0x4a: {  	_ =	shalt  }
0x4b: {  	_ =	shalt  }
0x4c: {  	_ =	shalt  }
0x4d: {  	_ =	shalt  }
0x4e: {  	_ =	shalt  }
0x4f: {  	_ =	shalt  }
0x50: {  	_ =	shalt  }
0x51: {  	_ =	shalt  }
0x52: {  	_ =	shalt  }
0x53: {  	_ =	shalt  }
0x54: {  	_ =	shalt  }
0x55: {  	_ =	shalt  }
0x56: {  	_ =	shalt  }
0x57: {  	_ =	shalt  }
0x58: {  	_ =	shalt  }
0x59: {  	_ =	shalt  }
0x5a: {  	_ =	shalt  }
0x5b: {  	_ =	shalt  }
0x5c: {  	_ =	shalt  }
0x5d: {  	_ =	shalt  }
0x5e: {  	_ =	shalt  }
0x5f: {  	_ =	shalt  }
0x60: {  	_ =	shalt  }
0x61: {  	_ =	shalt  }
0x62: {  	_ =	shalt  }
0x63: {  	_ =	shalt  }
0x64: {  	_ =	shalt  }
0x65: {  	_ =	shalt  }
0x66: {  	_ =	shalt  }
0x67: {  	_ =	shalt  }
0x68: {  	_ =	shalt  }
0x69: {  	_ =	shalt  }
0x6a: {  	_ =	shalt  }
0x6b: {  	_ =	shalt  }
0x6c: {  	_ =	shalt  }
0x6d: {  	_ =	shalt  }
0x6e: {  	_ =	shalt  }
0x6f: {  	_ =	shalt  }
0x70: {  	_ =	shalt  }
0x71: {  	_ =	shalt  }
0x72: {  	_ =	shalt  }
0x73: {  	_ =	shalt  }
0x74: {  	_ =	shalt  }
0x75: {  	_ =	shalt  }
0x76: {  	_ =	shalt  }
0x77: {  	_ =	shalt  }
0x78: {  	_ =	shalt  }
0x79: {  	_ =	shalt  }
0x7a: {  	_ =	shalt  }
0x7b: {  	_ =	shalt  }
0x7c: {  	_ =	shalt  }
0x7d: {  	_ =	shalt  }
0x7e: {  	_ =	shalt  }
0x7f: {  	_ =	shalt  }
0x80: {  	_ =	shalt  }
0x81: {  	_ =	shalt  }
0x82: {  	_ =	shalt  }
0x83: {  	_ =	shalt  }
0x84: {  	_ =	shalt  }
0x85: {  	_ =	shalt  }
0x86: {  	_ =	shalt  }
0x87: {  	_ =	shalt  }
.Lfunc_end0:
.L_simem_size_0:
called_computation.9_lowered:
.L_overlay_start_0:
0x88: {  	s2 =	sld [smem:$0x3FD9]  }
0x89: {  	s3 =	sld [smem:$0x3FFE];
	_ =	sdelay $0x1  }
0x8a: {  	s1 =	srdreg.scid  }
0x8b: {  	s0 =	sand.u32 $0x1, s1  }
0x8c: {  	s17 =	sshll.u32 s0, $0xA;
	s2 =	sadd.s32 s3, s2  }
0x8d: {  	s2 =	sadd.s32 s2, s17  }
0x8e: {  	[smem:$0x3FB0] =	sst s2  }
0x8f: {  	_ = 	snop  }
0x90: {  	s18 =	sld [smem:$0x3FC8];
	(tm) =	ssettm $0x1  }
0x91: {  	s19 =	sld [smem:$0x3FFB];
	_ =	sdelay $0x3  }
0x92: {  	_ =	strace s19  }
0x93: {  	s2 =	sld [smem:$0x3FFC];
	_ =	sdelay $0x3  }
0x94: {  	_ =	strace s2  }
0x95: {  	s2 =	sld [smem:$0x3FFD];
	_ =	sdelay $0x3  }
0x96: {  	_ =	strace s2  }
0x97: {  	_ =	strace $0x8FFFFFFF  }
0x98: {  	s20 =	sld [smem:$0x3FDB];
	_ =	sdelay $0x1  }
0x99: {  	s4 =	simm.s32 $_scs_section_size  }
0x9a: {  	s5 =	simm.s32 $_size__tile_overlayer_lowered;
	s6 =	simm.s32 $_tile_overlayer_lowered  }
0x9b: {  	s7 =	simm.s32 $0x1BFF;
	s21 =	sshll.u32 s6, $0x1;
	s4 =	sadd.s32 s4, s20  }
0x9c: {  	s22 =	simm.s32 $0x0;
	s5 =	sshll.u32 s5, $0x1;
	s6 =	sadd.s32 s21, s4  }
0x9d: {  	[timem:s22], [sflag:s7] =	dma.local [hbm:s6], s5  }
0x9e: {  	_ =	swait.ge [sflag:s7], s5  }
0x9f: {  	s5 =	ssub.s32 $0x0, s5;
	[sflag:s7] =	ssyncset.done $0x0  }
0xa0: {  	[sflag:s7] =	ssyncadd.s32 s5;
	_ =	sdelay $0x1  }
0xa1: {  	s23 =	simm.s32 $0x1B8B  }
0xa2: {  	_ =	swait.ge [sflag:s23], $0x1  }
0xa3: {  	[sflag:s23] =	ssyncset.done $0x0  }
0xa4: {  	[sflag:s23] =	ssyncadd.s32 $0xFFFFFFFF  }
0xa5: {  	s5 =	sld [smem:$0x0]  }
0xa6: {  	s6 =	sand.u32 $0xFFFFFFFE, s1  }
0xa7: {  	p0 =	sne.s32 s1, s6  }
0xa8: {  	s6 =	sshll.u32 @p0 s6, $0xE  }
0xa9: {  	s6 =	sadd.s32 @p0 $0x11B8D, s6;
	s7 =	sshll.u32 @p0 s5, $0x11  }
0xaa: {  	s6 =	sor.u32 @p0 s7, s6  }
0xab: {  	[sflag:s6] =	ssyncadd.remote.s32 @p0 $0x1;
	_ =	sdelay $0x1  }
0xac: {  	s6 =	simm.s32 @p0 $0x1B8D  }
0xad: {  	_ =	swait.eq @p0 [sflag:s6], $0x1  }
0xae: {  	[sflag:s6] =	ssyncadd.s32 @p0 $0xFFFFFFFF  }
0xaf: {  	s7 =	sshll.u32 @!p0 s1, $0xE  }
0xb0: {  	s7 =	sor.u32 @!p0 $0x4000, s7;
	s6 =	simm.s32 @!p0 $0x1B8D  }
0xb1: {  	s5 =	sshll.u32 @!p0 s5, $0x11;
	s7 =	sadd.s32 @!p0 $0x11B8D, s7;
	_ =	swait.eq @!p0 [sflag:s6], $0x1  }
0xb2: {  	s5 =	sor.u32 @!p0 s5, s7;
	[sflag:s6] =	ssyncadd.s32 @!p0 $0xFFFFFFFF  }
0xb3: {  	s25 =	simm.s32 $0x1B8E;
	s24 =	sld [smem:$0x3FFE];
	[sflag:s5] =	ssyncadd.remote.s32 @!p0 $0x1  }
0xb4: {  	s26 =	simm.s32 $execute0_lowered;
	[smem:$0x3FD2] =	sst s25  }
0xb5: {  	s6 =	sshll.u32 s26, $0x1;
	_ =	strace $0x8000004F;
	[dreg:$0x1] =	wrdreg $0xFFFFFFFF  }
0xb6: {  	s28 =	simm.s32 $_size_execute0_lowered;
	s4 =	sadd.s32 s4, s6;
	[dreg:$0x0] =	wrdreg $0x0  }
0xb7: {  	s6 =	sshll.u32 s28, $0x1;
	[dreg:$0x2] =	wrdreg s4  }
0xb8: {  	[dreg:$0x3] =	wrdreg s6  }
0xb9: {  	[dreg:$0x4] =	wrdreg $0xC0  }
0xba: {  	_ =	task [dreg:s22], $0x5FFFF  }
0xbb: {  	[dreg:$0x1] =	wrdreg $0xFFFFFFFF  }
0xbc: {  	[dreg:$0x0] =	wrdreg $0x60  }
0xbd: {  	[dreg:$0x2] =	wrdreg s24  }
0xbe: {  	[dreg:$0x3] =	wrdreg s18  }
0xbf: {  	[dreg:$0x4] =	wrdreg $0x21000  }
0xc0: {  	[dreg:$0x5] =	wrdreg $0xC  }
0xc1: {  	_ =	task.clear_ibuf [dreg:s22], $0x6FFFF;
	_ =	strace $0x9000004F  }
0xc2: {  	s29 =	simm.s32 $0xC;
	_ =	strace $0x80000051  }
0xc3: {  	_ =	swait.ge [sflag:s29], $0x1  }
0xc4: {  	[sflag:s29] =	ssyncadd.s32 $0xFFFFFFFF  }
0xc5: {  	_ =	strace $0x90000051  }
0xc6: {  	_ =	sfence  }
0xc7: {  	s30 =	sld [smem:$0x0];
	_ =	sdelay $0x2  }
0xc8: {  	s31 =	sshll.u32 s1, $0xD;
	s1 =	sshrl.u32 s1, $0x2  }
0xc9: {  	s4 =	sand.u32 $0x4000, s31;
	s1 =	sadd.s32 s1, s30  }
0xca: {  	s0 =	sor.u32 s4, s0;
	s1 =	sshll.u32 s1, $0x11  }
0xcb: {  	s0 =	sor.u32 s1, s0  }
0xcc: {  	s0 =	sadd.s32 $0x8F2B, s0  }
0xcd: {  	[sflag:s0] =	ssyncadd.remote.s32 $0x1  }
0xce: {  	_ =	sfence.sel $0xFFFF  }
0xcf: {  	[dreg:$0x0] =	wrdreg $0xFFFFFFFF;
	(pc) =	sbr.abs _section_cstart, $3  }
0xd0: {  	[dreg:$0x1] =	wrdreg $0xFFFFFFFF  }
0xd1: {  	_ =	task.clear_ibuf [dreg:s22], $0x2FFFF;
	_ =	strace $0x9FFFFFFF  }
0xd2: {  	(tm) =	ssettm $0x7FFFFFFF  }
0xd3: {  	_ =	shalt  }
tec
execute0_lowered:
.L_overlay_start_1:
0x0: {  	(tag) =	ssettag $0x1  }
0x1: {  	s24 =	rddreg [dreg:$0x0]  }
0x2: {  	s2 =	rddreg [dreg:$0x1]  }
0x3: {  	s3 =	rddreg [dreg:$0x2]  }
0x4: {  	s0 =	rddreg [dreg:$0x3];
	s1 =	stileid.u32  }
0x5: {  	s4 =	simm.s32 $0x0;
	s5 =	srdreg.scid;
	s23 =	smul.u32 $0x2800, s1  }
0x6: {  	[smem:$0x7FF] =	sst s4;
	s28 =	smul.u32 $0x50000, s1  }
0x7: {  	s25 =	sand.u32 $0x1, s5;
	s29 =	sshll.u32 s1, $0x6;
	_ =	strace $0x80000050  }
0x8: {  	s6 =	sshll.u32 s25, $0x4;
	s7 =	sadd.s32 s23, s24;
	s5 =	sshrl.u32 s28, $0x2  }
0x9: {  	s9 =	sor.u32 s1, s6;
	s6 =	sor.u32 $0x1C02, s29;
	s8 =	sadd.s32 s5, s3  }
0xa: {  	s5 =	sadd.s32 $0x21400, s7;
	s7 =	simm.s32 $0x2;
	s8 =	sshrl.u32 s8, $0x3  }
0xb: {  	[spmem:s8], [sflag:s6] =	dma.local [hbm:s5], $0x2800  }
0xc: {  	s9 =	smul.u32 $0x140, s9;
	_ =	swait.ge [sflag:s7], $0x2800  }
0xd: {  	[sflag:s7] =	ssyncset.done $0x0  }
0xe: {  	s21 =	sadd.s32 $0xFD000, s24;
	s26 =	sshrl.u32 s9, $0x3;
	[sflag:s7] =	ssyncadd.s32 $0xFFFFD800  }
0xf: {  	s9 =	sadd.s32 s21, s26;
	[bflag:$0x0] =	sbarrier.arrive $0xFFFF  }
0x10: {  	[tilespmem:s4], [sflag:$0x2] =	stream.linear.gather [hbm4b:s9+s4], $0x40, $0x38;
	[tilespmem:$0x16100] =	vst v63  }
0x11: {  	_ =	swait.ge [sflag:s7], $0x40  }
0x12: {  	s22 =	sadd.s32 $0xFD600, s24;
	[sflag:s7] =	ssyncset.done $0x0  }
0x13: {  	s11 =	simm.s32 $0x80;
	s10 =	sadd.s32 s22, s26;
	[sflag:s7] =	ssyncadd.s32 $0xFFFFFFC0  }
0x14: {  	[tilespmem:s11], [sflag:$0x2] =	stream.linear.gather [hbm4b:s10+s4], $0x40, $0x38;
	[tilespmem:$0x16100] =	vst v63  }
0x15: {  	_ =	swait.ge [sflag:s7], $0x40  }
0x16: {  	s12 =	simm.s32 $0x40;
	[sflag:s7] =	ssyncset.done $0x0  }
0x17: {  	s13 =	simm.s32 $0x100;
	s14 =	simm.s32 $0x1;
	[sflag:s7] =	ssyncadd.s32 $0xFFFFFFC0  }
0x18: {  	[tilespmem:s13], [sflag:$0x1] =	stream.indirect.gather [hbm4b:s2+s12], $0x80, s4, s12, $0xb8;
	[tilespmem:$0x16100] =	vst v63  }
0x19: {  	_ =	swait.ge [sflag:s14], $0x2000  }
0x1a: {  	[sflag:s14] =	ssyncset.done $0x0  }
0x1b: {  	[sflag:s14] =	ssyncadd.s32 $0xFFFFE000  }
0x1c: {  	[spmem:s3] =	stream.indirect.scatter.add.f32 [tilespmem:s13], [sflag:$0x2], $0x80, s11, s12, $0xb8;
	[tilespmem:$0x16100] =	vst v63  }
0x1d: {  	_ =	swait.ge [sflag:s7], $0x2000  }
0x1e: {  	s16 =	sadd.s32 $0x8, s26;
	[sflag:s7] =	ssyncset.done $0x0  }
0x1f: {  	s15 =	sadd.s32 s21, s16;
	[sflag:s7] =	ssyncadd.s32 $0xFFFFE000  }
0x20: {  	[tilespmem:s4], [sflag:$0x2] =	stream.linear.gather [hbm4b:s15+s4], $0x40, $0x38;
	[tilespmem:$0x16100] =	vst v63  }
0x21: {  	_ =	swait.ge [sflag:s7], $0x40  }
0x22: {  	[sflag:s7] =	ssyncset.done $0x0  }
0x23: {  	s16 =	sadd.s32 s22, s16;
	[sflag:s7] =	ssyncadd.s32 $0xFFFFFFC0  }
0x24: {  	[tilespmem:s11], [sflag:$0x2] =	stream.linear.gather [hbm4b:s16+s4], $0x40, $0x38;
	[tilespmem:$0x16100] =	vst v63  }
0x25: {  	_ =	swait.ge [sflag:s7], $0x40  }
0x26: {  	[sflag:s7] =	ssyncset.done $0x0  }
0x27: {  	[sflag:s7] =	ssyncadd.s32 $0xFFFFFFC0  }
0x28: {  	[tilespmem:s13], [sflag:$0x1] =	stream.indirect.gather [hbm4b:s2+s12], $0x80, s4, s12, $0xb8;
	[tilespmem:$0x16100] =	vst v63  }
0x29: {  	_ =	swait.ge [sflag:s14], $0x2000  }
0x2a: {  	[sflag:s14] =	ssyncset.done $0x0  }
0x2b: {  	[sflag:s14] =	ssyncadd.s32 $0xFFFFE000  }
0x2c: {  	[spmem:s3] =	stream.indirect.scatter.add.f32 [tilespmem:s13], [sflag:$0x2], $0x80, s11, s12, $0xb8;
	[tilespmem:$0x16100] =	vst v63  }
0x2d: {  	_ =	swait.ge [sflag:s7], $0x2000  }
0x2e: {  	s18 =	sadd.s32 $0x10, s26;
	[sflag:s7] =	ssyncset.done $0x0  }
0x2f: {  	s17 =	sadd.s32 s21, s18;
	[sflag:s7] =	ssyncadd.s32 $0xFFFFE000  }
0x30: {  	[tilespmem:s4], [sflag:$0x2] =	stream.linear.gather [hbm4b:s17+s4], $0x40, $0x38;
	[tilespmem:$0x16100] =	vst v63  }
0x31: {  	_ =	swait.ge [sflag:s7], $0x40  }
0x32: {  	[sflag:s7] =	ssyncset.done $0x0  }
0x33: {  	s18 =	sadd.s32 s22, s18;
	[sflag:s7] =	ssyncadd.s32 $0xFFFFFFC0  }
0x34: {  	[tilespmem:s11], [sflag:$0x2] =	stream.linear.gather [hbm4b:s18+s4], $0x40, $0x38;
	[tilespmem:$0x16100] =	vst v63  }
0x35: {  	_ =	swait.ge [sflag:s7], $0x40  }
0x36: {  	[sflag:s7] =	ssyncset.done $0x0  }
0x37: {  	[sflag:s7] =	ssyncadd.s32 $0xFFFFFFC0  }
0x38: {  	[tilespmem:s13], [sflag:$0x1] =	stream.indirect.gather [hbm4b:s2+s12], $0x80, s4, s12, $0xb8;
	[tilespmem:$0x16100] =	vst v63  }
0x39: {  	_ =	swait.ge [sflag:s14], $0x2000  }
0x3a: {  	[sflag:s14] =	ssyncset.done $0x0  }
0x3b: {  	[sflag:s14] =	ssyncadd.s32 $0xFFFFE000  }
0x3c: {  	[spmem:s3] =	stream.indirect.scatter.add.f32 [tilespmem:s13], [sflag:$0x2], $0x80, s11, s12, $0xb8;
	[tilespmem:$0x16100] =	vst v63  }
0x3d: {  	_ =	swait.ge [sflag:s7], $0x2000  }
0x3e: {  	s20 =	sadd.s32 $0x18, s26;
	[sflag:s7] =	ssyncset.done $0x0  }
0x3f: {  	s19 =	sadd.s32 s21, s20;
	[sflag:s7] =	ssyncadd.s32 $0xFFFFE000  }
0x40: {  	[tilespmem:s4], [sflag:$0x2] =	stream.linear.gather [hbm4b:s19+s4], $0x40, $0x38;
	[tilespmem:$0x16100] =	vst v63  }
0x41: {  	_ =	swait.ge [sflag:s7], $0x40  }
0x42: {  	[sflag:s7] =	ssyncset.done $0x0  }
0x43: {  	s20 =	sadd.s32 s22, s20;
	[sflag:s7] =	ssyncadd.s32 $0xFFFFFFC0  }
0x44: {  	[tilespmem:s11], [sflag:$0x2] =	stream.linear.gather [hbm4b:s20+s4], $0x40, $0x38;
	[tilespmem:$0x16100] =	vst v63  }
0x45: {  	_ =	swait.ge [sflag:s7], $0x40  }
0x46: {  	[sflag:s7] =	ssyncset.done $0x0  }
0x47: {  	[sflag:s7] =	ssyncadd.s32 $0xFFFFFFC0  }
0x48: {  	[tilespmem:s13], [sflag:$0x1] =	stream.indirect.gather [hbm4b:s2+s12], $0x80, s4, s12, $0xb8;
	[tilespmem:$0x16100] =	vst v63  }
0x49: {  	_ =	swait.ge [sflag:s14], $0x2000  }
0x4a: {  	[sflag:s14] =	ssyncset.done $0x0  }
0x4b: {  	[sflag:s14] =	ssyncadd.s32 $0xFFFFE000  }
0x4c: {  	[spmem:s3] =	stream.indirect.scatter.add.f32 [tilespmem:s13], [sflag:$0x2], $0x80, s11, s12, $0xb8;
	[tilespmem:$0x16100] =	vst v63  }
0x4d: {  	_ =	swait.ge [sflag:s7], $0x2000  }
0x4e: {  	s26 =	sadd.s32 $0x20, s26;
	[sflag:s7] =	ssyncset.done $0x0  }
0x4f: {  	s21 =	sadd.s32 s21, s26;
	[sflag:s7] =	ssyncadd.s32 $0xFFFFE000  }
0x50: {  	[tilespmem:s4], [sflag:$0x2] =	stream.linear.gather [hbm4b:s21+s4], $0x40, $0x38;
	[tilespmem:$0x16100] =	vst v63  }
0x51: {  	_ =	swait.ge [sflag:s7], $0x40  }
0x52: {  	[sflag:s7] =	ssyncset.done $0x0  }
0x53: {  	s22 =	sadd.s32 s22, s26;
	[sflag:s7] =	ssyncadd.s32 $0xFFFFFFC0  }
0x54: {  	[tilespmem:s11], [sflag:$0x2] =	stream.linear.gather [hbm4b:s22+s4], $0x40, $0x38;
	[tilespmem:$0x16100] =	vst v63  }
0x55: {  	_ =	swait.ge [sflag:s7], $0x40  }
0x56: {  	[sflag:s7] =	ssyncset.done $0x0  }
0x57: {  	[sflag:s7] =	ssyncadd.s32 $0xFFFFFFC0  }
0x58: {  	[tilespmem:s13], [sflag:$0x1] =	stream.indirect.gather [hbm4b:s2+s12], $0x80, s4, s12, $0xb8;
	[tilespmem:$0x16100] =	vst v63  }
0x59: {  	s30 =	smul.u32 $0x28000, s25;
	s25 =	ssub.s32 $0x2, s25;
	_ =	swait.ge [sflag:s14], $0x2000  }
0x5a: {  	s31 =	sshrl.u32 s25, $0x1;
	[sflag:s14] =	ssyncset.done $0x0  }
0x5b: {  	s25 =	ssub.s32 s25, s31;
	[sflag:s14] =	ssyncadd.s32 $0xFFFFE000  }
0x5c: {  	[spmem:s3] =	stream.indirect.scatter.add.f32 [tilespmem:s13], [sflag:$0x2], $0x80, s11, s12, $0xb8;
	[tilespmem:$0x16100] =	vst v63  }
0x5d: {  	s25 =	smax.u32 s25, $0x1;
	_ =	swait.ge [sflag:s7], $0x2000  }
0x5e: {  	s24 =	sadd.s32 s30, s24;
	p0 =	sne.s32 s25, $0x1;
	[sflag:s7] =	ssyncset.done $0x0  }
.Ltmp0:
0x5f: {  	s24 =	sadd.s32 $0x14DC00, s24;
	[sflag:s7] =	ssyncadd.s32 $0xFFFFE000;
	(pc) =	sbr.rel @!p0 .LBB2_2-.Ltmp0, $4  }
0x60: {  	s23 =	sadd.s32 s23, s24;
	[bflag:$0x0] =	sbarrier.arrive $0xFFFF  }
0x61: {  	[hbm:s23], [sflag:s6] =	dma.local [spmem:s8], $0x2800  }
0x62: {  	_ =	swait.ge [sflag:s7], $0x2800  }
0x63: {  	s24 =	sadd.s32 $0xFFFFFFFF, s25;
	[sflag:s7] =	ssyncset.done $0x0  }
.LBB2_1:
0x64: {  	p0 =	sne.s32 s24, $0x1;
	s24 =	sadd.s32 $0xFFFFFFFF, s24;
	[sflag:s7] =	ssyncadd.s32 $0xFFFFD800  }
0x65: {  	[spmem:s8], [sflag:s6] =	dma.local [hbm:s5], $0x2800  }
0x66: {  	_ =	swait.ge [sflag:s7], $0x2800  }
0x67: {  	[sflag:s7] =	ssyncset.done $0x0  }
0x68: {  	[sflag:s7] =	ssyncadd.s32 $0xFFFFD800  }
0x69: {  	[bflag:$0x0] =	sbarrier.arrive $0xFFFF  }
0x6a: {  	[tilespmem:s4], [sflag:$0x2] =	stream.linear.gather [hbm4b:s9+s4], $0x40, $0x38;
	[tilespmem:$0x16100] =	vst v63  }
0x6b: {  	_ =	swait.ge [sflag:s7], $0x40  }
0x6c: {  	[sflag:s7] =	ssyncset.done $0x0  }
0x6d: {  	[sflag:s7] =	ssyncadd.s32 $0xFFFFFFC0  }
0x6e: {  	[tilespmem:s11], [sflag:$0x2] =	stream.linear.gather [hbm4b:s10+s4], $0x40, $0x38;
	[tilespmem:$0x16100] =	vst v63  }
0x6f: {  	_ =	swait.ge [sflag:s7], $0x40  }
0x70: {  	[sflag:s7] =	ssyncset.done $0x0  }
0x71: {  	[sflag:s7] =	ssyncadd.s32 $0xFFFFFFC0  }
0x72: {  	[tilespmem:s13], [sflag:$0x1] =	stream.indirect.gather [hbm4b:s2+s12], $0x80, s4, s12, $0xb8;
	[tilespmem:$0x16100] =	vst v63  }
0x73: {  	_ =	swait.ge [sflag:s14], $0x2000  }
0x74: {  	[sflag:s14] =	ssyncset.done $0x0  }
0x75: {  	[sflag:s14] =	ssyncadd.s32 $0xFFFFE000  }
0x76: {  	[spmem:s3] =	stream.indirect.scatter.add.f32 [tilespmem:s13], [sflag:$0x2], $0x80, s11, s12, $0xb8;
	[tilespmem:$0x16100] =	vst v63  }
0x77: {  	_ =	swait.ge [sflag:s7], $0x2000  }
0x78: {  	[sflag:s7] =	ssyncset.done $0x0  }
0x79: {  	[sflag:s7] =	ssyncadd.s32 $0xFFFFE000  }
0x7a: {  	[tilespmem:s4], [sflag:$0x2] =	stream.linear.gather [hbm4b:s15+s4], $0x40, $0x38;
	[tilespmem:$0x16100] =	vst v63  }
0x7b: {  	_ =	swait.ge [sflag:s7], $0x40  }
0x7c: {  	[sflag:s7] =	ssyncset.done $0x0  }
0x7d: {  	[sflag:s7] =	ssyncadd.s32 $0xFFFFFFC0  }
0x7e: {  	[tilespmem:s11], [sflag:$0x2] =	stream.linear.gather [hbm4b:s16+s4], $0x40, $0x38;
	[tilespmem:$0x16100] =	vst v63  }
0x7f: {  	_ =	swait.ge [sflag:s7], $0x40  }
0x80: {  	[sflag:s7] =	ssyncset.done $0x0  }
0x81: {  	[sflag:s7] =	ssyncadd.s32 $0xFFFFFFC0  }
0x82: {  	[tilespmem:s13], [sflag:$0x1] =	stream.indirect.gather [hbm4b:s2+s12], $0x80, s4, s12, $0xb8;
	[tilespmem:$0x16100] =	vst v63  }
0x83: {  	_ =	swait.ge [sflag:s14], $0x2000  }
0x84: {  	[sflag:s14] =	ssyncset.done $0x0  }
0x85: {  	[sflag:s14] =	ssyncadd.s32 $0xFFFFE000  }
0x86: {  	[spmem:s3] =	stream.indirect.scatter.add.f32 [tilespmem:s13], [sflag:$0x2], $0x80, s11, s12, $0xb8;
	[tilespmem:$0x16100] =	vst v63  }
0x87: {  	_ =	swait.ge [sflag:s7], $0x2000  }
0x88: {  	[sflag:s7] =	ssyncset.done $0x0  }
0x89: {  	[sflag:s7] =	ssyncadd.s32 $0xFFFFE000  }
0x8a: {  	[tilespmem:s4], [sflag:$0x2] =	stream.linear.gather [hbm4b:s17+s4], $0x40, $0x38;
	[tilespmem:$0x16100] =	vst v63  }
0x8b: {  	_ =	swait.ge [sflag:s7], $0x40  }
0x8c: {  	[sflag:s7] =	ssyncset.done $0x0  }
0x8d: {  	[sflag:s7] =	ssyncadd.s32 $0xFFFFFFC0  }
0x8e: {  	[tilespmem:s11], [sflag:$0x2] =	stream.linear.gather [hbm4b:s18+s4], $0x40, $0x38;
	[tilespmem:$0x16100] =	vst v63  }
0x8f: {  	_ =	swait.ge [sflag:s7], $0x40  }
0x90: {  	[sflag:s7] =	ssyncset.done $0x0  }
0x91: {  	[sflag:s7] =	ssyncadd.s32 $0xFFFFFFC0  }
0x92: {  	[tilespmem:s13], [sflag:$0x1] =	stream.indirect.gather [hbm4b:s2+s12], $0x80, s4, s12, $0xb8;
	[tilespmem:$0x16100] =	vst v63  }
0x93: {  	_ =	swait.ge [sflag:s14], $0x2000  }
0x94: {  	[sflag:s14] =	ssyncset.done $0x0  }
0x95: {  	[sflag:s14] =	ssyncadd.s32 $0xFFFFE000  }
0x96: {  	[spmem:s3] =	stream.indirect.scatter.add.f32 [tilespmem:s13], [sflag:$0x2], $0x80, s11, s12, $0xb8;
	[tilespmem:$0x16100] =	vst v63  }
0x97: {  	_ =	swait.ge [sflag:s7], $0x2000  }
0x98: {  	[sflag:s7] =	ssyncset.done $0x0  }
0x99: {  	[sflag:s7] =	ssyncadd.s32 $0xFFFFE000  }
0x9a: {  	[tilespmem:s4], [sflag:$0x2] =	stream.linear.gather [hbm4b:s19+s4], $0x40, $0x38;
	[tilespmem:$0x16100] =	vst v63  }
0x9b: {  	_ =	swait.ge [sflag:s7], $0x40  }
0x9c: {  	[sflag:s7] =	ssyncset.done $0x0  }
0x9d: {  	[sflag:s7] =	ssyncadd.s32 $0xFFFFFFC0  }
0x9e: {  	[tilespmem:s11], [sflag:$0x2] =	stream.linear.gather [hbm4b:s20+s4], $0x40, $0x38;
	[tilespmem:$0x16100] =	vst v63  }
0x9f: {  	_ =	swait.ge [sflag:s7], $0x40  }
0xa0: {  	[sflag:s7] =	ssyncset.done $0x0  }
0xa1: {  	[sflag:s7] =	ssyncadd.s32 $0xFFFFFFC0  }
0xa2: {  	[tilespmem:s13], [sflag:$0x1] =	stream.indirect.gather [hbm4b:s2+s12], $0x80, s4, s12, $0xb8;
	[tilespmem:$0x16100] =	vst v63  }
0xa3: {  	_ =	swait.ge [sflag:s14], $0x2000  }
0xa4: {  	[sflag:s14] =	ssyncset.done $0x0  }
0xa5: {  	[sflag:s14] =	ssyncadd.s32 $0xFFFFE000  }
0xa6: {  	[spmem:s3] =	stream.indirect.scatter.add.f32 [tilespmem:s13], [sflag:$0x2], $0x80, s11, s12, $0xb8;
	[tilespmem:$0x16100] =	vst v63  }
0xa7: {  	_ =	swait.ge [sflag:s7], $0x2000  }
0xa8: {  	[sflag:s7] =	ssyncset.done $0x0  }
0xa9: {  	[sflag:s7] =	ssyncadd.s32 $0xFFFFE000  }
0xaa: {  	[tilespmem:s4], [sflag:$0x2] =	stream.linear.gather [hbm4b:s21+s4], $0x40, $0x38;
	[tilespmem:$0x16100] =	vst v63  }
0xab: {  	_ =	swait.ge [sflag:s7], $0x40  }
0xac: {  	[sflag:s7] =	ssyncset.done $0x0  }
0xad: {  	[sflag:s7] =	ssyncadd.s32 $0xFFFFFFC0  }
0xae: {  	[tilespmem:s11], [sflag:$0x2] =	stream.linear.gather [hbm4b:s22+s4], $0x40, $0x38;
	[tilespmem:$0x16100] =	vst v63  }
0xaf: {  	_ =	swait.ge [sflag:s7], $0x40  }
0xb0: {  	[sflag:s7] =	ssyncset.done $0x0  }
0xb1: {  	[sflag:s7] =	ssyncadd.s32 $0xFFFFFFC0  }
0xb2: {  	[tilespmem:s13], [sflag:$0x1] =	stream.indirect.gather [hbm4b:s2+s12], $0x80, s4, s12, $0xb8;
	[tilespmem:$0x16100] =	vst v63  }
0xb3: {  	_ =	swait.ge [sflag:s14], $0x2000  }
0xb4: {  	[sflag:s14] =	ssyncset.done $0x0  }
0xb5: {  	[sflag:s14] =	ssyncadd.s32 $0xFFFFE000  }
0xb6: {  	[spmem:s3] =	stream.indirect.scatter.add.f32 [tilespmem:s13], [sflag:$0x2], $0x80, s11, s12, $0xb8;
	[tilespmem:$0x16100] =	vst v63  }
0xb7: {  	_ =	swait.ge [sflag:s7], $0x2000  }
0xb8: {  	[sflag:s7] =	ssyncset.done $0x0  }
.Ltmp1:
0xb9: {  	[sflag:s7] =	ssyncadd.s32 $0xFFFFE000;
	(pc) =	sbr.rel @p0 .LBB2_1-.Ltmp1, $4  }
0xba: {  	[bflag:$0x0] =	sbarrier.arrive $0xFFFF  }
0xbb: {  	[hbm:s23], [sflag:s6] =	dma.local [spmem:s8], $0x2800  }
0xbc: {  	_ =	swait.ge [sflag:s7], $0x2800  }
0xbd: {  	[sflag:s7] =	ssyncset.done $0x0  }
.LBB2_2:
0xbe: {  	[sflag:s7] =	ssyncadd.s32 $0xFFFFD800  }
0xbf: {  	_ =	sfence.sel $0x180000  }
0xc0: {  	[bflag:$0x0] =	sbarrier.arrive $0xFFFF  }
0xc1: {  	p0 =	sne.s32 s1, $0x0;
	_ =	strace $0x90000050  }
0xc2: {  	s0 =	sadd.s32 @!p0 $0x100000, s0;
	[bflag:$0x2] =	sbarrier.arrive $0xFFFF  }
0xc3: {  	[sflag:s0] =	ssyncadd.tile.s32 @!p0 $0x1;
	_ =	shalt  }
.Lfunc_end2:
_tile_overlayer_lowered:
.L_overlay_start_2:
0xc4: {  	(tag) =	ssettag $0x2  }
0xc5: {  	s0 =	rddreg [dreg:$0x0];
	s2 =	stileid.u32  }
0xc6: {  	s1 =	rddreg [dreg:$0x1];
	p0 =	sne.s32 s2, $0x0  }
0xc7: {  	s3 =	rddreg [dreg:$0x2];
	[bflag:$0x3] =	sbarrier.arrive $0xFFFF;
	s2 =	simm.s32 @!p0 $0x1C02  }
0xc8: {  	[timem:s3], [sflag:s2] =	dma.local @!p0 [hbm:s0], s1  }
0xc9: {  	s0 =	simm.s32 @!p0 $0x2  }
0xca: {  	_ =	swait.ge @!p0 [sflag:s0], s1  }
0xcb: {  	s1 =	ssub.s32 @!p0 $0x0, s1;
	[sflag:s0] =	ssyncset.done @!p0 $0x0  }
0xcc: {  	[sflag:s0] =	ssyncadd.s32 @!p0 s1  }
0xcd: {  	[bflag:$0x3] =	sbarrier.arrive $0xFFFF  }
0xce: {  	_ =	shalt  }

// kernel: kernel.56.cloned.1.call-start
scs
__scs_entry_jumppad:
0x0: {  	(pc) =	sbr.rel $0x88, $3  }
0x1: {  	(tag) =	ssettag $0x0;
	lr =	simm.s32 $0x1  }
0x2: {  	[smem:$0x3F89] =	sst lr;
	_ =	strace $0xD0000000  }
0x3: {  	_ = 	snop  }
0x4: {  	_ = 	snop  }
0x5: {  	_ = 	snop  }
0x6: {  	_ = 	snop  }
0x7: {  	_ = 	snop  }
__scs_overlays_trampoline_lowered:
0x8: {  	[smem:$0x3F98] =	sst s0  }
0x9: {  	[smem:$0x3F99] =	sst s1  }
0xa: {  	[smem:$0x3F9A] =	sst s2  }
0xb: {  	[smem:$0x3F9B] =	sst s3  }
0xc: {  	[smem:$0x3F9C] =	sst s4  }
0xd: {  	[smem:$0x3F9D] =	sst s5  }
0xe: {  	[smem:$0x3F9E] =	sst s6  }
0xf: {  	[smem:$0x3F9F] =	sst s7  }
0x10: {  	[smem:$0x3FA0] =	sst s8  }
0x11: {  	[smem:$0x3FA1] =	sst s9;
	s0 =	simm.s32 @!p0 $0x0  }
0x12: {  	s1 =	sld [smem:$0x3F87];
	s0 =	simm.s32 @p0 $0x1  }
0x13: {  	[smem:$0x3FA2] =	sst s0;
	s0 =	simm.s32 @!p1 $0x0  }
0x14: {  	s2 =	sld [smem:$0x3F86];
	s0 =	simm.s32 @p1 $0x1  }
0x15: {  	[smem:$0x3FA3] =	sst s0;
	s0 =	simm.s32 @!p2 $0x0  }
0x16: {  	s3 =	sld [smem:$0x3FDB];
	s0 =	simm.s32 @p2 $0x1  }
0x17: {  	s4 =	simm.s32 $0x1BF5;
	[smem:$0x3FA5] =	sst s0  }
0x18: {  	s0 =	sld [smem:$0x3F88];
	_ =	swait.ge [sflag:s4], $0x0  }
0x19: {  	s7 =	sld [smem:$0x3F89]  }
0x1a: {  	s8 =	sadd.s32 $0xFFFFE003, lr  }
0x1b: {  	s9 =	sadd.s32 $0xFFFFFEF7, lr;
	s5 =	simm.s32 $0xFFFFFFFF;
	p2 =	slt.u32 s8, $0xFFFFF086  }
0x1c: {  	p1 =	slt.u32 s9, $0xF7A;
	s5 =	simm.s32 @!p2 $0x0  }
0x1d: {  	s5 =	simm.s32 @p1 $0x1;
	p0 =	seq.s32 s7, s2  }
0x1e: {  	s7 =	smul.u32 @!p0 $0xF7A, s2;
	p2 =	seq.s32 @!p0 s5, $0x0  }
0x1f: {  	s9 =	smul.u32 $0xF7A, s1;
	s8 =	simm.s32 @!p0 $0x1BF5;
	p2 =	por !p2, p0  }
0x20: {  	[sflag:s8] =	ssyncset.s32 @!p0 $0xFFFFF086;
	s6 =	sadd.s32 @!p0 s3, s7;
	s7 =	simm.s32 @!p0 $0x108  }
0x21: {  	s3 =	sadd.s32 s3, s9;
	s6 =	sadd.s32 @!p0 $0x88, s6;
	s7 =	simm.s32 @p2 $0x1082  }
0x22: {  	[simem:s7], [sflag:s8] =	dma.local @!p0 [hbm:s6], $0xF7A  }
0x23: {  	s9 =	sor.u32 $0xD0000000, s2;
	s6 =	simm.s32 $0x108;
	_ =	swait.ge @!p0 [sflag:s8], $0x0  }
0x24: {  	s3 =	sadd.s32 $0x88, s3;
	s6 =	simm.s32 @!p1 $0x1082;
	[sflag:s4] =	ssyncset.s32 $0xFFFFF086  }
0x25: {  	[simem:s6], [sflag:s4] =	dma.local [hbm:s3], $0xF7A  }
0x26: {  	[smem:$0x3F89] =	sst s1;
	(tag) =	ssettag s2;
	_ =	strace s9  }
0x27: {  	s1 =	sld [smem:$0x3F99]  }
0x28: {  	s2 =	sld [smem:$0x3F9A]  }
0x29: {  	s4 =	sld [smem:$0x3F9C]  }
0x2a: {  	p0 =	seq.s32 s5, $0x0;
	s5 =	sld [smem:$0x3F9D]  }
0x2b: {  	s6 =	sld [smem:$0x3F9E]  }
0x2c: {  	s7 =	sld [smem:$0x3F9F]  }
0x2d: {  	s3 =	simm.s32 $0x108;
	s8 =	sld [smem:$0x3FA0]  }
0x2e: {  	s3 =	simm.s32 @!p0 $0x1082;
	s9 =	sld [smem:$0x3FA1]  }
0x2f: {  	lr =	sadd.s32 s0, s3;
	s0 =	sld [smem:$0x3F98]  }
0x30: {  	s3 =	sld [smem:$0x3F9B]  }
0x31: {  	[smem:$0x3FA4] =	sst s10  }
0x32: {  	s10 =	sld [smem:$0x3FA2];
	_ =	sdelay $0x3  }
0x33: {  	p0 =	seq.s32 s10, $0x1;
	s10 =	sld [smem:$0x3FA4];
	_ =	sdelay $0x3  }
0x34: {  	[smem:$0x3FA4] =	sst s10  }
0x35: {  	s10 =	sld [smem:$0x3FA3];
	_ =	sdelay $0x3  }
0x36: {  	p1 =	seq.s32 s10, $0x1;
	s10 =	sld [smem:$0x3FA4];
	_ =	sdelay $0x3  }
0x37: {  	[smem:$0x3FA4] =	sst s10  }
0x38: {  	s10 =	sld [smem:$0x3FA5]  }
0x39: {  	_ = 	snop;
	(pc) =	sbr.ind lr, $3  }
0x3a: {  	_ = 	snop  }
0x3b: {  	_ = 	snop  }
0x3c: {  	p2 =	seq.s32 s10, $0x1;
	s10 =	sld [smem:$0x3FA4]  }
0x3d: {  	_ =	shalt  }
0x3e: {  	_ =	shalt  }
0x3f: {  	_ =	shalt  }
0x40: {  	_ =	shalt  }
0x41: {  	_ =	shalt  }
0x42: {  	_ =	shalt  }
0x43: {  	_ =	shalt  }
0x44: {  	_ =	shalt  }
0x45: {  	_ =	shalt  }
0x46: {  	_ =	shalt  }
0x47: {  	_ =	shalt  }
0x48: {  	_ =	shalt  }
0x49: {  	_ =	shalt  }
0x4a: {  	_ =	shalt  }
0x4b: {  	_ =	shalt  }
0x4c: {  	_ =	shalt  }
0x4d: {  	_ =	shalt  }
0x4e: {  	_ =	shalt  }
0x4f: {  	_ =	shalt  }
0x50: {  	_ =	shalt  }
0x51: {  	_ =	shalt  }
0x52: {  	_ =	shalt  }
0x53: {  	_ =	shalt  }
0x54: {  	_ =	shalt  }
0x55: {  	_ =	shalt  }
0x56: {  	_ =	shalt  }
0x57: {  	_ =	shalt  }
0x58: {  	_ =	shalt  }
0x59: {  	_ =	shalt  }
0x5a: {  	_ =	shalt  }
0x5b: {  	_ =	shalt  }
0x5c: {  	_ =	shalt  }
0x5d: {  	_ =	shalt  }
0x5e: {  	_ =	shalt  }
0x5f: {  	_ =	shalt  }
0x60: {  	_ =	shalt  }
0x61: {  	_ =	shalt  }
0x62: {  	_ =	shalt  }
0x63: {  	_ =	shalt  }
0x64: {  	_ =	shalt  }
0x65: {  	_ =	shalt  }
0x66: {  	_ =	shalt  }
0x67: {  	_ =	shalt  }
0x68: {  	_ =	shalt  }
0x69: {  	_ =	shalt  }
0x6a: {  	_ =	shalt  }
0x6b: {  	_ =	shalt  }
0x6c: {  	_ =	shalt  }
0x6d: {  	_ =	shalt  }
0x6e: {  	_ =	shalt  }
0x6f: {  	_ =	shalt  }
0x70: {  	_ =	shalt  }
0x71: {  	_ =	shalt  }
0x72: {  	_ =	shalt  }
0x73: {  	_ =	shalt  }
0x74: {  	_ =	shalt  }
0x75: {  	_ =	shalt  }
0x76: {  	_ =	shalt  }
0x77: {  	_ =	shalt  }
0x78: {  	_ =	shalt  }
0x79: {  	_ =	shalt  }
0x7a: {  	_ =	shalt  }
0x7b: {  	_ =	shalt  }
0x7c: {  	_ =	shalt  }
0x7d: {  	_ =	shalt  }
0x7e: {  	_ =	shalt  }
0x7f: {  	_ =	shalt  }
0x80: {  	_ =	shalt  }
0x81: {  	_ =	shalt  }
0x82: {  	_ =	shalt  }
0x83: {  	_ =	shalt  }
0x84: {  	_ =	shalt  }
0x85: {  	_ =	shalt  }
0x86: {  	_ =	shalt  }
0x87: {  	_ =	shalt  }
.Lfunc_end0:
.L_simem_size_0:
called_computation.10_lowered:
.L_overlay_start_0:
0x88: {  	s2 =	sld [smem:$0x3FD9]  }
0x89: {  	s3 =	sld [smem:$0x3FFE];
	_ =	sdelay $0x1  }
0x8a: {  	s1 =	srdreg.scid  }
0x8b: {  	s0 =	sand.u32 $0x1, s1  }
0x8c: {  	s17 =	sshll.u32 s0, $0xA;
	s2 =	sadd.s32 s3, s2  }
0x8d: {  	s2 =	sadd.s32 s2, s17  }
0x8e: {  	[smem:$0x3FB0] =	sst s2  }
0x8f: {  	_ = 	snop  }
0x90: {  	(tm) =	ssettm $0x1  }
0x91: {  	s18 =	sld [smem:$0x3FFB];
	_ =	sdelay $0x3  }
0x92: {  	_ =	strace s18  }
0x93: {  	s2 =	sld [smem:$0x3FFC];
	_ =	sdelay $0x3  }
0x94: {  	_ =	strace s2  }
0x95: {  	s2 =	sld [smem:$0x3FFD];
	_ =	sdelay $0x3  }
0x96: {  	_ =	strace s2  }
0x97: {  	_ =	strace $0x8FFFFFFF  }
0x98: {  	s19 =	sld [smem:$0x3FDB];
	_ =	sdelay $0x1  }
0x99: {  	s20 =	simm.s32 $_scs_section_size  }
0x9a: {  	s4 =	simm.s32 $_size__tile_overlayer_lowered;
	s5 =	simm.s32 $_tile_overlayer_lowered  }
0x9b: {  	s6 =	simm.s32 $0x1BFF;
	s21 =	sshll.u32 s5, $0x1;
	s3 =	sadd.s32 s20, s19  }
0x9c: {  	s22 =	simm.s32 $0x0;
	s4 =	sshll.u32 s4, $0x1;
	s5 =	sadd.s32 s21, s3  }
0x9d: {  	[timem:s22], [sflag:s6] =	dma.local [hbm:s5], s4  }
0x9e: {  	_ =	swait.ge [sflag:s6], s4  }
0x9f: {  	s4 =	ssub.s32 $0x0, s4;
	[sflag:s6] =	ssyncset.done $0x0  }
0xa0: {  	[sflag:s6] =	ssyncadd.s32 s4;
	_ =	sdelay $0x1  }
0xa1: {  	s23 =	simm.s32 $0x1B8B  }
0xa2: {  	_ =	swait.ge [sflag:s23], $0x1  }
0xa3: {  	[sflag:s23] =	ssyncset.done $0x0  }
0xa4: {  	[sflag:s23] =	ssyncadd.s32 $0xFFFFFFFF  }
0xa5: {  	s4 =	sld [smem:$0x0]  }
0xa6: {  	s5 =	sand.u32 $0xFFFFFFFE, s1  }
0xa7: {  	p0 =	sne.s32 s1, s5  }
0xa8: {  	s5 =	sshll.u32 @p0 s5, $0xE  }
0xa9: {  	s5 =	sadd.s32 @p0 $0x11B8D, s5;
	s6 =	sshll.u32 @p0 s4, $0x11  }
0xaa: {  	s5 =	sor.u32 @p0 s6, s5  }
0xab: {  	[sflag:s5] =	ssyncadd.remote.s32 @p0 $0x1;
	_ =	sdelay $0x1  }
0xac: {  	s5 =	simm.s32 @p0 $0x1B8D  }
0xad: {  	_ =	swait.eq @p0 [sflag:s5], $0x1  }
0xae: {  	[sflag:s5] =	ssyncadd.s32 @p0 $0xFFFFFFFF  }
0xaf: {  	s6 =	sshll.u32 @!p0 s1, $0xE  }
0xb0: {  	s6 =	sor.u32 @!p0 $0x4000, s6;
	s5 =	simm.s32 @!p0 $0x1B8D  }
0xb1: {  	s4 =	sshll.u32 @!p0 s4, $0x11;
	s6 =	sadd.s32 @!p0 $0x11B8D, s6;
	_ =	swait.eq @!p0 [sflag:s5], $0x1  }
0xb2: {  	s4 =	sor.u32 @!p0 s4, s6;
	[sflag:s5] =	ssyncadd.s32 @!p0 $0xFFFFFFFF  }
0xb3: {  	s25 =	simm.s32 $0x1B8E;
	s24 =	sld [smem:$0x3FFE];
	[sflag:s4] =	ssyncadd.remote.s32 @!p0 $0x1  }
0xb4: {  	s26 =	simm.s32 $execute0_lowered;
	[smem:$0x3FD2] =	sst s25  }
0xb5: {  	s5 =	sshll.u32 s26, $0x1;
	_ =	strace $0x8000005B;
	[dreg:$0x1] =	wrdreg $0xFFFFFFFF  }
0xb6: {  	s28 =	simm.s32 $_size_execute0_lowered;
	s3 =	sadd.s32 s3, s5;
	[dreg:$0x0] =	wrdreg $0x0  }
0xb7: {  	s5 =	sshll.u32 s28, $0x1;
	[dreg:$0x2] =	wrdreg s3  }
0xb8: {  	[dreg:$0x3] =	wrdreg s5  }
0xb9: {  	[dreg:$0x4] =	wrdreg $0xC0  }
0xba: {  	_ =	task [dreg:s22], $0x5FFFF  }
0xbb: {  	[dreg:$0x1] =	wrdreg $0xFFFFFFFF  }
0xbc: {  	[dreg:$0x0] =	wrdreg $0x60  }
0xbd: {  	[dreg:$0x2] =	wrdreg s24  }
0xbe: {  	[dreg:$0x3] =	wrdreg $0x21000  }
0xbf: {  	[dreg:$0x4] =	wrdreg $0xC  }
0xc0: {  	_ =	task.clear_ibuf [dreg:s22], $0x5FFFF;
	_ =	strace $0x9000005B  }
0xc1: {  	s29 =	simm.s32 $0xC;
	_ =	strace $0x8000005D  }
0xc2: {  	_ =	swait.ge [sflag:s29], $0x1  }
0xc3: {  	[sflag:s29] =	ssyncadd.s32 $0xFFFFFFFF  }
0xc4: {  	_ =	strace $0x9000005D  }
0xc5: {  	_ =	sfence  }
0xc6: {  	s30 =	sld [smem:$0x0];
	_ =	sdelay $0x2  }
0xc7: {  	s31 =	sshll.u32 s1, $0xD;
	s1 =	sshrl.u32 s1, $0x2  }
0xc8: {  	s4 =	sand.u32 $0x4000, s31;
	s1 =	sadd.s32 s1, s30  }
0xc9: {  	s0 =	sor.u32 s4, s0;
	s1 =	sshll.u32 s1, $0x11  }
0xca: {  	s0 =	sor.u32 s1, s0  }
0xcb: {  	s0 =	sadd.s32 $0x8F2B, s0  }
0xcc: {  	[sflag:s0] =	ssyncadd.remote.s32 $0x1  }
0xcd: {  	_ =	sfence.sel $0xFFFF  }
0xce: {  	[dreg:$0x0] =	wrdreg $0xFFFFFFFF;
	(pc) =	sbr.abs _section_cstart, $3  }
0xcf: {  	[dreg:$0x1] =	wrdreg $0xFFFFFFFF  }
0xd0: {  	_ =	task.clear_ibuf [dreg:s22], $0x2FFFF;
	_ =	strace $0x9FFFFFFF  }
0xd1: {  	(tm) =	ssettm $0x7FFFFFFF  }
tec
execute0_lowered:
.L_overlay_start_1:
0x0: {  	(tag) =	ssettag $0x1  }
0x1: {  	s24 =	rddreg [dreg:$0x0]  }
0x2: {  	s2 =	rddreg [dreg:$0x1]  }
0x3: {  	s0 =	rddreg [dreg:$0x2];
	s1 =	stileid.u32  }
0x4: {  	s3 =	simm.s32 $0x0;
	s4 =	srdreg.scid;
	s23 =	smul.u32 $0x2800, s1  }
0x5: {  	[smem:$0x7FF] =	sst s3;
	s28 =	smul.u32 $0x50000, s1  }
0x6: {  	s25 =	sand.u32 $0x1, s4;
	s29 =	sshll.u32 s1, $0x6;
	_ =	strace $0x8000005C  }
0x7: {  	s5 =	sshll.u32 s25, $0x4;
	s6 =	sadd.s32 s23, s24;
	s4 =	sshrl.u32 s28, $0x2  }
0x8: {  	s8 =	sor.u32 s1, s5;
	s5 =	sor.u32 $0x1C02, s29;
	s7 =	sadd.s32 s4, s2  }
0x9: {  	s4 =	sadd.s32 $0x21400, s6;
	s6 =	simm.s32 $0x2;
	s7 =	sshrl.u32 s7, $0x3  }
0xa: {  	[spmem:s7], [sflag:s5] =	dma.local [hbm:s4], $0x2800  }
0xb: {  	s8 =	smul.u32 $0x140, s8;
	_ =	swait.ge [sflag:s6], $0x2800  }
0xc: {  	[sflag:s6] =	ssyncset.done $0x0  }
0xd: {  	s21 =	sadd.s32 $0xFD000, s24;
	s26 =	sshrl.u32 s8, $0x3;
	[sflag:s6] =	ssyncadd.s32 $0xFFFFD800  }
0xe: {  	s8 =	sadd.s32 s21, s26;
	[bflag:$0x0] =	sbarrier.arrive $0xFFFF  }
0xf: {  	[tilespmem:s3], [sflag:$0x2] =	stream.linear.gather [hbm4b:s8+s3], $0x40, $0x38;
	[tilespmem:$0x16100] =	vst v63  }
0x10: {  	_ =	swait.ge [sflag:s6], $0x40  }
0x11: {  	s22 =	sadd.s32 $0xFD600, s24;
	[sflag:s6] =	ssyncset.done $0x0  }
0x12: {  	s10 =	simm.s32 $0x80;
	s9 =	sadd.s32 s22, s26;
	[sflag:s6] =	ssyncadd.s32 $0xFFFFFFC0  }
0x13: {  	[tilespmem:s10], [sflag:$0x2] =	stream.linear.gather [hbm4b:s9+s3], $0x40, $0x38;
	[tilespmem:$0x16100] =	vst v63  }
0x14: {  	_ =	swait.ge [sflag:s6], $0x40  }
0x15: {  	s12 =	simm.s32 $0x40;
	s13 =	simm.s32 $0x100;
	[sflag:s6] =	ssyncset.done $0x0  }
0x16: {  	s14 =	simm.s32 $0x1;
	s11 =	sadd.s32 $0x124E00, s24;
	[sflag:s6] =	ssyncadd.s32 $0xFFFFFFC0  }
0x17: {  	[tilespmem:s13], [sflag:$0x1] =	stream.indirect.gather [hbm4b:s11+s12], $0x80, s3, s12, $0xb8;
	[tilespmem:$0x16100] =	vst v63  }
0x18: {  	_ =	swait.ge [sflag:s14], $0x2000  }
0x19: {  	[sflag:s14] =	ssyncset.done $0x0  }
0x1a: {  	[sflag:s14] =	ssyncadd.s32 $0xFFFFE000  }
0x1b: {  	[spmem:s2] =	stream.indirect.scatter.add.f32 [tilespmem:s13], [sflag:$0x2], $0x80, s10, s12, $0xb8;
	[tilespmem:$0x16100] =	vst v63  }
0x1c: {  	_ =	swait.ge [sflag:s6], $0x2000  }
0x1d: {  	s16 =	sadd.s32 $0x8, s26;
	[sflag:s6] =	ssyncset.done $0x0  }
0x1e: {  	s15 =	sadd.s32 s21, s16;
	[sflag:s6] =	ssyncadd.s32 $0xFFFFE000  }
0x1f: {  	[tilespmem:s3], [sflag:$0x2] =	stream.linear.gather [hbm4b:s15+s3], $0x40, $0x38;
	[tilespmem:$0x16100] =	vst v63  }
0x20: {  	_ =	swait.ge [sflag:s6], $0x40  }
0x21: {  	[sflag:s6] =	ssyncset.done $0x0  }
0x22: {  	s16 =	sadd.s32 s22, s16;
	[sflag:s6] =	ssyncadd.s32 $0xFFFFFFC0  }
0x23: {  	[tilespmem:s10], [sflag:$0x2] =	stream.linear.gather [hbm4b:s16+s3], $0x40, $0x38;
	[tilespmem:$0x16100] =	vst v63  }
0x24: {  	_ =	swait.ge [sflag:s6], $0x40  }
0x25: {  	[sflag:s6] =	ssyncset.done $0x0  }
0x26: {  	[sflag:s6] =	ssyncadd.s32 $0xFFFFFFC0  }
0x27: {  	[tilespmem:s13], [sflag:$0x1] =	stream.indirect.gather [hbm4b:s11+s12], $0x80, s3, s12, $0xb8;
	[tilespmem:$0x16100] =	vst v63  }
0x28: {  	_ =	swait.ge [sflag:s14], $0x2000  }
0x29: {  	[sflag:s14] =	ssyncset.done $0x0  }
0x2a: {  	[sflag:s14] =	ssyncadd.s32 $0xFFFFE000  }
0x2b: {  	[spmem:s2] =	stream.indirect.scatter.add.f32 [tilespmem:s13], [sflag:$0x2], $0x80, s10, s12, $0xb8;
	[tilespmem:$0x16100] =	vst v63  }
0x2c: {  	_ =	swait.ge [sflag:s6], $0x2000  }
0x2d: {  	s18 =	sadd.s32 $0x10, s26;
	[sflag:s6] =	ssyncset.done $0x0  }
0x2e: {  	s17 =	sadd.s32 s21, s18;
	[sflag:s6] =	ssyncadd.s32 $0xFFFFE000  }
0x2f: {  	[tilespmem:s3], [sflag:$0x2] =	stream.linear.gather [hbm4b:s17+s3], $0x40, $0x38;
	[tilespmem:$0x16100] =	vst v63  }
0x30: {  	_ =	swait.ge [sflag:s6], $0x40  }
0x31: {  	[sflag:s6] =	ssyncset.done $0x0  }
0x32: {  	s18 =	sadd.s32 s22, s18;
	[sflag:s6] =	ssyncadd.s32 $0xFFFFFFC0  }
0x33: {  	[tilespmem:s10], [sflag:$0x2] =	stream.linear.gather [hbm4b:s18+s3], $0x40, $0x38;
	[tilespmem:$0x16100] =	vst v63  }
0x34: {  	_ =	swait.ge [sflag:s6], $0x40  }
0x35: {  	[sflag:s6] =	ssyncset.done $0x0  }
0x36: {  	[sflag:s6] =	ssyncadd.s32 $0xFFFFFFC0  }
0x37: {  	[tilespmem:s13], [sflag:$0x1] =	stream.indirect.gather [hbm4b:s11+s12], $0x80, s3, s12, $0xb8;
	[tilespmem:$0x16100] =	vst v63  }
0x38: {  	_ =	swait.ge [sflag:s14], $0x2000  }
0x39: {  	[sflag:s14] =	ssyncset.done $0x0  }
0x3a: {  	[sflag:s14] =	ssyncadd.s32 $0xFFFFE000  }
0x3b: {  	[spmem:s2] =	stream.indirect.scatter.add.f32 [tilespmem:s13], [sflag:$0x2], $0x80, s10, s12, $0xb8;
	[tilespmem:$0x16100] =	vst v63  }
0x3c: {  	_ =	swait.ge [sflag:s6], $0x2000  }
0x3d: {  	s20 =	sadd.s32 $0x18, s26;
	[sflag:s6] =	ssyncset.done $0x0  }
0x3e: {  	s19 =	sadd.s32 s21, s20;
	[sflag:s6] =	ssyncadd.s32 $0xFFFFE000  }
0x3f: {  	[tilespmem:s3], [sflag:$0x2] =	stream.linear.gather [hbm4b:s19+s3], $0x40, $0x38;
	[tilespmem:$0x16100] =	vst v63  }
0x40: {  	_ =	swait.ge [sflag:s6], $0x40  }
0x41: {  	[sflag:s6] =	ssyncset.done $0x0  }
0x42: {  	s20 =	sadd.s32 s22, s20;
	[sflag:s6] =	ssyncadd.s32 $0xFFFFFFC0  }
0x43: {  	[tilespmem:s10], [sflag:$0x2] =	stream.linear.gather [hbm4b:s20+s3], $0x40, $0x38;
	[tilespmem:$0x16100] =	vst v63  }
0x44: {  	_ =	swait.ge [sflag:s6], $0x40  }
0x45: {  	[sflag:s6] =	ssyncset.done $0x0  }
0x46: {  	[sflag:s6] =	ssyncadd.s32 $0xFFFFFFC0  }
0x47: {  	[tilespmem:s13], [sflag:$0x1] =	stream.indirect.gather [hbm4b:s11+s12], $0x80, s3, s12, $0xb8;
	[tilespmem:$0x16100] =	vst v63  }
0x48: {  	_ =	swait.ge [sflag:s14], $0x2000  }
0x49: {  	[sflag:s14] =	ssyncset.done $0x0  }
0x4a: {  	[sflag:s14] =	ssyncadd.s32 $0xFFFFE000  }
0x4b: {  	[spmem:s2] =	stream.indirect.scatter.add.f32 [tilespmem:s13], [sflag:$0x2], $0x80, s10, s12, $0xb8;
	[tilespmem:$0x16100] =	vst v63  }
0x4c: {  	_ =	swait.ge [sflag:s6], $0x2000  }
0x4d: {  	s26 =	sadd.s32 $0x20, s26;
	[sflag:s6] =	ssyncset.done $0x0  }
0x4e: {  	s21 =	sadd.s32 s21, s26;
	[sflag:s6] =	ssyncadd.s32 $0xFFFFE000  }
0x4f: {  	[tilespmem:s3], [sflag:$0x2] =	stream.linear.gather [hbm4b:s21+s3], $0x40, $0x38;
	[tilespmem:$0x16100] =	vst v63  }
0x50: {  	_ =	swait.ge [sflag:s6], $0x40  }
0x51: {  	[sflag:s6] =	ssyncset.done $0x0  }
0x52: {  	s22 =	sadd.s32 s22, s26;
	[sflag:s6] =	ssyncadd.s32 $0xFFFFFFC0  }
0x53: {  	[tilespmem:s10], [sflag:$0x2] =	stream.linear.gather [hbm4b:s22+s3], $0x40, $0x38;
	[tilespmem:$0x16100] =	vst v63  }
0x54: {  	_ =	swait.ge [sflag:s6], $0x40  }
0x55: {  	[sflag:s6] =	ssyncset.done $0x0  }
0x56: {  	[sflag:s6] =	ssyncadd.s32 $0xFFFFFFC0  }
0x57: {  	[tilespmem:s13], [sflag:$0x1] =	stream.indirect.gather [hbm4b:s11+s12], $0x80, s3, s12, $0xb8;
	[tilespmem:$0x16100] =	vst v63  }
0x58: {  	s30 =	smul.u32 $0x28000, s25;
	s25 =	ssub.s32 $0x2, s25;
	_ =	swait.ge [sflag:s14], $0x2000  }
0x59: {  	s31 =	sshrl.u32 s25, $0x1;
	[sflag:s14] =	ssyncset.done $0x0  }
0x5a: {  	s25 =	ssub.s32 s25, s31;
	[sflag:s14] =	ssyncadd.s32 $0xFFFFE000  }
0x5b: {  	[spmem:s2] =	stream.indirect.scatter.add.f32 [tilespmem:s13], [sflag:$0x2], $0x80, s10, s12, $0xb8;
	[tilespmem:$0x16100] =	vst v63  }
0x5c: {  	s25 =	smax.u32 s25, $0x1;
	_ =	swait.ge [sflag:s6], $0x2000  }
0x5d: {  	s24 =	sadd.s32 s30, s24;
	p0 =	sne.s32 s25, $0x1;
	[sflag:s6] =	ssyncset.done $0x0  }
.Ltmp0:
0x5e: {  	s24 =	sadd.s32 $0x14C000, s24;
	[sflag:s6] =	ssyncadd.s32 $0xFFFFE000;
	(pc) =	sbr.rel @!p0 .LBB2_2-.Ltmp0, $4  }
0x5f: {  	s23 =	sadd.s32 s23, s24;
	[bflag:$0x0] =	sbarrier.arrive $0xFFFF  }
0x60: {  	[hbm:s23], [sflag:s5] =	dma.local [spmem:s7], $0x2800  }
0x61: {  	_ =	swait.ge [sflag:s6], $0x2800  }
0x62: {  	s24 =	sadd.s32 $0xFFFFFFFF, s25;
	[sflag:s6] =	ssyncset.done $0x0  }
.LBB2_1:
0x63: {  	p0 =	sne.s32 s24, $0x1;
	s24 =	sadd.s32 $0xFFFFFFFF, s24;
	[sflag:s6] =	ssyncadd.s32 $0xFFFFD800  }
0x64: {  	[spmem:s7], [sflag:s5] =	dma.local [hbm:s4], $0x2800  }
0x65: {  	_ =	swait.ge [sflag:s6], $0x2800  }
0x66: {  	[sflag:s6] =	ssyncset.done $0x0  }
0x67: {  	[sflag:s6] =	ssyncadd.s32 $0xFFFFD800  }
0x68: {  	[bflag:$0x0] =	sbarrier.arrive $0xFFFF  }
0x69: {  	[tilespmem:s3], [sflag:$0x2] =	stream.linear.gather [hbm4b:s8+s3], $0x40, $0x38;
	[tilespmem:$0x16100] =	vst v63  }
0x6a: {  	_ =	swait.ge [sflag:s6], $0x40  }
0x6b: {  	[sflag:s6] =	ssyncset.done $0x0  }
0x6c: {  	[sflag:s6] =	ssyncadd.s32 $0xFFFFFFC0  }
0x6d: {  	[tilespmem:s10], [sflag:$0x2] =	stream.linear.gather [hbm4b:s9+s3], $0x40, $0x38;
	[tilespmem:$0x16100] =	vst v63  }
0x6e: {  	_ =	swait.ge [sflag:s6], $0x40  }
0x6f: {  	[sflag:s6] =	ssyncset.done $0x0  }
0x70: {  	[sflag:s6] =	ssyncadd.s32 $0xFFFFFFC0  }
0x71: {  	[tilespmem:s13], [sflag:$0x1] =	stream.indirect.gather [hbm4b:s11+s12], $0x80, s3, s12, $0xb8;
	[tilespmem:$0x16100] =	vst v63  }
0x72: {  	_ =	swait.ge [sflag:s14], $0x2000  }
0x73: {  	[sflag:s14] =	ssyncset.done $0x0  }
0x74: {  	[sflag:s14] =	ssyncadd.s32 $0xFFFFE000  }
0x75: {  	[spmem:s2] =	stream.indirect.scatter.add.f32 [tilespmem:s13], [sflag:$0x2], $0x80, s10, s12, $0xb8;
	[tilespmem:$0x16100] =	vst v63  }
0x76: {  	_ =	swait.ge [sflag:s6], $0x2000  }
0x77: {  	[sflag:s6] =	ssyncset.done $0x0  }
0x78: {  	[sflag:s6] =	ssyncadd.s32 $0xFFFFE000  }
0x79: {  	[tilespmem:s3], [sflag:$0x2] =	stream.linear.gather [hbm4b:s15+s3], $0x40, $0x38;
	[tilespmem:$0x16100] =	vst v63  }
0x7a: {  	_ =	swait.ge [sflag:s6], $0x40  }
0x7b: {  	[sflag:s6] =	ssyncset.done $0x0  }
0x7c: {  	[sflag:s6] =	ssyncadd.s32 $0xFFFFFFC0  }
0x7d: {  	[tilespmem:s10], [sflag:$0x2] =	stream.linear.gather [hbm4b:s16+s3], $0x40, $0x38;
	[tilespmem:$0x16100] =	vst v63  }
0x7e: {  	_ =	swait.ge [sflag:s6], $0x40  }
0x7f: {  	[sflag:s6] =	ssyncset.done $0x0  }
0x80: {  	[sflag:s6] =	ssyncadd.s32 $0xFFFFFFC0  }
0x81: {  	[tilespmem:s13], [sflag:$0x1] =	stream.indirect.gather [hbm4b:s11+s12], $0x80, s3, s12, $0xb8;
	[tilespmem:$0x16100] =	vst v63  }
0x82: {  	_ =	swait.ge [sflag:s14], $0x2000  }
0x83: {  	[sflag:s14] =	ssyncset.done $0x0  }
0x84: {  	[sflag:s14] =	ssyncadd.s32 $0xFFFFE000  }
0x85: {  	[spmem:s2] =	stream.indirect.scatter.add.f32 [tilespmem:s13], [sflag:$0x2], $0x80, s10, s12, $0xb8;
	[tilespmem:$0x16100] =	vst v63  }
0x86: {  	_ =	swait.ge [sflag:s6], $0x2000  }
0x87: {  	[sflag:s6] =	ssyncset.done $0x0  }
0x88: {  	[sflag:s6] =	ssyncadd.s32 $0xFFFFE000  }
0x89: {  	[tilespmem:s3], [sflag:$0x2] =	stream.linear.gather [hbm4b:s17+s3], $0x40, $0x38;
	[tilespmem:$0x16100] =	vst v63  }
0x8a: {  	_ =	swait.ge [sflag:s6], $0x40  }
0x8b: {  	[sflag:s6] =	ssyncset.done $0x0  }
0x8c: {  	[sflag:s6] =	ssyncadd.s32 $0xFFFFFFC0  }
0x8d: {  	[tilespmem:s10], [sflag:$0x2] =	stream.linear.gather [hbm4b:s18+s3], $0x40, $0x38;
	[tilespmem:$0x16100] =	vst v63  }
0x8e: {  	_ =	swait.ge [sflag:s6], $0x40  }
0x8f: {  	[sflag:s6] =	ssyncset.done $0x0  }
0x90: {  	[sflag:s6] =	ssyncadd.s32 $0xFFFFFFC0  }
0x91: {  	[tilespmem:s13], [sflag:$0x1] =	stream.indirect.gather [hbm4b:s11+s12], $0x80, s3, s12, $0xb8;
	[tilespmem:$0x16100] =	vst v63  }
0x92: {  	_ =	swait.ge [sflag:s14], $0x2000  }
0x93: {  	[sflag:s14] =	ssyncset.done $0x0  }
0x94: {  	[sflag:s14] =	ssyncadd.s32 $0xFFFFE000  }
0x95: {  	[spmem:s2] =	stream.indirect.scatter.add.f32 [tilespmem:s13], [sflag:$0x2], $0x80, s10, s12, $0xb8;
	[tilespmem:$0x16100] =	vst v63  }
0x96: {  	_ =	swait.ge [sflag:s6], $0x2000  }
0x97: {  	[sflag:s6] =	ssyncset.done $0x0  }
0x98: {  	[sflag:s6] =	ssyncadd.s32 $0xFFFFE000  }
0x99: {  	[tilespmem:s3], [sflag:$0x2] =	stream.linear.gather [hbm4b:s19+s3], $0x40, $0x38;
	[tilespmem:$0x16100] =	vst v63  }
0x9a: {  	_ =	swait.ge [sflag:s6], $0x40  }
0x9b: {  	[sflag:s6] =	ssyncset.done $0x0  }
0x9c: {  	[sflag:s6] =	ssyncadd.s32 $0xFFFFFFC0  }
0x9d: {  	[tilespmem:s10], [sflag:$0x2] =	stream.linear.gather [hbm4b:s20+s3], $0x40, $0x38;
	[tilespmem:$0x16100] =	vst v63  }
0x9e: {  	_ =	swait.ge [sflag:s6], $0x40  }
0x9f: {  	[sflag:s6] =	ssyncset.done $0x0  }
0xa0: {  	[sflag:s6] =	ssyncadd.s32 $0xFFFFFFC0  }
0xa1: {  	[tilespmem:s13], [sflag:$0x1] =	stream.indirect.gather [hbm4b:s11+s12], $0x80, s3, s12, $0xb8;
	[tilespmem:$0x16100] =	vst v63  }
0xa2: {  	_ =	swait.ge [sflag:s14], $0x2000  }
0xa3: {  	[sflag:s14] =	ssyncset.done $0x0  }
0xa4: {  	[sflag:s14] =	ssyncadd.s32 $0xFFFFE000  }
0xa5: {  	[spmem:s2] =	stream.indirect.scatter.add.f32 [tilespmem:s13], [sflag:$0x2], $0x80, s10, s12, $0xb8;
	[tilespmem:$0x16100] =	vst v63  }
0xa6: {  	_ =	swait.ge [sflag:s6], $0x2000  }
0xa7: {  	[sflag:s6] =	ssyncset.done $0x0  }
0xa8: {  	[sflag:s6] =	ssyncadd.s32 $0xFFFFE000  }
0xa9: {  	[tilespmem:s3], [sflag:$0x2] =	stream.linear.gather [hbm4b:s21+s3], $0x40, $0x38;
	[tilespmem:$0x16100] =	vst v63  }
0xaa: {  	_ =	swait.ge [sflag:s6], $0x40  }
0xab: {  	[sflag:s6] =	ssyncset.done $0x0  }
0xac: {  	[sflag:s6] =	ssyncadd.s32 $0xFFFFFFC0  }
0xad: {  	[tilespmem:s10], [sflag:$0x2] =	stream.linear.gather [hbm4b:s22+s3], $0x40, $0x38;
	[tilespmem:$0x16100] =	vst v63  }
0xae: {  	_ =	swait.ge [sflag:s6], $0x40  }
0xaf: {  	[sflag:s6] =	ssyncset.done $0x0  }
0xb0: {  	[sflag:s6] =	ssyncadd.s32 $0xFFFFFFC0  }
0xb1: {  	[tilespmem:s13], [sflag:$0x1] =	stream.indirect.gather [hbm4b:s11+s12], $0x80, s3, s12, $0xb8;
	[tilespmem:$0x16100] =	vst v63  }
0xb2: {  	_ =	swait.ge [sflag:s14], $0x2000  }
0xb3: {  	[sflag:s14] =	ssyncset.done $0x0  }
0xb4: {  	[sflag:s14] =	ssyncadd.s32 $0xFFFFE000  }
0xb5: {  	[spmem:s2] =	stream.indirect.scatter.add.f32 [tilespmem:s13], [sflag:$0x2], $0x80, s10, s12, $0xb8;
	[tilespmem:$0x16100] =	vst v63  }
0xb6: {  	_ =	swait.ge [sflag:s6], $0x2000  }
0xb7: {  	[sflag:s6] =	ssyncset.done $0x0  }
.Ltmp1:
0xb8: {  	[sflag:s6] =	ssyncadd.s32 $0xFFFFE000;
	(pc) =	sbr.rel @p0 .LBB2_1-.Ltmp1, $4  }
0xb9: {  	[bflag:$0x0] =	sbarrier.arrive $0xFFFF  }
0xba: {  	[hbm:s23], [sflag:s5] =	dma.local [spmem:s7], $0x2800  }
0xbb: {  	_ =	swait.ge [sflag:s6], $0x2800  }
0xbc: {  	[sflag:s6] =	ssyncset.done $0x0  }
.LBB2_2:
0xbd: {  	[sflag:s6] =	ssyncadd.s32 $0xFFFFD800  }
0xbe: {  	_ =	sfence.sel $0x180000  }
0xbf: {  	[bflag:$0x0] =	sbarrier.arrive $0xFFFF  }
0xc0: {  	p0 =	sne.s32 s1, $0x0;
	_ =	strace $0x9000005C  }
0xc1: {  	s0 =	sadd.s32 @!p0 $0x100000, s0;
	[bflag:$0x2] =	sbarrier.arrive $0xFFFF  }
0xc2: {  	[sflag:s0] =	ssyncadd.tile.s32 @!p0 $0x1;
	_ =	shalt  }
.Lfunc_end2:
_tile_overlayer_lowered:
.L_overlay_start_2:
0xc3: {  	(tag) =	ssettag $0x2  }
0xc4: {  	s0 =	rddreg [dreg:$0x0];
	s2 =	stileid.u32  }
0xc5: {  	s1 =	rddreg [dreg:$0x1];
	p0 =	sne.s32 s2, $0x0  }
0xc6: {  	s3 =	rddreg [dreg:$0x2];
	[bflag:$0x3] =	sbarrier.arrive $0xFFFF;
	s2 =	simm.s32 @!p0 $0x1C02  }
0xc7: {  	[timem:s3], [sflag:s2] =	dma.local @!p0 [hbm:s0], s1  }
0xc8: {  	s0 =	simm.s32 @!p0 $0x2  }
0xc9: {  	_ =	swait.ge @!p0 [sflag:s0], s1  }
0xca: {  	s1 =	ssub.s32 @!p0 $0x0, s1;
	[sflag:s0] =	ssyncset.done @!p0 $0x0  }
0xcb: {  	[sflag:s0] =	ssyncadd.s32 @!p0 s1  }
0xcc: {  	[bflag:$0x3] =	sbarrier.arrive $0xFFFF  }
0xcd: {  	_ =	shalt  }

// kernel: kernel.59.cloned.1.call-start
scs
__scs_entry_jumppad:
0x0: {  	(pc) =	sbr.rel $0x88, $3  }
0x1: {  	(tag) =	ssettag $0x0;
	lr =	simm.s32 $0x1  }
0x2: {  	[smem:$0x3F89] =	sst lr;
	_ =	strace $0xD0000000  }
0x3: {  	_ = 	snop  }
0x4: {  	_ = 	snop  }
0x5: {  	_ = 	snop  }
0x6: {  	_ = 	snop  }
0x7: {  	_ = 	snop  }
__scs_overlays_trampoline_lowered:
0x8: {  	[smem:$0x3F98] =	sst s0  }
0x9: {  	[smem:$0x3F99] =	sst s1  }
0xa: {  	[smem:$0x3F9A] =	sst s2  }
0xb: {  	[smem:$0x3F9B] =	sst s3  }
0xc: {  	[smem:$0x3F9C] =	sst s4  }
0xd: {  	[smem:$0x3F9D] =	sst s5  }
0xe: {  	[smem:$0x3F9E] =	sst s6  }
0xf: {  	[smem:$0x3F9F] =	sst s7  }
0x10: {  	[smem:$0x3FA0] =	sst s8  }
0x11: {  	[smem:$0x3FA1] =	sst s9;
	s0 =	simm.s32 @!p0 $0x0  }
0x12: {  	s1 =	sld [smem:$0x3F87];
	s0 =	simm.s32 @p0 $0x1  }
0x13: {  	[smem:$0x3FA2] =	sst s0;
	s0 =	simm.s32 @!p1 $0x0  }
0x14: {  	s2 =	sld [smem:$0x3F86];
	s0 =	simm.s32 @p1 $0x1  }
0x15: {  	[smem:$0x3FA3] =	sst s0;
	s0 =	simm.s32 @!p2 $0x0  }
0x16: {  	s3 =	sld [smem:$0x3FDB];
	s0 =	simm.s32 @p2 $0x1  }
0x17: {  	s4 =	simm.s32 $0x1BF5;
	[smem:$0x3FA5] =	sst s0  }
0x18: {  	s0 =	sld [smem:$0x3F88];
	_ =	swait.ge [sflag:s4], $0x0  }
0x19: {  	s7 =	sld [smem:$0x3F89]  }
0x1a: {  	s8 =	sadd.s32 $0xFFFFE003, lr  }
0x1b: {  	s9 =	sadd.s32 $0xFFFFFEF7, lr;
	s5 =	simm.s32 $0xFFFFFFFF;
	p2 =	slt.u32 s8, $0xFFFFF086  }
0x1c: {  	p1 =	slt.u32 s9, $0xF7A;
	s5 =	simm.s32 @!p2 $0x0  }
0x1d: {  	s5 =	simm.s32 @p1 $0x1;
	p0 =	seq.s32 s7, s2  }
0x1e: {  	s7 =	smul.u32 @!p0 $0xF7A, s2;
	p2 =	seq.s32 @!p0 s5, $0x0  }
0x1f: {  	s9 =	smul.u32 $0xF7A, s1;
	s8 =	simm.s32 @!p0 $0x1BF5;
	p2 =	por !p2, p0  }
0x20: {  	[sflag:s8] =	ssyncset.s32 @!p0 $0xFFFFF086;
	s6 =	sadd.s32 @!p0 s3, s7;
	s7 =	simm.s32 @!p0 $0x108  }
0x21: {  	s3 =	sadd.s32 s3, s9;
	s6 =	sadd.s32 @!p0 $0x88, s6;
	s7 =	simm.s32 @p2 $0x1082  }
0x22: {  	[simem:s7], [sflag:s8] =	dma.local @!p0 [hbm:s6], $0xF7A  }
0x23: {  	s9 =	sor.u32 $0xD0000000, s2;
	s6 =	simm.s32 $0x108;
	_ =	swait.ge @!p0 [sflag:s8], $0x0  }
0x24: {  	s3 =	sadd.s32 $0x88, s3;
	s6 =	simm.s32 @!p1 $0x1082;
	[sflag:s4] =	ssyncset.s32 $0xFFFFF086  }
0x25: {  	[simem:s6], [sflag:s4] =	dma.local [hbm:s3], $0xF7A  }
0x26: {  	[smem:$0x3F89] =	sst s1;
	(tag) =	ssettag s2;
	_ =	strace s9  }
0x27: {  	s1 =	sld [smem:$0x3F99]  }
0x28: {  	s2 =	sld [smem:$0x3F9A]  }
0x29: {  	s4 =	sld [smem:$0x3F9C]  }
0x2a: {  	p0 =	seq.s32 s5, $0x0;
	s5 =	sld [smem:$0x3F9D]  }
0x2b: {  	s6 =	sld [smem:$0x3F9E]  }
0x2c: {  	s7 =	sld [smem:$0x3F9F]  }
0x2d: {  	s3 =	simm.s32 $0x108;
	s8 =	sld [smem:$0x3FA0]  }
0x2e: {  	s3 =	simm.s32 @!p0 $0x1082;
	s9 =	sld [smem:$0x3FA1]  }
0x2f: {  	lr =	sadd.s32 s0, s3;
	s0 =	sld [smem:$0x3F98]  }
0x30: {  	s3 =	sld [smem:$0x3F9B]  }
0x31: {  	[smem:$0x3FA4] =	sst s10  }
0x32: {  	s10 =	sld [smem:$0x3FA2];
	_ =	sdelay $0x3  }
0x33: {  	p0 =	seq.s32 s10, $0x1;
	s10 =	sld [smem:$0x3FA4];
	_ =	sdelay $0x3  }
0x34: {  	[smem:$0x3FA4] =	sst s10  }
0x35: {  	s10 =	sld [smem:$0x3FA3];
	_ =	sdelay $0x3  }
0x36: {  	p1 =	seq.s32 s10, $0x1;
	s10 =	sld [smem:$0x3FA4];
	_ =	sdelay $0x3  }
0x37: {  	[smem:$0x3FA4] =	sst s10  }
0x38: {  	s10 =	sld [smem:$0x3FA5]  }
0x39: {  	_ = 	snop;
	(pc) =	sbr.ind lr, $3  }
0x3a: {  	_ = 	snop  }
0x3b: {  	_ = 	snop  }
0x3c: {  	p2 =	seq.s32 s10, $0x1;
	s10 =	sld [smem:$0x3FA4]  }
0x3d: {  	_ =	shalt  }
0x3e: {  	_ =	shalt  }
0x3f: {  	_ =	shalt  }
0x40: {  	_ =	shalt  }
0x41: {  	_ =	shalt  }
0x42: {  	_ =	shalt  }
0x43: {  	_ =	shalt  }
0x44: {  	_ =	shalt  }
0x45: {  	_ =	shalt  }
0x46: {  	_ =	shalt  }
0x47: {  	_ =	shalt  }
0x48: {  	_ =	shalt  }
0x49: {  	_ =	shalt  }
0x4a: {  	_ =	shalt  }
0x4b: {  	_ =	shalt  }
0x4c: {  	_ =	shalt  }
0x4d: {  	_ =	shalt  }
0x4e: {  	_ =	shalt  }
0x4f: {  	_ =	shalt  }
0x50: {  	_ =	shalt  }
0x51: {  	_ =	shalt  }
0x52: {  	_ =	shalt  }
0x53: {  	_ =	shalt  }
0x54: {  	_ =	shalt  }
0x55: {  	_ =	shalt  }
0x56: {  	_ =	shalt  }
0x57: {  	_ =	shalt  }
0x58: {  	_ =	shalt  }
0x59: {  	_ =	shalt  }
0x5a: {  	_ =	shalt  }
0x5b: {  	_ =	shalt  }
0x5c: {  	_ =	shalt  }
0x5d: {  	_ =	shalt  }
0x5e: {  	_ =	shalt  }
0x5f: {  	_ =	shalt  }
0x60: {  	_ =	shalt  }
0x61: {  	_ =	shalt  }
0x62: {  	_ =	shalt  }
0x63: {  	_ =	shalt  }
0x64: {  	_ =	shalt  }
0x65: {  	_ =	shalt  }
0x66: {  	_ =	shalt  }
0x67: {  	_ =	shalt  }
0x68: {  	_ =	shalt  }
0x69: {  	_ =	shalt  }
0x6a: {  	_ =	shalt  }
0x6b: {  	_ =	shalt  }
0x6c: {  	_ =	shalt  }
0x6d: {  	_ =	shalt  }
0x6e: {  	_ =	shalt  }
0x6f: {  	_ =	shalt  }
0x70: {  	_ =	shalt  }
0x71: {  	_ =	shalt  }
0x72: {  	_ =	shalt  }
0x73: {  	_ =	shalt  }
0x74: {  	_ =	shalt  }
0x75: {  	_ =	shalt  }
0x76: {  	_ =	shalt  }
0x77: {  	_ =	shalt  }
0x78: {  	_ =	shalt  }
0x79: {  	_ =	shalt  }
0x7a: {  	_ =	shalt  }
0x7b: {  	_ =	shalt  }
0x7c: {  	_ =	shalt  }
0x7d: {  	_ =	shalt  }
0x7e: {  	_ =	shalt  }
0x7f: {  	_ =	shalt  }
0x80: {  	_ =	shalt  }
0x81: {  	_ =	shalt  }
0x82: {  	_ =	shalt  }
0x83: {  	_ =	shalt  }
0x84: {  	_ =	shalt  }
0x85: {  	_ =	shalt  }
0x86: {  	_ =	shalt  }
0x87: {  	_ =	shalt  }
.Lfunc_end0:
.L_simem_size_0:
called_computation.11_lowered:
.L_overlay_start_0:
0x88: {  	s2 =	sld [smem:$0x3FD9]  }
0x89: {  	s3 =	sld [smem:$0x3FFE];
	_ =	sdelay $0x1  }
0x8a: {  	s1 =	srdreg.scid  }
0x8b: {  	s0 =	sand.u32 $0x1, s1  }
0x8c: {  	s17 =	sshll.u32 s0, $0xA;
	s2 =	sadd.s32 s3, s2  }
0x8d: {  	s2 =	sadd.s32 s2, s17  }
0x8e: {  	[smem:$0x3FB0] =	sst s2  }
0x8f: {  	_ = 	snop  }
0x90: {  	(tm) =	ssettm $0x1  }
0x91: {  	s18 =	sld [smem:$0x3FFB];
	_ =	sdelay $0x3  }
0x92: {  	_ =	strace s18  }
0x93: {  	s2 =	sld [smem:$0x3FFC];
	_ =	sdelay $0x3  }
0x94: {  	_ =	strace s2  }
0x95: {  	s2 =	sld [smem:$0x3FFD];
	_ =	sdelay $0x3  }
0x96: {  	_ =	strace s2  }
0x97: {  	_ =	strace $0x8FFFFFFF  }
0x98: {  	s19 =	sld [smem:$0x3FDB];
	_ =	sdelay $0x1  }
0x99: {  	s20 =	simm.s32 $_scs_section_size  }
0x9a: {  	s4 =	simm.s32 $_size__tile_overlayer_lowered;
	s5 =	simm.s32 $_tile_overlayer_lowered  }
0x9b: {  	s6 =	simm.s32 $0x1BFF;
	s21 =	sshll.u32 s5, $0x1;
	s3 =	sadd.s32 s20, s19  }
0x9c: {  	s22 =	simm.s32 $0x0;
	s4 =	sshll.u32 s4, $0x1;
	s5 =	sadd.s32 s21, s3  }
0x9d: {  	[timem:s22], [sflag:s6] =	dma.local [hbm:s5], s4  }
0x9e: {  	_ =	swait.ge [sflag:s6], s4  }
0x9f: {  	s4 =	ssub.s32 $0x0, s4;
	[sflag:s6] =	ssyncset.done $0x0  }
0xa0: {  	[sflag:s6] =	ssyncadd.s32 s4;
	_ =	sdelay $0x1  }
0xa1: {  	s23 =	simm.s32 $0x1B8B  }
0xa2: {  	_ =	swait.ge [sflag:s23], $0x1  }
0xa3: {  	[sflag:s23] =	ssyncset.done $0x0  }
0xa4: {  	[sflag:s23] =	ssyncadd.s32 $0xFFFFFFFF  }
0xa5: {  	s4 =	sld [smem:$0x0]  }
0xa6: {  	s5 =	sand.u32 $0xFFFFFFFE, s1  }
0xa7: {  	p0 =	sne.s32 s1, s5  }
0xa8: {  	s5 =	sshll.u32 @p0 s5, $0xE  }
0xa9: {  	s5 =	sadd.s32 @p0 $0x11B8D, s5;
	s6 =	sshll.u32 @p0 s4, $0x11  }
0xaa: {  	s5 =	sor.u32 @p0 s6, s5  }
0xab: {  	[sflag:s5] =	ssyncadd.remote.s32 @p0 $0x1;
	_ =	sdelay $0x1  }
0xac: {  	s5 =	simm.s32 @p0 $0x1B8D  }
0xad: {  	_ =	swait.eq @p0 [sflag:s5], $0x1  }
0xae: {  	[sflag:s5] =	ssyncadd.s32 @p0 $0xFFFFFFFF  }
0xaf: {  	s6 =	sshll.u32 @!p0 s1, $0xE  }
0xb0: {  	s6 =	sor.u32 @!p0 $0x4000, s6;
	s5 =	simm.s32 @!p0 $0x1B8D  }
0xb1: {  	s4 =	sshll.u32 @!p0 s4, $0x11;
	s6 =	sadd.s32 @!p0 $0x11B8D, s6;
	_ =	swait.eq @!p0 [sflag:s5], $0x1  }
0xb2: {  	s4 =	sor.u32 @!p0 s4, s6;
	[sflag:s5] =	ssyncadd.s32 @!p0 $0xFFFFFFFF  }
0xb3: {  	s25 =	simm.s32 $0x1B8E;
	s24 =	sld [smem:$0x3FFE];
	[sflag:s4] =	ssyncadd.remote.s32 @!p0 $0x1  }
0xb4: {  	s26 =	simm.s32 $execute0_lowered;
	[smem:$0x3FD2] =	sst s25  }
0xb5: {  	s5 =	sshll.u32 s26, $0x1;
	_ =	strace $0x80000067;
	[dreg:$0x1] =	wrdreg $0xFFFFFFFF  }
0xb6: {  	s28 =	simm.s32 $_size_execute0_lowered;
	s3 =	sadd.s32 s3, s5;
	[dreg:$0x0] =	wrdreg $0x0  }
0xb7: {  	s5 =	sshll.u32 s28, $0x1;
	[dreg:$0x2] =	wrdreg s3  }
0xb8: {  	[dreg:$0x3] =	wrdreg s5  }
0xb9: {  	[dreg:$0x4] =	wrdreg $0xC0  }
0xba: {  	_ =	task [dreg:s22], $0x5FFFF  }
0xbb: {  	[dreg:$0x1] =	wrdreg $0xFFFFFFFF  }
0xbc: {  	[dreg:$0x0] =	wrdreg $0x60  }
0xbd: {  	[dreg:$0x2] =	wrdreg s24  }
0xbe: {  	[dreg:$0x3] =	wrdreg $0x21000  }
0xbf: {  	[dreg:$0x4] =	wrdreg $0xC  }
0xc0: {  	_ =	task.clear_ibuf [dreg:s22], $0x5FFFF;
	_ =	strace $0x90000067  }
0xc1: {  	s29 =	simm.s32 $0xC;
	_ =	strace $0x80000069  }
0xc2: {  	_ =	swait.ge [sflag:s29], $0x1  }
0xc3: {  	[sflag:s29] =	ssyncadd.s32 $0xFFFFFFFF  }
0xc4: {  	_ =	strace $0x90000069  }
0xc5: {  	_ =	sfence  }
0xc6: {  	s30 =	sld [smem:$0x0];
	_ =	sdelay $0x2  }
0xc7: {  	s31 =	sshll.u32 s1, $0xD;
	s1 =	sshrl.u32 s1, $0x2  }
0xc8: {  	s4 =	sand.u32 $0x4000, s31;
	s1 =	sadd.s32 s1, s30  }
0xc9: {  	s0 =	sor.u32 s4, s0;
	s1 =	sshll.u32 s1, $0x11  }
0xca: {  	s0 =	sor.u32 s1, s0  }
0xcb: {  	s0 =	sadd.s32 $0x8F2B, s0  }
0xcc: {  	[sflag:s0] =	ssyncadd.remote.s32 $0x1  }
0xcd: {  	_ =	sfence.sel $0xFFFF  }
0xce: {  	[dreg:$0x0] =	wrdreg $0xFFFFFFFF;
	(pc) =	sbr.abs _section_cstart, $3  }
0xcf: {  	[dreg:$0x1] =	wrdreg $0xFFFFFFFF  }
0xd0: {  	_ =	task.clear_ibuf [dreg:s22], $0x2FFFF;
	_ =	strace $0x9FFFFFFF  }
0xd1: {  	(tm) =	ssettm $0x7FFFFFFF  }
tec
execute0_lowered:
.L_overlay_start_1:
0x0: {  	(tag) =	ssettag $0x1  }
0x1: {  	s24 =	rddreg [dreg:$0x0]  }
0x2: {  	s2 =	rddreg [dreg:$0x1]  }
0x3: {  	s0 =	rddreg [dreg:$0x2];
	s1 =	stileid.u32  }
0x4: {  	s3 =	simm.s32 $0x0;
	s4 =	srdreg.scid;
	s23 =	smul.u32 $0x2800, s1  }
0x5: {  	[smem:$0x7FF] =	sst s3;
	s28 =	smul.u32 $0x50000, s1  }
0x6: {  	s25 =	sand.u32 $0x1, s4;
	s29 =	sshll.u32 s1, $0x6;
	_ =	strace $0x80000068  }
0x7: {  	s5 =	sshll.u32 s25, $0x4;
	s6 =	sadd.s32 s23, s24;
	s4 =	sshrl.u32 s28, $0x2  }
0x8: {  	s8 =	sor.u32 s1, s5;
	s5 =	sor.u32 $0x1C02, s29;
	s7 =	sadd.s32 s4, s2  }
0x9: {  	s4 =	sadd.s32 $0x21400, s6;
	s6 =	simm.s32 $0x2;
	s7 =	sshrl.u32 s7, $0x3  }
0xa: {  	[spmem:s7], [sflag:s5] =	dma.local [hbm:s4], $0x2800  }
0xb: {  	s8 =	smul.u32 $0x140, s8;
	_ =	swait.ge [sflag:s6], $0x2800  }
0xc: {  	[sflag:s6] =	ssyncset.done $0x0  }
0xd: {  	s21 =	sadd.s32 $0xFD000, s24;
	s26 =	sshrl.u32 s8, $0x3;
	[sflag:s6] =	ssyncadd.s32 $0xFFFFD800  }
0xe: {  	s8 =	sadd.s32 s21, s26;
	[bflag:$0x0] =	sbarrier.arrive $0xFFFF  }
0xf: {  	[tilespmem:s3], [sflag:$0x2] =	stream.linear.gather [hbm4b:s8+s3], $0x40, $0x38;
	[tilespmem:$0x16100] =	vst v63  }
0x10: {  	_ =	swait.ge [sflag:s6], $0x40  }
0x11: {  	s22 =	sadd.s32 $0xFD600, s24;
	[sflag:s6] =	ssyncset.done $0x0  }
0x12: {  	s10 =	simm.s32 $0x80;
	s9 =	sadd.s32 s22, s26;
	[sflag:s6] =	ssyncadd.s32 $0xFFFFFFC0  }
0x13: {  	[tilespmem:s10], [sflag:$0x2] =	stream.linear.gather [hbm4b:s9+s3], $0x40, $0x38;
	[tilespmem:$0x16100] =	vst v63  }
0x14: {  	_ =	swait.ge [sflag:s6], $0x40  }
0x15: {  	s12 =	simm.s32 $0x40;
	s13 =	simm.s32 $0x100;
	[sflag:s6] =	ssyncset.done $0x0  }
0x16: {  	s14 =	simm.s32 $0x1;
	s11 =	sadd.s32 $0x124E00, s24;
	[sflag:s6] =	ssyncadd.s32 $0xFFFFFFC0  }
0x17: {  	[tilespmem:s13], [sflag:$0x1] =	stream.indirect.gather [hbm4b:s11+s12], $0x80, s3, s12, $0xb8;
	[tilespmem:$0x16100] =	vst v63  }
0x18: {  	_ =	swait.ge [sflag:s14], $0x2000  }
0x19: {  	[sflag:s14] =	ssyncset.done $0x0  }
0x1a: {  	[sflag:s14] =	ssyncadd.s32 $0xFFFFE000  }
0x1b: {  	[spmem:s2] =	stream.indirect.scatter.add.f32 [tilespmem:s13], [sflag:$0x2], $0x80, s10, s12, $0xb8;
	[tilespmem:$0x16100] =	vst v63  }
0x1c: {  	_ =	swait.ge [sflag:s6], $0x2000  }
0x1d: {  	s16 =	sadd.s32 $0x8, s26;
	[sflag:s6] =	ssyncset.done $0x0  }
0x1e: {  	s15 =	sadd.s32 s21, s16;
	[sflag:s6] =	ssyncadd.s32 $0xFFFFE000  }
0x1f: {  	[tilespmem:s3], [sflag:$0x2] =	stream.linear.gather [hbm4b:s15+s3], $0x40, $0x38;
	[tilespmem:$0x16100] =	vst v63  }
0x20: {  	_ =	swait.ge [sflag:s6], $0x40  }
0x21: {  	[sflag:s6] =	ssyncset.done $0x0  }
0x22: {  	s16 =	sadd.s32 s22, s16;
	[sflag:s6] =	ssyncadd.s32 $0xFFFFFFC0  }
0x23: {  	[tilespmem:s10], [sflag:$0x2] =	stream.linear.gather [hbm4b:s16+s3], $0x40, $0x38;
	[tilespmem:$0x16100] =	vst v63  }
0x24: {  	_ =	swait.ge [sflag:s6], $0x40  }
0x25: {  	[sflag:s6] =	ssyncset.done $0x0  }
0x26: {  	[sflag:s6] =	ssyncadd.s32 $0xFFFFFFC0  }
0x27: {  	[tilespmem:s13], [sflag:$0x1] =	stream.indirect.gather [hbm4b:s11+s12], $0x80, s3, s12, $0xb8;
	[tilespmem:$0x16100] =	vst v63  }
0x28: {  	_ =	swait.ge [sflag:s14], $0x2000  }
0x29: {  	[sflag:s14] =	ssyncset.done $0x0  }
0x2a: {  	[sflag:s14] =	ssyncadd.s32 $0xFFFFE000  }
0x2b: {  	[spmem:s2] =	stream.indirect.scatter.add.f32 [tilespmem:s13], [sflag:$0x2], $0x80, s10, s12, $0xb8;
	[tilespmem:$0x16100] =	vst v63  }
0x2c: {  	_ =	swait.ge [sflag:s6], $0x2000  }
0x2d: {  	s18 =	sadd.s32 $0x10, s26;
	[sflag:s6] =	ssyncset.done $0x0  }
0x2e: {  	s17 =	sadd.s32 s21, s18;
	[sflag:s6] =	ssyncadd.s32 $0xFFFFE000  }
0x2f: {  	[tilespmem:s3], [sflag:$0x2] =	stream.linear.gather [hbm4b:s17+s3], $0x40, $0x38;
	[tilespmem:$0x16100] =	vst v63  }
0x30: {  	_ =	swait.ge [sflag:s6], $0x40  }
0x31: {  	[sflag:s6] =	ssyncset.done $0x0  }
0x32: {  	s18 =	sadd.s32 s22, s18;
	[sflag:s6] =	ssyncadd.s32 $0xFFFFFFC0  }
0x33: {  	[tilespmem:s10], [sflag:$0x2] =	stream.linear.gather [hbm4b:s18+s3], $0x40, $0x38;
	[tilespmem:$0x16100] =	vst v63  }
0x34: {  	_ =	swait.ge [sflag:s6], $0x40  }
0x35: {  	[sflag:s6] =	ssyncset.done $0x0  }
0x36: {  	[sflag:s6] =	ssyncadd.s32 $0xFFFFFFC0  }
0x37: {  	[tilespmem:s13], [sflag:$0x1] =	stream.indirect.gather [hbm4b:s11+s12], $0x80, s3, s12, $0xb8;
	[tilespmem:$0x16100] =	vst v63  }
0x38: {  	_ =	swait.ge [sflag:s14], $0x2000  }
0x39: {  	[sflag:s14] =	ssyncset.done $0x0  }
0x3a: {  	[sflag:s14] =	ssyncadd.s32 $0xFFFFE000  }
0x3b: {  	[spmem:s2] =	stream.indirect.scatter.add.f32 [tilespmem:s13], [sflag:$0x2], $0x80, s10, s12, $0xb8;
	[tilespmem:$0x16100] =	vst v63  }
0x3c: {  	_ =	swait.ge [sflag:s6], $0x2000  }
0x3d: {  	s20 =	sadd.s32 $0x18, s26;
	[sflag:s6] =	ssyncset.done $0x0  }
0x3e: {  	s19 =	sadd.s32 s21, s20;
	[sflag:s6] =	ssyncadd.s32 $0xFFFFE000  }
0x3f: {  	[tilespmem:s3], [sflag:$0x2] =	stream.linear.gather [hbm4b:s19+s3], $0x40, $0x38;
	[tilespmem:$0x16100] =	vst v63  }
0x40: {  	_ =	swait.ge [sflag:s6], $0x40  }
0x41: {  	[sflag:s6] =	ssyncset.done $0x0  }
0x42: {  	s20 =	sadd.s32 s22, s20;
	[sflag:s6] =	ssyncadd.s32 $0xFFFFFFC0  }
0x43: {  	[tilespmem:s10], [sflag:$0x2] =	stream.linear.gather [hbm4b:s20+s3], $0x40, $0x38;
	[tilespmem:$0x16100] =	vst v63  }
0x44: {  	_ =	swait.ge [sflag:s6], $0x40  }
0x45: {  	[sflag:s6] =	ssyncset.done $0x0  }
0x46: {  	[sflag:s6] =	ssyncadd.s32 $0xFFFFFFC0  }
0x47: {  	[tilespmem:s13], [sflag:$0x1] =	stream.indirect.gather [hbm4b:s11+s12], $0x80, s3, s12, $0xb8;
	[tilespmem:$0x16100] =	vst v63  }
0x48: {  	_ =	swait.ge [sflag:s14], $0x2000  }
0x49: {  	[sflag:s14] =	ssyncset.done $0x0  }
0x4a: {  	[sflag:s14] =	ssyncadd.s32 $0xFFFFE000  }
0x4b: {  	[spmem:s2] =	stream.indirect.scatter.add.f32 [tilespmem:s13], [sflag:$0x2], $0x80, s10, s12, $0xb8;
	[tilespmem:$0x16100] =	vst v63  }
0x4c: {  	_ =	swait.ge [sflag:s6], $0x2000  }
0x4d: {  	s26 =	sadd.s32 $0x20, s26;
	[sflag:s6] =	ssyncset.done $0x0  }
0x4e: {  	s21 =	sadd.s32 s21, s26;
	[sflag:s6] =	ssyncadd.s32 $0xFFFFE000  }
0x4f: {  	[tilespmem:s3], [sflag:$0x2] =	stream.linear.gather [hbm4b:s21+s3], $0x40, $0x38;
	[tilespmem:$0x16100] =	vst v63  }
0x50: {  	_ =	swait.ge [sflag:s6], $0x40  }
0x51: {  	[sflag:s6] =	ssyncset.done $0x0  }
0x52: {  	s22 =	sadd.s32 s22, s26;
	[sflag:s6] =	ssyncadd.s32 $0xFFFFFFC0  }
0x53: {  	[tilespmem:s10], [sflag:$0x2] =	stream.linear.gather [hbm4b:s22+s3], $0x40, $0x38;
	[tilespmem:$0x16100] =	vst v63  }
0x54: {  	_ =	swait.ge [sflag:s6], $0x40  }
0x55: {  	[sflag:s6] =	ssyncset.done $0x0  }
0x56: {  	[sflag:s6] =	ssyncadd.s32 $0xFFFFFFC0  }
0x57: {  	[tilespmem:s13], [sflag:$0x1] =	stream.indirect.gather [hbm4b:s11+s12], $0x80, s3, s12, $0xb8;
	[tilespmem:$0x16100] =	vst v63  }
0x58: {  	s30 =	smul.u32 $0x28000, s25;
	s25 =	ssub.s32 $0x2, s25;
	_ =	swait.ge [sflag:s14], $0x2000  }
0x59: {  	s31 =	sshrl.u32 s25, $0x1;
	[sflag:s14] =	ssyncset.done $0x0  }
0x5a: {  	s25 =	ssub.s32 s25, s31;
	[sflag:s14] =	ssyncadd.s32 $0xFFFFE000  }
0x5b: {  	[spmem:s2] =	stream.indirect.scatter.add.f32 [tilespmem:s13], [sflag:$0x2], $0x80, s10, s12, $0xb8;
	[tilespmem:$0x16100] =	vst v63  }
0x5c: {  	s25 =	smax.u32 s25, $0x1;
	_ =	swait.ge [sflag:s6], $0x2000  }
0x5d: {  	s24 =	sadd.s32 s30, s24;
	p0 =	sne.s32 s25, $0x1;
	[sflag:s6] =	ssyncset.done $0x0  }
.Ltmp0:
0x5e: {  	s24 =	sadd.s32 $0x14C000, s24;
	[sflag:s6] =	ssyncadd.s32 $0xFFFFE000;
	(pc) =	sbr.rel @!p0 .LBB2_2-.Ltmp0, $4  }
0x5f: {  	s23 =	sadd.s32 s23, s24;
	[bflag:$0x0] =	sbarrier.arrive $0xFFFF  }
0x60: {  	[hbm:s23], [sflag:s5] =	dma.local [spmem:s7], $0x2800  }
0x61: {  	_ =	swait.ge [sflag:s6], $0x2800  }
0x62: {  	s24 =	sadd.s32 $0xFFFFFFFF, s25;
	[sflag:s6] =	ssyncset.done $0x0  }
.LBB2_1:
0x63: {  	p0 =	sne.s32 s24, $0x1;
	s24 =	sadd.s32 $0xFFFFFFFF, s24;
	[sflag:s6] =	ssyncadd.s32 $0xFFFFD800  }
0x64: {  	[spmem:s7], [sflag:s5] =	dma.local [hbm:s4], $0x2800  }
0x65: {  	_ =	swait.ge [sflag:s6], $0x2800  }
0x66: {  	[sflag:s6] =	ssyncset.done $0x0  }
0x67: {  	[sflag:s6] =	ssyncadd.s32 $0xFFFFD800  }
0x68: {  	[bflag:$0x0] =	sbarrier.arrive $0xFFFF  }
0x69: {  	[tilespmem:s3], [sflag:$0x2] =	stream.linear.gather [hbm4b:s8+s3], $0x40, $0x38;
	[tilespmem:$0x16100] =	vst v63  }
0x6a: {  	_ =	swait.ge [sflag:s6], $0x40  }
0x6b: {  	[sflag:s6] =	ssyncset.done $0x0  }
0x6c: {  	[sflag:s6] =	ssyncadd.s32 $0xFFFFFFC0  }
0x6d: {  	[tilespmem:s10], [sflag:$0x2] =	stream.linear.gather [hbm4b:s9+s3], $0x40, $0x38;
	[tilespmem:$0x16100] =	vst v63  }
0x6e: {  	_ =	swait.ge [sflag:s6], $0x40  }
0x6f: {  	[sflag:s6] =	ssyncset.done $0x0  }
0x70: {  	[sflag:s6] =	ssyncadd.s32 $0xFFFFFFC0  }
0x71: {  	[tilespmem:s13], [sflag:$0x1] =	stream.indirect.gather [hbm4b:s11+s12], $0x80, s3, s12, $0xb8;
	[tilespmem:$0x16100] =	vst v63  }
0x72: {  	_ =	swait.ge [sflag:s14], $0x2000  }
0x73: {  	[sflag:s14] =	ssyncset.done $0x0  }
0x74: {  	[sflag:s14] =	ssyncadd.s32 $0xFFFFE000  }
0x75: {  	[spmem:s2] =	stream.indirect.scatter.add.f32 [tilespmem:s13], [sflag:$0x2], $0x80, s10, s12, $0xb8;
	[tilespmem:$0x16100] =	vst v63  }
0x76: {  	_ =	swait.ge [sflag:s6], $0x2000  }
0x77: {  	[sflag:s6] =	ssyncset.done $0x0  }
0x78: {  	[sflag:s6] =	ssyncadd.s32 $0xFFFFE000  }
0x79: {  	[tilespmem:s3], [sflag:$0x2] =	stream.linear.gather [hbm4b:s15+s3], $0x40, $0x38;
	[tilespmem:$0x16100] =	vst v63  }
0x7a: {  	_ =	swait.ge [sflag:s6], $0x40  }
0x7b: {  	[sflag:s6] =	ssyncset.done $0x0  }
0x7c: {  	[sflag:s6] =	ssyncadd.s32 $0xFFFFFFC0  }
0x7d: {  	[tilespmem:s10], [sflag:$0x2] =	stream.linear.gather [hbm4b:s16+s3], $0x40, $0x38;
	[tilespmem:$0x16100] =	vst v63  }
0x7e: {  	_ =	swait.ge [sflag:s6], $0x40  }
0x7f: {  	[sflag:s6] =	ssyncset.done $0x0  }
0x80: {  	[sflag:s6] =	ssyncadd.s32 $0xFFFFFFC0  }
0x81: {  	[tilespmem:s13], [sflag:$0x1] =	stream.indirect.gather [hbm4b:s11+s12], $0x80, s3, s12, $0xb8;
	[tilespmem:$0x16100] =	vst v63  }
0x82: {  	_ =	swait.ge [sflag:s14], $0x2000  }
0x83: {  	[sflag:s14] =	ssyncset.done $0x0  }
0x84: {  	[sflag:s14] =	ssyncadd.s32 $0xFFFFE000  }
0x85: {  	[spmem:s2] =	stream.indirect.scatter.add.f32 [tilespmem:s13], [sflag:$0x2], $0x80, s10, s12, $0xb8;
	[tilespmem:$0x16100] =	vst v63  }
0x86: {  	_ =	swait.ge [sflag:s6], $0x2000  }
0x87: {  	[sflag:s6] =	ssyncset.done $0x0  }
0x88: {  	[sflag:s6] =	ssyncadd.s32 $0xFFFFE000  }
0x89: {  	[tilespmem:s3], [sflag:$0x2] =	stream.linear.gather [hbm4b:s17+s3], $0x40, $0x38;
	[tilespmem:$0x16100] =	vst v63  }
0x8a: {  	_ =	swait.ge [sflag:s6], $0x40  }
0x8b: {  	[sflag:s6] =	ssyncset.done $0x0  }
0x8c: {  	[sflag:s6] =	ssyncadd.s32 $0xFFFFFFC0  }
0x8d: {  	[tilespmem:s10], [sflag:$0x2] =	stream.linear.gather [hbm4b:s18+s3], $0x40, $0x38;
	[tilespmem:$0x16100] =	vst v63  }
0x8e: {  	_ =	swait.ge [sflag:s6], $0x40  }
0x8f: {  	[sflag:s6] =	ssyncset.done $0x0  }
0x90: {  	[sflag:s6] =	ssyncadd.s32 $0xFFFFFFC0  }
0x91: {  	[tilespmem:s13], [sflag:$0x1] =	stream.indirect.gather [hbm4b:s11+s12], $0x80, s3, s12, $0xb8;
	[tilespmem:$0x16100] =	vst v63  }
0x92: {  	_ =	swait.ge [sflag:s14], $0x2000  }
0x93: {  	[sflag:s14] =	ssyncset.done $0x0  }
0x94: {  	[sflag:s14] =	ssyncadd.s32 $0xFFFFE000  }
0x95: {  	[spmem:s2] =	stream.indirect.scatter.add.f32 [tilespmem:s13], [sflag:$0x2], $0x80, s10, s12, $0xb8;
	[tilespmem:$0x16100] =	vst v63  }
0x96: {  	_ =	swait.ge [sflag:s6], $0x2000  }
0x97: {  	[sflag:s6] =	ssyncset.done $0x0  }
0x98: {  	[sflag:s6] =	ssyncadd.s32 $0xFFFFE000  }
0x99: {  	[tilespmem:s3], [sflag:$0x2] =	stream.linear.gather [hbm4b:s19+s3], $0x40, $0x38;
	[tilespmem:$0x16100] =	vst v63  }
0x9a: {  	_ =	swait.ge [sflag:s6], $0x40  }
0x9b: {  	[sflag:s6] =	ssyncset.done $0x0  }
0x9c: {  	[sflag:s6] =	ssyncadd.s32 $0xFFFFFFC0  }
0x9d: {  	[tilespmem:s10], [sflag:$0x2] =	stream.linear.gather [hbm4b:s20+s3], $0x40, $0x38;
	[tilespmem:$0x16100] =	vst v63  }
0x9e: {  	_ =	swait.ge [sflag:s6], $0x40  }
0x9f: {  	[sflag:s6] =	ssyncset.done $0x0  }
0xa0: {  	[sflag:s6] =	ssyncadd.s32 $0xFFFFFFC0  }
0xa1: {  	[tilespmem:s13], [sflag:$0x1] =	stream.indirect.gather [hbm4b:s11+s12], $0x80, s3, s12, $0xb8;
	[tilespmem:$0x16100] =	vst v63  }
0xa2: {  	_ =	swait.ge [sflag:s14], $0x2000  }
0xa3: {  	[sflag:s14] =	ssyncset.done $0x0  }
0xa4: {  	[sflag:s14] =	ssyncadd.s32 $0xFFFFE000  }
0xa5: {  	[spmem:s2] =	stream.indirect.scatter.add.f32 [tilespmem:s13], [sflag:$0x2], $0x80, s10, s12, $0xb8;
	[tilespmem:$0x16100] =	vst v63  }
0xa6: {  	_ =	swait.ge [sflag:s6], $0x2000  }
0xa7: {  	[sflag:s6] =	ssyncset.done $0x0  }
0xa8: {  	[sflag:s6] =	ssyncadd.s32 $0xFFFFE000  }
0xa9: {  	[tilespmem:s3], [sflag:$0x2] =	stream.linear.gather [hbm4b:s21+s3], $0x40, $0x38;
	[tilespmem:$0x16100] =	vst v63  }
0xaa: {  	_ =	swait.ge [sflag:s6], $0x40  }
0xab: {  	[sflag:s6] =	ssyncset.done $0x0  }
0xac: {  	[sflag:s6] =	ssyncadd.s32 $0xFFFFFFC0  }
0xad: {  	[tilespmem:s10], [sflag:$0x2] =	stream.linear.gather [hbm4b:s22+s3], $0x40, $0x38;
	[tilespmem:$0x16100] =	vst v63  }
0xae: {  	_ =	swait.ge [sflag:s6], $0x40  }
0xaf: {  	[sflag:s6] =	ssyncset.done $0x0  }
0xb0: {  	[sflag:s6] =	ssyncadd.s32 $0xFFFFFFC0  }
0xb1: {  	[tilespmem:s13], [sflag:$0x1] =	stream.indirect.gather [hbm4b:s11+s12], $0x80, s3, s12, $0xb8;
	[tilespmem:$0x16100] =	vst v63  }
0xb2: {  	_ =	swait.ge [sflag:s14], $0x2000  }
0xb3: {  	[sflag:s14] =	ssyncset.done $0x0  }
0xb4: {  	[sflag:s14] =	ssyncadd.s32 $0xFFFFE000  }
0xb5: {  	[spmem:s2] =	stream.indirect.scatter.add.f32 [tilespmem:s13], [sflag:$0x2], $0x80, s10, s12, $0xb8;
	[tilespmem:$0x16100] =	vst v63  }
0xb6: {  	_ =	swait.ge [sflag:s6], $0x2000  }
0xb7: {  	[sflag:s6] =	ssyncset.done $0x0  }
.Ltmp1:
0xb8: {  	[sflag:s6] =	ssyncadd.s32 $0xFFFFE000;
	(pc) =	sbr.rel @p0 .LBB2_1-.Ltmp1, $4  }
0xb9: {  	[bflag:$0x0] =	sbarrier.arrive $0xFFFF  }
0xba: {  	[hbm:s23], [sflag:s5] =	dma.local [spmem:s7], $0x2800  }
0xbb: {  	_ =	swait.ge [sflag:s6], $0x2800  }
0xbc: {  	[sflag:s6] =	ssyncset.done $0x0  }
.LBB2_2:
0xbd: {  	[sflag:s6] =	ssyncadd.s32 $0xFFFFD800  }
0xbe: {  	_ =	sfence.sel $0x180000  }
0xbf: {  	[bflag:$0x0] =	sbarrier.arrive $0xFFFF  }
0xc0: {  	p0 =	sne.s32 s1, $0x0;
	_ =	strace $0x90000068  }
0xc1: {  	s0 =	sadd.s32 @!p0 $0x100000, s0;
	[bflag:$0x2] =	sbarrier.arrive $0xFFFF  }
0xc2: {  	[sflag:s0] =	ssyncadd.tile.s32 @!p0 $0x1;
	_ =	shalt  }
.Lfunc_end2:
_tile_overlayer_lowered:
.L_overlay_start_2:
0xc3: {  	(tag) =	ssettag $0x2  }
0xc4: {  	s0 =	rddreg [dreg:$0x0];
	s2 =	stileid.u32  }
0xc5: {  	s1 =	rddreg [dreg:$0x1];
	p0 =	sne.s32 s2, $0x0  }
0xc6: {  	s3 =	rddreg [dreg:$0x2];
	[bflag:$0x3] =	sbarrier.arrive $0xFFFF;
	s2 =	simm.s32 @!p0 $0x1C02  }
0xc7: {  	[timem:s3], [sflag:s2] =	dma.local @!p0 [hbm:s0], s1  }
0xc8: {  	s0 =	simm.s32 @!p0 $0x2  }
0xc9: {  	_ =	swait.ge @!p0 [sflag:s0], s1  }
0xca: {  	s1 =	ssub.s32 @!p0 $0x0, s1;
	[sflag:s0] =	ssyncset.done @!p0 $0x0  }
0xcb: {  	[sflag:s0] =	ssyncadd.s32 @!p0 s1  }
0xcc: {  	[bflag:$0x3] =	sbarrier.arrive $0xFFFF  }
0xcd: {  	_ =	shalt  }

</sc_bundles>
